<compile_context>
chip_gen: v7x
topology: tpu7x:2x2x1
jax: 0.10.2.dev20260603
libtpu: 0.0.44.dev20260713+nightly
codegen_flags: <defaults>
</compile_context>

<pallas_src>
import functools

import jax
import jax.numpy as jnp
from jax import lax
from jax.experimental import pallas as pl
from jax.experimental.pallas import tpu as pltpu
from jax.experimental.pallas import tpu_sc as plsc

N_NODES = 10000
N_PAD = 10240
E = 320000
NC, NS = 2, 16
CHUNK = 128
SUP = 8
ROWS = 2560
E_PAD = ROWS * CHUNK
ROWS_PER_CORE = ROWS // NC
ROWS_PER_TILE = ROWS_PER_CORE // NS
OUTER = ROWS_PER_TILE // SUP
STRIPE = N_PAD // NS
RB = 1024
GRID = N_PAD // RB

_mesh = plsc.VectorSubcoreMesh(core_axis_name="c", subcore_axis_name="s")


def _zero_vmem_2d(ref, rows, cols):
    def row(i, carry):
        for c0 in range(0, cols, 16):
            ref[i, pl.ds(c0, 16)] = jnp.zeros((16,), jnp.float32)
        return carry
    lax.fori_loop(0, rows, row, 0)


_DEG_W = SUP * CHUNK
_DEG_SPT = ROWS_PER_TILE // SUP
_DEG_SPC = ROWS_PER_CORE // SUP


@functools.partial(
    pl.kernel,
    out_type=jax.ShapeDtypeStruct((NC, N_PAD), jnp.float32),
    mesh=_mesh,
    scratch_types=[
        pltpu.VMEM_SHARED((N_PAD,), jnp.float32),
        pltpu.VMEM((_DEG_SPT, 1, _DEG_W), jnp.int32),
        pltpu.VMEM((_DEG_W,), jnp.float32),
        pltpu.VMEM((STRIPE,), jnp.float32),
    ],
)
def _sc_degree(dst_hbm, out_hbm, acc, didx, ones_v, zstripe):
    c = lax.axis_index("c")
    s = lax.axis_index("s")
    base = c * _DEG_SPC + s * _DEG_SPT
    pltpu.sync_copy(dst_hbm.at[pl.ds(base, _DEG_SPT)], didx)

    def fill(i, carry):
        ones_v[pl.ds(i * 16, 16)] = jnp.ones((16,), jnp.float32)
        return carry
    lax.fori_loop(0, _DEG_W // 16, fill, 0)

    def zfill(i, carry):
        zstripe[pl.ds(i * 16, 16)] = jnp.zeros((16,), jnp.float32)
        return carry
    lax.fori_loop(0, STRIPE // 16, zfill, 0)
    pltpu.sync_copy(zstripe, acc.at[pl.ds(s * STRIPE, STRIPE)])
    plsc.subcore_barrier()

    def outer(t, carry):
        pltpu.sync_copy(ones_v, acc.at[didx.at[t, 0]], add=True)
        return carry
    lax.fori_loop(0, _DEG_SPT, outer, 0)
    plsc.subcore_barrier()
    pltpu.sync_copy(acc.at[pl.ds(s * STRIPE, STRIPE)],
                    out_hbm.at[c, pl.ds(s * STRIPE, STRIPE)])


def _make_agg_deep(C, rpg, rpgc, spt, spc):
    NB = 4

    @functools.partial(
        pl.kernel,
        out_type=jax.ShapeDtypeStruct((NC, N_PAD, C), jnp.float32),
        mesh=_mesh,
        scratch_types=[
            pltpu.VMEM_SHARED((N_PAD, C), jnp.float32),
            pltpu.VMEM((spt, 1, rpgc), jnp.int32),
            pltpu.VMEM((spt, 1, rpgc), jnp.int32),
            [pltpu.VMEM((rpgc, C), jnp.float32) for _ in range(NB)],
            [pltpu.SemaphoreType.DMA for _ in range(NB)],
            [pltpu.SemaphoreType.DMA for _ in range(NB)],
        ],
        compiler_params=pltpu.CompilerParams(use_tc_tiling_on_sc=False),
    )
    def agg(table_hbm, src_hbm, dst_hbm, out_hbm,
            acc, sidx, didx, bufs, gsem, ssem):
        c = lax.axis_index("c")
        s = lax.axis_index("s")
        base = c * spc + s * spt

        pltpu.sync_copy(src_hbm.at[pl.ds(base, spt)], sidx)
        pltpu.sync_copy(dst_hbm.at[pl.ds(base, spt)], didx)
        for k in range(NB - 1):
            pltpu.async_copy(table_hbm.at[sidx.at[k, 0]], bufs[k], gsem[k])

        _zero_vmem_2d(bufs[NB - 1], rpgc, C)
        off = 0
        while off < STRIPE:
            blk = min(rpgc, STRIPE - off)
            pltpu.sync_copy(
                bufs[NB - 1].at[pl.ds(0, blk)],
                acc.at[pl.ds(s * STRIPE + off, blk)])
            off += blk
        plsc.subcore_barrier()

        def body(q, carry):
            for r in range(NB):
                t = q * NB + r
                pltpu.make_async_copy(
                    table_hbm.at[sidx.at[0, 0]], bufs[r], gsem[r]).wait()
                pltpu.async_copy(bufs[r], acc.at[didx.at[t, 0]], ssem[r],
                                 add=True)
                rp = (r + NB - 1) % NB
                if r == 0:
                    @pl.when(q >= 1)
                    def _():
                        pltpu.make_async_copy(
                            bufs[rp], acc.at[didx.at[0, 0]], ssem[rp]).wait()
                else:
                    pltpu.make_async_copy(
                        bufs[r - 1], acc.at[didx.at[0, 0]],
                        ssem[r - 1]).wait()

                @pl.when(t + NB - 1 < spt)
                def _():
                    pltpu.async_copy(table_hbm.at[sidx.at[t + NB - 1, 0]],
                                     bufs[rp], gsem[rp])
            return carry
        lax.fori_loop(0, spt // NB, body, 0)
        rl = (spt - 1) % NB
        pltpu.make_async_copy(
            bufs[rl], acc.at[didx.at[0, 0]], ssem[rl]).wait()
        plsc.subcore_barrier()
        pltpu.sync_copy(acc.at[pl.ds(s * STRIPE, STRIPE)],
                        out_hbm.at[c, pl.ds(s * STRIPE, STRIPE)])
    return agg


def _make_agg(C):
    rpg = 128 // C
    n_inner = SUP // rpg
    rpgc = rpg * CHUNK
    spt = ROWS_PER_TILE // rpg
    spc = ROWS_PER_CORE // rpg
    if rpg > 1:
        return _make_agg_deep(C, rpg, rpgc, spt, spc)

    @functools.partial(
        pl.kernel,
        out_type=jax.ShapeDtypeStruct((NC, N_PAD, C), jnp.float32),
        mesh=_mesh,
        scratch_types=[
            pltpu.VMEM_SHARED((N_PAD, C), jnp.float32),
            pltpu.VMEM((2, n_inner, 1, rpgc), jnp.int32),
            pltpu.VMEM((2, n_inner, 1, rpgc), jnp.int32),
            pltpu.VMEM((rpgc, C), jnp.float32),
            pltpu.VMEM((rpgc, C), jnp.float32),
            pltpu.SemaphoreType.DMA,
            pltpu.SemaphoreType.DMA,
            pltpu.SemaphoreType.DMA,
        ],
        compiler_params=pltpu.CompilerParams(use_tc_tiling_on_sc=False),
    )
    def agg(table_hbm, src_hbm, dst_hbm, out_hbm,
            acc, sidx, didx, bufa, bufb, sema, semb, semi):
        c = lax.axis_index("c")
        s = lax.axis_index("s")

        base = c * spc + s * spt

        pltpu.sync_copy(src_hbm.at[pl.ds(base, n_inner)], sidx.at[0])
        pltpu.sync_copy(dst_hbm.at[pl.ds(base, n_inner)], didx.at[0])
        pltpu.async_copy(table_hbm.at[sidx.at[0, 0, 0]], bufa, sema)

        _zero_vmem_2d(bufb, CHUNK, C)
        for k in range(STRIPE // CHUNK):
            pltpu.sync_copy(
                bufb.at[pl.ds(0, CHUNK)],
                acc.at[pl.ds(s * STRIPE + k * CHUNK, CHUNK)])
        plsc.subcore_barrier()

        def outer(o, carry):
            b = o % 2
            bn = (o + 1) % 2
            rn = base + (o + 1) * n_inner
            pltpu.async_copy(src_hbm.at[pl.ds(rn, n_inner)], sidx.at[bn],
                             semi)
            pltpu.async_copy(dst_hbm.at[pl.ds(rn, n_inner)], didx.at[bn],
                             semi)
            for j in range(n_inner):
                buf_cur = bufa if j % 2 == 0 else bufb
                sem_cur = sema if j % 2 == 0 else semb
                buf_nxt = bufb if j % 2 == 0 else bufa
                sem_nxt = semb if j % 2 == 0 else sema
                pltpu.make_async_copy(
                    table_hbm.at[sidx.at[b, j, 0]], buf_cur, sem_cur).wait()
                if j + 1 < n_inner:
                    pltpu.async_copy(
                        table_hbm.at[sidx.at[b, j + 1, 0]], buf_nxt, sem_nxt)
                else:
                    pltpu.make_async_copy(
                        src_hbm.at[pl.ds(rn, n_inner)], sidx.at[bn],
                        semi).wait()
                    pltpu.make_async_copy(
                        dst_hbm.at[pl.ds(rn, n_inner)], didx.at[bn],
                        semi).wait()
                    pltpu.async_copy(
                        table_hbm.at[sidx.at[bn, 0, 0]], buf_nxt, sem_nxt)
                pltpu.sync_copy(buf_cur, acc.at[didx.at[b, j, 0]], add=True)
            return carry
        lax.fori_loop(0, OUTER, outer, 0)
        pltpu.make_async_copy(
            table_hbm.at[sidx.at[0, 0, 0]], bufa, sema).wait()
        plsc.subcore_barrier()
        pltpu.sync_copy(acc.at[pl.ds(s * STRIPE, STRIPE)],
                        out_hbm.at[c, pl.ds(s * STRIPE, STRIPE)])
    return agg


_agg = {C: _make_agg(C) for C in (128, 64, 32)}


def _tc_first_body(x_ref, w_ref, d0_ref, d1_ref, hs_ref, dinv_ref):
    deg = d0_ref[0] + d1_ref[0] + 1.0
    dinv = lax.rsqrt(deg)
    h = jnp.dot(x_ref[...], w_ref[...], preferred_element_type=jnp.float32)
    hs_ref[...] = dinv * h
    dinv_ref[...] = dinv


def _tc_first(xp, W1, D):
    return pl.pallas_call(
        _tc_first_body,
        grid=(GRID,),
        in_specs=[
            pl.BlockSpec((RB, 128), lambda i: (i, 0)),
            pl.BlockSpec((128, 128), lambda i: (0, 0)),
            pl.BlockSpec((1, RB, 1), lambda i: (0, i, 0)),
            pl.BlockSpec((1, RB, 1), lambda i: (1, i, 0)),
        ],
        out_specs=[
            pl.BlockSpec((RB, 128), lambda i: (i, 0)),
            pl.BlockSpec((RB, 1), lambda i: (i, 0)),
        ],
        out_shape=[
            jax.ShapeDtypeStruct((N_PAD, 128), jnp.float32),
            jax.ShapeDtypeStruct((N_PAD, 1), jnp.float32),
        ],
    )(xp, W1, D, D)


def _tc_mid_body(s0_ref, s1_ref, hs_ref, dinv_ref, b_ref, w_ref, o_ref):
    dinv = dinv_ref[...]
    z = dinv * (s0_ref[0] + s1_ref[0] + hs_ref[...]) + b_ref[...]
    ht = jnp.tanh(z)
    o_ref[...] = dinv * jnp.dot(ht, w_ref[...],
                                preferred_element_type=jnp.float32)


def _tc_mid(S, hs, dinv, b, W, Cin, Cout):
    return pl.pallas_call(
        _tc_mid_body,
        grid=(GRID,),
        in_specs=[
            pl.BlockSpec((1, RB, Cin), lambda i: (0, i, 0)),
            pl.BlockSpec((1, RB, Cin), lambda i: (1, i, 0)),
            pl.BlockSpec((RB, Cin), lambda i: (i, 0)),
            pl.BlockSpec((RB, 1), lambda i: (i, 0)),
            pl.BlockSpec((1, Cin), lambda i: (0, 0)),
            pl.BlockSpec((Cin, Cout), lambda i: (0, 0)),
        ],
        out_specs=pl.BlockSpec((RB, Cout), lambda i: (i, 0)),
        out_shape=jax.ShapeDtypeStruct((N_PAD, Cout), jnp.float32),
    )(S, S, hs, dinv, b, W)


def _tc_last_body(s0_ref, s1_ref, hs_ref, dinv_ref, b_ref, wc_ref, bc_ref,
                  out_ref, h_ref):
    dinv = dinv_ref[...]
    z = dinv * (s0_ref[0] + s1_ref[0] + hs_ref[...]) + b_ref[...]
    ht = jnp.tanh(z)
    h_ref[...] = ht
    out_ref[...] = (jnp.dot(ht, wc_ref[...],
                            preferred_element_type=jnp.float32) + bc_ref[...])


def _tc_last(S, hs, dinv, b3, Wc, bc):
    rb = N_NODES // GRID
    return pl.pallas_call(
        _tc_last_body,
        grid=(GRID,),
        in_specs=[
            pl.BlockSpec((1, rb, 32), lambda i: (0, i, 0)),
            pl.BlockSpec((1, rb, 32), lambda i: (1, i, 0)),
            pl.BlockSpec((rb, 32), lambda i: (i, 0)),
            pl.BlockSpec((rb, 1), lambda i: (i, 0)),
            pl.BlockSpec((1, 32), lambda i: (0, 0)),
            pl.BlockSpec((32, 40), lambda i: (0, 0)),
            pl.BlockSpec((1, 40), lambda i: (0, 0)),
        ],
        out_specs=[
            pl.BlockSpec((rb, 40), lambda i: (i, 0)),
            pl.BlockSpec((rb, 32), lambda i: (i, 0)),
        ],
        out_shape=[
            jax.ShapeDtypeStruct((N_NODES, 40), jnp.float32),
            jax.ShapeDtypeStruct((N_NODES, 32), jnp.float32),
        ],
    )(S, S, hs, dinv, b3, Wc, bc)


def kernel(x, edge_index, W1, b1, W2, b2, W3, b3, Wc, bc):
    src = edge_index[0].astype(jnp.int32)
    dst = edge_index[1].astype(jnp.int32)
    n_extra = E_PAD - E + SUP * CHUNK
    pad = N_NODES + jnp.arange(n_extra, dtype=jnp.int32) % (N_PAD - N_NODES)
    src_flat = jnp.concatenate([src, pad])
    dst_flat = jnp.concatenate([dst, pad])
    dst_deg = dst_flat.reshape(-1, 1, _DEG_W)

    def views(rpg):
        w = rpg * CHUNK
        return src_flat.reshape(-1, 1, w), dst_flat.reshape(-1, 1, w)
    xp = jnp.pad(x, ((0, N_PAD - N_NODES), (0, 0)))

    D = _sc_degree(dst_deg).reshape(NC, N_PAD, 1)
    hs1, dinv = _tc_first(xp, W1, D)
    s1v, d1v = views(1)
    S1 = _agg[128](hs1, s1v, d1v)
    hs2 = _tc_mid(S1, hs1, dinv, b1.reshape(1, -1), W2, 128, 64)
    s2v, d2v = views(2)
    S2 = _agg[64](hs2, s2v, d2v)
    hs3 = _tc_mid(S2, hs2, dinv, b2.reshape(1, -1), W3, 64, 32)
    s3v, d3v = views(4)
    S3 = _agg[32](hs3, s3v, d3v)
    outp, h3t = _tc_last(S3, hs3, dinv, b3.reshape(1, -1), Wc,
                         bc.reshape(1, -1))
    return outp, h3t

# --- scband reference (transcript-rebuilt; emitter-appended) ---
"""Pipeline reference for scband-gcn-32650341384680 (READ-ONLY COPY).

The authoritative reference and input builder live on the scoring server;
editing this copy changes nothing except your own understanding.
"""

import jax, jax.numpy as jnp
import numpy as np

N_NODES = 10000
N_EDGES = 320000
IN_CH = 128
OUT_CH = 40


def _glorot(key, shape):
    fan_in, fan_out = shape[0], shape[1]
    limit = np.sqrt(6.0 / (fan_in + fan_out))
    return jax.random.uniform(key, shape, dtype=jnp.float32, minval=-limit, maxval=limit)


def setup_inputs(seed: int = 0) -> dict:
    key = jax.random.key(seed)
    ks = jax.random.split(key, 12)
    x = jax.random.normal(ks[0], (N_NODES, IN_CH), dtype=jnp.float32)
    edge_index = jax.random.randint(ks[1], (2, N_EDGES), 0, N_NODES, dtype=jnp.int64)
    W1 = _glorot(ks[2], (IN_CH, 128))
    b1 = jnp.zeros((128,), dtype=jnp.float32)
    W2 = _glorot(ks[3], (128, 64))
    b2 = jnp.zeros((64,), dtype=jnp.float32)
    W3 = _glorot(ks[4], (64, 32))
    b3 = jnp.zeros((32,), dtype=jnp.float32)
    Wc = _glorot(ks[5], (32, OUT_CH))
    bc = jnp.zeros((OUT_CH,), dtype=jnp.float32)
    return {"x": x, "edge_index": edge_index, "W1": W1, "b1": b1, "W2": W2, "b2": b2, "W3": W3, "b3": b3, "Wc": Wc, "bc": bc}


def _gcn_conv(x, edge_index, W, b):
    # PyG GCNConv: add self-loops, symmetric normalization, linear transform, scatter-add aggregate
    N = x.shape[0]
    loop = jnp.arange(N, dtype=edge_index.dtype)
    src = jnp.concatenate([edge_index[0], loop])
    dst = jnp.concatenate([edge_index[1], loop])
    ones = jnp.ones(src.shape[0], dtype=x.dtype)
    deg = jnp.zeros((N,), dtype=x.dtype).at[dst].add(ones)
    deg_inv_sqrt = jnp.where(deg > 0, jax.lax.rsqrt(jnp.maximum(deg, 1e-12)), 0.0)
    norm = jnp.take(deg_inv_sqrt, src) * jnp.take(deg_inv_sqrt, dst)
    h = x @ W
    msg = jnp.take(h, src, axis=0) * norm[:, None]
    out = jnp.zeros((N, h.shape[1]), dtype=x.dtype).at[dst].add(msg)
    return out + b


def reference(x, edge_index, W1, b1, W2, b2, W3, b3, Wc, bc):
    h = jnp.tanh(_gcn_conv(x, edge_index, W1, b1))
    h = jnp.tanh(_gcn_conv(h, edge_index, W2, b2))
    h = jnp.tanh(_gcn_conv(h, edge_index, W3, b3))
    out = h @ Wc + bc
    return (out, h)

if __name__ == "__main__":
    import jax
    _d = setup_inputs()
    print(jax.jit(kernel)(*tuple(_d.values())))

</pallas_src>

<mosaic_0001>
#map = affine_map<(d0, d1) -> (0, 0)>
#map1 = affine_map<(d0, d1) -> (0, 0, 0)>
module attributes {stable_mosaic.version = 14 : i64} {
  func.func @agg(%arg0: i32, %arg1: i32, %arg2: memref<10240x64xf32, #tpu.memory_space<hbm>>, %arg3: memref<1284x1x256xi32, #tpu.memory_space<hbm>>, %arg4: memref<1284x1x256xi32, #tpu.memory_space<hbm>>, %arg5: memref<2x10240x64xf32, #tpu.memory_space<hbm>>, %arg6: memref<10240x64xf32, #tpu.memory_space<vmem_shared>>, %arg7: memref<40x1x256xi32, #tpu.memory_space<vmem>>, %arg8: memref<40x1x256xi32, #tpu.memory_space<vmem>>, %arg9: memref<256x64xf32, #tpu.memory_space<vmem>>, %arg10: memref<256x64xf32, #tpu.memory_space<vmem>>, %arg11: memref<256x64xf32, #tpu.memory_space<vmem>>, %arg12: memref<256x64xf32, #tpu.memory_space<vmem>>, %arg13: memref<!tpu.dma_semaphore, #tpu.memory_space<semaphore_mem>>, %arg14: memref<!tpu.dma_semaphore, #tpu.memory_space<semaphore_mem>>, %arg15: memref<!tpu.dma_semaphore, #tpu.memory_space<semaphore_mem>>, %arg16: memref<!tpu.dma_semaphore, #tpu.memory_space<semaphore_mem>>, %arg17: memref<!tpu.dma_semaphore, #tpu.memory_space<semaphore_mem>>, %arg18: memref<!tpu.dma_semaphore, #tpu.memory_space<semaphore_mem>>, %arg19: memref<!tpu.dma_semaphore, #tpu.memory_space<semaphore_mem>>, %arg20: memref<!tpu.dma_semaphore, #tpu.memory_space<semaphore_mem>>) attributes {dimension_semantics = [#tpu.dimension_semantics<core_parallel>, #tpu.dimension_semantics<subcore_parallel>], iteration_bounds = array<i64: 2, 16>, scalar_prefetch = 0 : i64, scratch_operands = 15 : i64, tpu.core_type = #tpu.core_type<sc_vector_subcore>, window_params = [{transform_indices = #map}, {transform_indices = #map1}, {transform_indices = #map1}, {transform_indices = #map1}]} {
    %mul3A = arith.constant 640 : i32
    %mul3A_0 = arith.muli %arg0, %mul3A : i32
    %mul3A_1 = arith.constant 40 : i32
    %mul3A_2 = arith.muli %arg1, %mul3A_1 : i32
    %add3A = arith.addi %mul3A_0, %mul3A_2 : i32
    "tpu.region"() ({
      %run_scoped3A = tpu.sem_alloc : memref<!tpu.dma_semaphore, #tpu.memory_space<semaphore_mem>>
      %dma_start3A_61 = arith.constant 0 : i32
      %dma_start3A_62 = arith.constant 0 : i32
      %dma_start3A_63 = tpu.memref_slice %arg3[%add3A, %dma_start3A_61, %dma_start3A_62] : memref<1284x1x256xi32, #tpu.memory_space<hbm>> -> memref<40x1x256xi32, #tpu.memory_space<hbm>>
      %dma_start3A_64 = arith.constant 0 : i32
      %dma_start3A_65 = arith.constant 0 : i32
      %dma_start3A_66 = tpu.memref_slice %arg3[%add3A, %dma_start3A_64, %dma_start3A_65] : memref<1284x1x256xi32, #tpu.memory_space<hbm>> -> memref<40x1x256xi32, #tpu.memory_space<hbm>>
      tpu.enqueue_dma source(%dma_start3A_66 : memref<40x1x256xi32, #tpu.memory_space<hbm>>) target(%arg7 : memref<40x1x256xi32, #tpu.memory_space<vmem>>) target_semaphore(%run_scoped3A : memref<!tpu.dma_semaphore, #tpu.memory_space<semaphore_mem>>)
      %dma_wait3A_67 = arith.constant 0 : i32
      %dma_wait3A_68 = arith.constant 0 : i32
      %dma_wait3A_69 = tpu.memref_slice %arg3[%add3A, %dma_wait3A_67, %dma_wait3A_68] : memref<1284x1x256xi32, #tpu.memory_space<hbm>> -> memref<40x1x256xi32, #tpu.memory_space<hbm>>
      %dma_wait3A_70 = arith.constant 0 : i32
      %dma_wait3A_71 = arith.constant 0 : i32
      %dma_wait3A_72 = tpu.memref_slice %arg3[%add3A, %dma_wait3A_70, %dma_wait3A_71] : memref<1284x1x256xi32, #tpu.memory_space<hbm>> -> memref<40x1x256xi32, #tpu.memory_space<hbm>>
      tpu.wait_dma2 semaphore(%run_scoped3A : memref<!tpu.dma_semaphore, #tpu.memory_space<semaphore_mem>>) src(%dma_wait3A_72 : memref<40x1x256xi32, #tpu.memory_space<hbm>>) dst(%arg7 : memref<40x1x256xi32, #tpu.memory_space<vmem>>)
      tpu.yield
    }) : () -> ()
    "tpu.region"() ({
      %run_scoped3A = tpu.sem_alloc : memref<!tpu.dma_semaphore, #tpu.memory_space<semaphore_mem>>
      %dma_start3A_61 = arith.constant 0 : i32
      %dma_start3A_62 = arith.constant 0 : i32
      %dma_start3A_63 = tpu.memref_slice %arg4[%add3A, %dma_start3A_61, %dma_start3A_62] : memref<1284x1x256xi32, #tpu.memory_space<hbm>> -> memref<40x1x256xi32, #tpu.memory_space<hbm>>
      %dma_start3A_64 = arith.constant 0 : i32
      %dma_start3A_65 = arith.constant 0 : i32
      %dma_start3A_66 = tpu.memref_slice %arg4[%add3A, %dma_start3A_64, %dma_start3A_65] : memref<1284x1x256xi32, #tpu.memory_space<hbm>> -> memref<40x1x256xi32, #tpu.memory_space<hbm>>
      tpu.enqueue_dma source(%dma_start3A_66 : memref<40x1x256xi32, #tpu.memory_space<hbm>>) target(%arg8 : memref<40x1x256xi32, #tpu.memory_space<vmem>>) target_semaphore(%run_scoped3A : memref<!tpu.dma_semaphore, #tpu.memory_space<semaphore_mem>>)
      %dma_wait3A_67 = arith.constant 0 : i32
      %dma_wait3A_68 = arith.constant 0 : i32
      %dma_wait3A_69 = tpu.memref_slice %arg4[%add3A, %dma_wait3A_67, %dma_wait3A_68] : memref<1284x1x256xi32, #tpu.memory_space<hbm>> -> memref<40x1x256xi32, #tpu.memory_space<hbm>>
      %dma_wait3A_70 = arith.constant 0 : i32
      %dma_wait3A_71 = arith.constant 0 : i32
      %dma_wait3A_72 = tpu.memref_slice %arg4[%add3A, %dma_wait3A_70, %dma_wait3A_71] : memref<1284x1x256xi32, #tpu.memory_space<hbm>> -> memref<40x1x256xi32, #tpu.memory_space<hbm>>
      tpu.wait_dma2 semaphore(%run_scoped3A : memref<!tpu.dma_semaphore, #tpu.memory_space<semaphore_mem>>) src(%dma_wait3A_72 : memref<40x1x256xi32, #tpu.memory_space<hbm>>) dst(%arg8 : memref<40x1x256xi32, #tpu.memory_space<vmem>>)
      tpu.yield
    }) : () -> ()
    %dma_start3A = arith.constant 0 : i32
    %dma_start3A_3 = arith.constant 0 : i32
    %dma_start3A_4 = arith.constant 0 : i32
    %dma_start3A_5 = tpu.memref_slice %arg7[%dma_start3A, %dma_start3A_3, %dma_start3A_4] : memref<40x1x256xi32, #tpu.memory_space<vmem>> -> memref<1x1x256xi32, #tpu.memory_space<vmem>>
    %dma_start3A_6 = tpu.memref_squeeze %dma_start3A_5 : memref<1x1x256xi32, #tpu.memory_space<vmem>> -> memref<256xi32, #tpu.memory_space<vmem>>
    %dma_start3A_7 = arith.constant 0 : i32
    %dma_start3A_8 = arith.constant 0 : i32
    %dma_start3A_9 = tpu.memref_slice %arg2[%dma_start3A_7, %dma_start3A_8] : memref<10240x64xf32, #tpu.memory_space<hbm>> -> memref<10240x64xf32, #tpu.memory_space<hbm>>
    tpu.enqueue_indirect_dma source(%dma_start3A_9 : memref<10240x64xf32, #tpu.memory_space<hbm>>) target(%arg9 : memref<256x64xf32, #tpu.memory_space<vmem>>) offsets(%dma_start3A_6 : memref<256xi32, #tpu.memory_space<vmem>>) semaphore(%arg13 : memref<!tpu.dma_semaphore, #tpu.memory_space<semaphore_mem>>)
    %dma_start3A_10 = arith.constant 1 : i32
    %dma_start3A_11 = arith.constant 0 : i32
    %dma_start3A_12 = arith.constant 0 : i32
    %dma_start3A_13 = tpu.memref_slice %arg7[%dma_start3A_10, %dma_start3A_11, %dma_start3A_12] : memref<40x1x256xi32, #tpu.memory_space<vmem>> -> memref<1x1x256xi32, #tpu.memory_space<vmem>>
    %dma_start3A_14 = tpu.memref_squeeze %dma_start3A_13 : memref<1x1x256xi32, #tpu.memory_space<vmem>> -> memref<256xi32, #tpu.memory_space<vmem>>
    %dma_start3A_15 = arith.constant 0 : i32
    %dma_start3A_16 = arith.constant 0 : i32
    %dma_start3A_17 = tpu.memref_slice %arg2[%dma_start3A_15, %dma_start3A_16] : memref<10240x64xf32, #tpu.memory_space<hbm>> -> memref<10240x64xf32, #tpu.memory_space<hbm>>
    tpu.enqueue_indirect_dma source(%dma_start3A_17 : memref<10240x64xf32, #tpu.memory_space<hbm>>) target(%arg10 : memref<256x64xf32, #tpu.memory_space<vmem>>) offsets(%dma_start3A_14 : memref<256xi32, #tpu.memory_space<vmem>>) semaphore(%arg14 : memref<!tpu.dma_semaphore, #tpu.memory_space<semaphore_mem>>)
    %dma_start3A_18 = arith.constant 2 : i32
    %dma_start3A_19 = arith.constant 0 : i32
    %dma_start3A_20 = arith.constant 0 : i32
    %dma_start3A_21 = tpu.memref_slice %arg7[%dma_start3A_18, %dma_start3A_19, %dma_start3A_20] : memref<40x1x256xi32, #tpu.memory_space<vmem>> -> memref<1x1x256xi32, #tpu.memory_space<vmem>>
    %dma_start3A_22 = tpu.memref_squeeze %dma_start3A_21 : memref<1x1x256xi32, #tpu.memory_space<vmem>> -> memref<256xi32, #tpu.memory_space<vmem>>
    %dma_start3A_23 = arith.constant 0 : i32
    %dma_start3A_24 = arith.constant 0 : i32
    %dma_start3A_25 = tpu.memref_slice %arg2[%dma_start3A_23, %dma_start3A_24] : memref<10240x64xf32, #tpu.memory_space<hbm>> -> memref<10240x64xf32, #tpu.memory_space<hbm>>
    tpu.enqueue_indirect_dma source(%dma_start3A_25 : memref<10240x64xf32, #tpu.memory_space<hbm>>) target(%arg11 : memref<256x64xf32, #tpu.memory_space<vmem>>) offsets(%dma_start3A_22 : memref<256xi32, #tpu.memory_space<vmem>>) semaphore(%arg15 : memref<!tpu.dma_semaphore, #tpu.memory_space<semaphore_mem>>)
    %scan3A = arith.constant 0 : i32
    %scan3A_26 = arith.constant 0 : i32
    %scan3A_27 = arith.constant 256 : i32
    %scan3A_28 = arith.addi %scan3A_26, %scan3A_27 : i32
    %scan3A_29 = arith.constant 1 : i32
    scf.for %scan3A_61 = %scan3A_26 to %scan3A_28 step %scan3A_29  : i32 {
      %broadcast_in_dim3A = arith.constant 0.000000e+00 : f32
      %broadcast_in_dim3A_62 = vector.broadcast %broadcast_in_dim3A : f32 to vector<16xf32>
      %swap3A = arith.index_cast %scan3A_61 : i32 to index
      %swap3A_63 = arith.constant 0 : index
      %swap3A_64 = tpu.vector_load %arg12[%swap3A, %swap3A_63] {strides = array<i32>} : memref<256x64xf32, #tpu.memory_space<vmem>>, vector<1x16xf32>,
      %swap3A_65 = vector.shape_cast %swap3A_64 : vector<1x16xf32> to vector<16xf32>
      %swap3A_66 = vector.shape_cast %broadcast_in_dim3A_62 : vector<16xf32> to vector<1x16xf32>
      tpu.vector_store %arg12[%swap3A, %swap3A_63], %swap3A_66 {strides = array<i32>} : memref<256x64xf32, #tpu.memory_space<vmem>>, vector<1x16xf32>,
      %broadcast_in_dim3A_67 = arith.constant 0.000000e+00 : f32
      %broadcast_in_dim3A_68 = vector.broadcast %broadcast_in_dim3A_67 : f32 to vector<16xf32>
      %swap3A_69 = arith.index_cast %scan3A_61 : i32 to index
      %swap3A_70 = arith.constant 16 : index
      %swap3A_71 = tpu.vector_load %arg12[%swap3A_69, %swap3A_70] {strides = array<i32>} : memref<256x64xf32, #tpu.memory_space<vmem>>, vector<1x16xf32>,
      %swap3A_72 = vector.shape_cast %swap3A_71 : vector<1x16xf32> to vector<16xf32>
      %swap3A_73 = vector.shape_cast %broadcast_in_dim3A_68 : vector<16xf32> to vector<1x16xf32>
      tpu.vector_store %arg12[%swap3A_69, %swap3A_70], %swap3A_73 {strides = array<i32>} : memref<256x64xf32, #tpu.memory_space<vmem>>, vector<1x16xf32>,
      %broadcast_in_dim3A_74 = arith.constant 0.000000e+00 : f32
      %broadcast_in_dim3A_75 = vector.broadcast %broadcast_in_dim3A_74 : f32 to vector<16xf32>
      %swap3A_76 = arith.index_cast %scan3A_61 : i32 to index
      %swap3A_77 = arith.constant 32 : index
      %swap3A_78 = tpu.vector_load %arg12[%swap3A_76, %swap3A_77] {strides = array<i32>} : memref<256x64xf32, #tpu.memory_space<vmem>>, vector<1x16xf32>,
      %swap3A_79 = vector.shape_cast %swap3A_78 : vector<1x16xf32> to vector<16xf32>
      %swap3A_80 = vector.shape_cast %broadcast_in_dim3A_75 : vector<16xf32> to vector<1x16xf32>
      tpu.vector_store %arg12[%swap3A_76, %swap3A_77], %swap3A_80 {strides = array<i32>} : memref<256x64xf32, #tpu.memory_space<vmem>>, vector<1x16xf32>,
      %broadcast_in_dim3A_81 = arith.constant 0.000000e+00 : f32
      %broadcast_in_dim3A_82 = vector.broadcast %broadcast_in_dim3A_81 : f32 to vector<16xf32>
      %swap3A_83 = arith.index_cast %scan3A_61 : i32 to index
      %swap3A_84 = arith.constant 48 : index
      %swap3A_85 = tpu.vector_load %arg12[%swap3A_83, %swap3A_84] {strides = array<i32>} : memref<256x64xf32, #tpu.memory_space<vmem>>, vector<1x16xf32>,
      %swap3A_86 = vector.shape_cast %swap3A_85 : vector<1x16xf32> to vector<16xf32>
      %swap3A_87 = vector.shape_cast %broadcast_in_dim3A_82 : vector<16xf32> to vector<1x16xf32>
      tpu.vector_store %arg12[%swap3A_83, %swap3A_84], %swap3A_87 {strides = array<i32>} : memref<256x64xf32, #tpu.memory_space<vmem>>, vector<1x16xf32>,
    }
    %scan3A_30 = arith.constant 256 : i32
    %mul3A_31 = arith.constant 640 : i32
    %mul3A_32 = arith.muli %arg1, %mul3A_31 : i32
    %add3A_33 = arith.constant 0 : i32
    %add3A_34 = arith.addi %mul3A_32, %add3A_33 : i32
    "tpu.region"() ({
      %run_scoped3A = tpu.sem_alloc : memref<!tpu.dma_semaphore, #tpu.memory_space<semaphore_mem>>
      %dma_start3A_61 = arith.constant 0 : i32
      %dma_start3A_62 = arith.constant 0 : i32
      %dma_start3A_63 = tpu.memref_slice %arg12[%dma_start3A_61, %dma_start3A_62] : memref<256x64xf32, #tpu.memory_space<vmem>> -> memref<256x64xf32, #tpu.memory_space<vmem>>
      %dma_start3A_64 = arith.constant 0 : i32
      %dma_start3A_65 = tpu.memref_slice %arg6[%add3A_34, %dma_start3A_64] : memref<10240x64xf32, #tpu.memory_space<vmem_shared>> -> memref<256x64xf32, #tpu.memory_space<vmem_shared>>
      %dma_start3A_66 = arith.constant 0 : i32
      %dma_start3A_67 = tpu.memref_slice %arg6[%add3A_34, %dma_start3A_66] : memref<10240x64xf32, #tpu.memory_space<vmem_shared>> -> memref<256x64xf32, #tpu.memory_space<vmem_shared>>
      %dma_start3A_68 = arith.constant 0 : i32
      %dma_start3A_69 = arith.constant 0 : i32
      %dma_start3A_70 = tpu.memref_slice %arg12[%dma_start3A_68, %dma_start3A_69] : memref<256x64xf32, #tpu.memory_space<vmem>> -> memref<256x64xf32, #tpu.memory_space<vmem>>
      tpu.enqueue_dma source(%dma_start3A_70 : memref<256x64xf32, #tpu.memory_space<vmem>>) target(%dma_start3A_67 : memref<256x64xf32, #tpu.memory_space<vmem_shared>>) target_semaphore(%run_scoped3A : memref<!tpu.dma_semaphore, #tpu.memory_space<semaphore_mem>>)
      %dma_wait3A_71 = arith.constant 0 : i32
      %dma_wait3A_72 = arith.constant 0 : i32
      %dma_wait3A_73 = tpu.memref_slice %arg12[%dma_wait3A_71, %dma_wait3A_72] : memref<256x64xf32, #tpu.memory_space<vmem>> -> memref<256x64xf32, #tpu.memory_space<vmem>>
      %dma_wait3A_74 = arith.constant 0 : i32
      %dma_wait3A_75 = tpu.memref_slice %arg6[%add3A_34, %dma_wait3A_74] : memref<10240x64xf32, #tpu.memory_space<vmem_shared>> -> memref<256x64xf32, #tpu.memory_space<vmem_shared>>
      %dma_wait3A_76 = arith.constant 0 : i32
      %dma_wait3A_77 = tpu.memref_slice %arg6[%add3A_34, %dma_wait3A_76] : memref<10240x64xf32, #tpu.memory_space<vmem_shared>> -> memref<256x64xf32, #tpu.memory_space<vmem_shared>>
      %dma_wait3A_78 = arith.constant 0 : i32
      %dma_wait3A_79 = arith.constant 0 : i32
      %dma_wait3A_80 = tpu.memref_slice %arg12[%dma_wait3A_78, %dma_wait3A_79] : memref<256x64xf32, #tpu.memory_space<vmem>> -> memref<256x64xf32, #tpu.memory_space<vmem>>
      tpu.wait_dma2 semaphore(%run_scoped3A : memref<!tpu.dma_semaphore, #tpu.memory_space<semaphore_mem>>) src(%dma_wait3A_80 : memref<256x64xf32, #tpu.memory_space<vmem>>) dst(%dma_wait3A_77 : memref<256x64xf32, #tpu.memory_space<vmem_shared>>)
      tpu.yield
    }) : () -> ()
    %mul3A_35 = arith.constant 640 : i32
    %mul3A_36 = arith.muli %arg1, %mul3A_35 : i32
    %add3A_37 = arith.constant 256 : i32
    %add3A_38 = arith.addi %mul3A_36, %add3A_37 : i32
    "tpu.region"() ({
      %run_scoped3A = tpu.sem_alloc : memref<!tpu.dma_semaphore, #tpu.memory_space<semaphore_mem>>
      %dma_start3A_61 = arith.constant 0 : i32
      %dma_start3A_62 = arith.constant 0 : i32
      %dma_start3A_63 = tpu.memref_slice %arg12[%dma_start3A_61, %dma_start3A_62] : memref<256x64xf32, #tpu.memory_space<vmem>> -> memref<256x64xf32, #tpu.memory_space<vmem>>
      %dma_start3A_64 = arith.constant 0 : i32
      %dma_start3A_65 = tpu.memref_slice %arg6[%add3A_38, %dma_start3A_64] : memref<10240x64xf32, #tpu.memory_space<vmem_shared>> -> memref<256x64xf32, #tpu.memory_space<vmem_shared>>
      %dma_start3A_66 = arith.constant 0 : i32
      %dma_start3A_67 = tpu.memref_slice %arg6[%add3A_38, %dma_start3A_66] : memref<10240x64xf32, #tpu.memory_space<vmem_shared>> -> memref<256x64xf32, #tpu.memory_space<vmem_shared>>
      %dma_start3A_68 = arith.constant 0 : i32
      %dma_start3A_69 = arith.constant 0 : i32
      %dma_start3A_70 = tpu.memref_slice %arg12[%dma_start3A_68, %dma_start3A_69] : memref<256x64xf32, #tpu.memory_space<vmem>> -> memref<256x64xf32, #tpu.memory_space<vmem>>
      tpu.enqueue_dma source(%dma_start3A_70 : memref<256x64xf32, #tpu.memory_space<vmem>>) target(%dma_start3A_67 : memref<256x64xf32, #tpu.memory_space<vmem_shared>>) target_semaphore(%run_scoped3A : memref<!tpu.dma_semaphore, #tpu.memory_space<semaphore_mem>>)
      %dma_wait3A_71 = arith.constant 0 : i32
      %dma_wait3A_72 = arith.constant 0 : i32
      %dma_wait3A_73 = tpu.memref_slice %arg12[%dma_wait3A_71, %dma_wait3A_72] : memref<256x64xf32, #tpu.memory_space<vmem>> -> memref<256x64xf32, #tpu.memory_space<vmem>>
      %dma_wait3A_74 = arith.constant 0 : i32
      %dma_wait3A_75 = tpu.memref_slice %arg6[%add3A_38, %dma_wait3A_74] : memref<10240x64xf32, #tpu.memory_space<vmem_shared>> -> memref<256x64xf32, #tpu.memory_space<vmem_shared>>
      %dma_wait3A_76 = arith.constant 0 : i32
      %dma_wait3A_77 = tpu.memref_slice %arg6[%add3A_38, %dma_wait3A_76] : memref<10240x64xf32, #tpu.memory_space<vmem_shared>> -> memref<256x64xf32, #tpu.memory_space<vmem_shared>>
      %dma_wait3A_78 = arith.constant 0 : i32
      %dma_wait3A_79 = arith.constant 0 : i32
      %dma_wait3A_80 = tpu.memref_slice %arg12[%dma_wait3A_78, %dma_wait3A_79] : memref<256x64xf32, #tpu.memory_space<vmem>> -> memref<256x64xf32, #tpu.memory_space<vmem>>
      tpu.wait_dma2 semaphore(%run_scoped3A : memref<!tpu.dma_semaphore, #tpu.memory_space<semaphore_mem>>) src(%dma_wait3A_80 : memref<256x64xf32, #tpu.memory_space<vmem>>) dst(%dma_wait3A_77 : memref<256x64xf32, #tpu.memory_space<vmem_shared>>)
      tpu.yield
    }) : () -> ()
    %mul3A_39 = arith.constant 640 : i32
    %mul3A_40 = arith.muli %arg1, %mul3A_39 : i32
    %add3A_41 = arith.constant 512 : i32
    %add3A_42 = arith.addi %mul3A_40, %add3A_41 : i32
    "tpu.region"() ({
      %run_scoped3A = tpu.sem_alloc : memref<!tpu.dma_semaphore, #tpu.memory_space<semaphore_mem>>
      %dma_start3A_61 = arith.constant 0 : i32
      %dma_start3A_62 = arith.constant 0 : i32
      %dma_start3A_63 = tpu.memref_slice %arg12[%dma_start3A_61, %dma_start3A_62] : memref<256x64xf32, #tpu.memory_space<vmem>> -> memref<128x64xf32, #tpu.memory_space<vmem>>
      %dma_start3A_64 = arith.constant 0 : i32
      %dma_start3A_65 = tpu.memref_slice %arg6[%add3A_42, %dma_start3A_64] : memref<10240x64xf32, #tpu.memory_space<vmem_shared>> -> memref<128x64xf32, #tpu.memory_space<vmem_shared>>
      %dma_start3A_66 = arith.constant 0 : i32
      %dma_start3A_67 = tpu.memref_slice %arg6[%add3A_42, %dma_start3A_66] : memref<10240x64xf32, #tpu.memory_space<vmem_shared>> -> memref<128x64xf32, #tpu.memory_space<vmem_shared>>
      %dma_start3A_68 = arith.constant 0 : i32
      %dma_start3A_69 = arith.constant 0 : i32
      %dma_start3A_70 = tpu.memref_slice %arg12[%dma_start3A_68, %dma_start3A_69] : memref<256x64xf32, #tpu.memory_space<vmem>> -> memref<128x64xf32, #tpu.memory_space<vmem>>
      tpu.enqueue_dma source(%dma_start3A_70 : memref<128x64xf32, #tpu.memory_space<vmem>>) target(%dma_start3A_67 : memref<128x64xf32, #tpu.memory_space<vmem_shared>>) target_semaphore(%run_scoped3A : memref<!tpu.dma_semaphore, #tpu.memory_space<semaphore_mem>>)
      %dma_wait3A_71 = arith.constant 0 : i32
      %dma_wait3A_72 = arith.constant 0 : i32
      %dma_wait3A_73 = tpu.memref_slice %arg12[%dma_wait3A_71, %dma_wait3A_72] : memref<256x64xf32, #tpu.memory_space<vmem>> -> memref<128x64xf32, #tpu.memory_space<vmem>>
      %dma_wait3A_74 = arith.constant 0 : i32
      %dma_wait3A_75 = tpu.memref_slice %arg6[%add3A_42, %dma_wait3A_74] : memref<10240x64xf32, #tpu.memory_space<vmem_shared>> -> memref<128x64xf32, #tpu.memory_space<vmem_shared>>
      %dma_wait3A_76 = arith.constant 0 : i32
      %dma_wait3A_77 = tpu.memref_slice %arg6[%add3A_42, %dma_wait3A_76] : memref<10240x64xf32, #tpu.memory_space<vmem_shared>> -> memref<128x64xf32, #tpu.memory_space<vmem_shared>>
      %dma_wait3A_78 = arith.constant 0 : i32
      %dma_wait3A_79 = arith.constant 0 : i32
      %dma_wait3A_80 = tpu.memref_slice %arg12[%dma_wait3A_78, %dma_wait3A_79] : memref<256x64xf32, #tpu.memory_space<vmem>> -> memref<128x64xf32, #tpu.memory_space<vmem>>
      tpu.wait_dma2 semaphore(%run_scoped3A : memref<!tpu.dma_semaphore, #tpu.memory_space<semaphore_mem>>) src(%dma_wait3A_80 : memref<128x64xf32, #tpu.memory_space<vmem>>) dst(%dma_wait3A_77 : memref<128x64xf32, #tpu.memory_space<vmem_shared>>)
      tpu.yield
    }) : () -> ()
    %barrier3A = arith.constant 0 : index
    tpu.barrier barrier_id(%barrier3A)
    %scan3A_43 = arith.constant 0 : i32
    %scan3A_44 = arith.constant 0 : i32
    %scan3A_45 = arith.constant 10 : i32
    %scan3A_46 = arith.addi %scan3A_44, %scan3A_45 : i32
    %scan3A_47 = arith.constant 1 : i32
    scf.for %scan3A_61 = %scan3A_44 to %scan3A_46 step %scan3A_47  : i32 {
      %mul3A_62 = arith.constant 4 : i32
      %mul3A_63 = arith.muli %scan3A_61, %mul3A_62 : i32
      %add3A_64 = arith.constant 0 : i32
      %add3A_65 = arith.addi %mul3A_63, %add3A_64 : i32
      %dma_wait3A_66 = arith.constant 0 : i32
      %dma_wait3A_67 = arith.constant 0 : i32
      %dma_wait3A_68 = arith.constant 0 : i32
      %dma_wait3A_69 = tpu.memref_slice %arg7[%dma_wait3A_66, %dma_wait3A_67, %dma_wait3A_68] : memref<40x1x256xi32, #tpu.memory_space<vmem>> -> memref<1x1x256xi32, #tpu.memory_space<vmem>>
      %dma_wait3A_70 = tpu.memref_squeeze %dma_wait3A_69 : memref<1x1x256xi32, #tpu.memory_space<vmem>> -> memref<256xi32, #tpu.memory_space<vmem>>
      %dma_wait3A_71 = arith.constant 0 : i32
      %dma_wait3A_72 = arith.constant 0 : i32
      %dma_wait3A_73 = tpu.memref_slice %arg2[%dma_wait3A_71, %dma_wait3A_72] : memref<10240x64xf32, #tpu.memory_space<hbm>> -> memref<10240x64xf32, #tpu.memory_space<hbm>>
      tpu.wait_indirect_dma semaphore(%arg13 : memref<!tpu.dma_semaphore, #tpu.memory_space<semaphore_mem>>) src(%dma_wait3A_73 : memref<10240x64xf32, #tpu.memory_space<hbm>>) dst(%arg9 : memref<256x64xf32, #tpu.memory_space<vmem>>)
      %dma_start3A_74 = arith.constant 0 : i32
      %dma_start3A_75 = arith.constant 0 : i32
      %dma_start3A_76 = tpu.memref_slice %arg8[%add3A_65, %dma_start3A_74, %dma_start3A_75] : memref<40x1x256xi32, #tpu.memory_space<vmem>> -> memref<1x1x256xi32, #tpu.memory_space<vmem>>
      %dma_start3A_77 = tpu.memref_squeeze %dma_start3A_76 : memref<1x1x256xi32, #tpu.memory_space<vmem>> -> memref<256xi32, #tpu.memory_space<vmem>>
      %dma_start3A_78 = arith.constant 0 : i32
      %dma_start3A_79 = arith.constant 0 : i32
      %dma_start3A_80 = tpu.memref_slice %arg6[%dma_start3A_78, %dma_start3A_79] : memref<10240x64xf32, #tpu.memory_space<vmem_shared>> -> memref<10240x64xf32, #tpu.memory_space<vmem_shared>>
      tpu.enqueue_indirect_dma source(%arg9 : memref<256x64xf32, #tpu.memory_space<vmem>>) target(%dma_start3A_80 : memref<10240x64xf32, #tpu.memory_space<vmem_shared>>) offsets(%dma_start3A_77 : memref<256xi32, #tpu.memory_space<vmem>>) semaphore(%arg17 : memref<!tpu.dma_semaphore, #tpu.memory_space<semaphore_mem>>) {add = true}
      %ge3A = arith.constant 1 : i32
      %ge3A_81 = arith.cmpi sge, %scan3A_61, %ge3A : i32
      %convert_element_type3A = arith.extui %ge3A_81 : i1 to i32
      %cond3A = arith.constant 0 : i32
      %cond3A_82 = arith.cmpi ne, %convert_element_type3A, %cond3A : i32
      scf.if %cond3A_82 {
        %dma_wait3A_198 = arith.constant 0 : i32
        %dma_wait3A_199 = arith.constant 0 : i32
        %dma_wait3A_200 = arith.constant 0 : i32
        %dma_wait3A_201 = tpu.memref_slice %arg8[%dma_wait3A_198, %dma_wait3A_199, %dma_wait3A_200] : memref<40x1x256xi32, #tpu.memory_space<vmem>> -> memref<1x1x256xi32, #tpu.memory_space<vmem>>
        %dma_wait3A_202 = tpu.memref_squeeze %dma_wait3A_201 : memref<1x1x256xi32, #tpu.memory_space<vmem>> -> memref<256xi32, #tpu.memory_space<vmem>>
        %dma_wait3A_203 = arith.constant 0 : i32
        %dma_wait3A_204 = arith.constant 0 : i32
        %dma_wait3A_205 = tpu.memref_slice %arg6[%dma_wait3A_203, %dma_wait3A_204] : memref<10240x64xf32, #tpu.memory_space<vmem_shared>> -> memref<10240x64xf32, #tpu.memory_space<vmem_shared>>
        tpu.wait_indirect_dma semaphore(%arg20 : memref<!tpu.dma_semaphore, #tpu.memory_space<semaphore_mem>>) src(%arg12 : memref<256x64xf32, #tpu.memory_space<vmem>>) dst(%dma_wait3A_205 : memref<10240x64xf32, #tpu.memory_space<vmem_shared>>)
      } else {
      }
      %add3A_83 = arith.constant 4 : i32
      %add3A_84 = arith.addi %add3A_65, %add3A_83 : i32
      %sub3A = arith.constant 1 : i32
      %sub3A_85 = arith.subi %add3A_84, %sub3A : i32
      %lt3A = arith.constant 40 : i32
      %lt3A_86 = arith.cmpi slt, %sub3A_85, %lt3A : i32
      %convert_element_type3A_87 = arith.extui %lt3A_86 : i1 to i32
      %cond3A_88 = arith.constant 0 : i32
      %cond3A_89 = arith.cmpi ne, %convert_element_type3A_87, %cond3A_88 : i32
      scf.if %cond3A_89 {
        %add3A_198 = arith.constant 4 : i32
        %add3A_199 = arith.addi %add3A_65, %add3A_198 : i32
        %sub3A_200 = arith.constant 1 : i32
        %sub3A_201 = arith.subi %add3A_199, %sub3A_200 : i32
        %dma_start3A_202 = arith.constant 0 : i32
        %dma_start3A_203 = arith.constant 0 : i32
        %dma_start3A_204 = tpu.memref_slice %arg7[%sub3A_201, %dma_start3A_202, %dma_start3A_203] : memref<40x1x256xi32, #tpu.memory_space<vmem>> -> memref<1x1x256xi32, #tpu.memory_space<vmem>>
        %dma_start3A_205 = tpu.memref_squeeze %dma_start3A_204 : memref<1x1x256xi32, #tpu.memory_space<vmem>> -> memref<256xi32, #tpu.memory_space<vmem>>
        %dma_start3A_206 = arith.constant 0 : i32
        %dma_start3A_207 = arith.constant 0 : i32
        %dma_start3A_208 = tpu.memref_slice %arg2[%dma_start3A_206, %dma_start3A_207] : memref<10240x64xf32, #tpu.memory_space<hbm>> -> memref<10240x64xf32, #tpu.memory_space<hbm>>
        tpu.enqueue_indirect_dma source(%dma_start3A_208 : memref<10240x64xf32, #tpu.memory_space<hbm>>) target(%arg12 : memref<256x64xf32, #tpu.memory_space<vmem>>) offsets(%dma_start3A_205 : memref<256xi32, #tpu.memory_space<vmem>>) semaphore(%arg16 : memref<!tpu.dma_semaphore, #tpu.memory_space<semaphore_mem>>)
      } else {
      }
      %mul3A_90 = arith.constant 4 : i32
      %mul3A_91 = arith.muli %scan3A_61, %mul3A_90 : i32
      %add3A_92 = arith.constant 1 : i32
      %add3A_93 = arith.addi %mul3A_91, %add3A_92 : i32
      %dma_wait3A_94 = arith.constant 0 : i32
      %dma_wait3A_95 = arith.constant 0 : i32
      %dma_wait3A_96 = arith.constant 0 : i32
      %dma_wait3A_97 = tpu.memref_slice %arg7[%dma_wait3A_94, %dma_wait3A_95, %dma_wait3A_96] : memref<40x1x256xi32, #tpu.memory_space<vmem>> -> memref<1x1x256xi32, #tpu.memory_space<vmem>>
      %dma_wait3A_98 = tpu.memref_squeeze %dma_wait3A_97 : memref<1x1x256xi32, #tpu.memory_space<vmem>> -> memref<256xi32, #tpu.memory_space<vmem>>
      %dma_wait3A_99 = arith.constant 0 : i32
      %dma_wait3A_100 = arith.constant 0 : i32
      %dma_wait3A_101 = tpu.memref_slice %arg2[%dma_wait3A_99, %dma_wait3A_100] : memref<10240x64xf32, #tpu.memory_space<hbm>> -> memref<10240x64xf32, #tpu.memory_space<hbm>>
      tpu.wait_indirect_dma semaphore(%arg14 : memref<!tpu.dma_semaphore, #tpu.memory_space<semaphore_mem>>) src(%dma_wait3A_101 : memref<10240x64xf32, #tpu.memory_space<hbm>>) dst(%arg10 : memref<256x64xf32, #tpu.memory_space<vmem>>)
      %dma_start3A_102 = arith.constant 0 : i32
      %dma_start3A_103 = arith.constant 0 : i32
      %dma_start3A_104 = tpu.memref_slice %arg8[%add3A_93, %dma_start3A_102, %dma_start3A_103] : memref<40x1x256xi32, #tpu.memory_space<vmem>> -> memref<1x1x256xi32, #tpu.memory_space<vmem>>
      %dma_start3A_105 = tpu.memref_squeeze %dma_start3A_104 : memref<1x1x256xi32, #tpu.memory_space<vmem>> -> memref<256xi32, #tpu.memory_space<vmem>>
      %dma_start3A_106 = arith.constant 0 : i32
      %dma_start3A_107 = arith.constant 0 : i32
      %dma_start3A_108 = tpu.memref_slice %arg6[%dma_start3A_106, %dma_start3A_107] : memref<10240x64xf32, #tpu.memory_space<vmem_shared>> -> memref<10240x64xf32, #tpu.memory_space<vmem_shared>>
      tpu.enqueue_indirect_dma source(%arg10 : memref<256x64xf32, #tpu.memory_space<vmem>>) target(%dma_start3A_108 : memref<10240x64xf32, #tpu.memory_space<vmem_shared>>) offsets(%dma_start3A_105 : memref<256xi32, #tpu.memory_space<vmem>>) semaphore(%arg18 : memref<!tpu.dma_semaphore, #tpu.memory_space<semaphore_mem>>) {add = true}
      %dma_wait3A_109 = arith.constant 0 : i32
      %dma_wait3A_110 = arith.constant 0 : i32
      %dma_wait3A_111 = arith.constant 0 : i32
      %dma_wait3A_112 = tpu.memref_slice %arg8[%dma_wait3A_109, %dma_wait3A_110, %dma_wait3A_111] : memref<40x1x256xi32, #tpu.memory_space<vmem>> -> memref<1x1x256xi32, #tpu.memory_space<vmem>>
      %dma_wait3A_113 = tpu.memref_squeeze %dma_wait3A_112 : memref<1x1x256xi32, #tpu.memory_space<vmem>> -> memref<256xi32, #tpu.memory_space<vmem>>
      %dma_wait3A_114 = arith.constant 0 : i32
      %dma_wait3A_115 = arith.constant 0 : i32
      %dma_wait3A_116 = tpu.memref_slice %arg6[%dma_wait3A_114, %dma_wait3A_115] : memref<10240x64xf32, #tpu.memory_space<vmem_shared>> -> memref<10240x64xf32, #tpu.memory_space<vmem_shared>>
      tpu.wait_indirect_dma semaphore(%arg17 : memref<!tpu.dma_semaphore, #tpu.memory_space<semaphore_mem>>) src(%arg9 : memref<256x64xf32, #tpu.memory_space<vmem>>) dst(%dma_wait3A_116 : memref<10240x64xf32, #tpu.memory_space<vmem_shared>>)
      %add3A_117 = arith.constant 4 : i32
      %add3A_118 = arith.addi %add3A_93, %add3A_117 : i32
      %sub3A_119 = arith.constant 1 : i32
      %sub3A_120 = arith.subi %add3A_118, %sub3A_119 : i32
      %lt3A_121 = arith.constant 40 : i32
      %lt3A_122 = arith.cmpi slt, %sub3A_120, %lt3A_121 : i32
      %convert_element_type3A_123 = arith.extui %lt3A_122 : i1 to i32
      %cond3A_124 = arith.constant 0 : i32
      %cond3A_125 = arith.cmpi ne, %convert_element_type3A_123, %cond3A_124 : i32
      scf.if %cond3A_125 {
        %add3A_198 = arith.constant 4 : i32
        %add3A_199 = arith.addi %add3A_93, %add3A_198 : i32
        %sub3A_200 = arith.constant 1 : i32
        %sub3A_201 = arith.subi %add3A_199, %sub3A_200 : i32
        %dma_start3A_202 = arith.constant 0 : i32
        %dma_start3A_203 = arith.constant 0 : i32
        %dma_start3A_204 = tpu.memref_slice %arg7[%sub3A_201, %dma_start3A_202, %dma_start3A_203] : memref<40x1x256xi32, #tpu.memory_space<vmem>> -> memref<1x1x256xi32, #tpu.memory_space<vmem>>
        %dma_start3A_205 = tpu.memref_squeeze %dma_start3A_204 : memref<1x1x256xi32, #tpu.memory_space<vmem>> -> memref<256xi32, #tpu.memory_space<vmem>>
        %dma_start3A_206 = arith.constant 0 : i32
        %dma_start3A_207 = arith.constant 0 : i32
        %dma_start3A_208 = tpu.memref_slice %arg2[%dma_start3A_206, %dma_start3A_207] : memref<10240x64xf32, #tpu.memory_space<hbm>> -> memref<10240x64xf32, #tpu.memory_space<hbm>>
        tpu.enqueue_indirect_dma source(%dma_start3A_208 : memref<10240x64xf32, #tpu.memory_space<hbm>>) target(%arg9 : memref<256x64xf32, #tpu.memory_space<vmem>>) offsets(%dma_start3A_205 : memref<256xi32, #tpu.memory_space<vmem>>) semaphore(%arg13 : memref<!tpu.dma_semaphore, #tpu.memory_space<semaphore_mem>>)
      } else {
      }
      %mul3A_126 = arith.constant 4 : i32
      %mul3A_127 = arith.muli %scan3A_61, %mul3A_126 : i32
      %add3A_128 = arith.constant 2 : i32
      %add3A_129 = arith.addi %mul3A_127, %add3A_128 : i32
      %dma_wait3A_130 = arith.constant 0 : i32
      %dma_wait3A_131 = arith.constant 0 : i32
      %dma_wait3A_132 = arith.constant 0 : i32
      %dma_wait3A_133 = tpu.memref_slice %arg7[%dma_wait3A_130, %dma_wait3A_131, %dma_wait3A_132] : memref<40x1x256xi32, #tpu.memory_space<vmem>> -> memref<1x1x256xi32, #tpu.memory_space<vmem>>
      %dma_wait3A_134 = tpu.memref_squeeze %dma_wait3A_133 : memref<1x1x256xi32, #tpu.memory_space<vmem>> -> memref<256xi32, #tpu.memory_space<vmem>>
      %dma_wait3A_135 = arith.constant 0 : i32
      %dma_wait3A_136 = arith.constant 0 : i32
      %dma_wait3A_137 = tpu.memref_slice %arg2[%dma_wait3A_135, %dma_wait3A_136] : memref<10240x64xf32, #tpu.memory_space<hbm>> -> memref<10240x64xf32, #tpu.memory_space<hbm>>
      tpu.wait_indirect_dma semaphore(%arg15 : memref<!tpu.dma_semaphore, #tpu.memory_space<semaphore_mem>>) src(%dma_wait3A_137 : memref<10240x64xf32, #tpu.memory_space<hbm>>) dst(%arg11 : memref<256x64xf32, #tpu.memory_space<vmem>>)
      %dma_start3A_138 = arith.constant 0 : i32
      %dma_start3A_139 = arith.constant 0 : i32
      %dma_start3A_140 = tpu.memref_slice %arg8[%add3A_129, %dma_start3A_138, %dma_start3A_139] : memref<40x1x256xi32, #tpu.memory_space<vmem>> -> memref<1x1x256xi32, #tpu.memory_space<vmem>>
      %dma_start3A_141 = tpu.memref_squeeze %dma_start3A_140 : memref<1x1x256xi32, #tpu.memory_space<vmem>> -> memref<256xi32, #tpu.memory_space<vmem>>
      %dma_start3A_142 = arith.constant 0 : i32
      %dma_start3A_143 = arith.constant 0 : i32
      %dma_start3A_144 = tpu.memref_slice %arg6[%dma_start3A_142, %dma_start3A_143] : memref<10240x64xf32, #tpu.memory_space<vmem_shared>> -> memref<10240x64xf32, #tpu.memory_space<vmem_shared>>
      tpu.enqueue_indirect_dma source(%arg11 : memref<256x64xf32, #tpu.memory_space<vmem>>) target(%dma_start3A_144 : memref<10240x64xf32, #tpu.memory_space<vmem_shared>>) offsets(%dma_start3A_141 : memref<256xi32, #tpu.memory_space<vmem>>) semaphore(%arg19 : memref<!tpu.dma_semaphore, #tpu.memory_space<semaphore_mem>>) {add = true}
      %dma_wait3A_145 = arith.constant 0 : i32
      %dma_wait3A_146 = arith.constant 0 : i32
      %dma_wait3A_147 = arith.constant 0 : i32
      %dma_wait3A_148 = tpu.memref_slice %arg8[%dma_wait3A_145, %dma_wait3A_146, %dma_wait3A_147] : memref<40x1x256xi32, #tpu.memory_space<vmem>> -> memref<1x1x256xi32, #tpu.memory_space<vmem>>
      %dma_wait3A_149 = tpu.memref_squeeze %dma_wait3A_148 : memref<1x1x256xi32, #tpu.memory_space<vmem>> -> memref<256xi32, #tpu.memory_space<vmem>>
      %dma_wait3A_150 = arith.constant 0 : i32
      %dma_wait3A_151 = arith.constant 0 : i32
      %dma_wait3A_152 = tpu.memref_slice %arg6[%dma_wait3A_150, %dma_wait3A_151] : memref<10240x64xf32, #tpu.memory_space<vmem_shared>> -> memref<10240x64xf32, #tpu.memory_space<vmem_shared>>
      tpu.wait_indirect_dma semaphore(%arg18 : memref<!tpu.dma_semaphore, #tpu.memory_space<semaphore_mem>>) src(%arg10 : memref<256x64xf32, #tpu.memory_space<vmem>>) dst(%dma_wait3A_152 : memref<10240x64xf32, #tpu.memory_space<vmem_shared>>)
      %add3A_153 = arith.constant 4 : i32
      %add3A_154 = arith.addi %add3A_129, %add3A_153 : i32
      %sub3A_155 = arith.constant 1 : i32
      %sub3A_156 = arith.subi %add3A_154, %sub3A_155 : i32
      %lt3A_157 = arith.constant 40 : i32
      %lt3A_158 = arith.cmpi slt, %sub3A_156, %lt3A_157 : i32
      %convert_element_type3A_159 = arith.extui %lt3A_158 : i1 to i32
      %cond3A_160 = arith.constant 0 : i32
      %cond3A_161 = arith.cmpi ne, %convert_element_type3A_159, %cond3A_160 : i32
      scf.if %cond3A_161 {
        %add3A_198 = arith.constant 4 : i32
        %add3A_199 = arith.addi %add3A_129, %add3A_198 : i32
        %sub3A_200 = arith.constant 1 : i32
        %sub3A_201 = arith.subi %add3A_199, %sub3A_200 : i32
        %dma_start3A_202 = arith.constant 0 : i32
        %dma_start3A_203 = arith.constant 0 : i32
        %dma_start3A_204 = tpu.memref_slice %arg7[%sub3A_201, %dma_start3A_202, %dma_start3A_203] : memref<40x1x256xi32, #tpu.memory_space<vmem>> -> memref<1x1x256xi32, #tpu.memory_space<vmem>>
        %dma_start3A_205 = tpu.memref_squeeze %dma_start3A_204 : memref<1x1x256xi32, #tpu.memory_space<vmem>> -> memref<256xi32, #tpu.memory_space<vmem>>
        %dma_start3A_206 = arith.constant 0 : i32
        %dma_start3A_207 = arith.constant 0 : i32
        %dma_start3A_208 = tpu.memref_slice %arg2[%dma_start3A_206, %dma_start3A_207] : memref<10240x64xf32, #tpu.memory_space<hbm>> -> memref<10240x64xf32, #tpu.memory_space<hbm>>
        tpu.enqueue_indirect_dma source(%dma_start3A_208 : memref<10240x64xf32, #tpu.memory_space<hbm>>) target(%arg10 : memref<256x64xf32, #tpu.memory_space<vmem>>) offsets(%dma_start3A_205 : memref<256xi32, #tpu.memory_space<vmem>>) semaphore(%arg14 : memref<!tpu.dma_semaphore, #tpu.memory_space<semaphore_mem>>)
      } else {
      }
      %mul3A_162 = arith.constant 4 : i32
      %mul3A_163 = arith.muli %scan3A_61, %mul3A_162 : i32
      %add3A_164 = arith.constant 3 : i32
      %add3A_165 = arith.addi %mul3A_163, %add3A_164 : i32
      %dma_wait3A_166 = arith.constant 0 : i32
      %dma_wait3A_167 = arith.constant 0 : i32
      %dma_wait3A_168 = arith.constant 0 : i32
      %dma_wait3A_169 = tpu.memref_slice %arg7[%dma_wait3A_166, %dma_wait3A_167, %dma_wait3A_168] : memref<40x1x256xi32, #tpu.memory_space<vmem>> -> memref<1x1x256xi32, #tpu.memory_space<vmem>>
      %dma_wait3A_170 = tpu.memref_squeeze %dma_wait3A_169 : memref<1x1x256xi32, #tpu.memory_space<vmem>> -> memref<256xi32, #tpu.memory_space<vmem>>
      %dma_wait3A_171 = arith.constant 0 : i32
      %dma_wait3A_172 = arith.constant 0 : i32
      %dma_wait3A_173 = tpu.memref_slice %arg2[%dma_wait3A_171, %dma_wait3A_172] : memref<10240x64xf32, #tpu.memory_space<hbm>> -> memref<10240x64xf32, #tpu.memory_space<hbm>>
      tpu.wait_indirect_dma semaphore(%arg16 : memref<!tpu.dma_semaphore, #tpu.memory_space<semaphore_mem>>) src(%dma_wait3A_173 : memref<10240x64xf32, #tpu.memory_space<hbm>>) dst(%arg12 : memref<256x64xf32, #tpu.memory_space<vmem>>)
      %dma_start3A_174 = arith.constant 0 : i32
      %dma_start3A_175 = arith.constant 0 : i32
      %dma_start3A_176 = tpu.memref_slice %arg8[%add3A_165, %dma_start3A_174, %dma_start3A_175] : memref<40x1x256xi32, #tpu.memory_space<vmem>> -> memref<1x1x256xi32, #tpu.memory_space<vmem>>
      %dma_start3A_177 = tpu.memref_squeeze %dma_start3A_176 : memref<1x1x256xi32, #tpu.memory_space<vmem>> -> memref<256xi32, #tpu.memory_space<vmem>>
      %dma_start3A_178 = arith.constant 0 : i32
      %dma_start3A_179 = arith.constant 0 : i32
      %dma_start3A_180 = tpu.memref_slice %arg6[%dma_start3A_178, %dma_start3A_179] : memref<10240x64xf32, #tpu.memory_space<vmem_shared>> -> memref<10240x64xf32, #tpu.memory_space<vmem_shared>>
      tpu.enqueue_indirect_dma source(%arg12 : memref<256x64xf32, #tpu.memory_space<vmem>>) target(%dma_start3A_180 : memref<10240x64xf32, #tpu.memory_space<vmem_shared>>) offsets(%dma_start3A_177 : memref<256xi32, #tpu.memory_space<vmem>>) semaphore(%arg20 : memref<!tpu.dma_semaphore, #tpu.memory_space<semaphore_mem>>) {add = true}
      %dma_wait3A_181 = arith.constant 0 : i32
      %dma_wait3A_182 = arith.constant 0 : i32
      %dma_wait3A_183 = arith.constant 0 : i32
      %dma_wait3A_184 = tpu.memref_slice %arg8[%dma_wait3A_181, %dma_wait3A_182, %dma_wait3A_183] : memref<40x1x256xi32, #tpu.memory_space<vmem>> -> memref<1x1x256xi32, #tpu.memory_space<vmem>>
      %dma_wait3A_185 = tpu.memref_squeeze %dma_wait3A_184 : memref<1x1x256xi32, #tpu.memory_space<vmem>> -> memref<256xi32, #tpu.memory_space<vmem>>
      %dma_wait3A_186 = arith.constant 0 : i32
      %dma_wait3A_187 = arith.constant 0 : i32
      %dma_wait3A_188 = tpu.memref_slice %arg6[%dma_wait3A_186, %dma_wait3A_187] : memref<10240x64xf32, #tpu.memory_space<vmem_shared>> -> memref<10240x64xf32, #tpu.memory_space<vmem_shared>>
      tpu.wait_indirect_dma semaphore(%arg19 : memref<!tpu.dma_semaphore, #tpu.memory_space<semaphore_mem>>) src(%arg11 : memref<256x64xf32, #tpu.memory_space<vmem>>) dst(%dma_wait3A_188 : memref<10240x64xf32, #tpu.memory_space<vmem_shared>>)
      %add3A_189 = arith.constant 4 : i32
      %add3A_190 = arith.addi %add3A_165, %add3A_189 : i32
      %sub3A_191 = arith.constant 1 : i32
      %sub3A_192 = arith.subi %add3A_190, %sub3A_191 : i32
      %lt3A_193 = arith.constant 40 : i32
      %lt3A_194 = arith.cmpi slt, %sub3A_192, %lt3A_193 : i32
      %convert_element_type3A_195 = arith.extui %lt3A_194 : i1 to i32
      %cond3A_196 = arith.constant 0 : i32
      %cond3A_197 = arith.cmpi ne, %convert_element_type3A_195, %cond3A_196 : i32
      scf.if %cond3A_197 {
        %add3A_198 = arith.constant 4 : i32
        %add3A_199 = arith.addi %add3A_165, %add3A_198 : i32
        %sub3A_200 = arith.constant 1 : i32
        %sub3A_201 = arith.subi %add3A_199, %sub3A_200 : i32
        %dma_start3A_202 = arith.constant 0 : i32
        %dma_start3A_203 = arith.constant 0 : i32
        %dma_start3A_204 = tpu.memref_slice %arg7[%sub3A_201, %dma_start3A_202, %dma_start3A_203] : memref<40x1x256xi32, #tpu.memory_space<vmem>> -> memref<1x1x256xi32, #tpu.memory_space<vmem>>
        %dma_start3A_205 = tpu.memref_squeeze %dma_start3A_204 : memref<1x1x256xi32, #tpu.memory_space<vmem>> -> memref<256xi32, #tpu.memory_space<vmem>>
        %dma_start3A_206 = arith.constant 0 : i32
        %dma_start3A_207 = arith.constant 0 : i32
        %dma_start3A_208 = tpu.memref_slice %arg2[%dma_start3A_206, %dma_start3A_207] : memref<10240x64xf32, #tpu.memory_space<hbm>> -> memref<10240x64xf32, #tpu.memory_space<hbm>>
        tpu.enqueue_indirect_dma source(%dma_start3A_208 : memref<10240x64xf32, #tpu.memory_space<hbm>>) target(%arg11 : memref<256x64xf32, #tpu.memory_space<vmem>>) offsets(%dma_start3A_205 : memref<256xi32, #tpu.memory_space<vmem>>) semaphore(%arg15 : memref<!tpu.dma_semaphore, #tpu.memory_space<semaphore_mem>>)
      } else {
      }
    }
    %scan3A_48 = arith.constant 10 : i32
    %dma_wait3A = arith.constant 0 : i32
    %dma_wait3A_49 = arith.constant 0 : i32
    %dma_wait3A_50 = arith.constant 0 : i32
    %dma_wait3A_51 = tpu.memref_slice %arg8[%dma_wait3A, %dma_wait3A_49, %dma_wait3A_50] : memref<40x1x256xi32, #tpu.memory_space<vmem>> -> memref<1x1x256xi32, #tpu.memory_space<vmem>>
    %dma_wait3A_52 = tpu.memref_squeeze %dma_wait3A_51 : memref<1x1x256xi32, #tpu.memory_space<vmem>> -> memref<256xi32, #tpu.memory_space<vmem>>
    %dma_wait3A_53 = arith.constant 0 : i32
    %dma_wait3A_54 = arith.constant 0 : i32
    %dma_wait3A_55 = tpu.memref_slice %arg6[%dma_wait3A_53, %dma_wait3A_54] : memref<10240x64xf32, #tpu.memory_space<vmem_shared>> -> memref<10240x64xf32, #tpu.memory_space<vmem_shared>>
    tpu.wait_indirect_dma semaphore(%arg20 : memref<!tpu.dma_semaphore, #tpu.memory_space<semaphore_mem>>) src(%arg12 : memref<256x64xf32, #tpu.memory_space<vmem>>) dst(%dma_wait3A_55 : memref<10240x64xf32, #tpu.memory_space<vmem_shared>>)
    %barrier3A_56 = arith.constant 0 : index
    tpu.barrier barrier_id(%barrier3A_56)
    %mul3A_57 = arith.constant 640 : i32
    %mul3A_58 = arith.muli %arg1, %mul3A_57 : i32
    %mul3A_59 = arith.constant 640 : i32
    %mul3A_60 = arith.muli %arg1, %mul3A_59 : i32
    "tpu.region"() ({
      %run_scoped3A = tpu.sem_alloc : memref<!tpu.dma_semaphore, #tpu.memory_space<semaphore_mem>>
      %dma_start3A_61 = arith.constant 0 : i32
      %dma_start3A_62 = tpu.memref_slice %arg5[%arg0, %mul3A_60, %dma_start3A_61] : memref<2x10240x64xf32, #tpu.memory_space<hbm>> -> memref<1x640x64xf32, #tpu.memory_space<hbm>>
      %dma_start3A_63 = tpu.memref_squeeze %dma_start3A_62 : memref<1x640x64xf32, #tpu.memory_space<hbm>> -> memref<640x64xf32, #tpu.memory_space<hbm>>
      %dma_start3A_64 = arith.constant 0 : i32
      %dma_start3A_65 = tpu.memref_slice %arg6[%mul3A_58, %dma_start3A_64] : memref<10240x64xf32, #tpu.memory_space<vmem_shared>> -> memref<640x64xf32, #tpu.memory_space<vmem_shared>>
      tpu.enqueue_dma source(%dma_start3A_65 : memref<640x64xf32, #tpu.memory_space<vmem_shared>>) target(%dma_start3A_63 : memref<640x64xf32, #tpu.memory_space<hbm>>) target_semaphore(%run_scoped3A : memref<!tpu.dma_semaphore, #tpu.memory_space<semaphore_mem>>)
      %dma_wait3A_66 = arith.constant 0 : i32
      %dma_wait3A_67 = tpu.memref_slice %arg5[%arg0, %mul3A_60, %dma_wait3A_66] : memref<2x10240x64xf32, #tpu.memory_space<hbm>> -> memref<1x640x64xf32, #tpu.memory_space<hbm>>
      %dma_wait3A_68 = tpu.memref_squeeze %dma_wait3A_67 : memref<1x640x64xf32, #tpu.memory_space<hbm>> -> memref<640x64xf32, #tpu.memory_space<hbm>>
      %dma_wait3A_69 = arith.constant 0 : i32
      %dma_wait3A_70 = tpu.memref_slice %arg6[%mul3A_58, %dma_wait3A_69] : memref<10240x64xf32, #tpu.memory_space<vmem_shared>> -> memref<640x64xf32, #tpu.memory_space<vmem_shared>>
      tpu.wait_dma2 semaphore(%run_scoped3A : memref<!tpu.dma_semaphore, #tpu.memory_space<semaphore_mem>>) src(%dma_wait3A_70 : memref<640x64xf32, #tpu.memory_space<vmem_shared>>) dst(%dma_wait3A_68 : memref<640x64xf32, #tpu.memory_space<hbm>>)
      tpu.yield
    }) : () -> ()
    return
  }
}

#map = affine_map<(d0, d1) -> (0, 0, 0)>
#map1 = affine_map<(d0, d1) -> (0, 0)>
module attributes {stable_mosaic.version = 14 : i64} {
  func.func @_sc_degree(%arg0: i32, %arg1: i32, %arg2: memref<321x1x1024xi32, #tpu.memory_space<hbm>>, %arg3: memref<2x10240xf32, #tpu.memory_space<hbm>>, %arg4: memref<10240xf32, #tpu.memory_space<vmem_shared>>, %arg5: memref<10x1x1024xi32, #tpu.memory_space<vmem>>, %arg6: memref<1024xf32, #tpu.memory_space<vmem>>, %arg7: memref<640xf32, #tpu.memory_space<vmem>>) attributes {dimension_semantics = [#tpu.dimension_semantics<core_parallel>, #tpu.dimension_semantics<subcore_parallel>], iteration_bounds = array<i64: 2, 16>, scalar_prefetch = 0 : i64, scratch_operands = 4 : i64, tpu.core_type = #tpu.core_type<sc_vector_subcore>, window_params = [{transform_indices = #map}, {transform_indices = #map1}]} {
    %mul3A = arith.constant 160 : i32
    %mul3A_0 = arith.muli %arg0, %mul3A : i32
    %mul3A_1 = arith.constant 10 : i32
    %mul3A_2 = arith.muli %arg1, %mul3A_1 : i32
    %add3A = arith.addi %mul3A_0, %mul3A_2 : i32
    "tpu.region"() ({
      %run_scoped3A = tpu.sem_alloc : memref<!tpu.dma_semaphore, #tpu.memory_space<semaphore_mem>>
      %dma_start3A = arith.constant 0 : i32
      %dma_start3A_27 = arith.constant 0 : i32
      %dma_start3A_28 = tpu.memref_slice %arg2[%add3A, %dma_start3A, %dma_start3A_27] : memref<321x1x1024xi32, #tpu.memory_space<hbm>> -> memref<10x1x1024xi32, #tpu.memory_space<hbm>>
      %dma_start3A_29 = arith.constant 0 : i32
      %dma_start3A_30 = arith.constant 0 : i32
      %dma_start3A_31 = tpu.memref_slice %arg2[%add3A, %dma_start3A_29, %dma_start3A_30] : memref<321x1x1024xi32, #tpu.memory_space<hbm>> -> memref<10x1x1024xi32, #tpu.memory_space<hbm>>
      tpu.enqueue_dma source(%dma_start3A_31 : memref<10x1x1024xi32, #tpu.memory_space<hbm>>) target(%arg5 : memref<10x1x1024xi32, #tpu.memory_space<vmem>>) target_semaphore(%run_scoped3A : memref<!tpu.dma_semaphore, #tpu.memory_space<semaphore_mem>>)
      %dma_wait3A = arith.constant 0 : i32
      %dma_wait3A_32 = arith.constant 0 : i32
      %dma_wait3A_33 = tpu.memref_slice %arg2[%add3A, %dma_wait3A, %dma_wait3A_32] : memref<321x1x1024xi32, #tpu.memory_space<hbm>> -> memref<10x1x1024xi32, #tpu.memory_space<hbm>>
      %dma_wait3A_34 = arith.constant 0 : i32
      %dma_wait3A_35 = arith.constant 0 : i32
      %dma_wait3A_36 = tpu.memref_slice %arg2[%add3A, %dma_wait3A_34, %dma_wait3A_35] : memref<321x1x1024xi32, #tpu.memory_space<hbm>> -> memref<10x1x1024xi32, #tpu.memory_space<hbm>>
      tpu.wait_dma2 semaphore(%run_scoped3A : memref<!tpu.dma_semaphore, #tpu.memory_space<semaphore_mem>>) src(%dma_wait3A_36 : memref<10x1x1024xi32, #tpu.memory_space<hbm>>) dst(%arg5 : memref<10x1x1024xi32, #tpu.memory_space<vmem>>)
      tpu.yield
    }) : () -> ()
    %scan3A = arith.constant 0 : i32
    %scan3A_3 = arith.constant 0 : i32
    %scan3A_4 = arith.constant 64 : i32
    %scan3A_5 = arith.addi %scan3A_3, %scan3A_4 : i32
    %scan3A_6 = arith.constant 1 : i32
    scf.for %scan3A_27 = %scan3A_3 to %scan3A_5 step %scan3A_6  : i32 {
      %broadcast_in_dim3A = arith.constant 1.000000e+00 : f32
      %broadcast_in_dim3A_28 = vector.broadcast %broadcast_in_dim3A : f32 to vector<16xf32>
      %mul3A_29 = arith.constant 16 : i32
      %mul3A_30 = arith.muli %scan3A_27, %mul3A_29 : i32
      %swap3A = arith.index_cast %mul3A_30 : i32 to index
      %swap3A_31 = tpu.vector_load %arg6[%swap3A] {strides = array<i32>} : memref<1024xf32, #tpu.memory_space<vmem>>, vector<16xf32>,
      %swap3A_32 = vector.shape_cast %swap3A_31 : vector<16xf32> to vector<16xf32>
      %swap3A_33 = vector.shape_cast %broadcast_in_dim3A_28 : vector<16xf32> to vector<16xf32>
      tpu.vector_store %arg6[%swap3A], %swap3A_33 {strides = array<i32>} : memref<1024xf32, #tpu.memory_space<vmem>>, vector<16xf32>,
    }
    %scan3A_7 = arith.constant 64 : i32
    %scan3A_8 = arith.constant 0 : i32
    %scan3A_9 = arith.constant 0 : i32
    %scan3A_10 = arith.constant 40 : i32
    %scan3A_11 = arith.addi %scan3A_9, %scan3A_10 : i32
    %scan3A_12 = arith.constant 1 : i32
    scf.for %scan3A_27 = %scan3A_9 to %scan3A_11 step %scan3A_12  : i32 {
      %broadcast_in_dim3A = arith.constant 0.000000e+00 : f32
      %broadcast_in_dim3A_28 = vector.broadcast %broadcast_in_dim3A : f32 to vector<16xf32>
      %mul3A_29 = arith.constant 16 : i32
      %mul3A_30 = arith.muli %scan3A_27, %mul3A_29 : i32
      %swap3A = arith.index_cast %mul3A_30 : i32 to index
      %swap3A_31 = tpu.vector_load %arg7[%swap3A] {strides = array<i32>} : memref<640xf32, #tpu.memory_space<vmem>>, vector<16xf32>,
      %swap3A_32 = vector.shape_cast %swap3A_31 : vector<16xf32> to vector<16xf32>
      %swap3A_33 = vector.shape_cast %broadcast_in_dim3A_28 : vector<16xf32> to vector<16xf32>
      tpu.vector_store %arg7[%swap3A], %swap3A_33 {strides = array<i32>} : memref<640xf32, #tpu.memory_space<vmem>>, vector<16xf32>,
    }
    %scan3A_13 = arith.constant 40 : i32
    %mul3A_14 = arith.constant 640 : i32
    %mul3A_15 = arith.muli %arg1, %mul3A_14 : i32
    "tpu.region"() ({
      %run_scoped3A = tpu.sem_alloc : memref<!tpu.dma_semaphore, #tpu.memory_space<semaphore_mem>>
      %dma_start3A = tpu.memref_slice %arg4[%mul3A_15] : memref<10240xf32, #tpu.memory_space<vmem_shared>> -> memref<640xf32, #tpu.memory_space<vmem_shared>>
      %dma_start3A_27 = tpu.memref_slice %arg4[%mul3A_15] : memref<10240xf32, #tpu.memory_space<vmem_shared>> -> memref<640xf32, #tpu.memory_space<vmem_shared>>
      tpu.enqueue_dma source(%arg7 : memref<640xf32, #tpu.memory_space<vmem>>) target(%dma_start3A_27 : memref<640xf32, #tpu.memory_space<vmem_shared>>) target_semaphore(%run_scoped3A : memref<!tpu.dma_semaphore, #tpu.memory_space<semaphore_mem>>)
      %dma_wait3A = tpu.memref_slice %arg4[%mul3A_15] : memref<10240xf32, #tpu.memory_space<vmem_shared>> -> memref<640xf32, #tpu.memory_space<vmem_shared>>
      %dma_wait3A_28 = tpu.memref_slice %arg4[%mul3A_15] : memref<10240xf32, #tpu.memory_space<vmem_shared>> -> memref<640xf32, #tpu.memory_space<vmem_shared>>
      tpu.wait_dma2 semaphore(%run_scoped3A : memref<!tpu.dma_semaphore, #tpu.memory_space<semaphore_mem>>) src(%arg7 : memref<640xf32, #tpu.memory_space<vmem>>) dst(%dma_wait3A_28 : memref<640xf32, #tpu.memory_space<vmem_shared>>)
      tpu.yield
    }) : () -> ()
    %barrier3A = arith.constant 0 : index
    tpu.barrier barrier_id(%barrier3A)
    %scan3A_16 = arith.constant 0 : i32
    %scan3A_17 = arith.constant 0 : i32
    %scan3A_18 = arith.constant 10 : i32
    %scan3A_19 = arith.addi %scan3A_17, %scan3A_18 : i32
    %scan3A_20 = arith.constant 1 : i32
    scf.for %scan3A_27 = %scan3A_17 to %scan3A_19 step %scan3A_20  : i32 {
      %run_scoped3A = arith.constant 0 : i32
      "tpu.region"() ({
        %run_scoped3A_28 = tpu.sem_alloc : memref<!tpu.dma_semaphore, #tpu.memory_space<semaphore_mem>>
        %dma_start3A = arith.constant 0 : i32
        %dma_start3A_29 = tpu.memref_slice %arg5[%scan3A_27, %run_scoped3A, %dma_start3A] : memref<10x1x1024xi32, #tpu.memory_space<vmem>> -> memref<1x1x1024xi32, #tpu.memory_space<vmem>>
        %dma_start3A_30 = tpu.memref_squeeze %dma_start3A_29 : memref<1x1x1024xi32, #tpu.memory_space<vmem>> -> memref<1024xi32, #tpu.memory_space<vmem>>
        %dma_start3A_31 = arith.constant 0 : i32
        %dma_start3A_32 = tpu.memref_slice %arg4[%dma_start3A_31] : memref<10240xf32, #tpu.memory_space<vmem_shared>> -> memref<10240xf32, #tpu.memory_space<vmem_shared>>
        tpu.enqueue_indirect_dma source(%arg6 : memref<1024xf32, #tpu.memory_space<vmem>>) target(%dma_start3A_32 : memref<10240xf32, #tpu.memory_space<vmem_shared>>) offsets(%dma_start3A_30 : memref<1024xi32, #tpu.memory_space<vmem>>) semaphore(%run_scoped3A_28 : memref<!tpu.dma_semaphore, #tpu.memory_space<semaphore_mem>>) {add = true}
        %dma_wait3A = arith.constant 0 : i32
        %dma_wait3A_33 = tpu.memref_slice %arg5[%scan3A_27, %run_scoped3A, %dma_wait3A] : memref<10x1x1024xi32, #tpu.memory_space<vmem>> -> memref<1x1x1024xi32, #tpu.memory_space<vmem>>
        %dma_wait3A_34 = tpu.memref_squeeze %dma_wait3A_33 : memref<1x1x1024xi32, #tpu.memory_space<vmem>> -> memref<1024xi32, #tpu.memory_space<vmem>>
        %dma_wait3A_35 = arith.constant 0 : i32
        %dma_wait3A_36 = tpu.memref_slice %arg4[%dma_wait3A_35] : memref<10240xf32, #tpu.memory_space<vmem_shared>> -> memref<10240xf32, #tpu.memory_space<vmem_shared>>
        tpu.wait_indirect_dma semaphore(%run_scoped3A_28 : memref<!tpu.dma_semaphore, #tpu.memory_space<semaphore_mem>>) src(%arg6 : memref<1024xf32, #tpu.memory_space<vmem>>) dst(%dma_wait3A_36 : memref<10240xf32, #tpu.memory_space<vmem_shared>>)
        tpu.yield
      }) : () -> ()
    }
    %scan3A_21 = arith.constant 10 : i32
    %barrier3A_22 = arith.constant 0 : index
    tpu.barrier barrier_id(%barrier3A_22)
    %mul3A_23 = arith.constant 640 : i32
    %mul3A_24 = arith.muli %arg1, %mul3A_23 : i32
    %mul3A_25 = arith.constant 640 : i32
    %mul3A_26 = arith.muli %arg1, %mul3A_25 : i32
    "tpu.region"() ({
      %run_scoped3A = tpu.sem_alloc : memref<!tpu.dma_semaphore, #tpu.memory_space<semaphore_mem>>
      %dma_start3A = tpu.memref_slice %arg3[%arg0, %mul3A_26] : memref<2x10240xf32, #tpu.memory_space<hbm>> -> memref<1x640xf32, #tpu.memory_space<hbm>>
      %dma_start3A_27 = tpu.memref_squeeze %dma_start3A : memref<1x640xf32, #tpu.memory_space<hbm>> -> memref<640xf32, #tpu.memory_space<hbm>>
      %dma_start3A_28 = tpu.memref_slice %arg4[%mul3A_24] : memref<10240xf32, #tpu.memory_space<vmem_shared>> -> memref<640xf32, #tpu.memory_space<vmem_shared>>
      tpu.enqueue_dma source(%dma_start3A_28 : memref<640xf32, #tpu.memory_space<vmem_shared>>) target(%dma_start3A_27 : memref<640xf32, #tpu.memory_space<hbm>>) target_semaphore(%run_scoped3A : memref<!tpu.dma_semaphore, #tpu.memory_space<semaphore_mem>>)
      %dma_wait3A = tpu.memref_slice %arg3[%arg0, %mul3A_26] : memref<2x10240xf32, #tpu.memory_space<hbm>> -> memref<1x640xf32, #tpu.memory_space<hbm>>
      %dma_wait3A_29 = tpu.memref_squeeze %dma_wait3A : memref<1x640xf32, #tpu.memory_space<hbm>> -> memref<640xf32, #tpu.memory_space<hbm>>
      %dma_wait3A_30 = tpu.memref_slice %arg4[%mul3A_24] : memref<10240xf32, #tpu.memory_space<vmem_shared>> -> memref<640xf32, #tpu.memory_space<vmem_shared>>
      tpu.wait_dma2 semaphore(%run_scoped3A : memref<!tpu.dma_semaphore, #tpu.memory_space<semaphore_mem>>) src(%dma_wait3A_30 : memref<640xf32, #tpu.memory_space<vmem_shared>>) dst(%dma_wait3A_29 : memref<640xf32, #tpu.memory_space<hbm>>)
      tpu.yield
    }) : () -> ()
    return
  }
}

#map = affine_map<(d0, d1) -> (0, 0)>
#map1 = affine_map<(d0, d1) -> (0, 0, 0)>
module attributes {stable_mosaic.version = 14 : i64} {
  func.func @agg(%arg0: i32, %arg1: i32, %arg2: memref<10240x32xf32, #tpu.memory_space<hbm>>, %arg3: memref<642x1x512xi32, #tpu.memory_space<hbm>>, %arg4: memref<642x1x512xi32, #tpu.memory_space<hbm>>, %arg5: memref<2x10240x32xf32, #tpu.memory_space<hbm>>, %arg6: memref<10240x32xf32, #tpu.memory_space<vmem_shared>>, %arg7: memref<20x1x512xi32, #tpu.memory_space<vmem>>, %arg8: memref<20x1x512xi32, #tpu.memory_space<vmem>>, %arg9: memref<512x32xf32, #tpu.memory_space<vmem>>, %arg10: memref<512x32xf32, #tpu.memory_space<vmem>>, %arg11: memref<512x32xf32, #tpu.memory_space<vmem>>, %arg12: memref<512x32xf32, #tpu.memory_space<vmem>>, %arg13: memref<!tpu.dma_semaphore, #tpu.memory_space<semaphore_mem>>, %arg14: memref<!tpu.dma_semaphore, #tpu.memory_space<semaphore_mem>>, %arg15: memref<!tpu.dma_semaphore, #tpu.memory_space<semaphore_mem>>, %arg16: memref<!tpu.dma_semaphore, #tpu.memory_space<semaphore_mem>>, %arg17: memref<!tpu.dma_semaphore, #tpu.memory_space<semaphore_mem>>, %arg18: memref<!tpu.dma_semaphore, #tpu.memory_space<semaphore_mem>>, %arg19: memref<!tpu.dma_semaphore, #tpu.memory_space<semaphore_mem>>, %arg20: memref<!tpu.dma_semaphore, #tpu.memory_space<semaphore_mem>>) attributes {dimension_semantics = [#tpu.dimension_semantics<core_parallel>, #tpu.dimension_semantics<subcore_parallel>], iteration_bounds = array<i64: 2, 16>, scalar_prefetch = 0 : i64, scratch_operands = 15 : i64, tpu.core_type = #tpu.core_type<sc_vector_subcore>, window_params = [{transform_indices = #map}, {transform_indices = #map1}, {transform_indices = #map1}, {transform_indices = #map1}]} {
    %mul3A = arith.constant 320 : i32
    %mul3A_0 = arith.muli %arg0, %mul3A : i32
    %mul3A_1 = arith.constant 20 : i32
    %mul3A_2 = arith.muli %arg1, %mul3A_1 : i32
    %add3A = arith.addi %mul3A_0, %mul3A_2 : i32
    "tpu.region"() ({
      %run_scoped3A = tpu.sem_alloc : memref<!tpu.dma_semaphore, #tpu.memory_space<semaphore_mem>>
      %dma_start3A_57 = arith.constant 0 : i32
      %dma_start3A_58 = arith.constant 0 : i32
      %dma_start3A_59 = tpu.memref_slice %arg3[%add3A, %dma_start3A_57, %dma_start3A_58] : memref<642x1x512xi32, #tpu.memory_space<hbm>> -> memref<20x1x512xi32, #tpu.memory_space<hbm>>
      %dma_start3A_60 = arith.constant 0 : i32
      %dma_start3A_61 = arith.constant 0 : i32
      %dma_start3A_62 = tpu.memref_slice %arg3[%add3A, %dma_start3A_60, %dma_start3A_61] : memref<642x1x512xi32, #tpu.memory_space<hbm>> -> memref<20x1x512xi32, #tpu.memory_space<hbm>>
      tpu.enqueue_dma source(%dma_start3A_62 : memref<20x1x512xi32, #tpu.memory_space<hbm>>) target(%arg7 : memref<20x1x512xi32, #tpu.memory_space<vmem>>) target_semaphore(%run_scoped3A : memref<!tpu.dma_semaphore, #tpu.memory_space<semaphore_mem>>)
      %dma_wait3A_63 = arith.constant 0 : i32
      %dma_wait3A_64 = arith.constant 0 : i32
      %dma_wait3A_65 = tpu.memref_slice %arg3[%add3A, %dma_wait3A_63, %dma_wait3A_64] : memref<642x1x512xi32, #tpu.memory_space<hbm>> -> memref<20x1x512xi32, #tpu.memory_space<hbm>>
      %dma_wait3A_66 = arith.constant 0 : i32
      %dma_wait3A_67 = arith.constant 0 : i32
      %dma_wait3A_68 = tpu.memref_slice %arg3[%add3A, %dma_wait3A_66, %dma_wait3A_67] : memref<642x1x512xi32, #tpu.memory_space<hbm>> -> memref<20x1x512xi32, #tpu.memory_space<hbm>>
      tpu.wait_dma2 semaphore(%run_scoped3A : memref<!tpu.dma_semaphore, #tpu.memory_space<semaphore_mem>>) src(%dma_wait3A_68 : memref<20x1x512xi32, #tpu.memory_space<hbm>>) dst(%arg7 : memref<20x1x512xi32, #tpu.memory_space<vmem>>)
      tpu.yield
    }) : () -> ()
    "tpu.region"() ({
      %run_scoped3A = tpu.sem_alloc : memref<!tpu.dma_semaphore, #tpu.memory_space<semaphore_mem>>
      %dma_start3A_57 = arith.constant 0 : i32
      %dma_start3A_58 = arith.constant 0 : i32
      %dma_start3A_59 = tpu.memref_slice %arg4[%add3A, %dma_start3A_57, %dma_start3A_58] : memref<642x1x512xi32, #tpu.memory_space<hbm>> -> memref<20x1x512xi32, #tpu.memory_space<hbm>>
      %dma_start3A_60 = arith.constant 0 : i32
      %dma_start3A_61 = arith.constant 0 : i32
      %dma_start3A_62 = tpu.memref_slice %arg4[%add3A, %dma_start3A_60, %dma_start3A_61] : memref<642x1x512xi32, #tpu.memory_space<hbm>> -> memref<20x1x512xi32, #tpu.memory_space<hbm>>
      tpu.enqueue_dma source(%dma_start3A_62 : memref<20x1x512xi32, #tpu.memory_space<hbm>>) target(%arg8 : memref<20x1x512xi32, #tpu.memory_space<vmem>>) target_semaphore(%run_scoped3A : memref<!tpu.dma_semaphore, #tpu.memory_space<semaphore_mem>>)
      %dma_wait3A_63 = arith.constant 0 : i32
      %dma_wait3A_64 = arith.constant 0 : i32
      %dma_wait3A_65 = tpu.memref_slice %arg4[%add3A, %dma_wait3A_63, %dma_wait3A_64] : memref<642x1x512xi32, #tpu.memory_space<hbm>> -> memref<20x1x512xi32, #tpu.memory_space<hbm>>
      %dma_wait3A_66 = arith.constant 0 : i32
      %dma_wait3A_67 = arith.constant 0 : i32
      %dma_wait3A_68 = tpu.memref_slice %arg4[%add3A, %dma_wait3A_66, %dma_wait3A_67] : memref<642x1x512xi32, #tpu.memory_space<hbm>> -> memref<20x1x512xi32, #tpu.memory_space<hbm>>
      tpu.wait_dma2 semaphore(%run_scoped3A : memref<!tpu.dma_semaphore, #tpu.memory_space<semaphore_mem>>) src(%dma_wait3A_68 : memref<20x1x512xi32, #tpu.memory_space<hbm>>) dst(%arg8 : memref<20x1x512xi32, #tpu.memory_space<vmem>>)
      tpu.yield
    }) : () -> ()
    %dma_start3A = arith.constant 0 : i32
    %dma_start3A_3 = arith.constant 0 : i32
    %dma_start3A_4 = arith.constant 0 : i32
    %dma_start3A_5 = tpu.memref_slice %arg7[%dma_start3A, %dma_start3A_3, %dma_start3A_4] : memref<20x1x512xi32, #tpu.memory_space<vmem>> -> memref<1x1x512xi32, #tpu.memory_space<vmem>>
    %dma_start3A_6 = tpu.memref_squeeze %dma_start3A_5 : memref<1x1x512xi32, #tpu.memory_space<vmem>> -> memref<512xi32, #tpu.memory_space<vmem>>
    %dma_start3A_7 = arith.constant 0 : i32
    %dma_start3A_8 = arith.constant 0 : i32
    %dma_start3A_9 = tpu.memref_slice %arg2[%dma_start3A_7, %dma_start3A_8] : memref<10240x32xf32, #tpu.memory_space<hbm>> -> memref<10240x32xf32, #tpu.memory_space<hbm>>
    tpu.enqueue_indirect_dma source(%dma_start3A_9 : memref<10240x32xf32, #tpu.memory_space<hbm>>) target(%arg9 : memref<512x32xf32, #tpu.memory_space<vmem>>) offsets(%dma_start3A_6 : memref<512xi32, #tpu.memory_space<vmem>>) semaphore(%arg13 : memref<!tpu.dma_semaphore, #tpu.memory_space<semaphore_mem>>)
    %dma_start3A_10 = arith.constant 1 : i32
    %dma_start3A_11 = arith.constant 0 : i32
    %dma_start3A_12 = arith.constant 0 : i32
    %dma_start3A_13 = tpu.memref_slice %arg7[%dma_start3A_10, %dma_start3A_11, %dma_start3A_12] : memref<20x1x512xi32, #tpu.memory_space<vmem>> -> memref<1x1x512xi32, #tpu.memory_space<vmem>>
    %dma_start3A_14 = tpu.memref_squeeze %dma_start3A_13 : memref<1x1x512xi32, #tpu.memory_space<vmem>> -> memref<512xi32, #tpu.memory_space<vmem>>
    %dma_start3A_15 = arith.constant 0 : i32
    %dma_start3A_16 = arith.constant 0 : i32
    %dma_start3A_17 = tpu.memref_slice %arg2[%dma_start3A_15, %dma_start3A_16] : memref<10240x32xf32, #tpu.memory_space<hbm>> -> memref<10240x32xf32, #tpu.memory_space<hbm>>
    tpu.enqueue_indirect_dma source(%dma_start3A_17 : memref<10240x32xf32, #tpu.memory_space<hbm>>) target(%arg10 : memref<512x32xf32, #tpu.memory_space<vmem>>) offsets(%dma_start3A_14 : memref<512xi32, #tpu.memory_space<vmem>>) semaphore(%arg14 : memref<!tpu.dma_semaphore, #tpu.memory_space<semaphore_mem>>)
    %dma_start3A_18 = arith.constant 2 : i32
    %dma_start3A_19 = arith.constant 0 : i32
    %dma_start3A_20 = arith.constant 0 : i32
    %dma_start3A_21 = tpu.memref_slice %arg7[%dma_start3A_18, %dma_start3A_19, %dma_start3A_20] : memref<20x1x512xi32, #tpu.memory_space<vmem>> -> memref<1x1x512xi32, #tpu.memory_space<vmem>>
    %dma_start3A_22 = tpu.memref_squeeze %dma_start3A_21 : memref<1x1x512xi32, #tpu.memory_space<vmem>> -> memref<512xi32, #tpu.memory_space<vmem>>
    %dma_start3A_23 = arith.constant 0 : i32
    %dma_start3A_24 = arith.constant 0 : i32
    %dma_start3A_25 = tpu.memref_slice %arg2[%dma_start3A_23, %dma_start3A_24] : memref<10240x32xf32, #tpu.memory_space<hbm>> -> memref<10240x32xf32, #tpu.memory_space<hbm>>
    tpu.enqueue_indirect_dma source(%dma_start3A_25 : memref<10240x32xf32, #tpu.memory_space<hbm>>) target(%arg11 : memref<512x32xf32, #tpu.memory_space<vmem>>) offsets(%dma_start3A_22 : memref<512xi32, #tpu.memory_space<vmem>>) semaphore(%arg15 : memref<!tpu.dma_semaphore, #tpu.memory_space<semaphore_mem>>)
    %scan3A = arith.constant 0 : i32
    %scan3A_26 = arith.constant 0 : i32
    %scan3A_27 = arith.constant 512 : i32
    %scan3A_28 = arith.addi %scan3A_26, %scan3A_27 : i32
    %scan3A_29 = arith.constant 1 : i32
    scf.for %scan3A_57 = %scan3A_26 to %scan3A_28 step %scan3A_29  : i32 {
      %broadcast_in_dim3A = arith.constant 0.000000e+00 : f32
      %broadcast_in_dim3A_58 = vector.broadcast %broadcast_in_dim3A : f32 to vector<16xf32>
      %swap3A = arith.index_cast %scan3A_57 : i32 to index
      %swap3A_59 = arith.constant 0 : index
      %swap3A_60 = tpu.vector_load %arg12[%swap3A, %swap3A_59] {strides = array<i32>} : memref<512x32xf32, #tpu.memory_space<vmem>>, vector<1x16xf32>,
      %swap3A_61 = vector.shape_cast %swap3A_60 : vector<1x16xf32> to vector<16xf32>
      %swap3A_62 = vector.shape_cast %broadcast_in_dim3A_58 : vector<16xf32> to vector<1x16xf32>
      tpu.vector_store %arg12[%swap3A, %swap3A_59], %swap3A_62 {strides = array<i32>} : memref<512x32xf32, #tpu.memory_space<vmem>>, vector<1x16xf32>,
      %broadcast_in_dim3A_63 = arith.constant 0.000000e+00 : f32
      %broadcast_in_dim3A_64 = vector.broadcast %broadcast_in_dim3A_63 : f32 to vector<16xf32>
      %swap3A_65 = arith.index_cast %scan3A_57 : i32 to index
      %swap3A_66 = arith.constant 16 : index
      %swap3A_67 = tpu.vector_load %arg12[%swap3A_65, %swap3A_66] {strides = array<i32>} : memref<512x32xf32, #tpu.memory_space<vmem>>, vector<1x16xf32>,
      %swap3A_68 = vector.shape_cast %swap3A_67 : vector<1x16xf32> to vector<16xf32>
      %swap3A_69 = vector.shape_cast %broadcast_in_dim3A_64 : vector<16xf32> to vector<1x16xf32>
      tpu.vector_store %arg12[%swap3A_65, %swap3A_66], %swap3A_69 {strides = array<i32>} : memref<512x32xf32, #tpu.memory_space<vmem>>, vector<1x16xf32>,
    }
    %scan3A_30 = arith.constant 512 : i32
    %mul3A_31 = arith.constant 640 : i32
    %mul3A_32 = arith.muli %arg1, %mul3A_31 : i32
    %add3A_33 = arith.constant 0 : i32
    %add3A_34 = arith.addi %mul3A_32, %add3A_33 : i32
    "tpu.region"() ({
      %run_scoped3A = tpu.sem_alloc : memref<!tpu.dma_semaphore, #tpu.memory_space<semaphore_mem>>
      %dma_start3A_57 = arith.constant 0 : i32
      %dma_start3A_58 = arith.constant 0 : i32
      %dma_start3A_59 = tpu.memref_slice %arg12[%dma_start3A_57, %dma_start3A_58] : memref<512x32xf32, #tpu.memory_space<vmem>> -> memref<512x32xf32, #tpu.memory_space<vmem>>
      %dma_start3A_60 = arith.constant 0 : i32
      %dma_start3A_61 = tpu.memref_slice %arg6[%add3A_34, %dma_start3A_60] : memref<10240x32xf32, #tpu.memory_space<vmem_shared>> -> memref<512x32xf32, #tpu.memory_space<vmem_shared>>
      %dma_start3A_62 = arith.constant 0 : i32
      %dma_start3A_63 = tpu.memref_slice %arg6[%add3A_34, %dma_start3A_62] : memref<10240x32xf32, #tpu.memory_space<vmem_shared>> -> memref<512x32xf32, #tpu.memory_space<vmem_shared>>
      %dma_start3A_64 = arith.constant 0 : i32
      %dma_start3A_65 = arith.constant 0 : i32
      %dma_start3A_66 = tpu.memref_slice %arg12[%dma_start3A_64, %dma_start3A_65] : memref<512x32xf32, #tpu.memory_space<vmem>> -> memref<512x32xf32, #tpu.memory_space<vmem>>
      tpu.enqueue_dma source(%dma_start3A_66 : memref<512x32xf32, #tpu.memory_space<vmem>>) target(%dma_start3A_63 : memref<512x32xf32, #tpu.memory_space<vmem_shared>>) target_semaphore(%run_scoped3A : memref<!tpu.dma_semaphore, #tpu.memory_space<semaphore_mem>>)
      %dma_wait3A_67 = arith.constant 0 : i32
      %dma_wait3A_68 = arith.constant 0 : i32
      %dma_wait3A_69 = tpu.memref_slice %arg12[%dma_wait3A_67, %dma_wait3A_68] : memref<512x32xf32, #tpu.memory_space<vmem>> -> memref<512x32xf32, #tpu.memory_space<vmem>>
      %dma_wait3A_70 = arith.constant 0 : i32
      %dma_wait3A_71 = tpu.memref_slice %arg6[%add3A_34, %dma_wait3A_70] : memref<10240x32xf32, #tpu.memory_space<vmem_shared>> -> memref<512x32xf32, #tpu.memory_space<vmem_shared>>
      %dma_wait3A_72 = arith.constant 0 : i32
      %dma_wait3A_73 = tpu.memref_slice %arg6[%add3A_34, %dma_wait3A_72] : memref<10240x32xf32, #tpu.memory_space<vmem_shared>> -> memref<512x32xf32, #tpu.memory_space<vmem_shared>>
      %dma_wait3A_74 = arith.constant 0 : i32
      %dma_wait3A_75 = arith.constant 0 : i32
      %dma_wait3A_76 = tpu.memref_slice %arg12[%dma_wait3A_74, %dma_wait3A_75] : memref<512x32xf32, #tpu.memory_space<vmem>> -> memref<512x32xf32, #tpu.memory_space<vmem>>
      tpu.wait_dma2 semaphore(%run_scoped3A : memref<!tpu.dma_semaphore, #tpu.memory_space<semaphore_mem>>) src(%dma_wait3A_76 : memref<512x32xf32, #tpu.memory_space<vmem>>) dst(%dma_wait3A_73 : memref<512x32xf32, #tpu.memory_space<vmem_shared>>)
      tpu.yield
    }) : () -> ()
    %mul3A_35 = arith.constant 640 : i32
    %mul3A_36 = arith.muli %arg1, %mul3A_35 : i32
    %add3A_37 = arith.constant 512 : i32
    %add3A_38 = arith.addi %mul3A_36, %add3A_37 : i32
    "tpu.region"() ({
      %run_scoped3A = tpu.sem_alloc : memref<!tpu.dma_semaphore, #tpu.memory_space<semaphore_mem>>
      %dma_start3A_57 = arith.constant 0 : i32
      %dma_start3A_58 = arith.constant 0 : i32
      %dma_start3A_59 = tpu.memref_slice %arg12[%dma_start3A_57, %dma_start3A_58] : memref<512x32xf32, #tpu.memory_space<vmem>> -> memref<128x32xf32, #tpu.memory_space<vmem>>
      %dma_start3A_60 = arith.constant 0 : i32
      %dma_start3A_61 = tpu.memref_slice %arg6[%add3A_38, %dma_start3A_60] : memref<10240x32xf32, #tpu.memory_space<vmem_shared>> -> memref<128x32xf32, #tpu.memory_space<vmem_shared>>
      %dma_start3A_62 = arith.constant 0 : i32
      %dma_start3A_63 = tpu.memref_slice %arg6[%add3A_38, %dma_start3A_62] : memref<10240x32xf32, #tpu.memory_space<vmem_shared>> -> memref<128x32xf32, #tpu.memory_space<vmem_shared>>
      %dma_start3A_64 = arith.constant 0 : i32
      %dma_start3A_65 = arith.constant 0 : i32
      %dma_start3A_66 = tpu.memref_slice %arg12[%dma_start3A_64, %dma_start3A_65] : memref<512x32xf32, #tpu.memory_space<vmem>> -> memref<128x32xf32, #tpu.memory_space<vmem>>
      tpu.enqueue_dma source(%dma_start3A_66 : memref<128x32xf32, #tpu.memory_space<vmem>>) target(%dma_start3A_63 : memref<128x32xf32, #tpu.memory_space<vmem_shared>>) target_semaphore(%run_scoped3A : memref<!tpu.dma_semaphore, #tpu.memory_space<semaphore_mem>>)
      %dma_wait3A_67 = arith.constant 0 : i32
      %dma_wait3A_68 = arith.constant 0 : i32
      %dma_wait3A_69 = tpu.memref_slice %arg12[%dma_wait3A_67, %dma_wait3A_68] : memref<512x32xf32, #tpu.memory_space<vmem>> -> memref<128x32xf32, #tpu.memory_space<vmem>>
      %dma_wait3A_70 = arith.constant 0 : i32
      %dma_wait3A_71 = tpu.memref_slice %arg6[%add3A_38, %dma_wait3A_70] : memref<10240x32xf32, #tpu.memory_space<vmem_shared>> -> memref<128x32xf32, #tpu.memory_space<vmem_shared>>
      %dma_wait3A_72 = arith.constant 0 : i32
      %dma_wait3A_73 = tpu.memref_slice %arg6[%add3A_38, %dma_wait3A_72] : memref<10240x32xf32, #tpu.memory_space<vmem_shared>> -> memref<128x32xf32, #tpu.memory_space<vmem_shared>>
      %dma_wait3A_74 = arith.constant 0 : i32
      %dma_wait3A_75 = arith.constant 0 : i32
      %dma_wait3A_76 = tpu.memref_slice %arg12[%dma_wait3A_74, %dma_wait3A_75] : memref<512x32xf32, #tpu.memory_space<vmem>> -> memref<128x32xf32, #tpu.memory_space<vmem>>
      tpu.wait_dma2 semaphore(%run_scoped3A : memref<!tpu.dma_semaphore, #tpu.memory_space<semaphore_mem>>) src(%dma_wait3A_76 : memref<128x32xf32, #tpu.memory_space<vmem>>) dst(%dma_wait3A_73 : memref<128x32xf32, #tpu.memory_space<vmem_shared>>)
      tpu.yield
    }) : () -> ()
    %barrier3A = arith.constant 0 : index
    tpu.barrier barrier_id(%barrier3A)
    %scan3A_39 = arith.constant 0 : i32
    %scan3A_40 = arith.constant 0 : i32
    %scan3A_41 = arith.constant 5 : i32
    %scan3A_42 = arith.addi %scan3A_40, %scan3A_41 : i32
    %scan3A_43 = arith.constant 1 : i32
    scf.for %scan3A_57 = %scan3A_40 to %scan3A_42 step %scan3A_43  : i32 {
      %mul3A_58 = arith.constant 4 : i32
      %mul3A_59 = arith.muli %scan3A_57, %mul3A_58 : i32
      %add3A_60 = arith.constant 0 : i32
      %add3A_61 = arith.addi %mul3A_59, %add3A_60 : i32
      %dma_wait3A_62 = arith.constant 0 : i32
      %dma_wait3A_63 = arith.constant 0 : i32
      %dma_wait3A_64 = arith.constant 0 : i32
      %dma_wait3A_65 = tpu.memref_slice %arg7[%dma_wait3A_62, %dma_wait3A_63, %dma_wait3A_64] : memref<20x1x512xi32, #tpu.memory_space<vmem>> -> memref<1x1x512xi32, #tpu.memory_space<vmem>>
      %dma_wait3A_66 = tpu.memref_squeeze %dma_wait3A_65 : memref<1x1x512xi32, #tpu.memory_space<vmem>> -> memref<512xi32, #tpu.memory_space<vmem>>
      %dma_wait3A_67 = arith.constant 0 : i32
      %dma_wait3A_68 = arith.constant 0 : i32
      %dma_wait3A_69 = tpu.memref_slice %arg2[%dma_wait3A_67, %dma_wait3A_68] : memref<10240x32xf32, #tpu.memory_space<hbm>> -> memref<10240x32xf32, #tpu.memory_space<hbm>>
      tpu.wait_indirect_dma semaphore(%arg13 : memref<!tpu.dma_semaphore, #tpu.memory_space<semaphore_mem>>) src(%dma_wait3A_69 : memref<10240x32xf32, #tpu.memory_space<hbm>>) dst(%arg9 : memref<512x32xf32, #tpu.memory_space<vmem>>)
      %dma_start3A_70 = arith.constant 0 : i32
      %dma_start3A_71 = arith.constant 0 : i32
      %dma_start3A_72 = tpu.memref_slice %arg8[%add3A_61, %dma_start3A_70, %dma_start3A_71] : memref<20x1x512xi32, #tpu.memory_space<vmem>> -> memref<1x1x512xi32, #tpu.memory_space<vmem>>
      %dma_start3A_73 = tpu.memref_squeeze %dma_start3A_72 : memref<1x1x512xi32, #tpu.memory_space<vmem>> -> memref<512xi32, #tpu.memory_space<vmem>>
      %dma_start3A_74 = arith.constant 0 : i32
      %dma_start3A_75 = arith.constant 0 : i32
      %dma_start3A_76 = tpu.memref_slice %arg6[%dma_start3A_74, %dma_start3A_75] : memref<10240x32xf32, #tpu.memory_space<vmem_shared>> -> memref<10240x32xf32, #tpu.memory_space<vmem_shared>>
      tpu.enqueue_indirect_dma source(%arg9 : memref<512x32xf32, #tpu.memory_space<vmem>>) target(%dma_start3A_76 : memref<10240x32xf32, #tpu.memory_space<vmem_shared>>) offsets(%dma_start3A_73 : memref<512xi32, #tpu.memory_space<vmem>>) semaphore(%arg17 : memref<!tpu.dma_semaphore, #tpu.memory_space<semaphore_mem>>) {add = true}
      %ge3A = arith.constant 1 : i32
      %ge3A_77 = arith.cmpi sge, %scan3A_57, %ge3A : i32
      %convert_element_type3A = arith.extui %ge3A_77 : i1 to i32
      %cond3A = arith.constant 0 : i32
      %cond3A_78 = arith.cmpi ne, %convert_element_type3A, %cond3A : i32
      scf.if %cond3A_78 {
        %dma_wait3A_194 = arith.constant 0 : i32
        %dma_wait3A_195 = arith.constant 0 : i32
        %dma_wait3A_196 = arith.constant 0 : i32
        %dma_wait3A_197 = tpu.memref_slice %arg8[%dma_wait3A_194, %dma_wait3A_195, %dma_wait3A_196] : memref<20x1x512xi32, #tpu.memory_space<vmem>> -> memref<1x1x512xi32, #tpu.memory_space<vmem>>
        %dma_wait3A_198 = tpu.memref_squeeze %dma_wait3A_197 : memref<1x1x512xi32, #tpu.memory_space<vmem>> -> memref<512xi32, #tpu.memory_space<vmem>>
        %dma_wait3A_199 = arith.constant 0 : i32
        %dma_wait3A_200 = arith.constant 0 : i32
        %dma_wait3A_201 = tpu.memref_slice %arg6[%dma_wait3A_199, %dma_wait3A_200] : memref<10240x32xf32, #tpu.memory_space<vmem_shared>> -> memref<10240x32xf32, #tpu.memory_space<vmem_shared>>
        tpu.wait_indirect_dma semaphore(%arg20 : memref<!tpu.dma_semaphore, #tpu.memory_space<semaphore_mem>>) src(%arg12 : memref<512x32xf32, #tpu.memory_space<vmem>>) dst(%dma_wait3A_201 : memref<10240x32xf32, #tpu.memory_space<vmem_shared>>)
      } else {
      }
      %add3A_79 = arith.constant 4 : i32
      %add3A_80 = arith.addi %add3A_61, %add3A_79 : i32
      %sub3A = arith.constant 1 : i32
      %sub3A_81 = arith.subi %add3A_80, %sub3A : i32
      %lt3A = arith.constant 20 : i32
      %lt3A_82 = arith.cmpi slt, %sub3A_81, %lt3A : i32
      %convert_element_type3A_83 = arith.extui %lt3A_82 : i1 to i32
      %cond3A_84 = arith.constant 0 : i32
      %cond3A_85 = arith.cmpi ne, %convert_element_type3A_83, %cond3A_84 : i32
      scf.if %cond3A_85 {
        %add3A_194 = arith.constant 4 : i32
        %add3A_195 = arith.addi %add3A_61, %add3A_194 : i32
        %sub3A_196 = arith.constant 1 : i32
        %sub3A_197 = arith.subi %add3A_195, %sub3A_196 : i32
        %dma_start3A_198 = arith.constant 0 : i32
        %dma_start3A_199 = arith.constant 0 : i32
        %dma_start3A_200 = tpu.memref_slice %arg7[%sub3A_197, %dma_start3A_198, %dma_start3A_199] : memref<20x1x512xi32, #tpu.memory_space<vmem>> -> memref<1x1x512xi32, #tpu.memory_space<vmem>>
        %dma_start3A_201 = tpu.memref_squeeze %dma_start3A_200 : memref<1x1x512xi32, #tpu.memory_space<vmem>> -> memref<512xi32, #tpu.memory_space<vmem>>
        %dma_start3A_202 = arith.constant 0 : i32
        %dma_start3A_203 = arith.constant 0 : i32
        %dma_start3A_204 = tpu.memref_slice %arg2[%dma_start3A_202, %dma_start3A_203] : memref<10240x32xf32, #tpu.memory_space<hbm>> -> memref<10240x32xf32, #tpu.memory_space<hbm>>
        tpu.enqueue_indirect_dma source(%dma_start3A_204 : memref<10240x32xf32, #tpu.memory_space<hbm>>) target(%arg12 : memref<512x32xf32, #tpu.memory_space<vmem>>) offsets(%dma_start3A_201 : memref<512xi32, #tpu.memory_space<vmem>>) semaphore(%arg16 : memref<!tpu.dma_semaphore, #tpu.memory_space<semaphore_mem>>)
      } else {
      }
      %mul3A_86 = arith.constant 4 : i32
      %mul3A_87 = arith.muli %scan3A_57, %mul3A_86 : i32
      %add3A_88 = arith.constant 1 : i32
      %add3A_89 = arith.addi %mul3A_87, %add3A_88 : i32
      %dma_wait3A_90 = arith.constant 0 : i32
      %dma_wait3A_91 = arith.constant 0 : i32
      %dma_wait3A_92 = arith.constant 0 : i32
      %dma_wait3A_93 = tpu.memref_slice %arg7[%dma_wait3A_90, %dma_wait3A_91, %dma_wait3A_92] : memref<20x1x512xi32, #tpu.memory_space<vmem>> -> memref<1x1x512xi32, #tpu.memory_space<vmem>>
      %dma_wait3A_94 = tpu.memref_squeeze %dma_wait3A_93 : memref<1x1x512xi32, #tpu.memory_space<vmem>> -> memref<512xi32, #tpu.memory_space<vmem>>
      %dma_wait3A_95 = arith.constant 0 : i32
      %dma_wait3A_96 = arith.constant 0 : i32
      %dma_wait3A_97 = tpu.memref_slice %arg2[%dma_wait3A_95, %dma_wait3A_96] : memref<10240x32xf32, #tpu.memory_space<hbm>> -> memref<10240x32xf32, #tpu.memory_space<hbm>>
      tpu.wait_indirect_dma semaphore(%arg14 : memref<!tpu.dma_semaphore, #tpu.memory_space<semaphore_mem>>) src(%dma_wait3A_97 : memref<10240x32xf32, #tpu.memory_space<hbm>>) dst(%arg10 : memref<512x32xf32, #tpu.memory_space<vmem>>)
      %dma_start3A_98 = arith.constant 0 : i32
      %dma_start3A_99 = arith.constant 0 : i32
      %dma_start3A_100 = tpu.memref_slice %arg8[%add3A_89, %dma_start3A_98, %dma_start3A_99] : memref<20x1x512xi32, #tpu.memory_space<vmem>> -> memref<1x1x512xi32, #tpu.memory_space<vmem>>
      %dma_start3A_101 = tpu.memref_squeeze %dma_start3A_100 : memref<1x1x512xi32, #tpu.memory_space<vmem>> -> memref<512xi32, #tpu.memory_space<vmem>>
      %dma_start3A_102 = arith.constant 0 : i32
      %dma_start3A_103 = arith.constant 0 : i32
      %dma_start3A_104 = tpu.memref_slice %arg6[%dma_start3A_102, %dma_start3A_103] : memref<10240x32xf32, #tpu.memory_space<vmem_shared>> -> memref<10240x32xf32, #tpu.memory_space<vmem_shared>>
      tpu.enqueue_indirect_dma source(%arg10 : memref<512x32xf32, #tpu.memory_space<vmem>>) target(%dma_start3A_104 : memref<10240x32xf32, #tpu.memory_space<vmem_shared>>) offsets(%dma_start3A_101 : memref<512xi32, #tpu.memory_space<vmem>>) semaphore(%arg18 : memref<!tpu.dma_semaphore, #tpu.memory_space<semaphore_mem>>) {add = true}
      %dma_wait3A_105 = arith.constant 0 : i32
      %dma_wait3A_106 = arith.constant 0 : i32
      %dma_wait3A_107 = arith.constant 0 : i32
      %dma_wait3A_108 = tpu.memref_slice %arg8[%dma_wait3A_105, %dma_wait3A_106, %dma_wait3A_107] : memref<20x1x512xi32, #tpu.memory_space<vmem>> -> memref<1x1x512xi32, #tpu.memory_space<vmem>>
      %dma_wait3A_109 = tpu.memref_squeeze %dma_wait3A_108 : memref<1x1x512xi32, #tpu.memory_space<vmem>> -> memref<512xi32, #tpu.memory_space<vmem>>
      %dma_wait3A_110 = arith.constant 0 : i32
      %dma_wait3A_111 = arith.constant 0 : i32
      %dma_wait3A_112 = tpu.memref_slice %arg6[%dma_wait3A_110, %dma_wait3A_111] : memref<10240x32xf32, #tpu.memory_space<vmem_shared>> -> memref<10240x32xf32, #tpu.memory_space<vmem_shared>>
      tpu.wait_indirect_dma semaphore(%arg17 : memref<!tpu.dma_semaphore, #tpu.memory_space<semaphore_mem>>) src(%arg9 : memref<512x32xf32, #tpu.memory_space<vmem>>) dst(%dma_wait3A_112 : memref<10240x32xf32, #tpu.memory_space<vmem_shared>>)
      %add3A_113 = arith.constant 4 : i32
      %add3A_114 = arith.addi %add3A_89, %add3A_113 : i32
      %sub3A_115 = arith.constant 1 : i32
      %sub3A_116 = arith.subi %add3A_114, %sub3A_115 : i32
      %lt3A_117 = arith.constant 20 : i32
      %lt3A_118 = arith.cmpi slt, %sub3A_116, %lt3A_117 : i32
      %convert_element_type3A_119 = arith.extui %lt3A_118 : i1 to i32
      %cond3A_120 = arith.constant 0 : i32
      %cond3A_121 = arith.cmpi ne, %convert_element_type3A_119, %cond3A_120 : i32
      scf.if %cond3A_121 {
        %add3A_194 = arith.constant 4 : i32
        %add3A_195 = arith.addi %add3A_89, %add3A_194 : i32
        %sub3A_196 = arith.constant 1 : i32
        %sub3A_197 = arith.subi %add3A_195, %sub3A_196 : i32
        %dma_start3A_198 = arith.constant 0 : i32
        %dma_start3A_199 = arith.constant 0 : i32
        %dma_start3A_200 = tpu.memref_slice %arg7[%sub3A_197, %dma_start3A_198, %dma_start3A_199] : memref<20x1x512xi32, #tpu.memory_space<vmem>> -> memref<1x1x512xi32, #tpu.memory_space<vmem>>
        %dma_start3A_201 = tpu.memref_squeeze %dma_start3A_200 : memref<1x1x512xi32, #tpu.memory_space<vmem>> -> memref<512xi32, #tpu.memory_space<vmem>>
        %dma_start3A_202 = arith.constant 0 : i32
        %dma_start3A_203 = arith.constant 0 : i32
        %dma_start3A_204 = tpu.memref_slice %arg2[%dma_start3A_202, %dma_start3A_203] : memref<10240x32xf32, #tpu.memory_space<hbm>> -> memref<10240x32xf32, #tpu.memory_space<hbm>>
        tpu.enqueue_indirect_dma source(%dma_start3A_204 : memref<10240x32xf32, #tpu.memory_space<hbm>>) target(%arg9 : memref<512x32xf32, #tpu.memory_space<vmem>>) offsets(%dma_start3A_201 : memref<512xi32, #tpu.memory_space<vmem>>) semaphore(%arg13 : memref<!tpu.dma_semaphore, #tpu.memory_space<semaphore_mem>>)
      } else {
      }
      %mul3A_122 = arith.constant 4 : i32
      %mul3A_123 = arith.muli %scan3A_57, %mul3A_122 : i32
      %add3A_124 = arith.constant 2 : i32
      %add3A_125 = arith.addi %mul3A_123, %add3A_124 : i32
      %dma_wait3A_126 = arith.constant 0 : i32
      %dma_wait3A_127 = arith.constant 0 : i32
      %dma_wait3A_128 = arith.constant 0 : i32
      %dma_wait3A_129 = tpu.memref_slice %arg7[%dma_wait3A_126, %dma_wait3A_127, %dma_wait3A_128] : memref<20x1x512xi32, #tpu.memory_space<vmem>> -> memref<1x1x512xi32, #tpu.memory_space<vmem>>
      %dma_wait3A_130 = tpu.memref_squeeze %dma_wait3A_129 : memref<1x1x512xi32, #tpu.memory_space<vmem>> -> memref<512xi32, #tpu.memory_space<vmem>>
      %dma_wait3A_131 = arith.constant 0 : i32
      %dma_wait3A_132 = arith.constant 0 : i32
      %dma_wait3A_133 = tpu.memref_slice %arg2[%dma_wait3A_131, %dma_wait3A_132] : memref<10240x32xf32, #tpu.memory_space<hbm>> -> memref<10240x32xf32, #tpu.memory_space<hbm>>
      tpu.wait_indirect_dma semaphore(%arg15 : memref<!tpu.dma_semaphore, #tpu.memory_space<semaphore_mem>>) src(%dma_wait3A_133 : memref<10240x32xf32, #tpu.memory_space<hbm>>) dst(%arg11 : memref<512x32xf32, #tpu.memory_space<vmem>>)
      %dma_start3A_134 = arith.constant 0 : i32
      %dma_start3A_135 = arith.constant 0 : i32
      %dma_start3A_136 = tpu.memref_slice %arg8[%add3A_125, %dma_start3A_134, %dma_start3A_135] : memref<20x1x512xi32, #tpu.memory_space<vmem>> -> memref<1x1x512xi32, #tpu.memory_space<vmem>>
      %dma_start3A_137 = tpu.memref_squeeze %dma_start3A_136 : memref<1x1x512xi32, #tpu.memory_space<vmem>> -> memref<512xi32, #tpu.memory_space<vmem>>
      %dma_start3A_138 = arith.constant 0 : i32
      %dma_start3A_139 = arith.constant 0 : i32
      %dma_start3A_140 = tpu.memref_slice %arg6[%dma_start3A_138, %dma_start3A_139] : memref<10240x32xf32, #tpu.memory_space<vmem_shared>> -> memref<10240x32xf32, #tpu.memory_space<vmem_shared>>
      tpu.enqueue_indirect_dma source(%arg11 : memref<512x32xf32, #tpu.memory_space<vmem>>) target(%dma_start3A_140 : memref<10240x32xf32, #tpu.memory_space<vmem_shared>>) offsets(%dma_start3A_137 : memref<512xi32, #tpu.memory_space<vmem>>) semaphore(%arg19 : memref<!tpu.dma_semaphore, #tpu.memory_space<semaphore_mem>>) {add = true}
      %dma_wait3A_141 = arith.constant 0 : i32
      %dma_wait3A_142 = arith.constant 0 : i32
      %dma_wait3A_143 = arith.constant 0 : i32
      %dma_wait3A_144 = tpu.memref_slice %arg8[%dma_wait3A_141, %dma_wait3A_142, %dma_wait3A_143] : memref<20x1x512xi32, #tpu.memory_space<vmem>> -> memref<1x1x512xi32, #tpu.memory_space<vmem>>
      %dma_wait3A_145 = tpu.memref_squeeze %dma_wait3A_144 : memref<1x1x512xi32, #tpu.memory_space<vmem>> -> memref<512xi32, #tpu.memory_space<vmem>>
      %dma_wait3A_146 = arith.constant 0 : i32
      %dma_wait3A_147 = arith.constant 0 : i32
      %dma_wait3A_148 = tpu.memref_slice %arg6[%dma_wait3A_146, %dma_wait3A_147] : memref<10240x32xf32, #tpu.memory_space<vmem_shared>> -> memref<10240x32xf32, #tpu.memory_space<vmem_shared>>
      tpu.wait_indirect_dma semaphore(%arg18 : memref<!tpu.dma_semaphore, #tpu.memory_space<semaphore_mem>>) src(%arg10 : memref<512x32xf32, #tpu.memory_space<vmem>>) dst(%dma_wait3A_148 : memref<10240x32xf32, #tpu.memory_space<vmem_shared>>)
      %add3A_149 = arith.constant 4 : i32
      %add3A_150 = arith.addi %add3A_125, %add3A_149 : i32
      %sub3A_151 = arith.constant 1 : i32
      %sub3A_152 = arith.subi %add3A_150, %sub3A_151 : i32
      %lt3A_153 = arith.constant 20 : i32
      %lt3A_154 = arith.cmpi slt, %sub3A_152, %lt3A_153 : i32
      %convert_element_type3A_155 = arith.extui %lt3A_154 : i1 to i32
      %cond3A_156 = arith.constant 0 : i32
      %cond3A_157 = arith.cmpi ne, %convert_element_type3A_155, %cond3A_156 : i32
      scf.if %cond3A_157 {
        %add3A_194 = arith.constant 4 : i32
        %add3A_195 = arith.addi %add3A_125, %add3A_194 : i32
        %sub3A_196 = arith.constant 1 : i32
        %sub3A_197 = arith.subi %add3A_195, %sub3A_196 : i32
        %dma_start3A_198 = arith.constant 0 : i32
        %dma_start3A_199 = arith.constant 0 : i32
        %dma_start3A_200 = tpu.memref_slice %arg7[%sub3A_197, %dma_start3A_198, %dma_start3A_199] : memref<20x1x512xi32, #tpu.memory_space<vmem>> -> memref<1x1x512xi32, #tpu.memory_space<vmem>>
        %dma_start3A_201 = tpu.memref_squeeze %dma_start3A_200 : memref<1x1x512xi32, #tpu.memory_space<vmem>> -> memref<512xi32, #tpu.memory_space<vmem>>
        %dma_start3A_202 = arith.constant 0 : i32
        %dma_start3A_203 = arith.constant 0 : i32
        %dma_start3A_204 = tpu.memref_slice %arg2[%dma_start3A_202, %dma_start3A_203] : memref<10240x32xf32, #tpu.memory_space<hbm>> -> memref<10240x32xf32, #tpu.memory_space<hbm>>
        tpu.enqueue_indirect_dma source(%dma_start3A_204 : memref<10240x32xf32, #tpu.memory_space<hbm>>) target(%arg10 : memref<512x32xf32, #tpu.memory_space<vmem>>) offsets(%dma_start3A_201 : memref<512xi32, #tpu.memory_space<vmem>>) semaphore(%arg14 : memref<!tpu.dma_semaphore, #tpu.memory_space<semaphore_mem>>)
      } else {
      }
      %mul3A_158 = arith.constant 4 : i32
      %mul3A_159 = arith.muli %scan3A_57, %mul3A_158 : i32
      %add3A_160 = arith.constant 3 : i32
      %add3A_161 = arith.addi %mul3A_159, %add3A_160 : i32
      %dma_wait3A_162 = arith.constant 0 : i32
      %dma_wait3A_163 = arith.constant 0 : i32
      %dma_wait3A_164 = arith.constant 0 : i32
      %dma_wait3A_165 = tpu.memref_slice %arg7[%dma_wait3A_162, %dma_wait3A_163, %dma_wait3A_164] : memref<20x1x512xi32, #tpu.memory_space<vmem>> -> memref<1x1x512xi32, #tpu.memory_space<vmem>>
      %dma_wait3A_166 = tpu.memref_squeeze %dma_wait3A_165 : memref<1x1x512xi32, #tpu.memory_space<vmem>> -> memref<512xi32, #tpu.memory_space<vmem>>
      %dma_wait3A_167 = arith.constant 0 : i32
      %dma_wait3A_168 = arith.constant 0 : i32
      %dma_wait3A_169 = tpu.memref_slice %arg2[%dma_wait3A_167, %dma_wait3A_168] : memref<10240x32xf32, #tpu.memory_space<hbm>> -> memref<10240x32xf32, #tpu.memory_space<hbm>>
      tpu.wait_indirect_dma semaphore(%arg16 : memref<!tpu.dma_semaphore, #tpu.memory_space<semaphore_mem>>) src(%dma_wait3A_169 : memref<10240x32xf32, #tpu.memory_space<hbm>>) dst(%arg12 : memref<512x32xf32, #tpu.memory_space<vmem>>)
      %dma_start3A_170 = arith.constant 0 : i32
      %dma_start3A_171 = arith.constant 0 : i32
      %dma_start3A_172 = tpu.memref_slice %arg8[%add3A_161, %dma_start3A_170, %dma_start3A_171] : memref<20x1x512xi32, #tpu.memory_space<vmem>> -> memref<1x1x512xi32, #tpu.memory_space<vmem>>
      %dma_start3A_173 = tpu.memref_squeeze %dma_start3A_172 : memref<1x1x512xi32, #tpu.memory_space<vmem>> -> memref<512xi32, #tpu.memory_space<vmem>>
      %dma_start3A_174 = arith.constant 0 : i32
      %dma_start3A_175 = arith.constant 0 : i32
      %dma_start3A_176 = tpu.memref_slice %arg6[%dma_start3A_174, %dma_start3A_175] : memref<10240x32xf32, #tpu.memory_space<vmem_shared>> -> memref<10240x32xf32, #tpu.memory_space<vmem_shared>>
      tpu.enqueue_indirect_dma source(%arg12 : memref<512x32xf32, #tpu.memory_space<vmem>>) target(%dma_start3A_176 : memref<10240x32xf32, #tpu.memory_space<vmem_shared>>) offsets(%dma_start3A_173 : memref<512xi32, #tpu.memory_space<vmem>>) semaphore(%arg20 : memref<!tpu.dma_semaphore, #tpu.memory_space<semaphore_mem>>) {add = true}
      %dma_wait3A_177 = arith.constant 0 : i32
      %dma_wait3A_178 = arith.constant 0 : i32
      %dma_wait3A_179 = arith.constant 0 : i32
      %dma_wait3A_180 = tpu.memref_slice %arg8[%dma_wait3A_177, %dma_wait3A_178, %dma_wait3A_179] : memref<20x1x512xi32, #tpu.memory_space<vmem>> -> memref<1x1x512xi32, #tpu.memory_space<vmem>>
      %dma_wait3A_181 = tpu.memref_squeeze %dma_wait3A_180 : memref<1x1x512xi32, #tpu.memory_space<vmem>> -> memref<512xi32, #tpu.memory_space<vmem>>
      %dma_wait3A_182 = arith.constant 0 : i32
      %dma_wait3A_183 = arith.constant 0 : i32
      %dma_wait3A_184 = tpu.memref_slice %arg6[%dma_wait3A_182, %dma_wait3A_183] : memref<10240x32xf32, #tpu.memory_space<vmem_shared>> -> memref<10240x32xf32, #tpu.memory_space<vmem_shared>>
      tpu.wait_indirect_dma semaphore(%arg19 : memref<!tpu.dma_semaphore, #tpu.memory_space<semaphore_mem>>) src(%arg11 : memref<512x32xf32, #tpu.memory_space<vmem>>) dst(%dma_wait3A_184 : memref<10240x32xf32, #tpu.memory_space<vmem_shared>>)
      %add3A_185 = arith.constant 4 : i32
      %add3A_186 = arith.addi %add3A_161, %add3A_185 : i32
      %sub3A_187 = arith.constant 1 : i32
      %sub3A_188 = arith.subi %add3A_186, %sub3A_187 : i32
      %lt3A_189 = arith.constant 20 : i32
      %lt3A_190 = arith.cmpi slt, %sub3A_188, %lt3A_189 : i32
      %convert_element_type3A_191 = arith.extui %lt3A_190 : i1 to i32
      %cond3A_192 = arith.constant 0 : i32
      %cond3A_193 = arith.cmpi ne, %convert_element_type3A_191, %cond3A_192 : i32
      scf.if %cond3A_193 {
        %add3A_194 = arith.constant 4 : i32
        %add3A_195 = arith.addi %add3A_161, %add3A_194 : i32
        %sub3A_196 = arith.constant 1 : i32
        %sub3A_197 = arith.subi %add3A_195, %sub3A_196 : i32
        %dma_start3A_198 = arith.constant 0 : i32
        %dma_start3A_199 = arith.constant 0 : i32
        %dma_start3A_200 = tpu.memref_slice %arg7[%sub3A_197, %dma_start3A_198, %dma_start3A_199] : memref<20x1x512xi32, #tpu.memory_space<vmem>> -> memref<1x1x512xi32, #tpu.memory_space<vmem>>
        %dma_start3A_201 = tpu.memref_squeeze %dma_start3A_200 : memref<1x1x512xi32, #tpu.memory_space<vmem>> -> memref<512xi32, #tpu.memory_space<vmem>>
        %dma_start3A_202 = arith.constant 0 : i32
        %dma_start3A_203 = arith.constant 0 : i32
        %dma_start3A_204 = tpu.memref_slice %arg2[%dma_start3A_202, %dma_start3A_203] : memref<10240x32xf32, #tpu.memory_space<hbm>> -> memref<10240x32xf32, #tpu.memory_space<hbm>>
        tpu.enqueue_indirect_dma source(%dma_start3A_204 : memref<10240x32xf32, #tpu.memory_space<hbm>>) target(%arg11 : memref<512x32xf32, #tpu.memory_space<vmem>>) offsets(%dma_start3A_201 : memref<512xi32, #tpu.memory_space<vmem>>) semaphore(%arg15 : memref<!tpu.dma_semaphore, #tpu.memory_space<semaphore_mem>>)
      } else {
      }
    }
    %scan3A_44 = arith.constant 5 : i32
    %dma_wait3A = arith.constant 0 : i32
    %dma_wait3A_45 = arith.constant 0 : i32
    %dma_wait3A_46 = arith.constant 0 : i32
    %dma_wait3A_47 = tpu.memref_slice %arg8[%dma_wait3A, %dma_wait3A_45, %dma_wait3A_46] : memref<20x1x512xi32, #tpu.memory_space<vmem>> -> memref<1x1x512xi32, #tpu.memory_space<vmem>>
    %dma_wait3A_48 = tpu.memref_squeeze %dma_wait3A_47 : memref<1x1x512xi32, #tpu.memory_space<vmem>> -> memref<512xi32, #tpu.memory_space<vmem>>
    %dma_wait3A_49 = arith.constant 0 : i32
    %dma_wait3A_50 = arith.constant 0 : i32
    %dma_wait3A_51 = tpu.memref_slice %arg6[%dma_wait3A_49, %dma_wait3A_50] : memref<10240x32xf32, #tpu.memory_space<vmem_shared>> -> memref<10240x32xf32, #tpu.memory_space<vmem_shared>>
    tpu.wait_indirect_dma semaphore(%arg20 : memref<!tpu.dma_semaphore, #tpu.memory_space<semaphore_mem>>) src(%arg12 : memref<512x32xf32, #tpu.memory_space<vmem>>) dst(%dma_wait3A_51 : memref<10240x32xf32, #tpu.memory_space<vmem_shared>>)
    %barrier3A_52 = arith.constant 0 : index
    tpu.barrier barrier_id(%barrier3A_52)
    %mul3A_53 = arith.constant 640 : i32
    %mul3A_54 = arith.muli %arg1, %mul3A_53 : i32
    %mul3A_55 = arith.constant 640 : i32
    %mul3A_56 = arith.muli %arg1, %mul3A_55 : i32
    "tpu.region"() ({
      %run_scoped3A = tpu.sem_alloc : memref<!tpu.dma_semaphore, #tpu.memory_space<semaphore_mem>>
      %dma_start3A_57 = arith.constant 0 : i32
      %dma_start3A_58 = tpu.memref_slice %arg5[%arg0, %mul3A_56, %dma_start3A_57] : memref<2x10240x32xf32, #tpu.memory_space<hbm>> -> memref<1x640x32xf32, #tpu.memory_space<hbm>>
      %dma_start3A_59 = tpu.memref_squeeze %dma_start3A_58 : memref<1x640x32xf32, #tpu.memory_space<hbm>> -> memref<640x32xf32, #tpu.memory_space<hbm>>
      %dma_start3A_60 = arith.constant 0 : i32
      %dma_start3A_61 = tpu.memref_slice %arg6[%mul3A_54, %dma_start3A_60] : memref<10240x32xf32, #tpu.memory_space<vmem_shared>> -> memref<640x32xf32, #tpu.memory_space<vmem_shared>>
      tpu.enqueue_dma source(%dma_start3A_61 : memref<640x32xf32, #tpu.memory_space<vmem_shared>>) target(%dma_start3A_59 : memref<640x32xf32, #tpu.memory_space<hbm>>) target_semaphore(%run_scoped3A : memref<!tpu.dma_semaphore, #tpu.memory_space<semaphore_mem>>)
      %dma_wait3A_62 = arith.constant 0 : i32
      %dma_wait3A_63 = tpu.memref_slice %arg5[%arg0, %mul3A_56, %dma_wait3A_62] : memref<2x10240x32xf32, #tpu.memory_space<hbm>> -> memref<1x640x32xf32, #tpu.memory_space<hbm>>
      %dma_wait3A_64 = tpu.memref_squeeze %dma_wait3A_63 : memref<1x640x32xf32, #tpu.memory_space<hbm>> -> memref<640x32xf32, #tpu.memory_space<hbm>>
      %dma_wait3A_65 = arith.constant 0 : i32
      %dma_wait3A_66 = tpu.memref_slice %arg6[%mul3A_54, %dma_wait3A_65] : memref<10240x32xf32, #tpu.memory_space<vmem_shared>> -> memref<640x32xf32, #tpu.memory_space<vmem_shared>>
      tpu.wait_dma2 semaphore(%run_scoped3A : memref<!tpu.dma_semaphore, #tpu.memory_space<semaphore_mem>>) src(%dma_wait3A_66 : memref<640x32xf32, #tpu.memory_space<vmem_shared>>) dst(%dma_wait3A_64 : memref<640x32xf32, #tpu.memory_space<hbm>>)
      tpu.yield
    }) : () -> ()
    return
  }
}

#map = affine_map<(d0, d1) -> (0, 0)>
#map1 = affine_map<(d0, d1) -> (0, 0, 0)>
module attributes {stable_mosaic.version = 14 : i64} {
  func.func @agg(%arg0: i32, %arg1: i32, %arg2: memref<10240x128xf32, #tpu.memory_space<hbm>>, %arg3: memref<2568x1x128xi32, #tpu.memory_space<hbm>>, %arg4: memref<2568x1x128xi32, #tpu.memory_space<hbm>>, %arg5: memref<2x10240x128xf32, #tpu.memory_space<hbm>>, %arg6: memref<10240x128xf32, #tpu.memory_space<vmem_shared>>, %arg7: memref<2x8x1x128xi32, #tpu.memory_space<vmem>>, %arg8: memref<2x8x1x128xi32, #tpu.memory_space<vmem>>, %arg9: memref<128x128xf32, #tpu.memory_space<vmem>>, %arg10: memref<128x128xf32, #tpu.memory_space<vmem>>, %arg11: memref<!tpu.dma_semaphore, #tpu.memory_space<semaphore_mem>>, %arg12: memref<!tpu.dma_semaphore, #tpu.memory_space<semaphore_mem>>, %arg13: memref<!tpu.dma_semaphore, #tpu.memory_space<semaphore_mem>>) attributes {dimension_semantics = [#tpu.dimension_semantics<core_parallel>, #tpu.dimension_semantics<subcore_parallel>], iteration_bounds = array<i64: 2, 16>, scalar_prefetch = 0 : i64, scratch_operands = 8 : i64, tpu.core_type = #tpu.core_type<sc_vector_subcore>, window_params = [{transform_indices = #map}, {transform_indices = #map1}, {transform_indices = #map1}, {transform_indices = #map1}]} {
    %mul3A = arith.constant 1280 : i32
    %mul3A_0 = arith.muli %arg0, %mul3A : i32
    %mul3A_1 = arith.constant 80 : i32
    %mul3A_2 = arith.muli %arg1, %mul3A_1 : i32
    %add3A = arith.addi %mul3A_0, %mul3A_2 : i32
    %run_scoped3A = arith.constant 0 : i32
    "tpu.region"() ({
      %run_scoped3A_56 = tpu.sem_alloc : memref<!tpu.dma_semaphore, #tpu.memory_space<semaphore_mem>>
      %dma_start3A_57 = arith.constant 0 : i32
      %dma_start3A_58 = arith.constant 0 : i32
      %dma_start3A_59 = arith.constant 0 : i32
      %dma_start3A_60 = tpu.memref_slice %arg7[%run_scoped3A, %dma_start3A_57, %dma_start3A_58, %dma_start3A_59] : memref<2x8x1x128xi32, #tpu.memory_space<vmem>> -> memref<1x8x1x128xi32, #tpu.memory_space<vmem>>
      %dma_start3A_61 = tpu.memref_squeeze %dma_start3A_60 : memref<1x8x1x128xi32, #tpu.memory_space<vmem>> -> memref<8x1x128xi32, #tpu.memory_space<vmem>>
      %dma_start3A_62 = arith.constant 0 : i32
      %dma_start3A_63 = arith.constant 0 : i32
      %dma_start3A_64 = tpu.memref_slice %arg3[%add3A, %dma_start3A_62, %dma_start3A_63] : memref<2568x1x128xi32, #tpu.memory_space<hbm>> -> memref<8x1x128xi32, #tpu.memory_space<hbm>>
      %dma_start3A_65 = arith.constant 0 : i32
      %dma_start3A_66 = arith.constant 0 : i32
      %dma_start3A_67 = arith.constant 0 : i32
      %dma_start3A_68 = tpu.memref_slice %arg7[%run_scoped3A, %dma_start3A_65, %dma_start3A_66, %dma_start3A_67] : memref<2x8x1x128xi32, #tpu.memory_space<vmem>> -> memref<1x8x1x128xi32, #tpu.memory_space<vmem>>
      %dma_start3A_69 = tpu.memref_squeeze %dma_start3A_68 : memref<1x8x1x128xi32, #tpu.memory_space<vmem>> -> memref<8x1x128xi32, #tpu.memory_space<vmem>>
      %dma_start3A_70 = arith.constant 0 : i32
      %dma_start3A_71 = arith.constant 0 : i32
      %dma_start3A_72 = tpu.memref_slice %arg3[%add3A, %dma_start3A_70, %dma_start3A_71] : memref<2568x1x128xi32, #tpu.memory_space<hbm>> -> memref<8x1x128xi32, #tpu.memory_space<hbm>>
      tpu.enqueue_dma source(%dma_start3A_72 : memref<8x1x128xi32, #tpu.memory_space<hbm>>) target(%dma_start3A_69 : memref<8x1x128xi32, #tpu.memory_space<vmem>>) target_semaphore(%run_scoped3A_56 : memref<!tpu.dma_semaphore, #tpu.memory_space<semaphore_mem>>)
      %dma_wait3A_73 = arith.constant 0 : i32
      %dma_wait3A_74 = arith.constant 0 : i32
      %dma_wait3A_75 = arith.constant 0 : i32
      %dma_wait3A_76 = tpu.memref_slice %arg7[%run_scoped3A, %dma_wait3A_73, %dma_wait3A_74, %dma_wait3A_75] : memref<2x8x1x128xi32, #tpu.memory_space<vmem>> -> memref<1x8x1x128xi32, #tpu.memory_space<vmem>>
      %dma_wait3A_77 = tpu.memref_squeeze %dma_wait3A_76 : memref<1x8x1x128xi32, #tpu.memory_space<vmem>> -> memref<8x1x128xi32, #tpu.memory_space<vmem>>
      %dma_wait3A_78 = arith.constant 0 : i32
      %dma_wait3A_79 = arith.constant 0 : i32
      %dma_wait3A_80 = tpu.memref_slice %arg3[%add3A, %dma_wait3A_78, %dma_wait3A_79] : memref<2568x1x128xi32, #tpu.memory_space<hbm>> -> memref<8x1x128xi32, #tpu.memory_space<hbm>>
      %dma_wait3A_81 = arith.constant 0 : i32
      %dma_wait3A_82 = arith.constant 0 : i32
      %dma_wait3A_83 = arith.constant 0 : i32
      %dma_wait3A_84 = tpu.memref_slice %arg7[%run_scoped3A, %dma_wait3A_81, %dma_wait3A_82, %dma_wait3A_83] : memref<2x8x1x128xi32, #tpu.memory_space<vmem>> -> memref<1x8x1x128xi32, #tpu.memory_space<vmem>>
      %dma_wait3A_85 = tpu.memref_squeeze %dma_wait3A_84 : memref<1x8x1x128xi32, #tpu.memory_space<vmem>> -> memref<8x1x128xi32, #tpu.memory_space<vmem>>
      %dma_wait3A_86 = arith.constant 0 : i32
      %dma_wait3A_87 = arith.constant 0 : i32
      %dma_wait3A_88 = tpu.memref_slice %arg3[%add3A, %dma_wait3A_86, %dma_wait3A_87] : memref<2568x1x128xi32, #tpu.memory_space<hbm>> -> memref<8x1x128xi32, #tpu.memory_space<hbm>>
      tpu.wait_dma2 semaphore(%run_scoped3A_56 : memref<!tpu.dma_semaphore, #tpu.memory_space<semaphore_mem>>) src(%dma_wait3A_88 : memref<8x1x128xi32, #tpu.memory_space<hbm>>) dst(%dma_wait3A_85 : memref<8x1x128xi32, #tpu.memory_space<vmem>>)
      tpu.yield
    }) : () -> ()
    %run_scoped3A_3 = arith.constant 0 : i32
    "tpu.region"() ({
      %run_scoped3A_56 = tpu.sem_alloc : memref<!tpu.dma_semaphore, #tpu.memory_space<semaphore_mem>>
      %dma_start3A_57 = arith.constant 0 : i32
      %dma_start3A_58 = arith.constant 0 : i32
      %dma_start3A_59 = arith.constant 0 : i32
      %dma_start3A_60 = tpu.memref_slice %arg8[%run_scoped3A_3, %dma_start3A_57, %dma_start3A_58, %dma_start3A_59] : memref<2x8x1x128xi32, #tpu.memory_space<vmem>> -> memref<1x8x1x128xi32, #tpu.memory_space<vmem>>
      %dma_start3A_61 = tpu.memref_squeeze %dma_start3A_60 : memref<1x8x1x128xi32, #tpu.memory_space<vmem>> -> memref<8x1x128xi32, #tpu.memory_space<vmem>>
      %dma_start3A_62 = arith.constant 0 : i32
      %dma_start3A_63 = arith.constant 0 : i32
      %dma_start3A_64 = tpu.memref_slice %arg4[%add3A, %dma_start3A_62, %dma_start3A_63] : memref<2568x1x128xi32, #tpu.memory_space<hbm>> -> memref<8x1x128xi32, #tpu.memory_space<hbm>>
      %dma_start3A_65 = arith.constant 0 : i32
      %dma_start3A_66 = arith.constant 0 : i32
      %dma_start3A_67 = arith.constant 0 : i32
      %dma_start3A_68 = tpu.memref_slice %arg8[%run_scoped3A_3, %dma_start3A_65, %dma_start3A_66, %dma_start3A_67] : memref<2x8x1x128xi32, #tpu.memory_space<vmem>> -> memref<1x8x1x128xi32, #tpu.memory_space<vmem>>
      %dma_start3A_69 = tpu.memref_squeeze %dma_start3A_68 : memref<1x8x1x128xi32, #tpu.memory_space<vmem>> -> memref<8x1x128xi32, #tpu.memory_space<vmem>>
      %dma_start3A_70 = arith.constant 0 : i32
      %dma_start3A_71 = arith.constant 0 : i32
      %dma_start3A_72 = tpu.memref_slice %arg4[%add3A, %dma_start3A_70, %dma_start3A_71] : memref<2568x1x128xi32, #tpu.memory_space<hbm>> -> memref<8x1x128xi32, #tpu.memory_space<hbm>>
      tpu.enqueue_dma source(%dma_start3A_72 : memref<8x1x128xi32, #tpu.memory_space<hbm>>) target(%dma_start3A_69 : memref<8x1x128xi32, #tpu.memory_space<vmem>>) target_semaphore(%run_scoped3A_56 : memref<!tpu.dma_semaphore, #tpu.memory_space<semaphore_mem>>)
      %dma_wait3A_73 = arith.constant 0 : i32
      %dma_wait3A_74 = arith.constant 0 : i32
      %dma_wait3A_75 = arith.constant 0 : i32
      %dma_wait3A_76 = tpu.memref_slice %arg8[%run_scoped3A_3, %dma_wait3A_73, %dma_wait3A_74, %dma_wait3A_75] : memref<2x8x1x128xi32, #tpu.memory_space<vmem>> -> memref<1x8x1x128xi32, #tpu.memory_space<vmem>>
      %dma_wait3A_77 = tpu.memref_squeeze %dma_wait3A_76 : memref<1x8x1x128xi32, #tpu.memory_space<vmem>> -> memref<8x1x128xi32, #tpu.memory_space<vmem>>
      %dma_wait3A_78 = arith.constant 0 : i32
      %dma_wait3A_79 = arith.constant 0 : i32
      %dma_wait3A_80 = tpu.memref_slice %arg4[%add3A, %dma_wait3A_78, %dma_wait3A_79] : memref<2568x1x128xi32, #tpu.memory_space<hbm>> -> memref<8x1x128xi32, #tpu.memory_space<hbm>>
      %dma_wait3A_81 = arith.constant 0 : i32
      %dma_wait3A_82 = arith.constant 0 : i32
      %dma_wait3A_83 = arith.constant 0 : i32
      %dma_wait3A_84 = tpu.memref_slice %arg8[%run_scoped3A_3, %dma_wait3A_81, %dma_wait3A_82, %dma_wait3A_83] : memref<2x8x1x128xi32, #tpu.memory_space<vmem>> -> memref<1x8x1x128xi32, #tpu.memory_space<vmem>>
      %dma_wait3A_85 = tpu.memref_squeeze %dma_wait3A_84 : memref<1x8x1x128xi32, #tpu.memory_space<vmem>> -> memref<8x1x128xi32, #tpu.memory_space<vmem>>
      %dma_wait3A_86 = arith.constant 0 : i32
      %dma_wait3A_87 = arith.constant 0 : i32
      %dma_wait3A_88 = tpu.memref_slice %arg4[%add3A, %dma_wait3A_86, %dma_wait3A_87] : memref<2568x1x128xi32, #tpu.memory_space<hbm>> -> memref<8x1x128xi32, #tpu.memory_space<hbm>>
      tpu.wait_dma2 semaphore(%run_scoped3A_56 : memref<!tpu.dma_semaphore, #tpu.memory_space<semaphore_mem>>) src(%dma_wait3A_88 : memref<8x1x128xi32, #tpu.memory_space<hbm>>) dst(%dma_wait3A_85 : memref<8x1x128xi32, #tpu.memory_space<vmem>>)
      tpu.yield
    }) : () -> ()
    %dma_start3A = arith.constant 0 : i32
    %dma_start3A_4 = arith.constant 0 : i32
    %dma_start3A_5 = arith.constant 0 : i32
    %dma_start3A_6 = arith.constant 0 : i32
    %dma_start3A_7 = tpu.memref_slice %arg7[%dma_start3A, %dma_start3A_4, %dma_start3A_5, %dma_start3A_6] : memref<2x8x1x128xi32, #tpu.memory_space<vmem>> -> memref<1x1x1x128xi32, #tpu.memory_space<vmem>>
    %dma_start3A_8 = tpu.memref_squeeze %dma_start3A_7 : memref<1x1x1x128xi32, #tpu.memory_space<vmem>> -> memref<128xi32, #tpu.memory_space<vmem>>
    %dma_start3A_9 = arith.constant 0 : i32
    %dma_start3A_10 = arith.constant 0 : i32
    %dma_start3A_11 = tpu.memref_slice %arg2[%dma_start3A_9, %dma_start3A_10] : memref<10240x128xf32, #tpu.memory_space<hbm>> -> memref<10240x128xf32, #tpu.memory_space<hbm>>
    tpu.enqueue_indirect_dma source(%dma_start3A_11 : memref<10240x128xf32, #tpu.memory_space<hbm>>) target(%arg9 : memref<128x128xf32, #tpu.memory_space<vmem>>) offsets(%dma_start3A_8 : memref<128xi32, #tpu.memory_space<vmem>>) semaphore(%arg11 : memref<!tpu.dma_semaphore, #tpu.memory_space<semaphore_mem>>)
    %scan3A = arith.constant 0 : i32
    %scan3A_12 = arith.constant 0 : i32
    %scan3A_13 = arith.constant 128 : i32
    %scan3A_14 = arith.addi %scan3A_12, %scan3A_13 : i32
    %scan3A_15 = arith.constant 1 : i32
    scf.for %scan3A_56 = %scan3A_12 to %scan3A_14 step %scan3A_15  : i32 {
      %broadcast_in_dim3A = arith.constant 0.000000e+00 : f32
      %broadcast_in_dim3A_57 = vector.broadcast %broadcast_in_dim3A : f32 to vector<16xf32>
      %swap3A = arith.index_cast %scan3A_56 : i32 to index
      %swap3A_58 = arith.constant 0 : index
      %swap3A_59 = tpu.vector_load %arg10[%swap3A, %swap3A_58] {strides = array<i32>} : memref<128x128xf32, #tpu.memory_space<vmem>>, vector<1x16xf32>,
      %swap3A_60 = vector.shape_cast %swap3A_59 : vector<1x16xf32> to vector<16xf32>
      %swap3A_61 = vector.shape_cast %broadcast_in_dim3A_57 : vector<16xf32> to vector<1x16xf32>
      tpu.vector_store %arg10[%swap3A, %swap3A_58], %swap3A_61 {strides = array<i32>} : memref<128x128xf32, #tpu.memory_space<vmem>>, vector<1x16xf32>,
      %broadcast_in_dim3A_62 = arith.constant 0.000000e+00 : f32
      %broadcast_in_dim3A_63 = vector.broadcast %broadcast_in_dim3A_62 : f32 to vector<16xf32>
      %swap3A_64 = arith.index_cast %scan3A_56 : i32 to index
      %swap3A_65 = arith.constant 16 : index
      %swap3A_66 = tpu.vector_load %arg10[%swap3A_64, %swap3A_65] {strides = array<i32>} : memref<128x128xf32, #tpu.memory_space<vmem>>, vector<1x16xf32>,
      %swap3A_67 = vector.shape_cast %swap3A_66 : vector<1x16xf32> to vector<16xf32>
      %swap3A_68 = vector.shape_cast %broadcast_in_dim3A_63 : vector<16xf32> to vector<1x16xf32>
      tpu.vector_store %arg10[%swap3A_64, %swap3A_65], %swap3A_68 {strides = array<i32>} : memref<128x128xf32, #tpu.memory_space<vmem>>, vector<1x16xf32>,
      %broadcast_in_dim3A_69 = arith.constant 0.000000e+00 : f32
      %broadcast_in_dim3A_70 = vector.broadcast %broadcast_in_dim3A_69 : f32 to vector<16xf32>
      %swap3A_71 = arith.index_cast %scan3A_56 : i32 to index
      %swap3A_72 = arith.constant 32 : index
      %swap3A_73 = tpu.vector_load %arg10[%swap3A_71, %swap3A_72] {strides = array<i32>} : memref<128x128xf32, #tpu.memory_space<vmem>>, vector<1x16xf32>,
      %swap3A_74 = vector.shape_cast %swap3A_73 : vector<1x16xf32> to vector<16xf32>
      %swap3A_75 = vector.shape_cast %broadcast_in_dim3A_70 : vector<16xf32> to vector<1x16xf32>
      tpu.vector_store %arg10[%swap3A_71, %swap3A_72], %swap3A_75 {strides = array<i32>} : memref<128x128xf32, #tpu.memory_space<vmem>>, vector<1x16xf32>,
      %broadcast_in_dim3A_76 = arith.constant 0.000000e+00 : f32
      %broadcast_in_dim3A_77 = vector.broadcast %broadcast_in_dim3A_76 : f32 to vector<16xf32>
      %swap3A_78 = arith.index_cast %scan3A_56 : i32 to index
      %swap3A_79 = arith.constant 48 : index
      %swap3A_80 = tpu.vector_load %arg10[%swap3A_78, %swap3A_79] {strides = array<i32>} : memref<128x128xf32, #tpu.memory_space<vmem>>, vector<1x16xf32>,
      %swap3A_81 = vector.shape_cast %swap3A_80 : vector<1x16xf32> to vector<16xf32>
      %swap3A_82 = vector.shape_cast %broadcast_in_dim3A_77 : vector<16xf32> to vector<1x16xf32>
      tpu.vector_store %arg10[%swap3A_78, %swap3A_79], %swap3A_82 {strides = array<i32>} : memref<128x128xf32, #tpu.memory_space<vmem>>, vector<1x16xf32>,
      %broadcast_in_dim3A_83 = arith.constant 0.000000e+00 : f32
      %broadcast_in_dim3A_84 = vector.broadcast %broadcast_in_dim3A_83 : f32 to vector<16xf32>
      %swap3A_85 = arith.index_cast %scan3A_56 : i32 to index
      %swap3A_86 = arith.constant 64 : index
      %swap3A_87 = tpu.vector_load %arg10[%swap3A_85, %swap3A_86] {strides = array<i32>} : memref<128x128xf32, #tpu.memory_space<vmem>>, vector<1x16xf32>,
      %swap3A_88 = vector.shape_cast %swap3A_87 : vector<1x16xf32> to vector<16xf32>
      %swap3A_89 = vector.shape_cast %broadcast_in_dim3A_84 : vector<16xf32> to vector<1x16xf32>
      tpu.vector_store %arg10[%swap3A_85, %swap3A_86], %swap3A_89 {strides = array<i32>} : memref<128x128xf32, #tpu.memory_space<vmem>>, vector<1x16xf32>,
      %broadcast_in_dim3A_90 = arith.constant 0.000000e+00 : f32
      %broadcast_in_dim3A_91 = vector.broadcast %broadcast_in_dim3A_90 : f32 to vector<16xf32>
      %swap3A_92 = arith.index_cast %scan3A_56 : i32 to index
      %swap3A_93 = arith.constant 80 : index
      %swap3A_94 = tpu.vector_load %arg10[%swap3A_92, %swap3A_93] {strides = array<i32>} : memref<128x128xf32, #tpu.memory_space<vmem>>, vector<1x16xf32>,
      %swap3A_95 = vector.shape_cast %swap3A_94 : vector<1x16xf32> to vector<16xf32>
      %swap3A_96 = vector.shape_cast %broadcast_in_dim3A_91 : vector<16xf32> to vector<1x16xf32>
      tpu.vector_store %arg10[%swap3A_92, %swap3A_93], %swap3A_96 {strides = array<i32>} : memref<128x128xf32, #tpu.memory_space<vmem>>, vector<1x16xf32>,
      %broadcast_in_dim3A_97 = arith.constant 0.000000e+00 : f32
      %broadcast_in_dim3A_98 = vector.broadcast %broadcast_in_dim3A_97 : f32 to vector<16xf32>
      %swap3A_99 = arith.index_cast %scan3A_56 : i32 to index
      %swap3A_100 = arith.constant 96 : index
      %swap3A_101 = tpu.vector_load %arg10[%swap3A_99, %swap3A_100] {strides = array<i32>} : memref<128x128xf32, #tpu.memory_space<vmem>>, vector<1x16xf32>,
      %swap3A_102 = vector.shape_cast %swap3A_101 : vector<1x16xf32> to vector<16xf32>
      %swap3A_103 = vector.shape_cast %broadcast_in_dim3A_98 : vector<16xf32> to vector<1x16xf32>
      tpu.vector_store %arg10[%swap3A_99, %swap3A_100], %swap3A_103 {strides = array<i32>} : memref<128x128xf32, #tpu.memory_space<vmem>>, vector<1x16xf32>,
      %broadcast_in_dim3A_104 = arith.constant 0.000000e+00 : f32
      %broadcast_in_dim3A_105 = vector.broadcast %broadcast_in_dim3A_104 : f32 to vector<16xf32>
      %swap3A_106 = arith.index_cast %scan3A_56 : i32 to index
      %swap3A_107 = arith.constant 112 : index
      %swap3A_108 = tpu.vector_load %arg10[%swap3A_106, %swap3A_107] {strides = array<i32>} : memref<128x128xf32, #tpu.memory_space<vmem>>, vector<1x16xf32>,
      %swap3A_109 = vector.shape_cast %swap3A_108 : vector<1x16xf32> to vector<16xf32>
      %swap3A_110 = vector.shape_cast %broadcast_in_dim3A_105 : vector<16xf32> to vector<1x16xf32>
      tpu.vector_store %arg10[%swap3A_106, %swap3A_107], %swap3A_110 {strides = array<i32>} : memref<128x128xf32, #tpu.memory_space<vmem>>, vector<1x16xf32>,
    }
    %scan3A_16 = arith.constant 128 : i32
    %mul3A_17 = arith.constant 640 : i32
    %mul3A_18 = arith.muli %arg1, %mul3A_17 : i32
    %add3A_19 = arith.constant 0 : i32
    %add3A_20 = arith.addi %mul3A_18, %add3A_19 : i32
    "tpu.region"() ({
      %run_scoped3A_56 = tpu.sem_alloc : memref<!tpu.dma_semaphore, #tpu.memory_space<semaphore_mem>>
      %dma_start3A_57 = arith.constant 0 : i32
      %dma_start3A_58 = arith.constant 0 : i32
      %dma_start3A_59 = tpu.memref_slice %arg10[%dma_start3A_57, %dma_start3A_58] : memref<128x128xf32, #tpu.memory_space<vmem>> -> memref<128x128xf32, #tpu.memory_space<vmem>>
      %dma_start3A_60 = arith.constant 0 : i32
      %dma_start3A_61 = tpu.memref_slice %arg6[%add3A_20, %dma_start3A_60] : memref<10240x128xf32, #tpu.memory_space<vmem_shared>> -> memref<128x128xf32, #tpu.memory_space<vmem_shared>>
      %dma_start3A_62 = arith.constant 0 : i32
      %dma_start3A_63 = tpu.memref_slice %arg6[%add3A_20, %dma_start3A_62] : memref<10240x128xf32, #tpu.memory_space<vmem_shared>> -> memref<128x128xf32, #tpu.memory_space<vmem_shared>>
      %dma_start3A_64 = arith.constant 0 : i32
      %dma_start3A_65 = arith.constant 0 : i32
      %dma_start3A_66 = tpu.memref_slice %arg10[%dma_start3A_64, %dma_start3A_65] : memref<128x128xf32, #tpu.memory_space<vmem>> -> memref<128x128xf32, #tpu.memory_space<vmem>>
      tpu.enqueue_dma source(%dma_start3A_66 : memref<128x128xf32, #tpu.memory_space<vmem>>) target(%dma_start3A_63 : memref<128x128xf32, #tpu.memory_space<vmem_shared>>) target_semaphore(%run_scoped3A_56 : memref<!tpu.dma_semaphore, #tpu.memory_space<semaphore_mem>>)
      %dma_wait3A_67 = arith.constant 0 : i32
      %dma_wait3A_68 = arith.constant 0 : i32
      %dma_wait3A_69 = tpu.memref_slice %arg10[%dma_wait3A_67, %dma_wait3A_68] : memref<128x128xf32, #tpu.memory_space<vmem>> -> memref<128x128xf32, #tpu.memory_space<vmem>>
      %dma_wait3A_70 = arith.constant 0 : i32
      %dma_wait3A_71 = tpu.memref_slice %arg6[%add3A_20, %dma_wait3A_70] : memref<10240x128xf32, #tpu.memory_space<vmem_shared>> -> memref<128x128xf32, #tpu.memory_space<vmem_shared>>
      %dma_wait3A_72 = arith.constant 0 : i32
      %dma_wait3A_73 = tpu.memref_slice %arg6[%add3A_20, %dma_wait3A_72] : memref<10240x128xf32, #tpu.memory_space<vmem_shared>> -> memref<128x128xf32, #tpu.memory_space<vmem_shared>>
      %dma_wait3A_74 = arith.constant 0 : i32
      %dma_wait3A_75 = arith.constant 0 : i32
      %dma_wait3A_76 = tpu.memref_slice %arg10[%dma_wait3A_74, %dma_wait3A_75] : memref<128x128xf32, #tpu.memory_space<vmem>> -> memref<128x128xf32, #tpu.memory_space<vmem>>
      tpu.wait_dma2 semaphore(%run_scoped3A_56 : memref<!tpu.dma_semaphore, #tpu.memory_space<semaphore_mem>>) src(%dma_wait3A_76 : memref<128x128xf32, #tpu.memory_space<vmem>>) dst(%dma_wait3A_73 : memref<128x128xf32, #tpu.memory_space<vmem_shared>>)
      tpu.yield
    }) : () -> ()
    %mul3A_21 = arith.constant 640 : i32
    %mul3A_22 = arith.muli %arg1, %mul3A_21 : i32
    %add3A_23 = arith.constant 128 : i32
    %add3A_24 = arith.addi %mul3A_22, %add3A_23 : i32
    "tpu.region"() ({
      %run_scoped3A_56 = tpu.sem_alloc : memref<!tpu.dma_semaphore, #tpu.memory_space<semaphore_mem>>
      %dma_start3A_57 = arith.constant 0 : i32
      %dma_start3A_58 = arith.constant 0 : i32
      %dma_start3A_59 = tpu.memref_slice %arg10[%dma_start3A_57, %dma_start3A_58] : memref<128x128xf32, #tpu.memory_space<vmem>> -> memref<128x128xf32, #tpu.memory_space<vmem>>
      %dma_start3A_60 = arith.constant 0 : i32
      %dma_start3A_61 = tpu.memref_slice %arg6[%add3A_24, %dma_start3A_60] : memref<10240x128xf32, #tpu.memory_space<vmem_shared>> -> memref<128x128xf32, #tpu.memory_space<vmem_shared>>
      %dma_start3A_62 = arith.constant 0 : i32
      %dma_start3A_63 = tpu.memref_slice %arg6[%add3A_24, %dma_start3A_62] : memref<10240x128xf32, #tpu.memory_space<vmem_shared>> -> memref<128x128xf32, #tpu.memory_space<vmem_shared>>
      %dma_start3A_64 = arith.constant 0 : i32
      %dma_start3A_65 = arith.constant 0 : i32
      %dma_start3A_66 = tpu.memref_slice %arg10[%dma_start3A_64, %dma_start3A_65] : memref<128x128xf32, #tpu.memory_space<vmem>> -> memref<128x128xf32, #tpu.memory_space<vmem>>
      tpu.enqueue_dma source(%dma_start3A_66 : memref<128x128xf32, #tpu.memory_space<vmem>>) target(%dma_start3A_63 : memref<128x128xf32, #tpu.memory_space<vmem_shared>>) target_semaphore(%run_scoped3A_56 : memref<!tpu.dma_semaphore, #tpu.memory_space<semaphore_mem>>)
      %dma_wait3A_67 = arith.constant 0 : i32
      %dma_wait3A_68 = arith.constant 0 : i32
      %dma_wait3A_69 = tpu.memref_slice %arg10[%dma_wait3A_67, %dma_wait3A_68] : memref<128x128xf32, #tpu.memory_space<vmem>> -> memref<128x128xf32, #tpu.memory_space<vmem>>
      %dma_wait3A_70 = arith.constant 0 : i32
      %dma_wait3A_71 = tpu.memref_slice %arg6[%add3A_24, %dma_wait3A_70] : memref<10240x128xf32, #tpu.memory_space<vmem_shared>> -> memref<128x128xf32, #tpu.memory_space<vmem_shared>>
      %dma_wait3A_72 = arith.constant 0 : i32
      %dma_wait3A_73 = tpu.memref_slice %arg6[%add3A_24, %dma_wait3A_72] : memref<10240x128xf32, #tpu.memory_space<vmem_shared>> -> memref<128x128xf32, #tpu.memory_space<vmem_shared>>
      %dma_wait3A_74 = arith.constant 0 : i32
      %dma_wait3A_75 = arith.constant 0 : i32
      %dma_wait3A_76 = tpu.memref_slice %arg10[%dma_wait3A_74, %dma_wait3A_75] : memref<128x128xf32, #tpu.memory_space<vmem>> -> memref<128x128xf32, #tpu.memory_space<vmem>>
      tpu.wait_dma2 semaphore(%run_scoped3A_56 : memref<!tpu.dma_semaphore, #tpu.memory_space<semaphore_mem>>) src(%dma_wait3A_76 : memref<128x128xf32, #tpu.memory_space<vmem>>) dst(%dma_wait3A_73 : memref<128x128xf32, #tpu.memory_space<vmem_shared>>)
      tpu.yield
    }) : () -> ()
    %mul3A_25 = arith.constant 640 : i32
    %mul3A_26 = arith.muli %arg1, %mul3A_25 : i32
    %add3A_27 = arith.constant 256 : i32
    %add3A_28 = arith.addi %mul3A_26, %add3A_27 : i32
    "tpu.region"() ({
      %run_scoped3A_56 = tpu.sem_alloc : memref<!tpu.dma_semaphore, #tpu.memory_space<semaphore_mem>>
      %dma_start3A_57 = arith.constant 0 : i32
      %dma_start3A_58 = arith.constant 0 : i32
      %dma_start3A_59 = tpu.memref_slice %arg10[%dma_start3A_57, %dma_start3A_58] : memref<128x128xf32, #tpu.memory_space<vmem>> -> memref<128x128xf32, #tpu.memory_space<vmem>>
      %dma_start3A_60 = arith.constant 0 : i32
      %dma_start3A_61 = tpu.memref_slice %arg6[%add3A_28, %dma_start3A_60] : memref<10240x128xf32, #tpu.memory_space<vmem_shared>> -> memref<128x128xf32, #tpu.memory_space<vmem_shared>>
      %dma_start3A_62 = arith.constant 0 : i32
      %dma_start3A_63 = tpu.memref_slice %arg6[%add3A_28, %dma_start3A_62] : memref<10240x128xf32, #tpu.memory_space<vmem_shared>> -> memref<128x128xf32, #tpu.memory_space<vmem_shared>>
      %dma_start3A_64 = arith.constant 0 : i32
      %dma_start3A_65 = arith.constant 0 : i32
      %dma_start3A_66 = tpu.memref_slice %arg10[%dma_start3A_64, %dma_start3A_65] : memref<128x128xf32, #tpu.memory_space<vmem>> -> memref<128x128xf32, #tpu.memory_space<vmem>>
      tpu.enqueue_dma source(%dma_start3A_66 : memref<128x128xf32, #tpu.memory_space<vmem>>) target(%dma_start3A_63 : memref<128x128xf32, #tpu.memory_space<vmem_shared>>) target_semaphore(%run_scoped3A_56 : memref<!tpu.dma_semaphore, #tpu.memory_space<semaphore_mem>>)
      %dma_wait3A_67 = arith.constant 0 : i32
      %dma_wait3A_68 = arith.constant 0 : i32
      %dma_wait3A_69 = tpu.memref_slice %arg10[%dma_wait3A_67, %dma_wait3A_68] : memref<128x128xf32, #tpu.memory_space<vmem>> -> memref<128x128xf32, #tpu.memory_space<vmem>>
      %dma_wait3A_70 = arith.constant 0 : i32
      %dma_wait3A_71 = tpu.memref_slice %arg6[%add3A_28, %dma_wait3A_70] : memref<10240x128xf32, #tpu.memory_space<vmem_shared>> -> memref<128x128xf32, #tpu.memory_space<vmem_shared>>
      %dma_wait3A_72 = arith.constant 0 : i32
      %dma_wait3A_73 = tpu.memref_slice %arg6[%add3A_28, %dma_wait3A_72] : memref<10240x128xf32, #tpu.memory_space<vmem_shared>> -> memref<128x128xf32, #tpu.memory_space<vmem_shared>>
      %dma_wait3A_74 = arith.constant 0 : i32
      %dma_wait3A_75 = arith.constant 0 : i32
      %dma_wait3A_76 = tpu.memref_slice %arg10[%dma_wait3A_74, %dma_wait3A_75] : memref<128x128xf32, #tpu.memory_space<vmem>> -> memref<128x128xf32, #tpu.memory_space<vmem>>
      tpu.wait_dma2 semaphore(%run_scoped3A_56 : memref<!tpu.dma_semaphore, #tpu.memory_space<semaphore_mem>>) src(%dma_wait3A_76 : memref<128x128xf32, #tpu.memory_space<vmem>>) dst(%dma_wait3A_73 : memref<128x128xf32, #tpu.memory_space<vmem_shared>>)
      tpu.yield
    }) : () -> ()
    %mul3A_29 = arith.constant 640 : i32
    %mul3A_30 = arith.muli %arg1, %mul3A_29 : i32
    %add3A_31 = arith.constant 384 : i32
    %add3A_32 = arith.addi %mul3A_30, %add3A_31 : i32
    "tpu.region"() ({
      %run_scoped3A_56 = tpu.sem_alloc : memref<!tpu.dma_semaphore, #tpu.memory_space<semaphore_mem>>
      %dma_start3A_57 = arith.constant 0 : i32
      %dma_start3A_58 = arith.constant 0 : i32
      %dma_start3A_59 = tpu.memref_slice %arg10[%dma_start3A_57, %dma_start3A_58] : memref<128x128xf32, #tpu.memory_space<vmem>> -> memref<128x128xf32, #tpu.memory_space<vmem>>
      %dma_start3A_60 = arith.constant 0 : i32
      %dma_start3A_61 = tpu.memref_slice %arg6[%add3A_32, %dma_start3A_60] : memref<10240x128xf32, #tpu.memory_space<vmem_shared>> -> memref<128x128xf32, #tpu.memory_space<vmem_shared>>
      %dma_start3A_62 = arith.constant 0 : i32
      %dma_start3A_63 = tpu.memref_slice %arg6[%add3A_32, %dma_start3A_62] : memref<10240x128xf32, #tpu.memory_space<vmem_shared>> -> memref<128x128xf32, #tpu.memory_space<vmem_shared>>
      %dma_start3A_64 = arith.constant 0 : i32
      %dma_start3A_65 = arith.constant 0 : i32
      %dma_start3A_66 = tpu.memref_slice %arg10[%dma_start3A_64, %dma_start3A_65] : memref<128x128xf32, #tpu.memory_space<vmem>> -> memref<128x128xf32, #tpu.memory_space<vmem>>
      tpu.enqueue_dma source(%dma_start3A_66 : memref<128x128xf32, #tpu.memory_space<vmem>>) target(%dma_start3A_63 : memref<128x128xf32, #tpu.memory_space<vmem_shared>>) target_semaphore(%run_scoped3A_56 : memref<!tpu.dma_semaphore, #tpu.memory_space<semaphore_mem>>)
      %dma_wait3A_67 = arith.constant 0 : i32
      %dma_wait3A_68 = arith.constant 0 : i32
      %dma_wait3A_69 = tpu.memref_slice %arg10[%dma_wait3A_67, %dma_wait3A_68] : memref<128x128xf32, #tpu.memory_space<vmem>> -> memref<128x128xf32, #tpu.memory_space<vmem>>
      %dma_wait3A_70 = arith.constant 0 : i32
      %dma_wait3A_71 = tpu.memref_slice %arg6[%add3A_32, %dma_wait3A_70] : memref<10240x128xf32, #tpu.memory_space<vmem_shared>> -> memref<128x128xf32, #tpu.memory_space<vmem_shared>>
      %dma_wait3A_72 = arith.constant 0 : i32
      %dma_wait3A_73 = tpu.memref_slice %arg6[%add3A_32, %dma_wait3A_72] : memref<10240x128xf32, #tpu.memory_space<vmem_shared>> -> memref<128x128xf32, #tpu.memory_space<vmem_shared>>
      %dma_wait3A_74 = arith.constant 0 : i32
      %dma_wait3A_75 = arith.constant 0 : i32
      %dma_wait3A_76 = tpu.memref_slice %arg10[%dma_wait3A_74, %dma_wait3A_75] : memref<128x128xf32, #tpu.memory_space<vmem>> -> memref<128x128xf32, #tpu.memory_space<vmem>>
      tpu.wait_dma2 semaphore(%run_scoped3A_56 : memref<!tpu.dma_semaphore, #tpu.memory_space<semaphore_mem>>) src(%dma_wait3A_76 : memref<128x128xf32, #tpu.memory_space<vmem>>) dst(%dma_wait3A_73 : memref<128x128xf32, #tpu.memory_space<vmem_shared>>)
      tpu.yield
    }) : () -> ()
    %mul3A_33 = arith.constant 640 : i32
    %mul3A_34 = arith.muli %arg1, %mul3A_33 : i32
    %add3A_35 = arith.constant 512 : i32
    %add3A_36 = arith.addi %mul3A_34, %add3A_35 : i32
    "tpu.region"() ({
      %run_scoped3A_56 = tpu.sem_alloc : memref<!tpu.dma_semaphore, #tpu.memory_space<semaphore_mem>>
      %dma_start3A_57 = arith.constant 0 : i32
      %dma_start3A_58 = arith.constant 0 : i32
      %dma_start3A_59 = tpu.memref_slice %arg10[%dma_start3A_57, %dma_start3A_58] : memref<128x128xf32, #tpu.memory_space<vmem>> -> memref<128x128xf32, #tpu.memory_space<vmem>>
      %dma_start3A_60 = arith.constant 0 : i32
      %dma_start3A_61 = tpu.memref_slice %arg6[%add3A_36, %dma_start3A_60] : memref<10240x128xf32, #tpu.memory_space<vmem_shared>> -> memref<128x128xf32, #tpu.memory_space<vmem_shared>>
      %dma_start3A_62 = arith.constant 0 : i32
      %dma_start3A_63 = tpu.memref_slice %arg6[%add3A_36, %dma_start3A_62] : memref<10240x128xf32, #tpu.memory_space<vmem_shared>> -> memref<128x128xf32, #tpu.memory_space<vmem_shared>>
      %dma_start3A_64 = arith.constant 0 : i32
      %dma_start3A_65 = arith.constant 0 : i32
      %dma_start3A_66 = tpu.memref_slice %arg10[%dma_start3A_64, %dma_start3A_65] : memref<128x128xf32, #tpu.memory_space<vmem>> -> memref<128x128xf32, #tpu.memory_space<vmem>>
      tpu.enqueue_dma source(%dma_start3A_66 : memref<128x128xf32, #tpu.memory_space<vmem>>) target(%dma_start3A_63 : memref<128x128xf32, #tpu.memory_space<vmem_shared>>) target_semaphore(%run_scoped3A_56 : memref<!tpu.dma_semaphore, #tpu.memory_space<semaphore_mem>>)
      %dma_wait3A_67 = arith.constant 0 : i32
      %dma_wait3A_68 = arith.constant 0 : i32
      %dma_wait3A_69 = tpu.memref_slice %arg10[%dma_wait3A_67, %dma_wait3A_68] : memref<128x128xf32, #tpu.memory_space<vmem>> -> memref<128x128xf32, #tpu.memory_space<vmem>>
      %dma_wait3A_70 = arith.constant 0 : i32
      %dma_wait3A_71 = tpu.memref_slice %arg6[%add3A_36, %dma_wait3A_70] : memref<10240x128xf32, #tpu.memory_space<vmem_shared>> -> memref<128x128xf32, #tpu.memory_space<vmem_shared>>
      %dma_wait3A_72 = arith.constant 0 : i32
      %dma_wait3A_73 = tpu.memref_slice %arg6[%add3A_36, %dma_wait3A_72] : memref<10240x128xf32, #tpu.memory_space<vmem_shared>> -> memref<128x128xf32, #tpu.memory_space<vmem_shared>>
      %dma_wait3A_74 = arith.constant 0 : i32
      %dma_wait3A_75 = arith.constant 0 : i32
      %dma_wait3A_76 = tpu.memref_slice %arg10[%dma_wait3A_74, %dma_wait3A_75] : memref<128x128xf32, #tpu.memory_space<vmem>> -> memref<128x128xf32, #tpu.memory_space<vmem>>
      tpu.wait_dma2 semaphore(%run_scoped3A_56 : memref<!tpu.dma_semaphore, #tpu.memory_space<semaphore_mem>>) src(%dma_wait3A_76 : memref<128x128xf32, #tpu.memory_space<vmem>>) dst(%dma_wait3A_73 : memref<128x128xf32, #tpu.memory_space<vmem_shared>>)
      tpu.yield
    }) : () -> ()
    %barrier3A = arith.constant 0 : index
    tpu.barrier barrier_id(%barrier3A)
    %scan3A_37 = arith.constant 0 : i32
    %scan3A_38 = arith.constant 0 : i32
    %scan3A_39 = arith.constant 10 : i32
    %scan3A_40 = arith.addi %scan3A_38, %scan3A_39 : i32
    %scan3A_41 = arith.constant 1 : i32
    scf.for %scan3A_56 = %scan3A_38 to %scan3A_40 step %scan3A_41  : i32 {
      %jit3A = arith.constant 2 : i32
      %eq3A = arith.constant 0 : i32
      %eq3A_57 = arith.cmpi eq, %jit3A, %eq3A : i32
      %jit3A_58 = arith.constant 1 : i32
      %select_n3A = arith.select %eq3A_57, %jit3A_58, %jit3A : i32
      %rem3A = arith.remsi %scan3A_56, %select_n3A : i32
      %ne3A = arith.constant 0 : i32
      %ne3A_59 = arith.cmpi ne, %rem3A, %ne3A : i32
      %lt3A = arith.constant 0 : i32
      %lt3A_60 = arith.cmpi slt, %rem3A, %lt3A : i32
      %lt3A_61 = arith.constant 0 : i32
      %lt3A_62 = arith.cmpi slt, %select_n3A, %lt3A_61 : i32
      %ne3A_63 = arith.xori %lt3A_60, %lt3A_62 : i1
      %and3A = arith.andi %ne3A_63, %ne3A_59 : i1
      %add3A_64 = arith.addi %rem3A, %select_n3A : i32
      %select_n3A_65 = arith.select %and3A, %add3A_64, %rem3A : i32
      %add3A_66 = arith.constant 1 : i32
      %add3A_67 = arith.addi %scan3A_56, %add3A_66 : i32
      %jit3A_68 = arith.constant 2 : i32
      %eq3A_69 = arith.constant 0 : i32
      %eq3A_70 = arith.cmpi eq, %jit3A_68, %eq3A_69 : i32
      %jit3A_71 = arith.constant 1 : i32
      %select_n3A_72 = arith.select %eq3A_70, %jit3A_71, %jit3A_68 : i32
      %rem3A_73 = arith.remsi %add3A_67, %select_n3A_72 : i32
      %ne3A_74 = arith.constant 0 : i32
      %ne3A_75 = arith.cmpi ne, %rem3A_73, %ne3A_74 : i32
      %lt3A_76 = arith.constant 0 : i32
      %lt3A_77 = arith.cmpi slt, %rem3A_73, %lt3A_76 : i32
      %lt3A_78 = arith.constant 0 : i32
      %lt3A_79 = arith.cmpi slt, %select_n3A_72, %lt3A_78 : i32
      %ne3A_80 = arith.xori %lt3A_77, %lt3A_79 : i1
      %and3A_81 = arith.andi %ne3A_80, %ne3A_75 : i1
      %add3A_82 = arith.addi %rem3A_73, %select_n3A_72 : i32
      %select_n3A_83 = arith.select %and3A_81, %add3A_82, %rem3A_73 : i32
      %add3A_84 = arith.constant 1 : i32
      %add3A_85 = arith.addi %scan3A_56, %add3A_84 : i32
      %mul3A_86 = arith.constant 8 : i32
      %mul3A_87 = arith.muli %add3A_85, %mul3A_86 : i32
      %add3A_88 = arith.addi %add3A, %mul3A_87 : i32
      %dma_start3A_89 = arith.constant 0 : i32
      %dma_start3A_90 = arith.constant 0 : i32
      %dma_start3A_91 = arith.constant 0 : i32
      %dma_start3A_92 = tpu.memref_slice %arg7[%select_n3A_83, %dma_start3A_89, %dma_start3A_90, %dma_start3A_91] : memref<2x8x1x128xi32, #tpu.memory_space<vmem>> -> memref<1x8x1x128xi32, #tpu.memory_space<vmem>>
      %dma_start3A_93 = tpu.memref_squeeze %dma_start3A_92 : memref<1x8x1x128xi32, #tpu.memory_space<vmem>> -> memref<8x1x128xi32, #tpu.memory_space<vmem>>
      %dma_start3A_94 = arith.constant 0 : i32
      %dma_start3A_95 = arith.constant 0 : i32
      %dma_start3A_96 = tpu.memref_slice %arg3[%add3A_88, %dma_start3A_94, %dma_start3A_95] : memref<2568x1x128xi32, #tpu.memory_space<hbm>> -> memref<8x1x128xi32, #tpu.memory_space<hbm>>
      %dma_start3A_97 = arith.constant 0 : i32
      %dma_start3A_98 = arith.constant 0 : i32
      %dma_start3A_99 = arith.constant 0 : i32
      %dma_start3A_100 = tpu.memref_slice %arg7[%select_n3A_83, %dma_start3A_97, %dma_start3A_98, %dma_start3A_99] : memref<2x8x1x128xi32, #tpu.memory_space<vmem>> -> memref<1x8x1x128xi32, #tpu.memory_space<vmem>>
      %dma_start3A_101 = tpu.memref_squeeze %dma_start3A_100 : memref<1x8x1x128xi32, #tpu.memory_space<vmem>> -> memref<8x1x128xi32, #tpu.memory_space<vmem>>
      %dma_start3A_102 = arith.constant 0 : i32
      %dma_start3A_103 = arith.constant 0 : i32
      %dma_start3A_104 = tpu.memref_slice %arg3[%add3A_88, %dma_start3A_102, %dma_start3A_103] : memref<2568x1x128xi32, #tpu.memory_space<hbm>> -> memref<8x1x128xi32, #tpu.memory_space<hbm>>
      tpu.enqueue_dma source(%dma_start3A_104 : memref<8x1x128xi32, #tpu.memory_space<hbm>>) target(%dma_start3A_101 : memref<8x1x128xi32, #tpu.memory_space<vmem>>) target_semaphore(%arg13 : memref<!tpu.dma_semaphore, #tpu.memory_space<semaphore_mem>>)
      %dma_start3A_105 = arith.constant 0 : i32
      %dma_start3A_106 = arith.constant 0 : i32
      %dma_start3A_107 = arith.constant 0 : i32
      %dma_start3A_108 = tpu.memref_slice %arg8[%select_n3A_83, %dma_start3A_105, %dma_start3A_106, %dma_start3A_107] : memref<2x8x1x128xi32, #tpu.memory_space<vmem>> -> memref<1x8x1x128xi32, #tpu.memory_space<vmem>>
      %dma_start3A_109 = tpu.memref_squeeze %dma_start3A_108 : memref<1x8x1x128xi32, #tpu.memory_space<vmem>> -> memref<8x1x128xi32, #tpu.memory_space<vmem>>
      %dma_start3A_110 = arith.constant 0 : i32
      %dma_start3A_111 = arith.constant 0 : i32
      %dma_start3A_112 = tpu.memref_slice %arg4[%add3A_88, %dma_start3A_110, %dma_start3A_111] : memref<2568x1x128xi32, #tpu.memory_space<hbm>> -> memref<8x1x128xi32, #tpu.memory_space<hbm>>
      %dma_start3A_113 = arith.constant 0 : i32
      %dma_start3A_114 = arith.constant 0 : i32
      %dma_start3A_115 = arith.constant 0 : i32
      %dma_start3A_116 = tpu.memref_slice %arg8[%select_n3A_83, %dma_start3A_113, %dma_start3A_114, %dma_start3A_115] : memref<2x8x1x128xi32, #tpu.memory_space<vmem>> -> memref<1x8x1x128xi32, #tpu.memory_space<vmem>>
      %dma_start3A_117 = tpu.memref_squeeze %dma_start3A_116 : memref<1x8x1x128xi32, #tpu.memory_space<vmem>> -> memref<8x1x128xi32, #tpu.memory_space<vmem>>
      %dma_start3A_118 = arith.constant 0 : i32
      %dma_start3A_119 = arith.constant 0 : i32
      %dma_start3A_120 = tpu.memref_slice %arg4[%add3A_88, %dma_start3A_118, %dma_start3A_119] : memref<2568x1x128xi32, #tpu.memory_space<hbm>> -> memref<8x1x128xi32, #tpu.memory_space<hbm>>
      tpu.enqueue_dma source(%dma_start3A_120 : memref<8x1x128xi32, #tpu.memory_space<hbm>>) target(%dma_start3A_117 : memref<8x1x128xi32, #tpu.memory_space<vmem>>) target_semaphore(%arg13 : memref<!tpu.dma_semaphore, #tpu.memory_space<semaphore_mem>>)
      %dma_wait3A_121 = arith.constant 0 : i32
      %dma_wait3A_122 = arith.constant 0 : i32
      %dma_wait3A_123 = arith.constant 0 : i32
      %dma_wait3A_124 = tpu.memref_slice %arg7[%select_n3A_65, %dma_wait3A_121, %dma_wait3A_122, %dma_wait3A_123] : memref<2x8x1x128xi32, #tpu.memory_space<vmem>> -> memref<1x1x1x128xi32, #tpu.memory_space<vmem>>
      %dma_wait3A_125 = tpu.memref_squeeze %dma_wait3A_124 : memref<1x1x1x128xi32, #tpu.memory_space<vmem>> -> memref<128xi32, #tpu.memory_space<vmem>>
      %dma_wait3A_126 = arith.constant 0 : i32
      %dma_wait3A_127 = arith.constant 0 : i32
      %dma_wait3A_128 = tpu.memref_slice %arg2[%dma_wait3A_126, %dma_wait3A_127] : memref<10240x128xf32, #tpu.memory_space<hbm>> -> memref<10240x128xf32, #tpu.memory_space<hbm>>
      tpu.wait_indirect_dma semaphore(%arg11 : memref<!tpu.dma_semaphore, #tpu.memory_space<semaphore_mem>>) src(%dma_wait3A_128 : memref<10240x128xf32, #tpu.memory_space<hbm>>) dst(%arg9 : memref<128x128xf32, #tpu.memory_space<vmem>>)
      %dma_start3A_129 = arith.constant 1 : i32
      %dma_start3A_130 = arith.constant 0 : i32
      %dma_start3A_131 = arith.constant 0 : i32
      %dma_start3A_132 = tpu.memref_slice %arg7[%select_n3A_65, %dma_start3A_129, %dma_start3A_130, %dma_start3A_131] : memref<2x8x1x128xi32, #tpu.memory_space<vmem>> -> memref<1x1x1x128xi32, #tpu.memory_space<vmem>>
      %dma_start3A_133 = tpu.memref_squeeze %dma_start3A_132 : memref<1x1x1x128xi32, #tpu.memory_space<vmem>> -> memref<128xi32, #tpu.memory_space<vmem>>
      %dma_start3A_134 = arith.constant 0 : i32
      %dma_start3A_135 = arith.constant 0 : i32
      %dma_start3A_136 = tpu.memref_slice %arg2[%dma_start3A_134, %dma_start3A_135] : memref<10240x128xf32, #tpu.memory_space<hbm>> -> memref<10240x128xf32, #tpu.memory_space<hbm>>
      tpu.enqueue_indirect_dma source(%dma_start3A_136 : memref<10240x128xf32, #tpu.memory_space<hbm>>) target(%arg10 : memref<128x128xf32, #tpu.memory_space<vmem>>) offsets(%dma_start3A_133 : memref<128xi32, #tpu.memory_space<vmem>>) semaphore(%arg12 : memref<!tpu.dma_semaphore, #tpu.memory_space<semaphore_mem>>)
      %run_scoped3A_137 = arith.constant 0 : i32
      %run_scoped3A_138 = arith.constant 0 : i32
      "tpu.region"() ({
        %run_scoped3A_297 = tpu.sem_alloc : memref<!tpu.dma_semaphore, #tpu.memory_space<semaphore_mem>>
        %dma_start3A_298 = arith.constant 0 : i32
        %dma_start3A_299 = tpu.memref_slice %arg8[%select_n3A_65, %run_scoped3A_137, %run_scoped3A_138, %dma_start3A_298] : memref<2x8x1x128xi32, #tpu.memory_space<vmem>> -> memref<1x1x1x128xi32, #tpu.memory_space<vmem>>
        %dma_start3A_300 = tpu.memref_squeeze %dma_start3A_299 : memref<1x1x1x128xi32, #tpu.memory_space<vmem>> -> memref<128xi32, #tpu.memory_space<vmem>>
        %dma_start3A_301 = arith.constant 0 : i32
        %dma_start3A_302 = arith.constant 0 : i32
        %dma_start3A_303 = tpu.memref_slice %arg6[%dma_start3A_301, %dma_start3A_302] : memref<10240x128xf32, #tpu.memory_space<vmem_shared>> -> memref<10240x128xf32, #tpu.memory_space<vmem_shared>>
        tpu.enqueue_indirect_dma source(%arg9 : memref<128x128xf32, #tpu.memory_space<vmem>>) target(%dma_start3A_303 : memref<10240x128xf32, #tpu.memory_space<vmem_shared>>) offsets(%dma_start3A_300 : memref<128xi32, #tpu.memory_space<vmem>>) semaphore(%run_scoped3A_297 : memref<!tpu.dma_semaphore, #tpu.memory_space<semaphore_mem>>) {add = true}
        %dma_wait3A_304 = arith.constant 0 : i32
        %dma_wait3A_305 = tpu.memref_slice %arg8[%select_n3A_65, %run_scoped3A_137, %run_scoped3A_138, %dma_wait3A_304] : memref<2x8x1x128xi32, #tpu.memory_space<vmem>> -> memref<1x1x1x128xi32, #tpu.memory_space<vmem>>
        %dma_wait3A_306 = tpu.memref_squeeze %dma_wait3A_305 : memref<1x1x1x128xi32, #tpu.memory_space<vmem>> -> memref<128xi32, #tpu.memory_space<vmem>>
        %dma_wait3A_307 = arith.constant 0 : i32
        %dma_wait3A_308 = arith.constant 0 : i32
        %dma_wait3A_309 = tpu.memref_slice %arg6[%dma_wait3A_307, %dma_wait3A_308] : memref<10240x128xf32, #tpu.memory_space<vmem_shared>> -> memref<10240x128xf32, #tpu.memory_space<vmem_shared>>
        tpu.wait_indirect_dma semaphore(%run_scoped3A_297 : memref<!tpu.dma_semaphore, #tpu.memory_space<semaphore_mem>>) src(%arg9 : memref<128x128xf32, #tpu.memory_space<vmem>>) dst(%dma_wait3A_309 : memref<10240x128xf32, #tpu.memory_space<vmem_shared>>)
        tpu.yield
      }) : () -> ()
      %dma_wait3A_139 = arith.constant 1 : i32
      %dma_wait3A_140 = arith.constant 0 : i32
      %dma_wait3A_141 = arith.constant 0 : i32
      %dma_wait3A_142 = tpu.memref_slice %arg7[%select_n3A_65, %dma_wait3A_139, %dma_wait3A_140, %dma_wait3A_141] : memref<2x8x1x128xi32, #tpu.memory_space<vmem>> -> memref<1x1x1x128xi32, #tpu.memory_space<vmem>>
      %dma_wait3A_143 = tpu.memref_squeeze %dma_wait3A_142 : memref<1x1x1x128xi32, #tpu.memory_space<vmem>> -> memref<128xi32, #tpu.memory_space<vmem>>
      %dma_wait3A_144 = arith.constant 0 : i32
      %dma_wait3A_145 = arith.constant 0 : i32
      %dma_wait3A_146 = tpu.memref_slice %arg2[%dma_wait3A_144, %dma_wait3A_145] : memref<10240x128xf32, #tpu.memory_space<hbm>> -> memref<10240x128xf32, #tpu.memory_space<hbm>>
      tpu.wait_indirect_dma semaphore(%arg12 : memref<!tpu.dma_semaphore, #tpu.memory_space<semaphore_mem>>) src(%dma_wait3A_146 : memref<10240x128xf32, #tpu.memory_space<hbm>>) dst(%arg10 : memref<128x128xf32, #tpu.memory_space<vmem>>)
      %dma_start3A_147 = arith.constant 2 : i32
      %dma_start3A_148 = arith.constant 0 : i32
      %dma_start3A_149 = arith.constant 0 : i32
      %dma_start3A_150 = tpu.memref_slice %arg7[%select_n3A_65, %dma_start3A_147, %dma_start3A_148, %dma_start3A_149] : memref<2x8x1x128xi32, #tpu.memory_space<vmem>> -> memref<1x1x1x128xi32, #tpu.memory_space<vmem>>
      %dma_start3A_151 = tpu.memref_squeeze %dma_start3A_150 : memref<1x1x1x128xi32, #tpu.memory_space<vmem>> -> memref<128xi32, #tpu.memory_space<vmem>>
      %dma_start3A_152 = arith.constant 0 : i32
      %dma_start3A_153 = arith.constant 0 : i32
      %dma_start3A_154 = tpu.memref_slice %arg2[%dma_start3A_152, %dma_start3A_153] : memref<10240x128xf32, #tpu.memory_space<hbm>> -> memref<10240x128xf32, #tpu.memory_space<hbm>>
      tpu.enqueue_indirect_dma source(%dma_start3A_154 : memref<10240x128xf32, #tpu.memory_space<hbm>>) target(%arg9 : memref<128x128xf32, #tpu.memory_space<vmem>>) offsets(%dma_start3A_151 : memref<128xi32, #tpu.memory_space<vmem>>) semaphore(%arg11 : memref<!tpu.dma_semaphore, #tpu.memory_space<semaphore_mem>>)
      %run_scoped3A_155 = arith.constant 1 : i32
      %run_scoped3A_156 = arith.constant 0 : i32
      "tpu.region"() ({
        %run_scoped3A_297 = tpu.sem_alloc : memref<!tpu.dma_semaphore, #tpu.memory_space<semaphore_mem>>
        %dma_start3A_298 = arith.constant 0 : i32
        %dma_start3A_299 = tpu.memref_slice %arg8[%select_n3A_65, %run_scoped3A_155, %run_scoped3A_156, %dma_start3A_298] : memref<2x8x1x128xi32, #tpu.memory_space<vmem>> -> memref<1x1x1x128xi32, #tpu.memory_space<vmem>>
        %dma_start3A_300 = tpu.memref_squeeze %dma_start3A_299 : memref<1x1x1x128xi32, #tpu.memory_space<vmem>> -> memref<128xi32, #tpu.memory_space<vmem>>
        %dma_start3A_301 = arith.constant 0 : i32
        %dma_start3A_302 = arith.constant 0 : i32
        %dma_start3A_303 = tpu.memref_slice %arg6[%dma_start3A_301, %dma_start3A_302] : memref<10240x128xf32, #tpu.memory_space<vmem_shared>> -> memref<10240x128xf32, #tpu.memory_space<vmem_shared>>
        tpu.enqueue_indirect_dma source(%arg10 : memref<128x128xf32, #tpu.memory_space<vmem>>) target(%dma_start3A_303 : memref<10240x128xf32, #tpu.memory_space<vmem_shared>>) offsets(%dma_start3A_300 : memref<128xi32, #tpu.memory_space<vmem>>) semaphore(%run_scoped3A_297 : memref<!tpu.dma_semaphore, #tpu.memory_space<semaphore_mem>>) {add = true}
        %dma_wait3A_304 = arith.constant 0 : i32
        %dma_wait3A_305 = tpu.memref_slice %arg8[%select_n3A_65, %run_scoped3A_155, %run_scoped3A_156, %dma_wait3A_304] : memref<2x8x1x128xi32, #tpu.memory_space<vmem>> -> memref<1x1x1x128xi32, #tpu.memory_space<vmem>>
        %dma_wait3A_306 = tpu.memref_squeeze %dma_wait3A_305 : memref<1x1x1x128xi32, #tpu.memory_space<vmem>> -> memref<128xi32, #tpu.memory_space<vmem>>
        %dma_wait3A_307 = arith.constant 0 : i32
        %dma_wait3A_308 = arith.constant 0 : i32
        %dma_wait3A_309 = tpu.memref_slice %arg6[%dma_wait3A_307, %dma_wait3A_308] : memref<10240x128xf32, #tpu.memory_space<vmem_shared>> -> memref<10240x128xf32, #tpu.memory_space<vmem_shared>>
        tpu.wait_indirect_dma semaphore(%run_scoped3A_297 : memref<!tpu.dma_semaphore, #tpu.memory_space<semaphore_mem>>) src(%arg10 : memref<128x128xf32, #tpu.memory_space<vmem>>) dst(%dma_wait3A_309 : memref<10240x128xf32, #tpu.memory_space<vmem_shared>>)
        tpu.yield
      }) : () -> ()
      %dma_wait3A_157 = arith.constant 2 : i32
      %dma_wait3A_158 = arith.constant 0 : i32
      %dma_wait3A_159 = arith.constant 0 : i32
      %dma_wait3A_160 = tpu.memref_slice %arg7[%select_n3A_65, %dma_wait3A_157, %dma_wait3A_158, %dma_wait3A_159] : memref<2x8x1x128xi32, #tpu.memory_space<vmem>> -> memref<1x1x1x128xi32, #tpu.memory_space<vmem>>
      %dma_wait3A_161 = tpu.memref_squeeze %dma_wait3A_160 : memref<1x1x1x128xi32, #tpu.memory_space<vmem>> -> memref<128xi32, #tpu.memory_space<vmem>>
      %dma_wait3A_162 = arith.constant 0 : i32
      %dma_wait3A_163 = arith.constant 0 : i32
      %dma_wait3A_164 = tpu.memref_slice %arg2[%dma_wait3A_162, %dma_wait3A_163] : memref<10240x128xf32, #tpu.memory_space<hbm>> -> memref<10240x128xf32, #tpu.memory_space<hbm>>
      tpu.wait_indirect_dma semaphore(%arg11 : memref<!tpu.dma_semaphore, #tpu.memory_space<semaphore_mem>>) src(%dma_wait3A_164 : memref<10240x128xf32, #tpu.memory_space<hbm>>) dst(%arg9 : memref<128x128xf32, #tpu.memory_space<vmem>>)
      %dma_start3A_165 = arith.constant 3 : i32
      %dma_start3A_166 = arith.constant 0 : i32
      %dma_start3A_167 = arith.constant 0 : i32
      %dma_start3A_168 = tpu.memref_slice %arg7[%select_n3A_65, %dma_start3A_165, %dma_start3A_166, %dma_start3A_167] : memref<2x8x1x128xi32, #tpu.memory_space<vmem>> -> memref<1x1x1x128xi32, #tpu.memory_space<vmem>>
      %dma_start3A_169 = tpu.memref_squeeze %dma_start3A_168 : memref<1x1x1x128xi32, #tpu.memory_space<vmem>> -> memref<128xi32, #tpu.memory_space<vmem>>
      %dma_start3A_170 = arith.constant 0 : i32
      %dma_start3A_171 = arith.constant 0 : i32
      %dma_start3A_172 = tpu.memref_slice %arg2[%dma_start3A_170, %dma_start3A_171] : memref<10240x128xf32, #tpu.memory_space<hbm>> -> memref<10240x128xf32, #tpu.memory_space<hbm>>
      tpu.enqueue_indirect_dma source(%dma_start3A_172 : memref<10240x128xf32, #tpu.memory_space<hbm>>) target(%arg10 : memref<128x128xf32, #tpu.memory_space<vmem>>) offsets(%dma_start3A_169 : memref<128xi32, #tpu.memory_space<vmem>>) semaphore(%arg12 : memref<!tpu.dma_semaphore, #tpu.memory_space<semaphore_mem>>)
      %run_scoped3A_173 = arith.constant 2 : i32
      %run_scoped3A_174 = arith.constant 0 : i32
      "tpu.region"() ({
        %run_scoped3A_297 = tpu.sem_alloc : memref<!tpu.dma_semaphore, #tpu.memory_space<semaphore_mem>>
        %dma_start3A_298 = arith.constant 0 : i32
        %dma_start3A_299 = tpu.memref_slice %arg8[%select_n3A_65, %run_scoped3A_173, %run_scoped3A_174, %dma_start3A_298] : memref<2x8x1x128xi32, #tpu.memory_space<vmem>> -> memref<1x1x1x128xi32, #tpu.memory_space<vmem>>
        %dma_start3A_300 = tpu.memref_squeeze %dma_start3A_299 : memref<1x1x1x128xi32, #tpu.memory_space<vmem>> -> memref<128xi32, #tpu.memory_space<vmem>>
        %dma_start3A_301 = arith.constant 0 : i32
        %dma_start3A_302 = arith.constant 0 : i32
        %dma_start3A_303 = tpu.memref_slice %arg6[%dma_start3A_301, %dma_start3A_302] : memref<10240x128xf32, #tpu.memory_space<vmem_shared>> -> memref<10240x128xf32, #tpu.memory_space<vmem_shared>>
        tpu.enqueue_indirect_dma source(%arg9 : memref<128x128xf32, #tpu.memory_space<vmem>>) target(%dma_start3A_303 : memref<10240x128xf32, #tpu.memory_space<vmem_shared>>) offsets(%dma_start3A_300 : memref<128xi32, #tpu.memory_space<vmem>>) semaphore(%run_scoped3A_297 : memref<!tpu.dma_semaphore, #tpu.memory_space<semaphore_mem>>) {add = true}
        %dma_wait3A_304 = arith.constant 0 : i32
        %dma_wait3A_305 = tpu.memref_slice %arg8[%select_n3A_65, %run_scoped3A_173, %run_scoped3A_174, %dma_wait3A_304] : memref<2x8x1x128xi32, #tpu.memory_space<vmem>> -> memref<1x1x1x128xi32, #tpu.memory_space<vmem>>
        %dma_wait3A_306 = tpu.memref_squeeze %dma_wait3A_305 : memref<1x1x1x128xi32, #tpu.memory_space<vmem>> -> memref<128xi32, #tpu.memory_space<vmem>>
        %dma_wait3A_307 = arith.constant 0 : i32
        %dma_wait3A_308 = arith.constant 0 : i32
        %dma_wait3A_309 = tpu.memref_slice %arg6[%dma_wait3A_307, %dma_wait3A_308] : memref<10240x128xf32, #tpu.memory_space<vmem_shared>> -> memref<10240x128xf32, #tpu.memory_space<vmem_shared>>
        tpu.wait_indirect_dma semaphore(%run_scoped3A_297 : memref<!tpu.dma_semaphore, #tpu.memory_space<semaphore_mem>>) src(%arg9 : memref<128x128xf32, #tpu.memory_space<vmem>>) dst(%dma_wait3A_309 : memref<10240x128xf32, #tpu.memory_space<vmem_shared>>)
        tpu.yield
      }) : () -> ()
      %dma_wait3A_175 = arith.constant 3 : i32
      %dma_wait3A_176 = arith.constant 0 : i32
      %dma_wait3A_177 = arith.constant 0 : i32
      %dma_wait3A_178 = tpu.memref_slice %arg7[%select_n3A_65, %dma_wait3A_175, %dma_wait3A_176, %dma_wait3A_177] : memref<2x8x1x128xi32, #tpu.memory_space<vmem>> -> memref<1x1x1x128xi32, #tpu.memory_space<vmem>>
      %dma_wait3A_179 = tpu.memref_squeeze %dma_wait3A_178 : memref<1x1x1x128xi32, #tpu.memory_space<vmem>> -> memref<128xi32, #tpu.memory_space<vmem>>
      %dma_wait3A_180 = arith.constant 0 : i32
      %dma_wait3A_181 = arith.constant 0 : i32
      %dma_wait3A_182 = tpu.memref_slice %arg2[%dma_wait3A_180, %dma_wait3A_181] : memref<10240x128xf32, #tpu.memory_space<hbm>> -> memref<10240x128xf32, #tpu.memory_space<hbm>>
      tpu.wait_indirect_dma semaphore(%arg12 : memref<!tpu.dma_semaphore, #tpu.memory_space<semaphore_mem>>) src(%dma_wait3A_182 : memref<10240x128xf32, #tpu.memory_space<hbm>>) dst(%arg10 : memref<128x128xf32, #tpu.memory_space<vmem>>)
      %dma_start3A_183 = arith.constant 4 : i32
      %dma_start3A_184 = arith.constant 0 : i32
      %dma_start3A_185 = arith.constant 0 : i32
      %dma_start3A_186 = tpu.memref_slice %arg7[%select_n3A_65, %dma_start3A_183, %dma_start3A_184, %dma_start3A_185] : memref<2x8x1x128xi32, #tpu.memory_space<vmem>> -> memref<1x1x1x128xi32, #tpu.memory_space<vmem>>
      %dma_start3A_187 = tpu.memref_squeeze %dma_start3A_186 : memref<1x1x1x128xi32, #tpu.memory_space<vmem>> -> memref<128xi32, #tpu.memory_space<vmem>>
      %dma_start3A_188 = arith.constant 0 : i32
      %dma_start3A_189 = arith.constant 0 : i32
      %dma_start3A_190 = tpu.memref_slice %arg2[%dma_start3A_188, %dma_start3A_189] : memref<10240x128xf32, #tpu.memory_space<hbm>> -> memref<10240x128xf32, #tpu.memory_space<hbm>>
      tpu.enqueue_indirect_dma source(%dma_start3A_190 : memref<10240x128xf32, #tpu.memory_space<hbm>>) target(%arg9 : memref<128x128xf32, #tpu.memory_space<vmem>>) offsets(%dma_start3A_187 : memref<128xi32, #tpu.memory_space<vmem>>) semaphore(%arg11 : memref<!tpu.dma_semaphore, #tpu.memory_space<semaphore_mem>>)
      %run_scoped3A_191 = arith.constant 3 : i32
      %run_scoped3A_192 = arith.constant 0 : i32
      "tpu.region"() ({
        %run_scoped3A_297 = tpu.sem_alloc : memref<!tpu.dma_semaphore, #tpu.memory_space<semaphore_mem>>
        %dma_start3A_298 = arith.constant 0 : i32
        %dma_start3A_299 = tpu.memref_slice %arg8[%select_n3A_65, %run_scoped3A_191, %run_scoped3A_192, %dma_start3A_298] : memref<2x8x1x128xi32, #tpu.memory_space<vmem>> -> memref<1x1x1x128xi32, #tpu.memory_space<vmem>>
        %dma_start3A_300 = tpu.memref_squeeze %dma_start3A_299 : memref<1x1x1x128xi32, #tpu.memory_space<vmem>> -> memref<128xi32, #tpu.memory_space<vmem>>
        %dma_start3A_301 = arith.constant 0 : i32
        %dma_start3A_302 = arith.constant 0 : i32
        %dma_start3A_303 = tpu.memref_slice %arg6[%dma_start3A_301, %dma_start3A_302] : memref<10240x128xf32, #tpu.memory_space<vmem_shared>> -> memref<10240x128xf32, #tpu.memory_space<vmem_shared>>
        tpu.enqueue_indirect_dma source(%arg10 : memref<128x128xf32, #tpu.memory_space<vmem>>) target(%dma_start3A_303 : memref<10240x128xf32, #tpu.memory_space<vmem_shared>>) offsets(%dma_start3A_300 : memref<128xi32, #tpu.memory_space<vmem>>) semaphore(%run_scoped3A_297 : memref<!tpu.dma_semaphore, #tpu.memory_space<semaphore_mem>>) {add = true}
        %dma_wait3A_304 = arith.constant 0 : i32
        %dma_wait3A_305 = tpu.memref_slice %arg8[%select_n3A_65, %run_scoped3A_191, %run_scoped3A_192, %dma_wait3A_304] : memref<2x8x1x128xi32, #tpu.memory_space<vmem>> -> memref<1x1x1x128xi32, #tpu.memory_space<vmem>>
        %dma_wait3A_306 = tpu.memref_squeeze %dma_wait3A_305 : memref<1x1x1x128xi32, #tpu.memory_space<vmem>> -> memref<128xi32, #tpu.memory_space<vmem>>
        %dma_wait3A_307 = arith.constant 0 : i32
        %dma_wait3A_308 = arith.constant 0 : i32
        %dma_wait3A_309 = tpu.memref_slice %arg6[%dma_wait3A_307, %dma_wait3A_308] : memref<10240x128xf32, #tpu.memory_space<vmem_shared>> -> memref<10240x128xf32, #tpu.memory_space<vmem_shared>>
        tpu.wait_indirect_dma semaphore(%run_scoped3A_297 : memref<!tpu.dma_semaphore, #tpu.memory_space<semaphore_mem>>) src(%arg10 : memref<128x128xf32, #tpu.memory_space<vmem>>) dst(%dma_wait3A_309 : memref<10240x128xf32, #tpu.memory_space<vmem_shared>>)
        tpu.yield
      }) : () -> ()
      %dma_wait3A_193 = arith.constant 4 : i32
      %dma_wait3A_194 = arith.constant 0 : i32
      %dma_wait3A_195 = arith.constant 0 : i32
      %dma_wait3A_196 = tpu.memref_slice %arg7[%select_n3A_65, %dma_wait3A_193, %dma_wait3A_194, %dma_wait3A_195] : memref<2x8x1x128xi32, #tpu.memory_space<vmem>> -> memref<1x1x1x128xi32, #tpu.memory_space<vmem>>
      %dma_wait3A_197 = tpu.memref_squeeze %dma_wait3A_196 : memref<1x1x1x128xi32, #tpu.memory_space<vmem>> -> memref<128xi32, #tpu.memory_space<vmem>>
      %dma_wait3A_198 = arith.constant 0 : i32
      %dma_wait3A_199 = arith.constant 0 : i32
      %dma_wait3A_200 = tpu.memref_slice %arg2[%dma_wait3A_198, %dma_wait3A_199] : memref<10240x128xf32, #tpu.memory_space<hbm>> -> memref<10240x128xf32, #tpu.memory_space<hbm>>
      tpu.wait_indirect_dma semaphore(%arg11 : memref<!tpu.dma_semaphore, #tpu.memory_space<semaphore_mem>>) src(%dma_wait3A_200 : memref<10240x128xf32, #tpu.memory_space<hbm>>) dst(%arg9 : memref<128x128xf32, #tpu.memory_space<vmem>>)
      %dma_start3A_201 = arith.constant 5 : i32
      %dma_start3A_202 = arith.constant 0 : i32
      %dma_start3A_203 = arith.constant 0 : i32
      %dma_start3A_204 = tpu.memref_slice %arg7[%select_n3A_65, %dma_start3A_201, %dma_start3A_202, %dma_start3A_203] : memref<2x8x1x128xi32, #tpu.memory_space<vmem>> -> memref<1x1x1x128xi32, #tpu.memory_space<vmem>>
      %dma_start3A_205 = tpu.memref_squeeze %dma_start3A_204 : memref<1x1x1x128xi32, #tpu.memory_space<vmem>> -> memref<128xi32, #tpu.memory_space<vmem>>
      %dma_start3A_206 = arith.constant 0 : i32
      %dma_start3A_207 = arith.constant 0 : i32
      %dma_start3A_208 = tpu.memref_slice %arg2[%dma_start3A_206, %dma_start3A_207] : memref<10240x128xf32, #tpu.memory_space<hbm>> -> memref<10240x128xf32, #tpu.memory_space<hbm>>
      tpu.enqueue_indirect_dma source(%dma_start3A_208 : memref<10240x128xf32, #tpu.memory_space<hbm>>) target(%arg10 : memref<128x128xf32, #tpu.memory_space<vmem>>) offsets(%dma_start3A_205 : memref<128xi32, #tpu.memory_space<vmem>>) semaphore(%arg12 : memref<!tpu.dma_semaphore, #tpu.memory_space<semaphore_mem>>)
      %run_scoped3A_209 = arith.constant 4 : i32
      %run_scoped3A_210 = arith.constant 0 : i32
      "tpu.region"() ({
        %run_scoped3A_297 = tpu.sem_alloc : memref<!tpu.dma_semaphore, #tpu.memory_space<semaphore_mem>>
        %dma_start3A_298 = arith.constant 0 : i32
        %dma_start3A_299 = tpu.memref_slice %arg8[%select_n3A_65, %run_scoped3A_209, %run_scoped3A_210, %dma_start3A_298] : memref<2x8x1x128xi32, #tpu.memory_space<vmem>> -> memref<1x1x1x128xi32, #tpu.memory_space<vmem>>
        %dma_start3A_300 = tpu.memref_squeeze %dma_start3A_299 : memref<1x1x1x128xi32, #tpu.memory_space<vmem>> -> memref<128xi32, #tpu.memory_space<vmem>>
        %dma_start3A_301 = arith.constant 0 : i32
        %dma_start3A_302 = arith.constant 0 : i32
        %dma_start3A_303 = tpu.memref_slice %arg6[%dma_start3A_301, %dma_start3A_302] : memref<10240x128xf32, #tpu.memory_space<vmem_shared>> -> memref<10240x128xf32, #tpu.memory_space<vmem_shared>>
        tpu.enqueue_indirect_dma source(%arg9 : memref<128x128xf32, #tpu.memory_space<vmem>>) target(%dma_start3A_303 : memref<10240x128xf32, #tpu.memory_space<vmem_shared>>) offsets(%dma_start3A_300 : memref<128xi32, #tpu.memory_space<vmem>>) semaphore(%run_scoped3A_297 : memref<!tpu.dma_semaphore, #tpu.memory_space<semaphore_mem>>) {add = true}
        %dma_wait3A_304 = arith.constant 0 : i32
        %dma_wait3A_305 = tpu.memref_slice %arg8[%select_n3A_65, %run_scoped3A_209, %run_scoped3A_210, %dma_wait3A_304] : memref<2x8x1x128xi32, #tpu.memory_space<vmem>> -> memref<1x1x1x128xi32, #tpu.memory_space<vmem>>
        %dma_wait3A_306 = tpu.memref_squeeze %dma_wait3A_305 : memref<1x1x1x128xi32, #tpu.memory_space<vmem>> -> memref<128xi32, #tpu.memory_space<vmem>>
        %dma_wait3A_307 = arith.constant 0 : i32
        %dma_wait3A_308 = arith.constant 0 : i32
        %dma_wait3A_309 = tpu.memref_slice %arg6[%dma_wait3A_307, %dma_wait3A_308] : memref<10240x128xf32, #tpu.memory_space<vmem_shared>> -> memref<10240x128xf32, #tpu.memory_space<vmem_shared>>
        tpu.wait_indirect_dma semaphore(%run_scoped3A_297 : memref<!tpu.dma_semaphore, #tpu.memory_space<semaphore_mem>>) src(%arg9 : memref<128x128xf32, #tpu.memory_space<vmem>>) dst(%dma_wait3A_309 : memref<10240x128xf32, #tpu.memory_space<vmem_shared>>)
        tpu.yield
      }) : () -> ()
      %dma_wait3A_211 = arith.constant 5 : i32
      %dma_wait3A_212 = arith.constant 0 : i32
      %dma_wait3A_213 = arith.constant 0 : i32
      %dma_wait3A_214 = tpu.memref_slice %arg7[%select_n3A_65, %dma_wait3A_211, %dma_wait3A_212, %dma_wait3A_213] : memref<2x8x1x128xi32, #tpu.memory_space<vmem>> -> memref<1x1x1x128xi32, #tpu.memory_space<vmem>>
      %dma_wait3A_215 = tpu.memref_squeeze %dma_wait3A_214 : memref<1x1x1x128xi32, #tpu.memory_space<vmem>> -> memref<128xi32, #tpu.memory_space<vmem>>
      %dma_wait3A_216 = arith.constant 0 : i32
      %dma_wait3A_217 = arith.constant 0 : i32
      %dma_wait3A_218 = tpu.memref_slice %arg2[%dma_wait3A_216, %dma_wait3A_217] : memref<10240x128xf32, #tpu.memory_space<hbm>> -> memref<10240x128xf32, #tpu.memory_space<hbm>>
      tpu.wait_indirect_dma semaphore(%arg12 : memref<!tpu.dma_semaphore, #tpu.memory_space<semaphore_mem>>) src(%dma_wait3A_218 : memref<10240x128xf32, #tpu.memory_space<hbm>>) dst(%arg10 : memref<128x128xf32, #tpu.memory_space<vmem>>)
      %dma_start3A_219 = arith.constant 6 : i32
      %dma_start3A_220 = arith.constant 0 : i32
      %dma_start3A_221 = arith.constant 0 : i32
      %dma_start3A_222 = tpu.memref_slice %arg7[%select_n3A_65, %dma_start3A_219, %dma_start3A_220, %dma_start3A_221] : memref<2x8x1x128xi32, #tpu.memory_space<vmem>> -> memref<1x1x1x128xi32, #tpu.memory_space<vmem>>
      %dma_start3A_223 = tpu.memref_squeeze %dma_start3A_222 : memref<1x1x1x128xi32, #tpu.memory_space<vmem>> -> memref<128xi32, #tpu.memory_space<vmem>>
      %dma_start3A_224 = arith.constant 0 : i32
      %dma_start3A_225 = arith.constant 0 : i32
      %dma_start3A_226 = tpu.memref_slice %arg2[%dma_start3A_224, %dma_start3A_225] : memref<10240x128xf32, #tpu.memory_space<hbm>> -> memref<10240x128xf32, #tpu.memory_space<hbm>>
      tpu.enqueue_indirect_dma source(%dma_start3A_226 : memref<10240x128xf32, #tpu.memory_space<hbm>>) target(%arg9 : memref<128x128xf32, #tpu.memory_space<vmem>>) offsets(%dma_start3A_223 : memref<128xi32, #tpu.memory_space<vmem>>) semaphore(%arg11 : memref<!tpu.dma_semaphore, #tpu.memory_space<semaphore_mem>>)
      %run_scoped3A_227 = arith.constant 5 : i32
      %run_scoped3A_228 = arith.constant 0 : i32
      "tpu.region"() ({
        %run_scoped3A_297 = tpu.sem_alloc : memref<!tpu.dma_semaphore, #tpu.memory_space<semaphore_mem>>
        %dma_start3A_298 = arith.constant 0 : i32
        %dma_start3A_299 = tpu.memref_slice %arg8[%select_n3A_65, %run_scoped3A_227, %run_scoped3A_228, %dma_start3A_298] : memref<2x8x1x128xi32, #tpu.memory_space<vmem>> -> memref<1x1x1x128xi32, #tpu.memory_space<vmem>>
        %dma_start3A_300 = tpu.memref_squeeze %dma_start3A_299 : memref<1x1x1x128xi32, #tpu.memory_space<vmem>> -> memref<128xi32, #tpu.memory_space<vmem>>
        %dma_start3A_301 = arith.constant 0 : i32
        %dma_start3A_302 = arith.constant 0 : i32
        %dma_start3A_303 = tpu.memref_slice %arg6[%dma_start3A_301, %dma_start3A_302] : memref<10240x128xf32, #tpu.memory_space<vmem_shared>> -> memref<10240x128xf32, #tpu.memory_space<vmem_shared>>
        tpu.enqueue_indirect_dma source(%arg10 : memref<128x128xf32, #tpu.memory_space<vmem>>) target(%dma_start3A_303 : memref<10240x128xf32, #tpu.memory_space<vmem_shared>>) offsets(%dma_start3A_300 : memref<128xi32, #tpu.memory_space<vmem>>) semaphore(%run_scoped3A_297 : memref<!tpu.dma_semaphore, #tpu.memory_space<semaphore_mem>>) {add = true}
        %dma_wait3A_304 = arith.constant 0 : i32
        %dma_wait3A_305 = tpu.memref_slice %arg8[%select_n3A_65, %run_scoped3A_227, %run_scoped3A_228, %dma_wait3A_304] : memref<2x8x1x128xi32, #tpu.memory_space<vmem>> -> memref<1x1x1x128xi32, #tpu.memory_space<vmem>>
        %dma_wait3A_306 = tpu.memref_squeeze %dma_wait3A_305 : memref<1x1x1x128xi32, #tpu.memory_space<vmem>> -> memref<128xi32, #tpu.memory_space<vmem>>
        %dma_wait3A_307 = arith.constant 0 : i32
        %dma_wait3A_308 = arith.constant 0 : i32
        %dma_wait3A_309 = tpu.memref_slice %arg6[%dma_wait3A_307, %dma_wait3A_308] : memref<10240x128xf32, #tpu.memory_space<vmem_shared>> -> memref<10240x128xf32, #tpu.memory_space<vmem_shared>>
        tpu.wait_indirect_dma semaphore(%run_scoped3A_297 : memref<!tpu.dma_semaphore, #tpu.memory_space<semaphore_mem>>) src(%arg10 : memref<128x128xf32, #tpu.memory_space<vmem>>) dst(%dma_wait3A_309 : memref<10240x128xf32, #tpu.memory_space<vmem_shared>>)
        tpu.yield
      }) : () -> ()
      %dma_wait3A_229 = arith.constant 6 : i32
      %dma_wait3A_230 = arith.constant 0 : i32
      %dma_wait3A_231 = arith.constant 0 : i32
      %dma_wait3A_232 = tpu.memref_slice %arg7[%select_n3A_65, %dma_wait3A_229, %dma_wait3A_230, %dma_wait3A_231] : memref<2x8x1x128xi32, #tpu.memory_space<vmem>> -> memref<1x1x1x128xi32, #tpu.memory_space<vmem>>
      %dma_wait3A_233 = tpu.memref_squeeze %dma_wait3A_232 : memref<1x1x1x128xi32, #tpu.memory_space<vmem>> -> memref<128xi32, #tpu.memory_space<vmem>>
      %dma_wait3A_234 = arith.constant 0 : i32
      %dma_wait3A_235 = arith.constant 0 : i32
      %dma_wait3A_236 = tpu.memref_slice %arg2[%dma_wait3A_234, %dma_wait3A_235] : memref<10240x128xf32, #tpu.memory_space<hbm>> -> memref<10240x128xf32, #tpu.memory_space<hbm>>
      tpu.wait_indirect_dma semaphore(%arg11 : memref<!tpu.dma_semaphore, #tpu.memory_space<semaphore_mem>>) src(%dma_wait3A_236 : memref<10240x128xf32, #tpu.memory_space<hbm>>) dst(%arg9 : memref<128x128xf32, #tpu.memory_space<vmem>>)
      %dma_start3A_237 = arith.constant 7 : i32
      %dma_start3A_238 = arith.constant 0 : i32
      %dma_start3A_239 = arith.constant 0 : i32
      %dma_start3A_240 = tpu.memref_slice %arg7[%select_n3A_65, %dma_start3A_237, %dma_start3A_238, %dma_start3A_239] : memref<2x8x1x128xi32, #tpu.memory_space<vmem>> -> memref<1x1x1x128xi32, #tpu.memory_space<vmem>>
      %dma_start3A_241 = tpu.memref_squeeze %dma_start3A_240 : memref<1x1x1x128xi32, #tpu.memory_space<vmem>> -> memref<128xi32, #tpu.memory_space<vmem>>
      %dma_start3A_242 = arith.constant 0 : i32
      %dma_start3A_243 = arith.constant 0 : i32
      %dma_start3A_244 = tpu.memref_slice %arg2[%dma_start3A_242, %dma_start3A_243] : memref<10240x128xf32, #tpu.memory_space<hbm>> -> memref<10240x128xf32, #tpu.memory_space<hbm>>
      tpu.enqueue_indirect_dma source(%dma_start3A_244 : memref<10240x128xf32, #tpu.memory_space<hbm>>) target(%arg10 : memref<128x128xf32, #tpu.memory_space<vmem>>) offsets(%dma_start3A_241 : memref<128xi32, #tpu.memory_space<vmem>>) semaphore(%arg12 : memref<!tpu.dma_semaphore, #tpu.memory_space<semaphore_mem>>)
      %run_scoped3A_245 = arith.constant 6 : i32
      %run_scoped3A_246 = arith.constant 0 : i32
      "tpu.region"() ({
        %run_scoped3A_297 = tpu.sem_alloc : memref<!tpu.dma_semaphore, #tpu.memory_space<semaphore_mem>>
        %dma_start3A_298 = arith.constant 0 : i32
        %dma_start3A_299 = tpu.memref_slice %arg8[%select_n3A_65, %run_scoped3A_245, %run_scoped3A_246, %dma_start3A_298] : memref<2x8x1x128xi32, #tpu.memory_space<vmem>> -> memref<1x1x1x128xi32, #tpu.memory_space<vmem>>
        %dma_start3A_300 = tpu.memref_squeeze %dma_start3A_299 : memref<1x1x1x128xi32, #tpu.memory_space<vmem>> -> memref<128xi32, #tpu.memory_space<vmem>>
        %dma_start3A_301 = arith.constant 0 : i32
        %dma_start3A_302 = arith.constant 0 : i32
        %dma_start3A_303 = tpu.memref_slice %arg6[%dma_start3A_301, %dma_start3A_302] : memref<10240x128xf32, #tpu.memory_space<vmem_shared>> -> memref<10240x128xf32, #tpu.memory_space<vmem_shared>>
        tpu.enqueue_indirect_dma source(%arg9 : memref<128x128xf32, #tpu.memory_space<vmem>>) target(%dma_start3A_303 : memref<10240x128xf32, #tpu.memory_space<vmem_shared>>) offsets(%dma_start3A_300 : memref<128xi32, #tpu.memory_space<vmem>>) semaphore(%run_scoped3A_297 : memref<!tpu.dma_semaphore, #tpu.memory_space<semaphore_mem>>) {add = true}
        %dma_wait3A_304 = arith.constant 0 : i32
        %dma_wait3A_305 = tpu.memref_slice %arg8[%select_n3A_65, %run_scoped3A_245, %run_scoped3A_246, %dma_wait3A_304] : memref<2x8x1x128xi32, #tpu.memory_space<vmem>> -> memref<1x1x1x128xi32, #tpu.memory_space<vmem>>
        %dma_wait3A_306 = tpu.memref_squeeze %dma_wait3A_305 : memref<1x1x1x128xi32, #tpu.memory_space<vmem>> -> memref<128xi32, #tpu.memory_space<vmem>>
        %dma_wait3A_307 = arith.constant 0 : i32
        %dma_wait3A_308 = arith.constant 0 : i32
        %dma_wait3A_309 = tpu.memref_slice %arg6[%dma_wait3A_307, %dma_wait3A_308] : memref<10240x128xf32, #tpu.memory_space<vmem_shared>> -> memref<10240x128xf32, #tpu.memory_space<vmem_shared>>
        tpu.wait_indirect_dma semaphore(%run_scoped3A_297 : memref<!tpu.dma_semaphore, #tpu.memory_space<semaphore_mem>>) src(%arg9 : memref<128x128xf32, #tpu.memory_space<vmem>>) dst(%dma_wait3A_309 : memref<10240x128xf32, #tpu.memory_space<vmem_shared>>)
        tpu.yield
      }) : () -> ()
      %dma_wait3A_247 = arith.constant 7 : i32
      %dma_wait3A_248 = arith.constant 0 : i32
      %dma_wait3A_249 = arith.constant 0 : i32
      %dma_wait3A_250 = tpu.memref_slice %arg7[%select_n3A_65, %dma_wait3A_247, %dma_wait3A_248, %dma_wait3A_249] : memref<2x8x1x128xi32, #tpu.memory_space<vmem>> -> memref<1x1x1x128xi32, #tpu.memory_space<vmem>>
      %dma_wait3A_251 = tpu.memref_squeeze %dma_wait3A_250 : memref<1x1x1x128xi32, #tpu.memory_space<vmem>> -> memref<128xi32, #tpu.memory_space<vmem>>
      %dma_wait3A_252 = arith.constant 0 : i32
      %dma_wait3A_253 = arith.constant 0 : i32
      %dma_wait3A_254 = tpu.memref_slice %arg2[%dma_wait3A_252, %dma_wait3A_253] : memref<10240x128xf32, #tpu.memory_space<hbm>> -> memref<10240x128xf32, #tpu.memory_space<hbm>>
      tpu.wait_indirect_dma semaphore(%arg12 : memref<!tpu.dma_semaphore, #tpu.memory_space<semaphore_mem>>) src(%dma_wait3A_254 : memref<10240x128xf32, #tpu.memory_space<hbm>>) dst(%arg10 : memref<128x128xf32, #tpu.memory_space<vmem>>)
      %dma_wait3A_255 = arith.constant 0 : i32
      %dma_wait3A_256 = arith.constant 0 : i32
      %dma_wait3A_257 = arith.constant 0 : i32
      %dma_wait3A_258 = tpu.memref_slice %arg7[%select_n3A_83, %dma_wait3A_255, %dma_wait3A_256, %dma_wait3A_257] : memref<2x8x1x128xi32, #tpu.memory_space<vmem>> -> memref<1x8x1x128xi32, #tpu.memory_space<vmem>>
      %dma_wait3A_259 = tpu.memref_squeeze %dma_wait3A_258 : memref<1x8x1x128xi32, #tpu.memory_space<vmem>> -> memref<8x1x128xi32, #tpu.memory_space<vmem>>
      %dma_wait3A_260 = arith.constant 0 : i32
      %dma_wait3A_261 = arith.constant 0 : i32
      %dma_wait3A_262 = tpu.memref_slice %arg3[%add3A_88, %dma_wait3A_260, %dma_wait3A_261] : memref<2568x1x128xi32, #tpu.memory_space<hbm>> -> memref<8x1x128xi32, #tpu.memory_space<hbm>>
      %dma_wait3A_263 = arith.constant 0 : i32
      %dma_wait3A_264 = arith.constant 0 : i32
      %dma_wait3A_265 = arith.constant 0 : i32
      %dma_wait3A_266 = tpu.memref_slice %arg7[%select_n3A_83, %dma_wait3A_263, %dma_wait3A_264, %dma_wait3A_265] : memref<2x8x1x128xi32, #tpu.memory_space<vmem>> -> memref<1x8x1x128xi32, #tpu.memory_space<vmem>>
      %dma_wait3A_267 = tpu.memref_squeeze %dma_wait3A_266 : memref<1x8x1x128xi32, #tpu.memory_space<vmem>> -> memref<8x1x128xi32, #tpu.memory_space<vmem>>
      %dma_wait3A_268 = arith.constant 0 : i32
      %dma_wait3A_269 = arith.constant 0 : i32
      %dma_wait3A_270 = tpu.memref_slice %arg3[%add3A_88, %dma_wait3A_268, %dma_wait3A_269] : memref<2568x1x128xi32, #tpu.memory_space<hbm>> -> memref<8x1x128xi32, #tpu.memory_space<hbm>>
      tpu.wait_dma2 semaphore(%arg13 : memref<!tpu.dma_semaphore, #tpu.memory_space<semaphore_mem>>) src(%dma_wait3A_270 : memref<8x1x128xi32, #tpu.memory_space<hbm>>) dst(%dma_wait3A_267 : memref<8x1x128xi32, #tpu.memory_space<vmem>>)
      %dma_wait3A_271 = arith.constant 0 : i32
      %dma_wait3A_272 = arith.constant 0 : i32
      %dma_wait3A_273 = arith.constant 0 : i32
      %dma_wait3A_274 = tpu.memref_slice %arg8[%select_n3A_83, %dma_wait3A_271, %dma_wait3A_272, %dma_wait3A_273] : memref<2x8x1x128xi32, #tpu.memory_space<vmem>> -> memref<1x8x1x128xi32, #tpu.memory_space<vmem>>
      %dma_wait3A_275 = tpu.memref_squeeze %dma_wait3A_274 : memref<1x8x1x128xi32, #tpu.memory_space<vmem>> -> memref<8x1x128xi32, #tpu.memory_space<vmem>>
      %dma_wait3A_276 = arith.constant 0 : i32
      %dma_wait3A_277 = arith.constant 0 : i32
      %dma_wait3A_278 = tpu.memref_slice %arg4[%add3A_88, %dma_wait3A_276, %dma_wait3A_277] : memref<2568x1x128xi32, #tpu.memory_space<hbm>> -> memref<8x1x128xi32, #tpu.memory_space<hbm>>
      %dma_wait3A_279 = arith.constant 0 : i32
      %dma_wait3A_280 = arith.constant 0 : i32
      %dma_wait3A_281 = arith.constant 0 : i32
      %dma_wait3A_282 = tpu.memref_slice %arg8[%select_n3A_83, %dma_wait3A_279, %dma_wait3A_280, %dma_wait3A_281] : memref<2x8x1x128xi32, #tpu.memory_space<vmem>> -> memref<1x8x1x128xi32, #tpu.memory_space<vmem>>
      %dma_wait3A_283 = tpu.memref_squeeze %dma_wait3A_282 : memref<1x8x1x128xi32, #tpu.memory_space<vmem>> -> memref<8x1x128xi32, #tpu.memory_space<vmem>>
      %dma_wait3A_284 = arith.constant 0 : i32
      %dma_wait3A_285 = arith.constant 0 : i32
      %dma_wait3A_286 = tpu.memref_slice %arg4[%add3A_88, %dma_wait3A_284, %dma_wait3A_285] : memref<2568x1x128xi32, #tpu.memory_space<hbm>> -> memref<8x1x128xi32, #tpu.memory_space<hbm>>
      tpu.wait_dma2 semaphore(%arg13 : memref<!tpu.dma_semaphore, #tpu.memory_space<semaphore_mem>>) src(%dma_wait3A_286 : memref<8x1x128xi32, #tpu.memory_space<hbm>>) dst(%dma_wait3A_283 : memref<8x1x128xi32, #tpu.memory_space<vmem>>)
      %dma_start3A_287 = arith.constant 0 : i32
      %dma_start3A_288 = arith.constant 0 : i32
      %dma_start3A_289 = arith.constant 0 : i32
      %dma_start3A_290 = tpu.memref_slice %arg7[%select_n3A_83, %dma_start3A_287, %dma_start3A_288, %dma_start3A_289] : memref<2x8x1x128xi32, #tpu.memory_space<vmem>> -> memref<1x1x1x128xi32, #tpu.memory_space<vmem>>
      %dma_start3A_291 = tpu.memref_squeeze %dma_start3A_290 : memref<1x1x1x128xi32, #tpu.memory_space<vmem>> -> memref<128xi32, #tpu.memory_space<vmem>>
      %dma_start3A_292 = arith.constant 0 : i32
      %dma_start3A_293 = arith.constant 0 : i32
      %dma_start3A_294 = tpu.memref_slice %arg2[%dma_start3A_292, %dma_start3A_293] : memref<10240x128xf32, #tpu.memory_space<hbm>> -> memref<10240x128xf32, #tpu.memory_space<hbm>>
      tpu.enqueue_indirect_dma source(%dma_start3A_294 : memref<10240x128xf32, #tpu.memory_space<hbm>>) target(%arg9 : memref<128x128xf32, #tpu.memory_space<vmem>>) offsets(%dma_start3A_291 : memref<128xi32, #tpu.memory_space<vmem>>) semaphore(%arg11 : memref<!tpu.dma_semaphore, #tpu.memory_space<semaphore_mem>>)
      %run_scoped3A_295 = arith.constant 7 : i32
      %run_scoped3A_296 = arith.constant 0 : i32
      "tpu.region"() ({
        %run_scoped3A_297 = tpu.sem_alloc : memref<!tpu.dma_semaphore, #tpu.memory_space<semaphore_mem>>
        %dma_start3A_298 = arith.constant 0 : i32
        %dma_start3A_299 = tpu.memref_slice %arg8[%select_n3A_65, %run_scoped3A_295, %run_scoped3A_296, %dma_start3A_298] : memref<2x8x1x128xi32, #tpu.memory_space<vmem>> -> memref<1x1x1x128xi32, #tpu.memory_space<vmem>>
        %dma_start3A_300 = tpu.memref_squeeze %dma_start3A_299 : memref<1x1x1x128xi32, #tpu.memory_space<vmem>> -> memref<128xi32, #tpu.memory_space<vmem>>
        %dma_start3A_301 = arith.constant 0 : i32
        %dma_start3A_302 = arith.constant 0 : i32
        %dma_start3A_303 = tpu.memref_slice %arg6[%dma_start3A_301, %dma_start3A_302] : memref<10240x128xf32, #tpu.memory_space<vmem_shared>> -> memref<10240x128xf32, #tpu.memory_space<vmem_shared>>
        tpu.enqueue_indirect_dma source(%arg10 : memref<128x128xf32, #tpu.memory_space<vmem>>) target(%dma_start3A_303 : memref<10240x128xf32, #tpu.memory_space<vmem_shared>>) offsets(%dma_start3A_300 : memref<128xi32, #tpu.memory_space<vmem>>) semaphore(%run_scoped3A_297 : memref<!tpu.dma_semaphore, #tpu.memory_space<semaphore_mem>>) {add = true}
        %dma_wait3A_304 = arith.constant 0 : i32
        %dma_wait3A_305 = tpu.memref_slice %arg8[%select_n3A_65, %run_scoped3A_295, %run_scoped3A_296, %dma_wait3A_304] : memref<2x8x1x128xi32, #tpu.memory_space<vmem>> -> memref<1x1x1x128xi32, #tpu.memory_space<vmem>>
        %dma_wait3A_306 = tpu.memref_squeeze %dma_wait3A_305 : memref<1x1x1x128xi32, #tpu.memory_space<vmem>> -> memref<128xi32, #tpu.memory_space<vmem>>
        %dma_wait3A_307 = arith.constant 0 : i32
        %dma_wait3A_308 = arith.constant 0 : i32
        %dma_wait3A_309 = tpu.memref_slice %arg6[%dma_wait3A_307, %dma_wait3A_308] : memref<10240x128xf32, #tpu.memory_space<vmem_shared>> -> memref<10240x128xf32, #tpu.memory_space<vmem_shared>>
        tpu.wait_indirect_dma semaphore(%run_scoped3A_297 : memref<!tpu.dma_semaphore, #tpu.memory_space<semaphore_mem>>) src(%arg10 : memref<128x128xf32, #tpu.memory_space<vmem>>) dst(%dma_wait3A_309 : memref<10240x128xf32, #tpu.memory_space<vmem_shared>>)
        tpu.yield
      }) : () -> ()
    }
    %scan3A_42 = arith.constant 10 : i32
    %dma_wait3A = arith.constant 0 : i32
    %dma_wait3A_43 = arith.constant 0 : i32
    %dma_wait3A_44 = arith.constant 0 : i32
    %dma_wait3A_45 = arith.constant 0 : i32
    %dma_wait3A_46 = tpu.memref_slice %arg7[%dma_wait3A, %dma_wait3A_43, %dma_wait3A_44, %dma_wait3A_45] : memref<2x8x1x128xi32, #tpu.memory_space<vmem>> -> memref<1x1x1x128xi32, #tpu.memory_space<vmem>>
    %dma_wait3A_47 = tpu.memref_squeeze %dma_wait3A_46 : memref<1x1x1x128xi32, #tpu.memory_space<vmem>> -> memref<128xi32, #tpu.memory_space<vmem>>
    %dma_wait3A_48 = arith.constant 0 : i32
    %dma_wait3A_49 = arith.constant 0 : i32
    %dma_wait3A_50 = tpu.memref_slice %arg2[%dma_wait3A_48, %dma_wait3A_49] : memref<10240x128xf32, #tpu.memory_space<hbm>> -> memref<10240x128xf32, #tpu.memory_space<hbm>>
    tpu.wait_indirect_dma semaphore(%arg11 : memref<!tpu.dma_semaphore, #tpu.memory_space<semaphore_mem>>) src(%dma_wait3A_50 : memref<10240x128xf32, #tpu.memory_space<hbm>>) dst(%arg9 : memref<128x128xf32, #tpu.memory_space<vmem>>)
    %barrier3A_51 = arith.constant 0 : index
    tpu.barrier barrier_id(%barrier3A_51)
    %mul3A_52 = arith.constant 640 : i32
    %mul3A_53 = arith.muli %arg1, %mul3A_52 : i32
    %mul3A_54 = arith.constant 640 : i32
    %mul3A_55 = arith.muli %arg1, %mul3A_54 : i32
    "tpu.region"() ({
      %run_scoped3A_56 = tpu.sem_alloc : memref<!tpu.dma_semaphore, #tpu.memory_space<semaphore_mem>>
      %dma_start3A_57 = arith.constant 0 : i32
      %dma_start3A_58 = tpu.memref_slice %arg5[%arg0, %mul3A_55, %dma_start3A_57] : memref<2x10240x128xf32, #tpu.memory_space<hbm>> -> memref<1x640x128xf32, #tpu.memory_space<hbm>>
      %dma_start3A_59 = tpu.memref_squeeze %dma_start3A_58 : memref<1x640x128xf32, #tpu.memory_space<hbm>> -> memref<640x128xf32, #tpu.memory_space<hbm>>
      %dma_start3A_60 = arith.constant 0 : i32
      %dma_start3A_61 = tpu.memref_slice %arg6[%mul3A_53, %dma_start3A_60] : memref<10240x128xf32, #tpu.memory_space<vmem_shared>> -> memref<640x128xf32, #tpu.memory_space<vmem_shared>>
      tpu.enqueue_dma source(%dma_start3A_61 : memref<640x128xf32, #tpu.memory_space<vmem_shared>>) target(%dma_start3A_59 : memref<640x128xf32, #tpu.memory_space<hbm>>) target_semaphore(%run_scoped3A_56 : memref<!tpu.dma_semaphore, #tpu.memory_space<semaphore_mem>>)
      %dma_wait3A_62 = arith.constant 0 : i32
      %dma_wait3A_63 = tpu.memref_slice %arg5[%arg0, %mul3A_55, %dma_wait3A_62] : memref<2x10240x128xf32, #tpu.memory_space<hbm>> -> memref<1x640x128xf32, #tpu.memory_space<hbm>>
      %dma_wait3A_64 = tpu.memref_squeeze %dma_wait3A_63 : memref<1x640x128xf32, #tpu.memory_space<hbm>> -> memref<640x128xf32, #tpu.memory_space<hbm>>
      %dma_wait3A_65 = arith.constant 0 : i32
      %dma_wait3A_66 = tpu.memref_slice %arg6[%mul3A_53, %dma_wait3A_65] : memref<10240x128xf32, #tpu.memory_space<vmem_shared>> -> memref<640x128xf32, #tpu.memory_space<vmem_shared>>
      tpu.wait_dma2 semaphore(%run_scoped3A_56 : memref<!tpu.dma_semaphore, #tpu.memory_space<semaphore_mem>>) src(%dma_wait3A_66 : memref<640x128xf32, #tpu.memory_space<vmem_shared>>) dst(%dma_wait3A_64 : memref<640x128xf32, #tpu.memory_space<hbm>>)
      tpu.yield
    }) : () -> ()
    return
  }
}

module attributes {stable_mosaic.version = 14 : i64} {
  func.func @_tc_first_body(%arg0: i32, %arg1: memref<1024x128xf32, #tpu.memory_space<vmem>>, %arg2: memref<128x128xf32, #tpu.memory_space<vmem>>, %arg3: memref<1x1024x1xf32, #tpu.memory_space<vmem>>, %arg4: memref<1x1024x1xf32, #tpu.memory_space<vmem>>, %arg5: memref<1024x128xf32, #tpu.memory_space<vmem>>, %arg6: memref<1024x1xf32, #tpu.memory_space<vmem>>) attributes {dimension_semantics = [#tpu.dimension_semantics<arbitrary>], iteration_bounds = array<i64: 10>, scalar_prefetch = 0 : i64, scratch_operands = 0 : i64, tpu.core_type = #tpu.core_type<tc>, window_params = [{transform_indices = @transform_0, window_bounds = array<i64: 1024, 128>}, {pipeline_mode = #tpu.pipeline_mode<synchronous>, transform_indices = @transform_1, window_bounds = array<i64: 128, 128>}, {transform_indices = @transform_2, window_bounds = array<i64: 1, 1024, 1>}, {transform_indices = @transform_3, window_bounds = array<i64: 1, 1024, 1>}, {transform_indices = @transform_4, window_bounds = array<i64: 1024, 128>}, {transform_indices = @transform_5, window_bounds = array<i64: 1024, 1>}]} {
    %get3A = arith.constant 0 : index
    %get3A_0 = arith.constant 0 : index
    %get3A_1 = arith.constant 0 : index
    %get3A_2 = vector.load %arg3[%get3A, %get3A_0, %get3A_1] : memref<1x1024x1xf32, #tpu.memory_space<vmem>>, vector<1x1024x1xf32>
    %get3A_3 = vector.shape_cast %get3A_2 : vector<1x1024x1xf32> to vector<1024x1xf32>
    %get3A_4 = arith.constant 0 : index
    %get3A_5 = arith.constant 0 : index
    %get3A_6 = arith.constant 0 : index
    %get3A_7 = vector.load %arg4[%get3A_4, %get3A_5, %get3A_6] : memref<1x1024x1xf32, #tpu.memory_space<vmem>>, vector<1x1024x1xf32>
    %get3A_8 = vector.shape_cast %get3A_7 : vector<1x1024x1xf32> to vector<1024x1xf32>
    %add3A = arith.addf %get3A_3, %get3A_8 : vector<1024x1xf32>
    %add3A_9 = arith.constant 1.000000e+00 : f32
    %add3A_10 = vector.broadcast %add3A_9 : f32 to vector<1024x1xf32>
    %add3A_11 = arith.addf %add3A, %add3A_10 : vector<1024x1xf32>
    %rsqrt3A = math.rsqrt %add3A_11 : vector<1024x1xf32>
    %get3A_12 = arith.constant 0 : index
    %get3A_13 = arith.constant 0 : index
    %get3A_14 = vector.load %arg1[%get3A_12, %get3A_13] : memref<1024x128xf32, #tpu.memory_space<vmem>>, vector<1024x128xf32>
    %get3A_15 = arith.constant 0 : index
    %get3A_16 = arith.constant 0 : index
    %get3A_17 = vector.load %arg2[%get3A_15, %get3A_16] : memref<128x128xf32, #tpu.memory_space<vmem>>, vector<128x128xf32>
    %dot_general3A = arith.constant dense<0.000000e+00> : vector<1024x128xf32>
    %dot_general3A_18 = tpu.matmul %get3A_14, %get3A_17, %dot_general3A {dimension_numbers = #tpu.dot_dimension_numbers<[1], [0], [0], [1], [0, 0, 1, 1], [], []>, transpose_lhs_hint = false} : vector<1024x128xf32>, vector<128x128xf32>, vector<1024x128xf32> -> vector<1024x128xf32>
    %mul3A = vector.broadcast %rsqrt3A : vector<1024x1xf32> to vector<1024x128xf32>
    %mul3A_19 = arith.mulf %mul3A, %dot_general3A_18 : vector<1024x128xf32>
    %swap3A = arith.constant 0 : index
    %swap3A_20 = arith.constant 0 : index
    %swap3A_21 = vector.load %arg5[%swap3A, %swap3A_20] : memref<1024x128xf32, #tpu.memory_space<vmem>>, vector<1024x128xf32>
    tpu.vector_store %arg5[%swap3A, %swap3A_20], %mul3A_19 {strides = array<i32>} : memref<1024x128xf32, #tpu.memory_space<vmem>>, vector<1024x128xf32>,
    %swap3A_22 = arith.constant 0 : index
    %swap3A_23 = arith.constant 0 : index
    %swap3A_24 = vector.load %arg6[%swap3A_22, %swap3A_23] : memref<1024x1xf32, #tpu.memory_space<vmem>>, vector<1024x1xf32>
    tpu.vector_store %arg6[%swap3A_22, %swap3A_23], %rsqrt3A {strides = array<i32>} : memref<1024x1xf32, #tpu.memory_space<vmem>>, vector<1024x1xf32>,
    return
  }
  func.func @transform_0(%arg0: i32) -> (i32, i32) {
    %c0_i32 = arith.constant 0 : i32
    %c0_i32_0 = arith.constant 0 : i32
    return %arg0, %c0_i32 : i32, i32
  }
  func.func @transform_1(%arg0: i32) -> (i32, i32) {
    %c0_i32 = arith.constant 0 : i32
    %c0_i32_0 = arith.constant 0 : i32
    %c0_i32_1 = arith.constant 0 : i32
    return %c0_i32, %c0_i32_0 : i32, i32
  }
  func.func @transform_2(%arg0: i32) -> (i32, i32, i32) {
    %c0_i32 = arith.constant 0 : i32
    %c0_i32_0 = arith.constant 0 : i32
    %c0_i32_1 = arith.constant 0 : i32
    return %c0_i32, %arg0, %c0_i32_0 : i32, i32, i32
  }
  func.func @transform_3(%arg0: i32) -> (i32, i32, i32) {
    %c1_i32 = arith.constant 1 : i32
    %c0_i32 = arith.constant 0 : i32
    %c0_i32_0 = arith.constant 0 : i32
    return %c1_i32, %arg0, %c0_i32 : i32, i32, i32
  }
  func.func @transform_4(%arg0: i32) -> (i32, i32) {
    %c0_i32 = arith.constant 0 : i32
    %c0_i32_0 = arith.constant 0 : i32
    return %arg0, %c0_i32 : i32, i32
  }
  func.func @transform_5(%arg0: i32) -> (i32, i32) {
    %c0_i32 = arith.constant 0 : i32
    %c0_i32_0 = arith.constant 0 : i32
    return %arg0, %c0_i32 : i32, i32
  }
}

module attributes {stable_mosaic.version = 14 : i64} {
  func.func @_tc_mid_body(%arg0: i32, %arg1: memref<1x1024x128xf32, #tpu.memory_space<vmem>>, %arg2: memref<1x1024x128xf32, #tpu.memory_space<vmem>>, %arg3: memref<1024x128xf32, #tpu.memory_space<vmem>>, %arg4: memref<1024x1xf32, #tpu.memory_space<vmem>>, %arg5: memref<1x128xf32, #tpu.memory_space<vmem>>, %arg6: memref<128x64xf32, #tpu.memory_space<vmem>>, %arg7: memref<1024x64xf32, #tpu.memory_space<vmem>>) attributes {dimension_semantics = [#tpu.dimension_semantics<arbitrary>], iteration_bounds = array<i64: 10>, scalar_prefetch = 0 : i64, scratch_operands = 0 : i64, tpu.core_type = #tpu.core_type<tc>, window_params = [{transform_indices = @transform_0, window_bounds = array<i64: 1, 1024, 128>}, {transform_indices = @transform_1, window_bounds = array<i64: 1, 1024, 128>}, {transform_indices = @transform_2, window_bounds = array<i64: 1024, 128>}, {transform_indices = @transform_3, window_bounds = array<i64: 1024, 1>}, {pipeline_mode = #tpu.pipeline_mode<synchronous>, transform_indices = @transform_4, window_bounds = array<i64: 1, 128>}, {pipeline_mode = #tpu.pipeline_mode<synchronous>, transform_indices = @transform_5, window_bounds = array<i64: 128, 64>}, {transform_indices = @transform_6, window_bounds = array<i64: 1024, 64>}]} {
    %get3A = arith.constant 0 : index
    %get3A_0 = arith.constant 0 : index
    %get3A_1 = vector.load %arg4[%get3A, %get3A_0] : memref<1024x1xf32, #tpu.memory_space<vmem>>, vector<1024x1xf32>
    %get3A_2 = arith.constant 0 : index
    %get3A_3 = arith.constant 0 : index
    %get3A_4 = arith.constant 0 : index
    %get3A_5 = vector.load %arg1[%get3A_2, %get3A_3, %get3A_4] : memref<1x1024x128xf32, #tpu.memory_space<vmem>>, vector<1x1024x128xf32>
    %get3A_6 = vector.shape_cast %get3A_5 : vector<1x1024x128xf32> to vector<1024x128xf32>
    %get3A_7 = arith.constant 0 : index
    %get3A_8 = arith.constant 0 : index
    %get3A_9 = arith.constant 0 : index
    %get3A_10 = vector.load %arg2[%get3A_7, %get3A_8, %get3A_9] : memref<1x1024x128xf32, #tpu.memory_space<vmem>>, vector<1x1024x128xf32>
    %get3A_11 = vector.shape_cast %get3A_10 : vector<1x1024x128xf32> to vector<1024x128xf32>
    %add3A = arith.addf %get3A_6, %get3A_11 : vector<1024x128xf32>
    %get3A_12 = arith.constant 0 : index
    %get3A_13 = arith.constant 0 : index
    %get3A_14 = vector.load %arg3[%get3A_12, %get3A_13] : memref<1024x128xf32, #tpu.memory_space<vmem>>, vector<1024x128xf32>
    %add3A_15 = arith.addf %add3A, %get3A_14 : vector<1024x128xf32>
    %mul3A = vector.broadcast %get3A_1 : vector<1024x1xf32> to vector<1024x128xf32>
    %mul3A_16 = arith.mulf %mul3A, %add3A_15 : vector<1024x128xf32>
    %get3A_17 = arith.constant 0 : index
    %get3A_18 = arith.constant 0 : index
    %get3A_19 = vector.load %arg5[%get3A_17, %get3A_18] : memref<1x128xf32, #tpu.memory_space<vmem>>, vector<1x128xf32>
    %add3A_20 = vector.broadcast %get3A_19 : vector<1x128xf32> to vector<1024x128xf32>
    %add3A_21 = arith.addf %mul3A_16, %add3A_20 : vector<1024x128xf32>
    %tanh3A = math.tanh %add3A_21 : vector<1024x128xf32>
    %get3A_22 = arith.constant 0 : index
    %get3A_23 = arith.constant 0 : index
    %get3A_24 = vector.load %arg6[%get3A_22, %get3A_23] : memref<128x64xf32, #tpu.memory_space<vmem>>, vector<128x64xf32>
    %dot_general3A = arith.constant dense<0.000000e+00> : vector<1024x64xf32>
    %dot_general3A_25 = tpu.matmul %tanh3A, %get3A_24, %dot_general3A {dimension_numbers = #tpu.dot_dimension_numbers<[1], [0], [0], [1], [0, 0, 1, 1], [], []>, transpose_lhs_hint = false} : vector<1024x128xf32>, vector<128x64xf32>, vector<1024x64xf32> -> vector<1024x64xf32>
    %mul3A_26 = vector.broadcast %get3A_1 : vector<1024x1xf32> to vector<1024x64xf32>
    %mul3A_27 = arith.mulf %mul3A_26, %dot_general3A_25 : vector<1024x64xf32>
    %swap3A = arith.constant 0 : index
    %swap3A_28 = arith.constant 0 : index
    %swap3A_29 = vector.load %arg7[%swap3A, %swap3A_28] : memref<1024x64xf32, #tpu.memory_space<vmem>>, vector<1024x64xf32>
    tpu.vector_store %arg7[%swap3A, %swap3A_28], %mul3A_27 {strides = array<i32>} : memref<1024x64xf32, #tpu.memory_space<vmem>>, vector<1024x64xf32>,
    return
  }
  func.func @transform_0(%arg0: i32) -> (i32, i32, i32) {
    %c0_i32 = arith.constant 0 : i32
    %c0_i32_0 = arith.constant 0 : i32
    %c0_i32_1 = arith.constant 0 : i32
    return %c0_i32, %arg0, %c0_i32_0 : i32, i32, i32
  }
  func.func @transform_1(%arg0: i32) -> (i32, i32, i32) {
    %c1_i32 = arith.constant 1 : i32
    %c0_i32 = arith.constant 0 : i32
    %c0_i32_0 = arith.constant 0 : i32
    return %c1_i32, %arg0, %c0_i32 : i32, i32, i32
  }
  func.func @transform_2(%arg0: i32) -> (i32, i32) {
    %c0_i32 = arith.constant 0 : i32
    %c0_i32_0 = arith.constant 0 : i32
    return %arg0, %c0_i32 : i32, i32
  }
  func.func @transform_3(%arg0: i32) -> (i32, i32) {
    %c0_i32 = arith.constant 0 : i32
    %c0_i32_0 = arith.constant 0 : i32
    return %arg0, %c0_i32 : i32, i32
  }
  func.func @transform_4(%arg0: i32) -> (i32, i32) {
    %c0_i32 = arith.constant 0 : i32
    %c0_i32_0 = arith.constant 0 : i32
    %c0_i32_1 = arith.constant 0 : i32
    return %c0_i32, %c0_i32_0 : i32, i32
  }
  func.func @transform_5(%arg0: i32) -> (i32, i32) {
    %c0_i32 = arith.constant 0 : i32
    %c0_i32_0 = arith.constant 0 : i32
    %c0_i32_1 = arith.constant 0 : i32
    return %c0_i32, %c0_i32_0 : i32, i32
  }
  func.func @transform_6(%arg0: i32) -> (i32, i32) {
    %c0_i32 = arith.constant 0 : i32
    %c0_i32_0 = arith.constant 0 : i32
    return %arg0, %c0_i32 : i32, i32
  }
}

module attributes {stable_mosaic.version = 14 : i64} {
  func.func @_tc_mid_body(%arg0: i32, %arg1: memref<1x1024x64xf32, #tpu.memory_space<vmem>>, %arg2: memref<1x1024x64xf32, #tpu.memory_space<vmem>>, %arg3: memref<1024x64xf32, #tpu.memory_space<vmem>>, %arg4: memref<1024x1xf32, #tpu.memory_space<vmem>>, %arg5: memref<1x64xf32, #tpu.memory_space<vmem>>, %arg6: memref<64x32xf32, #tpu.memory_space<vmem>>, %arg7: memref<1024x32xf32, #tpu.memory_space<vmem>>) attributes {dimension_semantics = [#tpu.dimension_semantics<arbitrary>], iteration_bounds = array<i64: 10>, scalar_prefetch = 0 : i64, scratch_operands = 0 : i64, tpu.core_type = #tpu.core_type<tc>, window_params = [{transform_indices = @transform_0, window_bounds = array<i64: 1, 1024, 64>}, {transform_indices = @transform_1, window_bounds = array<i64: 1, 1024, 64>}, {transform_indices = @transform_2, window_bounds = array<i64: 1024, 64>}, {transform_indices = @transform_3, window_bounds = array<i64: 1024, 1>}, {pipeline_mode = #tpu.pipeline_mode<synchronous>, transform_indices = @transform_4, window_bounds = array<i64: 1, 64>}, {pipeline_mode = #tpu.pipeline_mode<synchronous>, transform_indices = @transform_5, window_bounds = array<i64: 64, 32>}, {transform_indices = @transform_6, window_bounds = array<i64: 1024, 32>}]} {
    %get3A = arith.constant 0 : index
    %get3A_0 = arith.constant 0 : index
    %get3A_1 = vector.load %arg4[%get3A, %get3A_0] : memref<1024x1xf32, #tpu.memory_space<vmem>>, vector<1024x1xf32>
    %get3A_2 = arith.constant 0 : index
    %get3A_3 = arith.constant 0 : index
    %get3A_4 = arith.constant 0 : index
    %get3A_5 = vector.load %arg1[%get3A_2, %get3A_3, %get3A_4] : memref<1x1024x64xf32, #tpu.memory_space<vmem>>, vector<1x1024x64xf32>
    %get3A_6 = vector.shape_cast %get3A_5 : vector<1x1024x64xf32> to vector<1024x64xf32>
    %get3A_7 = arith.constant 0 : index
    %get3A_8 = arith.constant 0 : index
    %get3A_9 = arith.constant 0 : index
    %get3A_10 = vector.load %arg2[%get3A_7, %get3A_8, %get3A_9] : memref<1x1024x64xf32, #tpu.memory_space<vmem>>, vector<1x1024x64xf32>
    %get3A_11 = vector.shape_cast %get3A_10 : vector<1x1024x64xf32> to vector<1024x64xf32>
    %add3A = arith.addf %get3A_6, %get3A_11 : vector<1024x64xf32>
    %get3A_12 = arith.constant 0 : index
    %get3A_13 = arith.constant 0 : index
    %get3A_14 = vector.load %arg3[%get3A_12, %get3A_13] : memref<1024x64xf32, #tpu.memory_space<vmem>>, vector<1024x64xf32>
    %add3A_15 = arith.addf %add3A, %get3A_14 : vector<1024x64xf32>
    %mul3A = vector.broadcast %get3A_1 : vector<1024x1xf32> to vector<1024x64xf32>
    %mul3A_16 = arith.mulf %mul3A, %add3A_15 : vector<1024x64xf32>
    %get3A_17 = arith.constant 0 : index
    %get3A_18 = arith.constant 0 : index
    %get3A_19 = vector.load %arg5[%get3A_17, %get3A_18] : memref<1x64xf32, #tpu.memory_space<vmem>>, vector<1x64xf32>
    %add3A_20 = vector.broadcast %get3A_19 : vector<1x64xf32> to vector<1024x64xf32>
    %add3A_21 = arith.addf %mul3A_16, %add3A_20 : vector<1024x64xf32>
    %tanh3A = math.tanh %add3A_21 : vector<1024x64xf32>
    %get3A_22 = arith.constant 0 : index
    %get3A_23 = arith.constant 0 : index
    %get3A_24 = vector.load %arg6[%get3A_22, %get3A_23] : memref<64x32xf32, #tpu.memory_space<vmem>>, vector<64x32xf32>
    %dot_general3A = arith.constant dense<0.000000e+00> : vector<1024x32xf32>
    %dot_general3A_25 = tpu.matmul %tanh3A, %get3A_24, %dot_general3A {dimension_numbers = #tpu.dot_dimension_numbers<[1], [0], [0], [1], [0, 0, 1, 1], [], []>, transpose_lhs_hint = false} : vector<1024x64xf32>, vector<64x32xf32>, vector<1024x32xf32> -> vector<1024x32xf32>
    %mul3A_26 = vector.broadcast %get3A_1 : vector<1024x1xf32> to vector<1024x32xf32>
    %mul3A_27 = arith.mulf %mul3A_26, %dot_general3A_25 : vector<1024x32xf32>
    %swap3A = arith.constant 0 : index
    %swap3A_28 = arith.constant 0 : index
    %swap3A_29 = vector.load %arg7[%swap3A, %swap3A_28] : memref<1024x32xf32, #tpu.memory_space<vmem>>, vector<1024x32xf32>
    tpu.vector_store %arg7[%swap3A, %swap3A_28], %mul3A_27 {strides = array<i32>} : memref<1024x32xf32, #tpu.memory_space<vmem>>, vector<1024x32xf32>,
    return
  }
  func.func @transform_0(%arg0: i32) -> (i32, i32, i32) {
    %c0_i32 = arith.constant 0 : i32
    %c0_i32_0 = arith.constant 0 : i32
    %c0_i32_1 = arith.constant 0 : i32
    return %c0_i32, %arg0, %c0_i32_0 : i32, i32, i32
  }
  func.func @transform_1(%arg0: i32) -> (i32, i32, i32) {
    %c1_i32 = arith.constant 1 : i32
    %c0_i32 = arith.constant 0 : i32
    %c0_i32_0 = arith.constant 0 : i32
    return %c1_i32, %arg0, %c0_i32 : i32, i32, i32
  }
  func.func @transform_2(%arg0: i32) -> (i32, i32) {
    %c0_i32 = arith.constant 0 : i32
    %c0_i32_0 = arith.constant 0 : i32
    return %arg0, %c0_i32 : i32, i32
  }
  func.func @transform_3(%arg0: i32) -> (i32, i32) {
    %c0_i32 = arith.constant 0 : i32
    %c0_i32_0 = arith.constant 0 : i32
    return %arg0, %c0_i32 : i32, i32
  }
  func.func @transform_4(%arg0: i32) -> (i32, i32) {
    %c0_i32 = arith.constant 0 : i32
    %c0_i32_0 = arith.constant 0 : i32
    %c0_i32_1 = arith.constant 0 : i32
    return %c0_i32, %c0_i32_0 : i32, i32
  }
  func.func @transform_5(%arg0: i32) -> (i32, i32) {
    %c0_i32 = arith.constant 0 : i32
    %c0_i32_0 = arith.constant 0 : i32
    %c0_i32_1 = arith.constant 0 : i32
    return %c0_i32, %c0_i32_0 : i32, i32
  }
  func.func @transform_6(%arg0: i32) -> (i32, i32) {
    %c0_i32 = arith.constant 0 : i32
    %c0_i32_0 = arith.constant 0 : i32
    return %arg0, %c0_i32 : i32, i32
  }
}

module attributes {stable_mosaic.version = 14 : i64} {
  func.func @_tc_last_body(%arg0: i32, %arg1: memref<1x1000x32xf32, #tpu.memory_space<vmem>>, %arg2: memref<1x1000x32xf32, #tpu.memory_space<vmem>>, %arg3: memref<1000x32xf32, #tpu.memory_space<vmem>>, %arg4: memref<1000x1xf32, #tpu.memory_space<vmem>>, %arg5: memref<1x32xf32, #tpu.memory_space<vmem>>, %arg6: memref<32x40xf32, #tpu.memory_space<vmem>>, %arg7: memref<1x40xf32, #tpu.memory_space<vmem>>, %arg8: memref<1000x40xf32, #tpu.memory_space<vmem>>, %arg9: memref<1000x32xf32, #tpu.memory_space<vmem>>) attributes {dimension_semantics = [#tpu.dimension_semantics<arbitrary>], iteration_bounds = array<i64: 10>, scalar_prefetch = 0 : i64, scratch_operands = 0 : i64, tpu.core_type = #tpu.core_type<tc>, window_params = [{transform_indices = @transform_0, window_bounds = array<i64: 1, 1000, 32>}, {transform_indices = @transform_1, window_bounds = array<i64: 1, 1000, 32>}, {transform_indices = @transform_2, window_bounds = array<i64: 1000, 32>}, {transform_indices = @transform_3, window_bounds = array<i64: 1000, 1>}, {pipeline_mode = #tpu.pipeline_mode<synchronous>, transform_indices = @transform_4, window_bounds = array<i64: 1, 32>}, {pipeline_mode = #tpu.pipeline_mode<synchronous>, transform_indices = @transform_5, window_bounds = array<i64: 32, 40>}, {pipeline_mode = #tpu.pipeline_mode<synchronous>, transform_indices = @transform_6, window_bounds = array<i64: 1, 40>}, {transform_indices = @transform_7, window_bounds = array<i64: 1000, 40>}, {transform_indices = @transform_8, window_bounds = array<i64: 1000, 32>}]} {
    %get3A = arith.constant 0 : index
    %get3A_0 = arith.constant 0 : index
    %get3A_1 = vector.load %arg4[%get3A, %get3A_0] : memref<1000x1xf32, #tpu.memory_space<vmem>>, vector<1000x1xf32>
    %get3A_2 = arith.constant 0 : index
    %get3A_3 = arith.constant 0 : index
    %get3A_4 = arith.constant 0 : index
    %get3A_5 = vector.load %arg1[%get3A_2, %get3A_3, %get3A_4] : memref<1x1000x32xf32, #tpu.memory_space<vmem>>, vector<1x1000x32xf32>
    %get3A_6 = vector.shape_cast %get3A_5 : vector<1x1000x32xf32> to vector<1000x32xf32>
    %get3A_7 = arith.constant 0 : index
    %get3A_8 = arith.constant 0 : index
    %get3A_9 = arith.constant 0 : index
    %get3A_10 = vector.load %arg2[%get3A_7, %get3A_8, %get3A_9] : memref<1x1000x32xf32, #tpu.memory_space<vmem>>, vector<1x1000x32xf32>
    %get3A_11 = vector.shape_cast %get3A_10 : vector<1x1000x32xf32> to vector<1000x32xf32>
    %add3A = arith.addf %get3A_6, %get3A_11 : vector<1000x32xf32>
    %get3A_12 = arith.constant 0 : index
    %get3A_13 = arith.constant 0 : index
    %get3A_14 = vector.load %arg3[%get3A_12, %get3A_13] : memref<1000x32xf32, #tpu.memory_space<vmem>>, vector<1000x32xf32>
    %add3A_15 = arith.addf %add3A, %get3A_14 : vector<1000x32xf32>
    %mul3A = vector.broadcast %get3A_1 : vector<1000x1xf32> to vector<1000x32xf32>
    %mul3A_16 = arith.mulf %mul3A, %add3A_15 : vector<1000x32xf32>
    %get3A_17 = arith.constant 0 : index
    %get3A_18 = arith.constant 0 : index
    %get3A_19 = vector.load %arg5[%get3A_17, %get3A_18] : memref<1x32xf32, #tpu.memory_space<vmem>>, vector<1x32xf32>
    %add3A_20 = vector.broadcast %get3A_19 : vector<1x32xf32> to vector<1000x32xf32>
    %add3A_21 = arith.addf %mul3A_16, %add3A_20 : vector<1000x32xf32>
    %tanh3A = math.tanh %add3A_21 : vector<1000x32xf32>
    %swap3A = arith.constant 0 : index
    %swap3A_22 = arith.constant 0 : index
    %swap3A_23 = vector.load %arg9[%swap3A, %swap3A_22] : memref<1000x32xf32, #tpu.memory_space<vmem>>, vector<1000x32xf32>
    tpu.vector_store %arg9[%swap3A, %swap3A_22], %tanh3A {strides = array<i32>} : memref<1000x32xf32, #tpu.memory_space<vmem>>, vector<1000x32xf32>,
    %get3A_24 = arith.constant 0 : index
    %get3A_25 = arith.constant 0 : index
    %get3A_26 = vector.load %arg6[%get3A_24, %get3A_25] : memref<32x40xf32, #tpu.memory_space<vmem>>, vector<32x40xf32>
    %dot_general3A = arith.constant dense<0.000000e+00> : vector<1000x40xf32>
    %dot_general3A_27 = tpu.matmul %tanh3A, %get3A_26, %dot_general3A {dimension_numbers = #tpu.dot_dimension_numbers<[1], [0], [0], [1], [0, 0, 1, 1], [], []>, transpose_lhs_hint = false} : vector<1000x32xf32>, vector<32x40xf32>, vector<1000x40xf32> -> vector<1000x40xf32>
    %get3A_28 = arith.constant 0 : index
    %get3A_29 = arith.constant 0 : index
    %get3A_30 = vector.load %arg7[%get3A_28, %get3A_29] : memref<1x40xf32, #tpu.memory_space<vmem>>, vector<1x40xf32>
    %add3A_31 = vector.broadcast %get3A_30 : vector<1x40xf32> to vector<1000x40xf32>
    %add3A_32 = arith.addf %dot_general3A_27, %add3A_31 : vector<1000x40xf32>
    %swap3A_33 = arith.constant 0 : index
    %swap3A_34 = arith.constant 0 : index
    %swap3A_35 = vector.load %arg8[%swap3A_33, %swap3A_34] : memref<1000x40xf32, #tpu.memory_space<vmem>>, vector<1000x40xf32>
    tpu.vector_store %arg8[%swap3A_33, %swap3A_34], %add3A_32 {strides = array<i32>} : memref<1000x40xf32, #tpu.memory_space<vmem>>, vector<1000x40xf32>,
    return
  }
  func.func @transform_0(%arg0: i32) -> (i32, i32, i32) {
    %c0_i32 = arith.constant 0 : i32
    %c0_i32_0 = arith.constant 0 : i32
    %c0_i32_1 = arith.constant 0 : i32
    return %c0_i32, %arg0, %c0_i32_0 : i32, i32, i32
  }
  func.func @transform_1(%arg0: i32) -> (i32, i32, i32) {
    %c1_i32 = arith.constant 1 : i32
    %c0_i32 = arith.constant 0 : i32
    %c0_i32_0 = arith.constant 0 : i32
    return %c1_i32, %arg0, %c0_i32 : i32, i32, i32
  }
  func.func @transform_2(%arg0: i32) -> (i32, i32) {
    %c0_i32 = arith.constant 0 : i32
    %c0_i32_0 = arith.constant 0 : i32
    return %arg0, %c0_i32 : i32, i32
  }
  func.func @transform_3(%arg0: i32) -> (i32, i32) {
    %c0_i32 = arith.constant 0 : i32
    %c0_i32_0 = arith.constant 0 : i32
    return %arg0, %c0_i32 : i32, i32
  }
  func.func @transform_4(%arg0: i32) -> (i32, i32) {
    %c0_i32 = arith.constant 0 : i32
    %c0_i32_0 = arith.constant 0 : i32
    %c0_i32_1 = arith.constant 0 : i32
    return %c0_i32, %c0_i32_0 : i32, i32
  }
  func.func @transform_5(%arg0: i32) -> (i32, i32) {
    %c0_i32 = arith.constant 0 : i32
    %c0_i32_0 = arith.constant 0 : i32
    %c0_i32_1 = arith.constant 0 : i32
    return %c0_i32, %c0_i32_0 : i32, i32
  }
  func.func @transform_6(%arg0: i32) -> (i32, i32) {
    %c0_i32 = arith.constant 0 : i32
    %c0_i32_0 = arith.constant 0 : i32
    %c0_i32_1 = arith.constant 0 : i32
    return %c0_i32, %c0_i32_0 : i32, i32
  }
  func.func @transform_7(%arg0: i32) -> (i32, i32) {
    %c0_i32 = arith.constant 0 : i32
    %c0_i32_0 = arith.constant 0 : i32
    return %arg0, %c0_i32 : i32, i32
  }
  func.func @transform_8(%arg0: i32) -> (i32, i32) {
    %c0_i32 = arith.constant 0 : i32
    %c0_i32_0 = arith.constant 0 : i32
    return %arg0, %c0_i32 : i32, i32
  }
}

</mosaic_0001>

<sc_bundles>
// kernel: kernel.10.cloned.1.call-start
scs
__scs_entry_jumppad:
0x0: {  	(pc) =	sbr.rel $0x88, $3  }
0x1: {  	(tag) =	ssettag $0x0;
	lr =	simm.s32 $0x1  }
0x2: {  	[smem:$0x3F97] =	sst lr;
	_ =	strace $0xD0000000  }
0x3: {  	_ = 	snop  }
0x4: {  	_ = 	snop  }
0x5: {  	_ = 	snop  }
0x6: {  	_ = 	snop  }
0x7: {  	_ = 	snop  }
__scs_overlays_trampoline_lowered:
0x8: {  	[smem:$0x3FA6] =	sst s0  }
0x9: {  	[smem:$0x3FA7] =	sst s1  }
0xa: {  	[smem:$0x3FA8] =	sst s2  }
0xb: {  	[smem:$0x3FA9] =	sst s3  }
0xc: {  	[smem:$0x3FAA] =	sst s4  }
0xd: {  	[smem:$0x3FAB] =	sst s5  }
0xe: {  	[smem:$0x3FAC] =	sst s6  }
0xf: {  	[smem:$0x3FAD] =	sst s7  }
0x10: {  	[smem:$0x3FAE] =	sst s8  }
0x11: {  	[smem:$0x3FAF] =	sst s9;
	s0 =	simm.s32 @!p0 $0x0  }
0x12: {  	s1 =	sld [smem:$0x3F95];
	s0 =	simm.s32 @p0 $0x1  }
0x13: {  	[smem:$0x3FB0] =	sst s0;
	s0 =	simm.s32 @!p1 $0x0  }
0x14: {  	s2 =	sld [smem:$0x3F94];
	s0 =	simm.s32 @p1 $0x1  }
0x15: {  	[smem:$0x3FB1] =	sst s0;
	s0 =	simm.s32 @!p2 $0x0  }
0x16: {  	s3 =	sld [smem:$0x3FDB];
	s0 =	simm.s32 @p2 $0x1  }
0x17: {  	s4 =	simm.s32 $0x1BF5;
	[smem:$0x3FB3] =	sst s0  }
0x18: {  	s0 =	sld [smem:$0x3F96];
	_ =	swait.ge [sflag:s4], $0x0  }
0x19: {  	s7 =	sld [smem:$0x3F97]  }
0x1a: {  	s8 =	sadd.s32 $0xFFFFE003, lr  }
0x1b: {  	s9 =	sadd.s32 $0xFFFFFEF7, lr;
	s5 =	simm.s32 $0xFFFFFFFF;
	p2 =	slt.u32 s8, $0xFFFFF086  }
0x1c: {  	p1 =	slt.u32 s9, $0xF7A;
	s5 =	simm.s32 @!p2 $0x0  }
0x1d: {  	s5 =	simm.s32 @p1 $0x1;
	p0 =	seq.s32 s7, s2  }
0x1e: {  	s7 =	smul.u32 @!p0 $0xF7A, s2;
	p2 =	seq.s32 @!p0 s5, $0x0  }
0x1f: {  	s9 =	smul.u32 $0xF7A, s1;
	s8 =	simm.s32 @!p0 $0x1BF5;
	p2 =	por !p2, p0  }
0x20: {  	[sflag:s8] =	ssyncset.s32 @!p0 $0xFFFFF086;
	s6 =	sadd.s32 @!p0 s3, s7;
	s7 =	simm.s32 @!p0 $0x108  }
0x21: {  	s3 =	sadd.s32 s3, s9;
	s6 =	sadd.s32 @!p0 $0x88, s6;
	s7 =	simm.s32 @p2 $0x1082  }
0x22: {  	[simem:s7], [sflag:s8] =	dma.local @!p0 [hbm:s6], $0xF7A  }
0x23: {  	s9 =	sor.u32 $0xD0000000, s2;
	s6 =	simm.s32 $0x108;
	_ =	swait.ge @!p0 [sflag:s8], $0x0  }
0x24: {  	s3 =	sadd.s32 $0x88, s3;
	s6 =	simm.s32 @!p1 $0x1082;
	[sflag:s4] =	ssyncset.s32 $0xFFFFF086  }
0x25: {  	[simem:s6], [sflag:s4] =	dma.local [hbm:s3], $0xF7A  }
0x26: {  	[smem:$0x3F97] =	sst s1;
	(tag) =	ssettag s2;
	_ =	strace s9  }
0x27: {  	s1 =	sld [smem:$0x3FA7]  }
0x28: {  	s2 =	sld [smem:$0x3FA8]  }
0x29: {  	s4 =	sld [smem:$0x3FAA]  }
0x2a: {  	p0 =	seq.s32 s5, $0x0;
	s5 =	sld [smem:$0x3FAB]  }
0x2b: {  	s6 =	sld [smem:$0x3FAC]  }
0x2c: {  	s7 =	sld [smem:$0x3FAD]  }
0x2d: {  	s3 =	simm.s32 $0x108;
	s8 =	sld [smem:$0x3FAE]  }
0x2e: {  	s3 =	simm.s32 @!p0 $0x1082;
	s9 =	sld [smem:$0x3FAF]  }
0x2f: {  	lr =	sadd.s32 s0, s3;
	s0 =	sld [smem:$0x3FA6]  }
0x30: {  	s3 =	sld [smem:$0x3FA9]  }
0x31: {  	[smem:$0x3FB2] =	sst s10  }
0x32: {  	s10 =	sld [smem:$0x3FB0];
	_ =	sdelay $0x3  }
0x33: {  	p0 =	seq.s32 s10, $0x1;
	s10 =	sld [smem:$0x3FB2];
	_ =	sdelay $0x3  }
0x34: {  	[smem:$0x3FB2] =	sst s10  }
0x35: {  	s10 =	sld [smem:$0x3FB1];
	_ =	sdelay $0x3  }
0x36: {  	p1 =	seq.s32 s10, $0x1;
	s10 =	sld [smem:$0x3FB2];
	_ =	sdelay $0x3  }
0x37: {  	[smem:$0x3FB2] =	sst s10  }
0x38: {  	s10 =	sld [smem:$0x3FB3]  }
0x39: {  	_ = 	snop;
	(pc) =	sbr.ind lr, $3  }
0x3a: {  	_ = 	snop  }
0x3b: {  	_ = 	snop  }
0x3c: {  	p2 =	seq.s32 s10, $0x1;
	s10 =	sld [smem:$0x3FB2]  }
0x3d: {  	_ =	shalt  }
0x3e: {  	_ =	shalt  }
0x3f: {  	_ =	shalt  }
0x40: {  	_ =	shalt  }
0x41: {  	_ =	shalt  }
0x42: {  	_ =	shalt  }
0x43: {  	_ =	shalt  }
0x44: {  	_ =	shalt  }
0x45: {  	_ =	shalt  }
0x46: {  	_ =	shalt  }
0x47: {  	_ =	shalt  }
0x48: {  	_ =	shalt  }
0x49: {  	_ =	shalt  }
0x4a: {  	_ =	shalt  }
0x4b: {  	_ =	shalt  }
0x4c: {  	_ =	shalt  }
0x4d: {  	_ =	shalt  }
0x4e: {  	_ =	shalt  }
0x4f: {  	_ =	shalt  }
0x50: {  	_ =	shalt  }
0x51: {  	_ =	shalt  }
0x52: {  	_ =	shalt  }
0x53: {  	_ =	shalt  }
0x54: {  	_ =	shalt  }
0x55: {  	_ =	shalt  }
0x56: {  	_ =	shalt  }
0x57: {  	_ =	shalt  }
0x58: {  	_ =	shalt  }
0x59: {  	_ =	shalt  }
0x5a: {  	_ =	shalt  }
0x5b: {  	_ =	shalt  }
0x5c: {  	_ =	shalt  }
0x5d: {  	_ =	shalt  }
0x5e: {  	_ =	shalt  }
0x5f: {  	_ =	shalt  }
0x60: {  	_ =	shalt  }
0x61: {  	_ =	shalt  }
0x62: {  	_ =	shalt  }
0x63: {  	_ =	shalt  }
0x64: {  	_ =	shalt  }
0x65: {  	_ =	shalt  }
0x66: {  	_ =	shalt  }
0x67: {  	_ =	shalt  }
0x68: {  	_ =	shalt  }
0x69: {  	_ =	shalt  }
0x6a: {  	_ =	shalt  }
0x6b: {  	_ =	shalt  }
0x6c: {  	_ =	shalt  }
0x6d: {  	_ =	shalt  }
0x6e: {  	_ =	shalt  }
0x6f: {  	_ =	shalt  }
0x70: {  	_ =	shalt  }
0x71: {  	_ =	shalt  }
0x72: {  	_ =	shalt  }
0x73: {  	_ =	shalt  }
0x74: {  	_ =	shalt  }
0x75: {  	_ =	shalt  }
0x76: {  	_ =	shalt  }
0x77: {  	_ =	shalt  }
0x78: {  	_ =	shalt  }
0x79: {  	_ =	shalt  }
0x7a: {  	_ =	shalt  }
0x7b: {  	_ =	shalt  }
0x7c: {  	_ =	shalt  }
0x7d: {  	_ =	shalt  }
0x7e: {  	_ =	shalt  }
0x7f: {  	_ =	shalt  }
0x80: {  	_ =	shalt  }
0x81: {  	_ =	shalt  }
0x82: {  	_ =	shalt  }
0x83: {  	_ =	shalt  }
0x84: {  	_ =	shalt  }
0x85: {  	_ =	shalt  }
0x86: {  	_ =	shalt  }
0x87: {  	_ =	shalt  }
.Lfunc_end0:
.L_simem_size_0:
called_computation_lowered:
.L_overlay_start_0:
0x88: {  	s2 =	sld [smem:$0x3FD9]  }
0x89: {  	s3 =	sld [smem:$0x3FFE];
	_ =	sdelay $0x1  }
0x8a: {  	s1 =	srdreg.scid  }
0x8b: {  	s0 =	sand.u32 $0x1, s1  }
0x8c: {  	s14 =	sshll.u32 s0, $0xA;
	s2 =	sadd.s32 s3, s2  }
0x8d: {  	s2 =	sadd.s32 s2, s14  }
0x8e: {  	[smem:$0x3FBE] =	sst s2  }
0x8f: {  	_ = 	snop  }
0x90: {  	s2 =	sld [smem:$0x3FD0];
	_ =	sdelay $0x2  }
0x91: {  	s15 =	simm.s32 $0xA;
	s4 =	simm.s32 $0x10  }
0x92: {  	[smem:s4], [sflag:s15] =	dma.local [hbm:s2], $0x1  }
0x93: {  	_ =	swait.eq [sflag:s15], $0x1  }
0x94: {  	[sflag:s15] =	ssyncset.done $0x0  }
0x95: {  	[sflag:s15] =	ssyncadd.s32 $0xFFFFFFFF  }
0x96: {  	s16 =	sld [smem:$0x11];
	(tm) =	ssettm $0x1  }
0x97: {  	s17 =	sld [smem:$0x3FFB];
	_ =	sdelay $0x3  }
0x98: {  	_ =	strace s17  }
0x99: {  	s3 =	sld [smem:$0x3FFC];
	_ =	sdelay $0x3  }
0x9a: {  	_ =	strace s3  }
0x9b: {  	s3 =	sld [smem:$0x3FFD];
	_ =	sdelay $0x3  }
0x9c: {  	_ =	strace s3  }
0x9d: {  	_ =	strace $0x8FFFFFFF  }
0x9e: {  	s18 =	sld [smem:$0x3FDB];
	_ =	sdelay $0x1  }
0x9f: {  	s19 =	simm.s32 $_scs_section_size  }
0xa0: {  	s5 =	simm.s32 $_size__tile_overlayer_lowered;
	s6 =	simm.s32 $_tile_overlayer_lowered  }
0xa1: {  	s22 =	simm.s32 $0x1BFF;
	s21 =	sshll.u32 s6, $0x1;
	s3 =	sadd.s32 s19, s18  }
0xa2: {  	s7 =	simm.s32 $0x0;
	s20 =	sshll.u32 s5, $0x1;
	s5 =	sadd.s32 s21, s3  }
0xa3: {  	[timem:s7], [sflag:s22] =	dma.local [hbm:s5], s20  }
0xa4: {  	_ =	swait.ge [sflag:s22], s20  }
0xa5: {  	s4 =	ssub.s32 $0x0, s20;
	[sflag:s22] =	ssyncset.done $0x0  }
0xa6: {  	[sflag:s22] =	ssyncadd.s32 s4;
	_ =	sdelay $0x1  }
0xa7: {  	s23 =	simm.s32 $0x1B8B  }
0xa8: {  	_ =	swait.ge [sflag:s23], $0x1  }
0xa9: {  	[sflag:s23] =	ssyncset.done $0x0  }
0xaa: {  	s25 =	simm.s32 $0x1B8E;
	s24 =	sld [smem:$0x3FFE];
	[sflag:s23] =	ssyncadd.s32 $0xFFFFFFFF  }
0xab: {  	s26 =	simm.s32 $execute0_lowered;
	[smem:$0x3FD2] =	sst s25  }
0xac: {  	s5 =	sshll.u32 s26, $0x1;
	_ =	strace $0x80000046;
	[dreg:$0x1] =	wrdreg $0xFFFFFFFF  }
0xad: {  	s28 =	simm.s32 $_size_execute0_lowered;
	s3 =	sadd.s32 s3, s5;
	[dreg:$0x0] =	wrdreg $0x0  }
0xae: {  	s5 =	sshll.u32 s28, $0x1;
	[dreg:$0x2] =	wrdreg s3  }
0xaf: {  	[dreg:$0x3] =	wrdreg s5  }
0xb0: {  	[dreg:$0x4] =	wrdreg $0xC0  }
0xb1: {  	_ =	task [dreg:s7], $0x5FFFF  }
0xb2: {  	[dreg:$0x1] =	wrdreg $0xFFFFFFFF  }
0xb3: {  	[dreg:$0x0] =	wrdreg $0x60  }
0xb4: {  	[dreg:$0x2] =	wrdreg s24  }
0xb5: {  	[dreg:$0x3] =	wrdreg s16  }
0xb6: {  	[dreg:$0x4] =	wrdreg $0x0  }
0xb7: {  	[dreg:$0x5] =	wrdreg $0x9  }
0xb8: {  	_ =	task.clear_ibuf [dreg:s7], $0x6FFFF;
	_ =	strace $0x90000046  }
0xb9: {  	s29 =	simm.s32 $0x9;
	_ =	strace $0x80000048  }
0xba: {  	_ =	swait.ge [sflag:s29], $0x1  }
0xbb: {  	[sflag:s29] =	ssyncadd.s32 $0xFFFFFFFF  }
0xbc: {  	_ =	strace $0x90000048  }
0xbd: {  	_ =	sfence  }
0xbe: {  	s30 =	sld [smem:$0x0];
	_ =	sdelay $0x2  }
0xbf: {  	s31 =	sshll.u32 s1, $0xD;
	s1 =	sshrl.u32 s1, $0x2  }
0xc0: {  	s3 =	sand.u32 $0x4000, s31;
	s1 =	sadd.s32 s1, s30  }
0xc1: {  	s0 =	sor.u32 s3, s0;
	s1 =	sshll.u32 s1, $0x11  }
0xc2: {  	s0 =	sor.u32 s1, s0  }
0xc3: {  	s0 =	sadd.s32 $0x8F2B, s0  }
0xc4: {  	[sflag:s0] =	ssyncadd.remote.s32 $0x1  }
0xc5: {  	_ =	sfence.sel $0xFFFF  }
0xc6: {  	[dreg:$0x0] =	wrdreg $0xFFFFFFFF;
	(pc) =	sbr.abs _section_cstart, $3  }
0xc7: {  	[dreg:$0x1] =	wrdreg $0xFFFFFFFF  }
0xc8: {  	_ =	task.clear_ibuf [dreg:s7], $0x2FFFF;
	_ =	strace $0x9FFFFFFF  }
0xc9: {  	(tm) =	ssettm $0x7FFFFFFF  }
tec
execute0_lowered:
.L_overlay_start_1:
0x0: {  	(tag) =	ssettag $0x1  }
0x1: {  	s4 =	rddreg [dreg:$0x0]  }
0x2: {  	s6 =	rddreg [dreg:$0x1]  }
0x3: {  	s0 =	srdreg.scid;
	s2 =	rddreg [dreg:$0x2]  }
0x4: {  	s1 =	stileid.u32;
	s3 =	simm.s32 $0x0;
	s11 =	simm.s32 $0x400  }
0x5: {  	s12 =	simm.s32 $0x2A80;
	s13 =	simm.s32 $0x680;
	s14 =	simm.s32 $0xA80  }
0x6: {  	s15 =	simm.s32 $0xE80;
	s16 =	simm.s32 $0x1280;
	s17 =	simm.s32 $0x1680  }
0x7: {  	s18 =	simm.s32 $0x1A80;
	s19 =	simm.s32 $0x1E80;
	s20 =	simm.s32 $0x2280  }
0x8: {  	s21 =	simm.s32 $0x2680;
	s24 =	simm.s32 $0x20;
	s25 =	simm.s32 $0x10  }
0x9: {  	s5 =	sand.u32 $0x1, s0;
	s0 =	rddreg [dreg:$0x3];
	s8 =	smul.u32 $0x500, s1  }
0xa: {  	s26 =	simm.s32 $0x0;
	[smem:$0x7FF] =	sst s3;
	s10 =	smul.u32 $0xA00, s1  }
0xb: {  	s22 =	sshll.u32 s1, $0x6;
	s7 =	smul.u32 $0x5000, s5;
	_ =	strace $0x80000047  }
0xc: {  	s9 =	ssub.s32 $0x2, s5;
	s5 =	sshll.u32 s5, $0x7;
	s22 =	sor.u32 $0x1C01, s22  }
0xd: {  	s29 =	sshrl.u32 s9, $0x1;
	s5 =	sor.u32 s5, s8;
	s30 =	sshrl.u32 s10, $0x2  }
0xe: {  	s10 =	simm.s32 $0x2E80;
	s7 =	sadd.s32 s8, s7;
	s31 =	sshrl.u32 s5, $0x3  }
0xf: {  	s5 =	sadd.s32 s30, s2;
	s8 =	simm.s32 $0x280;
	s4 =	sadd.s32 s7, s4  }
0x10: {  	s7 =	ssub.s32 s9, s29;
	s6 =	sadd.s32 s6, s31;
	s9 =	simm.s32 $0x1  }
0x11: {  	v0 =	vimm.f32 $1.000000000e+00;
	v1 =	vimm.f32 $0.0e+00;
	s23 =	sshrl.u32 s5, $0x3;
	s4 =	sadd.s32 $0x3000, s4;
	s7 =	smax.u32 s7, $0x1  }
.LBB2_1:
0x12: {  	[tilespmem:s8], [sflag:$0x1] =	stream.linear.gather [hbm4b:s4+s3], $0x2800, $0x38;
	[tilespmem:$0x3100] =	vst v63  }
0x13: {  	_ =	swait.ge [sflag:s9], $0x2800  }
0x14: {  	[sflag:s9] =	ssyncset.done $0x0  }
0x15: {  	s28 =	simm.s32 $0x40;
	s29 =	simm.s32 $0x0;
	[sflag:s9] =	ssyncadd.s32 $0xFFFFD800  }
.LBB2_2:
0x16: {  	p0 =	sne.s32 s28, $0xFC0;
	[tilespmem:s29+$0x2A80] =	vst v0;
	s29 =	smov.u32 s28;
	s28 =	sadd.s32 $0x40, s28  }
.Ltmp0:
0x17: {  	(pc) =	sbr.rel @p0 .LBB2_2-.Ltmp0, $2  }
0x18: {  	_ =	sdelay $0x2  }
0x19: {  	s29 =	sshra.s32 s29, $0x2  }
0x1a: {  	[tilespmem:s29+$0x2A80] =	vst v0  }
0x1b: {  	[tilespmem:$0x2E80] =	vst v1  }
0x1c: {  	[tilespmem:$0x2E90] =	vst v1  }
0x1d: {  	[tilespmem:$0x2EA0] =	vst v1  }
0x1e: {  	[tilespmem:$0x2EB0] =	vst v1  }
0x1f: {  	[tilespmem:$0x2EC0] =	vst v1  }
0x20: {  	[tilespmem:$0x2ED0] =	vst v1  }
0x21: {  	[tilespmem:$0x2EE0] =	vst v1  }
0x22: {  	[tilespmem:$0x2EF0] =	vst v1  }
0x23: {  	[tilespmem:$0x2F00] =	vst v1  }
0x24: {  	[tilespmem:$0x2F10] =	vst v1  }
0x25: {  	[tilespmem:$0x2F20] =	vst v1  }
0x26: {  	[tilespmem:$0x2F30] =	vst v1  }
0x27: {  	[tilespmem:$0x2F40] =	vst v1  }
0x28: {  	[tilespmem:$0x2F50] =	vst v1  }
0x29: {  	[tilespmem:$0x2F60] =	vst v1  }
0x2a: {  	[tilespmem:$0x2F70] =	vst v1  }
0x2b: {  	[tilespmem:$0x2F80] =	vst v1  }
0x2c: {  	[tilespmem:$0x2F90] =	vst v1  }
0x2d: {  	[tilespmem:$0x2FA0] =	vst v1  }
0x2e: {  	[tilespmem:$0x2FB0] =	vst v1  }
0x2f: {  	[tilespmem:$0x2FC0] =	vst v1  }
0x30: {  	[tilespmem:$0x2FD0] =	vst v1  }
0x31: {  	[tilespmem:$0x2FE0] =	vst v1  }
0x32: {  	[tilespmem:$0x2FF0] =	vst v1  }
0x33: {  	[tilespmem:$0x3000] =	vst v1  }
0x34: {  	[tilespmem:$0x3010] =	vst v1  }
0x35: {  	[tilespmem:$0x3020] =	vst v1  }
0x36: {  	[tilespmem:$0x3030] =	vst v1  }
0x37: {  	[tilespmem:$0x3040] =	vst v1  }
0x38: {  	[tilespmem:$0x3050] =	vst v1  }
0x39: {  	[tilespmem:$0x3060] =	vst v1  }
0x3a: {  	[tilespmem:$0x3070] =	vst v1  }
0x3b: {  	[tilespmem:$0x3080] =	vst v1  }
0x3c: {  	[tilespmem:$0x3090] =	vst v1  }
0x3d: {  	[tilespmem:$0x30A0] =	vst v1  }
0x3e: {  	[tilespmem:$0x30B0] =	vst v1  }
0x3f: {  	[tilespmem:$0x30C0] =	vst v1  }
0x40: {  	[tilespmem:$0x30D0] =	vst v1  }
0x41: {  	[tilespmem:$0x30E0] =	vst v1  }
0x42: {  	[tilespmem:$0x30F0] =	vst v1  }
0x43: {  	[spmem:s5] =	stream.linear.scatter [tilespmem:s10], [sflag:$0x1], $0x280, $0x38;
	[tilespmem:$0x3100] =	vst v63  }
0x44: {  	_ =	swait.ge [sflag:s9], $0x280  }
0x45: {  	[sflag:s9] =	ssyncset.done $0x0  }
0x46: {  	[sflag:s9] =	ssyncadd.s32 $0xFFFFFD80  }
0x47: {  	[bflag:$0x0] =	sbarrier.arrive $0xFFFF  }
0x48: {  	[spmem:s2] =	stream.indirect.scatter.add.f32 [tilespmem:s12], [sflag:$0x1], $0x1, s8, s11, $0xb8;
	[tilespmem:$0x3100] =	vst v63  }
0x49: {  	_ =	swait.ge [sflag:s9], $0x400  }
0x4a: {  	[sflag:s9] =	ssyncset.done $0x0  }
0x4b: {  	[sflag:s9] =	ssyncadd.s32 $0xFFFFFC00  }
0x4c: {  	[spmem:s2] =	stream.indirect.scatter.add.f32 [tilespmem:s12], [sflag:$0x1], $0x1, s13, s11, $0xb8;
	[tilespmem:$0x3100] =	vst v63  }
0x4d: {  	_ =	swait.ge [sflag:s9], $0x400  }
0x4e: {  	[sflag:s9] =	ssyncset.done $0x0  }
0x4f: {  	[sflag:s9] =	ssyncadd.s32 $0xFFFFFC00  }
0x50: {  	[spmem:s2] =	stream.indirect.scatter.add.f32 [tilespmem:s12], [sflag:$0x1], $0x1, s14, s11, $0xb8;
	[tilespmem:$0x3100] =	vst v63  }
0x51: {  	_ =	swait.ge [sflag:s9], $0x400  }
0x52: {  	[sflag:s9] =	ssyncset.done $0x0  }
0x53: {  	[sflag:s9] =	ssyncadd.s32 $0xFFFFFC00  }
0x54: {  	[spmem:s2] =	stream.indirect.scatter.add.f32 [tilespmem:s12], [sflag:$0x1], $0x1, s15, s11, $0xb8;
	[tilespmem:$0x3100] =	vst v63  }
0x55: {  	_ =	swait.ge [sflag:s9], $0x400  }
0x56: {  	[sflag:s9] =	ssyncset.done $0x0  }
0x57: {  	[sflag:s9] =	ssyncadd.s32 $0xFFFFFC00  }
0x58: {  	[spmem:s2] =	stream.indirect.scatter.add.f32 [tilespmem:s12], [sflag:$0x1], $0x1, s16, s11, $0xb8;
	[tilespmem:$0x3100] =	vst v63  }
0x59: {  	_ =	swait.ge [sflag:s9], $0x400  }
0x5a: {  	[sflag:s9] =	ssyncset.done $0x0  }
0x5b: {  	[sflag:s9] =	ssyncadd.s32 $0xFFFFFC00  }
0x5c: {  	[spmem:s2] =	stream.indirect.scatter.add.f32 [tilespmem:s12], [sflag:$0x1], $0x1, s17, s11, $0xb8;
	[tilespmem:$0x3100] =	vst v63  }
0x5d: {  	_ =	swait.ge [sflag:s9], $0x400  }
0x5e: {  	[sflag:s9] =	ssyncset.done $0x0  }
0x5f: {  	[sflag:s9] =	ssyncadd.s32 $0xFFFFFC00  }
0x60: {  	[spmem:s2] =	stream.indirect.scatter.add.f32 [tilespmem:s12], [sflag:$0x1], $0x1, s18, s11, $0xb8;
	[tilespmem:$0x3100] =	vst v63  }
0x61: {  	_ =	swait.ge [sflag:s9], $0x400  }
0x62: {  	[sflag:s9] =	ssyncset.done $0x0  }
0x63: {  	[sflag:s9] =	ssyncadd.s32 $0xFFFFFC00  }
0x64: {  	[spmem:s2] =	stream.indirect.scatter.add.f32 [tilespmem:s12], [sflag:$0x1], $0x1, s19, s11, $0xb8;
	[tilespmem:$0x3100] =	vst v63  }
0x65: {  	_ =	swait.ge [sflag:s9], $0x400  }
0x66: {  	[sflag:s9] =	ssyncset.done $0x0  }
0x67: {  	[sflag:s9] =	ssyncadd.s32 $0xFFFFFC00  }
0x68: {  	[spmem:s2] =	stream.indirect.scatter.add.f32 [tilespmem:s12], [sflag:$0x1], $0x1, s20, s11, $0xb8;
	[tilespmem:$0x3100] =	vst v63  }
0x69: {  	_ =	swait.ge [sflag:s9], $0x400  }
0x6a: {  	[sflag:s9] =	ssyncset.done $0x0  }
0x6b: {  	[sflag:s9] =	ssyncadd.s32 $0xFFFFFC00  }
0x6c: {  	[spmem:s2] =	stream.indirect.scatter.add.f32 [tilespmem:s12], [sflag:$0x1], $0x1, s21, s11, $0xb8;
	[tilespmem:$0x3100] =	vst v63  }
0x6d: {  	_ =	swait.ge [sflag:s9], $0x400  }
0x6e: {  	s26 =	sadd.s32 $0x1, s26;
	[sflag:s9] =	ssyncset.done $0x0  }
0x6f: {  	p0 =	sne.s32 s26, s7;
	[sflag:s9] =	ssyncadd.s32 $0xFFFFFC00  }
.Ltmp1:
0x70: {  	[bflag:$0x0] =	sbarrier.arrive $0xFFFF;
	(pc) =	sbr.rel @p0 .LBB2_1-.Ltmp1, $4  }
0x71: {  	[hbm:s6@s24], [sflag:s22] =	dma.strided [spmem:s23@s25], $0x50, s9, $0x10   }
0x72: {  	_ =	swait.ge [sflag:s9], $0x50  }
0x73: {  	[sflag:s9] =	ssyncset.done $0x0  }
0x74: {  	[sflag:s9] =	ssyncadd.s32 $0xFFFFFFB0  }
0x75: {  	_ =	sfence.sel $0x180000  }
0x76: {  	[bflag:$0x0] =	sbarrier.arrive $0xFFFF  }
0x77: {  	p0 =	sne.s32 s1, $0x0;
	_ =	strace $0x90000047  }
0x78: {  	s0 =	sadd.s32 @!p0 $0x100000, s0;
	[bflag:$0x2] =	sbarrier.arrive $0xFFFF  }
0x79: {  	[sflag:s0] =	ssyncadd.tile.s32 @!p0 $0x1;
	_ =	shalt  }
.Lfunc_end2:
_tile_overlayer_lowered:
.L_overlay_start_2:
0x7a: {  	(tag) =	ssettag $0x2  }
0x7b: {  	s0 =	rddreg [dreg:$0x0];
	s2 =	stileid.u32  }
0x7c: {  	s1 =	rddreg [dreg:$0x1];
	p0 =	sne.s32 s2, $0x0  }
0x7d: {  	s3 =	rddreg [dreg:$0x2];
	[bflag:$0x3] =	sbarrier.arrive $0xFFFF;
	s2 =	simm.s32 @!p0 $0x1C01  }
0x7e: {  	[timem:s3], [sflag:s2] =	dma.local @!p0 [hbm:s0], s1  }
0x7f: {  	s0 =	simm.s32 @!p0 $0x1  }
0x80: {  	_ =	swait.ge @!p0 [sflag:s0], s1  }
0x81: {  	s1 =	ssub.s32 @!p0 $0x0, s1;
	[sflag:s0] =	ssyncset.done @!p0 $0x0  }
0x82: {  	[sflag:s0] =	ssyncadd.s32 @!p0 s1  }
0x83: {  	[bflag:$0x3] =	sbarrier.arrive $0xFFFF  }
0x84: {  	_ =	shalt  }

// kernel: kernel.13.cloned.1.call-start
scs
__scs_entry_jumppad:
0x0: {  	(pc) =	sbr.rel $0x88, $3  }
0x1: {  	(tag) =	ssettag $0x0;
	lr =	simm.s32 $0x1  }
0x2: {  	[smem:$0x3F97] =	sst lr;
	_ =	strace $0xD0000000  }
0x3: {  	_ = 	snop  }
0x4: {  	_ = 	snop  }
0x5: {  	_ = 	snop  }
0x6: {  	_ = 	snop  }
0x7: {  	_ = 	snop  }
__scs_overlays_trampoline_lowered:
0x8: {  	[smem:$0x3FA6] =	sst s0  }
0x9: {  	[smem:$0x3FA7] =	sst s1  }
0xa: {  	[smem:$0x3FA8] =	sst s2  }
0xb: {  	[smem:$0x3FA9] =	sst s3  }
0xc: {  	[smem:$0x3FAA] =	sst s4  }
0xd: {  	[smem:$0x3FAB] =	sst s5  }
0xe: {  	[smem:$0x3FAC] =	sst s6  }
0xf: {  	[smem:$0x3FAD] =	sst s7  }
0x10: {  	[smem:$0x3FAE] =	sst s8  }
0x11: {  	[smem:$0x3FAF] =	sst s9;
	s0 =	simm.s32 @!p0 $0x0  }
0x12: {  	s1 =	sld [smem:$0x3F95];
	s0 =	simm.s32 @p0 $0x1  }
0x13: {  	[smem:$0x3FB0] =	sst s0;
	s0 =	simm.s32 @!p1 $0x0  }
0x14: {  	s2 =	sld [smem:$0x3F94];
	s0 =	simm.s32 @p1 $0x1  }
0x15: {  	[smem:$0x3FB1] =	sst s0;
	s0 =	simm.s32 @!p2 $0x0  }
0x16: {  	s3 =	sld [smem:$0x3FDB];
	s0 =	simm.s32 @p2 $0x1  }
0x17: {  	s4 =	simm.s32 $0x1BF5;
	[smem:$0x3FB3] =	sst s0  }
0x18: {  	s0 =	sld [smem:$0x3F96];
	_ =	swait.ge [sflag:s4], $0x0  }
0x19: {  	s7 =	sld [smem:$0x3F97]  }
0x1a: {  	s8 =	sadd.s32 $0xFFFFE003, lr  }
0x1b: {  	s9 =	sadd.s32 $0xFFFFFEF7, lr;
	s5 =	simm.s32 $0xFFFFFFFF;
	p2 =	slt.u32 s8, $0xFFFFF086  }
0x1c: {  	p1 =	slt.u32 s9, $0xF7A;
	s5 =	simm.s32 @!p2 $0x0  }
0x1d: {  	s5 =	simm.s32 @p1 $0x1;
	p0 =	seq.s32 s7, s2  }
0x1e: {  	s7 =	smul.u32 @!p0 $0xF7A, s2;
	p2 =	seq.s32 @!p0 s5, $0x0  }
0x1f: {  	s9 =	smul.u32 $0xF7A, s1;
	s8 =	simm.s32 @!p0 $0x1BF5;
	p2 =	por !p2, p0  }
0x20: {  	[sflag:s8] =	ssyncset.s32 @!p0 $0xFFFFF086;
	s6 =	sadd.s32 @!p0 s3, s7;
	s7 =	simm.s32 @!p0 $0x108  }
0x21: {  	s3 =	sadd.s32 s3, s9;
	s6 =	sadd.s32 @!p0 $0x88, s6;
	s7 =	simm.s32 @p2 $0x1082  }
0x22: {  	[simem:s7], [sflag:s8] =	dma.local @!p0 [hbm:s6], $0xF7A  }
0x23: {  	s9 =	sor.u32 $0xD0000000, s2;
	s6 =	simm.s32 $0x108;
	_ =	swait.ge @!p0 [sflag:s8], $0x0  }
0x24: {  	s3 =	sadd.s32 $0x88, s3;
	s6 =	simm.s32 @!p1 $0x1082;
	[sflag:s4] =	ssyncset.s32 $0xFFFFF086  }
0x25: {  	[simem:s6], [sflag:s4] =	dma.local [hbm:s3], $0xF7A  }
0x26: {  	[smem:$0x3F97] =	sst s1;
	(tag) =	ssettag s2;
	_ =	strace s9  }
0x27: {  	s1 =	sld [smem:$0x3FA7]  }
0x28: {  	s2 =	sld [smem:$0x3FA8]  }
0x29: {  	s4 =	sld [smem:$0x3FAA]  }
0x2a: {  	p0 =	seq.s32 s5, $0x0;
	s5 =	sld [smem:$0x3FAB]  }
0x2b: {  	s6 =	sld [smem:$0x3FAC]  }
0x2c: {  	s7 =	sld [smem:$0x3FAD]  }
0x2d: {  	s3 =	simm.s32 $0x108;
	s8 =	sld [smem:$0x3FAE]  }
0x2e: {  	s3 =	simm.s32 @!p0 $0x1082;
	s9 =	sld [smem:$0x3FAF]  }
0x2f: {  	lr =	sadd.s32 s0, s3;
	s0 =	sld [smem:$0x3FA6]  }
0x30: {  	s3 =	sld [smem:$0x3FA9]  }
0x31: {  	[smem:$0x3FB2] =	sst s10  }
0x32: {  	s10 =	sld [smem:$0x3FB0];
	_ =	sdelay $0x3  }
0x33: {  	p0 =	seq.s32 s10, $0x1;
	s10 =	sld [smem:$0x3FB2];
	_ =	sdelay $0x3  }
0x34: {  	[smem:$0x3FB2] =	sst s10  }
0x35: {  	s10 =	sld [smem:$0x3FB1];
	_ =	sdelay $0x3  }
0x36: {  	p1 =	seq.s32 s10, $0x1;
	s10 =	sld [smem:$0x3FB2];
	_ =	sdelay $0x3  }
0x37: {  	[smem:$0x3FB2] =	sst s10  }
0x38: {  	s10 =	sld [smem:$0x3FB3]  }
0x39: {  	_ = 	snop;
	(pc) =	sbr.ind lr, $3  }
0x3a: {  	_ = 	snop  }
0x3b: {  	_ = 	snop  }
0x3c: {  	p2 =	seq.s32 s10, $0x1;
	s10 =	sld [smem:$0x3FB2]  }
0x3d: {  	_ =	shalt  }
0x3e: {  	_ =	shalt  }
0x3f: {  	_ =	shalt  }
0x40: {  	_ =	shalt  }
0x41: {  	_ =	shalt  }
0x42: {  	_ =	shalt  }
0x43: {  	_ =	shalt  }
0x44: {  	_ =	shalt  }
0x45: {  	_ =	shalt  }
0x46: {  	_ =	shalt  }
0x47: {  	_ =	shalt  }
0x48: {  	_ =	shalt  }
0x49: {  	_ =	shalt  }
0x4a: {  	_ =	shalt  }
0x4b: {  	_ =	shalt  }
0x4c: {  	_ =	shalt  }
0x4d: {  	_ =	shalt  }
0x4e: {  	_ =	shalt  }
0x4f: {  	_ =	shalt  }
0x50: {  	_ =	shalt  }
0x51: {  	_ =	shalt  }
0x52: {  	_ =	shalt  }
0x53: {  	_ =	shalt  }
0x54: {  	_ =	shalt  }
0x55: {  	_ =	shalt  }
0x56: {  	_ =	shalt  }
0x57: {  	_ =	shalt  }
0x58: {  	_ =	shalt  }
0x59: {  	_ =	shalt  }
0x5a: {  	_ =	shalt  }
0x5b: {  	_ =	shalt  }
0x5c: {  	_ =	shalt  }
0x5d: {  	_ =	shalt  }
0x5e: {  	_ =	shalt  }
0x5f: {  	_ =	shalt  }
0x60: {  	_ =	shalt  }
0x61: {  	_ =	shalt  }
0x62: {  	_ =	shalt  }
0x63: {  	_ =	shalt  }
0x64: {  	_ =	shalt  }
0x65: {  	_ =	shalt  }
0x66: {  	_ =	shalt  }
0x67: {  	_ =	shalt  }
0x68: {  	_ =	shalt  }
0x69: {  	_ =	shalt  }
0x6a: {  	_ =	shalt  }
0x6b: {  	_ =	shalt  }
0x6c: {  	_ =	shalt  }
0x6d: {  	_ =	shalt  }
0x6e: {  	_ =	shalt  }
0x6f: {  	_ =	shalt  }
0x70: {  	_ =	shalt  }
0x71: {  	_ =	shalt  }
0x72: {  	_ =	shalt  }
0x73: {  	_ =	shalt  }
0x74: {  	_ =	shalt  }
0x75: {  	_ =	shalt  }
0x76: {  	_ =	shalt  }
0x77: {  	_ =	shalt  }
0x78: {  	_ =	shalt  }
0x79: {  	_ =	shalt  }
0x7a: {  	_ =	shalt  }
0x7b: {  	_ =	shalt  }
0x7c: {  	_ =	shalt  }
0x7d: {  	_ =	shalt  }
0x7e: {  	_ =	shalt  }
0x7f: {  	_ =	shalt  }
0x80: {  	_ =	shalt  }
0x81: {  	_ =	shalt  }
0x82: {  	_ =	shalt  }
0x83: {  	_ =	shalt  }
0x84: {  	_ =	shalt  }
0x85: {  	_ =	shalt  }
0x86: {  	_ =	shalt  }
0x87: {  	_ =	shalt  }
.Lfunc_end0:
.L_simem_size_0:
called_computation.1_lowered:
.L_overlay_start_0:
0x88: {  	s2 =	sld [smem:$0x3FD9]  }
0x89: {  	s3 =	sld [smem:$0x3FFE];
	_ =	sdelay $0x1  }
0x8a: {  	s1 =	srdreg.scid  }
0x8b: {  	s0 =	sand.u32 $0x1, s1  }
0x8c: {  	s14 =	sshll.u32 s0, $0xA;
	s2 =	sadd.s32 s3, s2  }
0x8d: {  	s2 =	sadd.s32 s2, s14  }
0x8e: {  	[smem:$0x3FBE] =	sst s2  }
0x8f: {  	_ = 	snop  }
0x90: {  	s2 =	sld [smem:$0x3FD0];
	_ =	sdelay $0x2  }
0x91: {  	s15 =	simm.s32 $0xA;
	s4 =	simm.s32 $0x10  }
0x92: {  	[smem:s4], [sflag:s15] =	dma.local [hbm:s2], $0x1  }
0x93: {  	_ =	swait.eq [sflag:s15], $0x1  }
0x94: {  	[sflag:s15] =	ssyncset.done $0x0  }
0x95: {  	[sflag:s15] =	ssyncadd.s32 $0xFFFFFFFF  }
0x96: {  	s16 =	sld [smem:$0x10];
	(tm) =	ssettm $0x1  }
0x97: {  	s17 =	sld [smem:$0x3FFB];
	_ =	sdelay $0x3  }
0x98: {  	_ =	strace s17  }
0x99: {  	s3 =	sld [smem:$0x3FFC];
	_ =	sdelay $0x3  }
0x9a: {  	_ =	strace s3  }
0x9b: {  	s3 =	sld [smem:$0x3FFD];
	_ =	sdelay $0x3  }
0x9c: {  	_ =	strace s3  }
0x9d: {  	_ =	strace $0x8FFFFFFF  }
0x9e: {  	s18 =	sld [smem:$0x3FDB];
	_ =	sdelay $0x1  }
0x9f: {  	s19 =	simm.s32 $_scs_section_size  }
0xa0: {  	s5 =	simm.s32 $_size__tile_overlayer_lowered;
	s6 =	simm.s32 $_tile_overlayer_lowered  }
0xa1: {  	s22 =	simm.s32 $0x1BFF;
	s21 =	sshll.u32 s6, $0x1;
	s3 =	sadd.s32 s19, s18  }
0xa2: {  	s7 =	simm.s32 $0x0;
	s20 =	sshll.u32 s5, $0x1;
	s5 =	sadd.s32 s21, s3  }
0xa3: {  	[timem:s7], [sflag:s22] =	dma.local [hbm:s5], s20  }
0xa4: {  	_ =	swait.ge [sflag:s22], s20  }
0xa5: {  	s4 =	ssub.s32 $0x0, s20;
	[sflag:s22] =	ssyncset.done $0x0  }
0xa6: {  	[sflag:s22] =	ssyncadd.s32 s4;
	_ =	sdelay $0x1  }
0xa7: {  	s23 =	simm.s32 $0x1B8B  }
0xa8: {  	_ =	swait.ge [sflag:s23], $0x1  }
0xa9: {  	[sflag:s23] =	ssyncset.done $0x0  }
0xaa: {  	s25 =	simm.s32 $0x1B8E;
	s24 =	sld [smem:$0x3FFE];
	[sflag:s23] =	ssyncadd.s32 $0xFFFFFFFF  }
0xab: {  	s26 =	simm.s32 $execute0_lowered;
	[smem:$0x3FD2] =	sst s25  }
0xac: {  	s5 =	sshll.u32 s26, $0x1;
	_ =	strace $0x80000049;
	[dreg:$0x1] =	wrdreg $0xFFFFFFFF  }
0xad: {  	s28 =	simm.s32 $_size_execute0_lowered;
	s3 =	sadd.s32 s3, s5;
	[dreg:$0x0] =	wrdreg $0x0  }
0xae: {  	s5 =	sshll.u32 s28, $0x1;
	[dreg:$0x2] =	wrdreg s3  }
0xaf: {  	[dreg:$0x3] =	wrdreg s5  }
0xb0: {  	[dreg:$0x4] =	wrdreg $0xC0  }
0xb1: {  	_ =	task [dreg:s7], $0x5FFFF  }
0xb2: {  	[dreg:$0x1] =	wrdreg $0xFFFFFFFF  }
0xb3: {  	[dreg:$0x0] =	wrdreg $0x60  }
0xb4: {  	[dreg:$0x2] =	wrdreg s24  }
0xb5: {  	[dreg:$0x3] =	wrdreg s16  }
0xb6: {  	[dreg:$0x4] =	wrdreg $0x0  }
0xb7: {  	[dreg:$0x5] =	wrdreg $0x9  }
0xb8: {  	_ =	task.clear_ibuf [dreg:s7], $0x6FFFF;
	_ =	strace $0x90000049  }
0xb9: {  	s29 =	simm.s32 $0x9;
	_ =	strace $0x8000004B  }
0xba: {  	_ =	swait.ge [sflag:s29], $0x1  }
0xbb: {  	[sflag:s29] =	ssyncadd.s32 $0xFFFFFFFF  }
0xbc: {  	_ =	strace $0x9000004B  }
0xbd: {  	_ =	sfence  }
0xbe: {  	s30 =	sld [smem:$0x0];
	_ =	sdelay $0x2  }
0xbf: {  	s31 =	sshll.u32 s1, $0xD;
	s1 =	sshrl.u32 s1, $0x2  }
0xc0: {  	s3 =	sand.u32 $0x4000, s31;
	s1 =	sadd.s32 s1, s30  }
0xc1: {  	s0 =	sor.u32 s3, s0;
	s1 =	sshll.u32 s1, $0x11  }
0xc2: {  	s0 =	sor.u32 s1, s0  }
0xc3: {  	s0 =	sadd.s32 $0x8F2B, s0  }
0xc4: {  	[sflag:s0] =	ssyncadd.remote.s32 $0x1  }
0xc5: {  	_ =	sfence.sel $0xFFFF  }
0xc6: {  	[dreg:$0x0] =	wrdreg $0xFFFFFFFF;
	(pc) =	sbr.abs _section_cstart, $3  }
0xc7: {  	[dreg:$0x1] =	wrdreg $0xFFFFFFFF  }
0xc8: {  	_ =	task.clear_ibuf [dreg:s7], $0x2FFFF;
	_ =	strace $0x9FFFFFFF  }
0xc9: {  	(tm) =	ssettm $0x7FFFFFFF  }
tec
execute0_lowered:
.L_overlay_start_1:
0x0: {  	(tag) =	ssettag $0x1  }
0x1: {  	s5 =	rddreg [dreg:$0x0]  }
0x2: {  	s13 =	rddreg [dreg:$0x1];
	s1 =	srdreg.scid  }
0x3: {  	s0 =	stileid.u32;
	s2 =	rddreg [dreg:$0x2]  }
0x4: {  	s3 =	simm.s32 $0x0;
	s19 =	simm.s32 $0x80;
	s7 =	smul.u32 $0x14000, s0  }
0x5: {  	s20 =	simm.s32 $0x15000;
	s21 =	simm.s32 $0x19000;
	s9 =	smul.u32 $0x50, s0  }
0x6: {  	s22 =	simm.s32 $0x1;
	s23 =	simm.s32 $0x2;
	s26 =	smul.u32 $0x50000, s0  }
0x7: {  	s24 =	simm.s32 $0x3;
	s10 =	sand.u32 $0x1, s1;
	s17 =	smul.u32 $0x500, s0  }
0x8: {  	s25 =	simm.s32 $0x0;
	[smem:$0x7FF] =	sst s3;
	s4 =	smul.u32 $0x140000, s10  }
0x9: {  	s14 =	sadd.s32 $0x3000, s5;
	s6 =	smul.u32 $0x500, s10;
	s11 =	ssub.s32 $0x2, s10  }
0xa: {  	_ =	strace $0x8000004A;
	s16 =	smul.u32 $0x5000, s10;
	s28 =	sshrl.u32 s11, $0x1  }
0xb: {  	s29 =	sshrl.u32 s26, $0x2;
	s8 =	sadd.s32 s7, s4;
	s4 =	sadd.s32 $0xD200, s5  }
0xc: {  	s6 =	sadd.s32 s9, s6;
	s15 =	ssub.s32 s11, s28;
	s7 =	sadd.s32 s7, s2  }
0xd: {  	s30 =	sadd.s32 s29, s2;
	s18 =	sadd.s32 s16, s13;
	s8 =	sshrl.u32 s8, $0x3  }
0xe: {  	s6 =	sshll.u32 s6, $0x4;
	s9 =	sadd.s32 $0x8000, s30;
	s10 =	sadd.s32 $0xC000, s30  }
0xf: {  	s11 =	sadd.s32 $0x10000, s30;
	s31 =	sadd.s32 s17, s18;
	s18 =	simm.s32 $0x14800  }
0x10: {  	s12 =	sadd.s32 s8, s5;
	s5 =	sadd.s32 s13, s6;
	s6 =	sadd.s32 s14, s6  }
0x11: {  	s8 =	sadd.s32 $0x4000, s30;
	s14 =	sadd.s32 s16, s14;
	s13 =	smax.u32 s15, $0x1  }
0x12: {  	s12 =	sadd.s32 $0x35200, s12;
	s16 =	sadd.s32 s17, s14;
	s14 =	sadd.s32 $0x80, s31  }
0x13: {  	v0 =	vimm.f32 $0.0e+00;
	s17 =	simm.s32 $0x4;
	s15 =	sadd.s32 $0x80, s16;
	s16 =	simm.s32 $0x14000  }
.LBB2_1:
0x14: {  	[tilespmem:s16], [sflag:$0x4] =	stream.linear.gather [hbm4b:s5+s3], $0x400, $0x38;
	[tilespmem:$0x1D000] =	vst v63  }
0x15: {  	_ =	swait.ge [sflag:s17], $0x400  }
0x16: {  	[sflag:s17] =	ssyncset.done $0x0  }
0x17: {  	[sflag:s17] =	ssyncadd.s32 $0xFFFFFC00  }
0x18: {  	[tilespmem:s18], [sflag:$0x4] =	stream.linear.gather [hbm4b:s6+s3], $0x400, $0x38;
	[tilespmem:$0x1D000] =	vst v63  }
0x19: {  	_ =	swait.ge [sflag:s17], $0x400  }
0x1a: {  	[sflag:s17] =	ssyncset.done $0x0  }
0x1b: {  	s26 =	simm.s32 $0x0;
	s28 =	simm.s32 $0x200;
	[sflag:s17] =	ssyncadd.s32 $0xFFFFFC00  }
0x1c: {  	[tilespmem:s20], [sflag:$0x1] =	stream.indirect.gather [hbm4b:s4+s19], $0x80, s16, s19, $0xb8;
	[tilespmem:$0x1D000] =	vst v63  }
.LBB2_2:
0x1d: {  	p0 =	sne.s32 s28, $0xFE00;
	[tilespmem:s26+$0x19070] =	vst v0  }
0x1e: {  	[tilespmem:s26+$0x19000] =	vst v0  }
0x1f: {  	[tilespmem:s26+$0x19010] =	vst v0  }
.Ltmp0:
0x20: {  	[tilespmem:s26+$0x19020] =	vst v0;
	(pc) =	sbr.rel @p0 .LBB2_2-.Ltmp0, $4  }
0x21: {  	[tilespmem:s26+$0x19030] =	vst v0  }
0x22: {  	[tilespmem:s26+$0x19040] =	vst v0  }
0x23: {  	[tilespmem:s26+$0x19050] =	vst v0  }
0x24: {  	[tilespmem:s26+$0x19060] =	vst v0;
	s26 =	sshra.s32 s28, $0x2;
	s28 =	sadd.s32 $0x200, s28  }
0x25: {  	[tilespmem:s26+$0x19070] =	vst v0  }
0x26: {  	[tilespmem:s26+$0x19000] =	vst v0  }
0x27: {  	[tilespmem:s26+$0x19010] =	vst v0  }
0x28: {  	[tilespmem:s26+$0x19020] =	vst v0  }
0x29: {  	[tilespmem:s26+$0x19030] =	vst v0  }
0x2a: {  	[tilespmem:s26+$0x19040] =	vst v0  }
0x2b: {  	[tilespmem:s26+$0x19050] =	vst v0  }
0x2c: {  	[tilespmem:s26+$0x19060] =	vst v0  }
0x2d: {  	[spmem:s7] =	stream.linear.scatter [tilespmem:s21], [sflag:$0x4], $0x4000, $0x38;
	[tilespmem:$0x1D000] =	vst v63  }
0x2e: {  	_ =	swait.ge [sflag:s17], $0x4000  }
0x2f: {  	[sflag:s17] =	ssyncset.done $0x0  }
0x30: {  	[sflag:s17] =	ssyncadd.s32 $0xFFFFC000  }
0x31: {  	[spmem:s8] =	stream.linear.scatter [tilespmem:s21], [sflag:$0x4], $0x4000, $0x38;
	[tilespmem:$0x1D000] =	vst v63  }
0x32: {  	_ =	swait.ge [sflag:s17], $0x4000  }
0x33: {  	[sflag:s17] =	ssyncset.done $0x0  }
0x34: {  	[sflag:s17] =	ssyncadd.s32 $0xFFFFC000  }
0x35: {  	[spmem:s9] =	stream.linear.scatter [tilespmem:s21], [sflag:$0x4], $0x4000, $0x38;
	[tilespmem:$0x1D000] =	vst v63  }
0x36: {  	_ =	swait.ge [sflag:s17], $0x4000  }
0x37: {  	[sflag:s17] =	ssyncset.done $0x0  }
0x38: {  	[sflag:s17] =	ssyncadd.s32 $0xFFFFC000  }
0x39: {  	[spmem:s10] =	stream.linear.scatter [tilespmem:s21], [sflag:$0x4], $0x4000, $0x38;
	[tilespmem:$0x1D000] =	vst v63  }
0x3a: {  	_ =	swait.ge [sflag:s17], $0x4000  }
0x3b: {  	[sflag:s17] =	ssyncset.done $0x0  }
0x3c: {  	[sflag:s17] =	ssyncadd.s32 $0xFFFFC000  }
0x3d: {  	[spmem:s11] =	stream.linear.scatter [tilespmem:s21], [sflag:$0x4], $0x4000, $0x38;
	[tilespmem:$0x1D000] =	vst v63  }
0x3e: {  	_ =	swait.ge [sflag:s17], $0x4000  }
0x3f: {  	s26 =	simm.s32 $0x400;
	[sflag:s17] =	ssyncset.done $0x0  }
0x40: {  	s29 =	sand.u32 $0x400, s26;
	[sflag:s17] =	ssyncadd.s32 $0xFFFFC000  }
0x41: {  	s28 =	sor.u32 $0x14000, s29;
	[bflag:$0x0] =	sbarrier.arrive $0xFFFF  }
0x42: {  	[tilespmem:s28], [sflag:$0x3] =	stream.linear.gather [hbm4b:s14+s3], $0x400, $0x38;
	[tilespmem:$0x1D000] =	vst v63  }
0x43: {  	s29 =	sor.u32 $0x14800, s29  }
0x44: {  	[tilespmem:s29], [sflag:$0x3] =	stream.linear.gather [hbm4b:s15+s3], $0x400, $0x38;
	[tilespmem:$0x1D000] =	vst v63  }
0x45: {  	s29 =	simm.s32 $0x0;
	_ =	swait.ge [sflag:s22], $0x4000  }
0x46: {  	s29 =	sand.u32 $0x400, s29;
	[sflag:s22] =	ssyncset.done $0x0  }
0x47: {  	s30 =	sor.u32 $0x14080, s29;
	[sflag:s22] =	ssyncadd.s32 $0xFFFFC000  }
0x48: {  	[tilespmem:s21], [sflag:$0x2] =	stream.indirect.gather [hbm4b:s4+s19], $0x80, s30, s19, $0xb8;
	[tilespmem:$0x1D000] =	vst v63  }
0x49: {  	s31 =	sor.u32 $0x14800, s29  }
0x4a: {  	[spmem:s2] =	stream.indirect.scatter.add.f32 [tilespmem:s20], [sflag:$0x4], $0x80, s31, s19, $0xb8;
	[tilespmem:$0x1D000] =	vst v63  }
0x4b: {  	_ =	swait.ge [sflag:s17], $0x4000  }
0x4c: {  	[sflag:s17] =	ssyncset.done $0x0  }
0x4d: {  	[sflag:s17] =	ssyncadd.s32 $0xFFFFC000  }
0x4e: {  	_ =	swait.ge [sflag:s23], $0x4000  }
0x4f: {  	[sflag:s23] =	ssyncset.done $0x0  }
0x50: {  	s1 =	sor.u32 $0x14100, s29;
	[sflag:s23] =	ssyncadd.s32 $0xFFFFC000  }
0x51: {  	[tilespmem:s20], [sflag:$0x1] =	stream.indirect.gather [hbm4b:s4+s19], $0x80, s1, s19, $0xb8;
	[tilespmem:$0x1D000] =	vst v63  }
0x52: {  	s31 =	sor.u32 $0x14880, s29  }
0x53: {  	[spmem:s2] =	stream.indirect.scatter.add.f32 [tilespmem:s21], [sflag:$0x4], $0x80, s31, s19, $0xb8;
	[tilespmem:$0x1D000] =	vst v63  }
0x54: {  	_ =	swait.ge [sflag:s17], $0x4000  }
0x55: {  	[sflag:s17] =	ssyncset.done $0x0  }
0x56: {  	[sflag:s17] =	ssyncadd.s32 $0xFFFFC000  }
0x57: {  	_ =	swait.ge [sflag:s22], $0x4000  }
0x58: {  	[sflag:s22] =	ssyncset.done $0x0  }
0x59: {  	s1 =	sor.u32 $0x14180, s29;
	[sflag:s22] =	ssyncadd.s32 $0xFFFFC000  }
0x5a: {  	[tilespmem:s21], [sflag:$0x2] =	stream.indirect.gather [hbm4b:s4+s19], $0x80, s1, s19, $0xb8;
	[tilespmem:$0x1D000] =	vst v63  }
0x5b: {  	s31 =	sor.u32 $0x14900, s29  }
0x5c: {  	[spmem:s2] =	stream.indirect.scatter.add.f32 [tilespmem:s20], [sflag:$0x4], $0x80, s31, s19, $0xb8;
	[tilespmem:$0x1D000] =	vst v63  }
0x5d: {  	_ =	swait.ge [sflag:s17], $0x4000  }
0x5e: {  	[sflag:s17] =	ssyncset.done $0x0  }
0x5f: {  	[sflag:s17] =	ssyncadd.s32 $0xFFFFC000  }
0x60: {  	_ =	swait.ge [sflag:s23], $0x4000  }
0x61: {  	[sflag:s23] =	ssyncset.done $0x0  }
0x62: {  	s1 =	sor.u32 $0x14200, s29;
	[sflag:s23] =	ssyncadd.s32 $0xFFFFC000  }
0x63: {  	[tilespmem:s20], [sflag:$0x1] =	stream.indirect.gather [hbm4b:s4+s19], $0x80, s1, s19, $0xb8;
	[tilespmem:$0x1D000] =	vst v63  }
0x64: {  	s31 =	sor.u32 $0x14980, s29  }
0x65: {  	[spmem:s2] =	stream.indirect.scatter.add.f32 [tilespmem:s21], [sflag:$0x4], $0x80, s31, s19, $0xb8;
	[tilespmem:$0x1D000] =	vst v63  }
0x66: {  	_ =	swait.ge [sflag:s17], $0x4000  }
0x67: {  	[sflag:s17] =	ssyncset.done $0x0  }
0x68: {  	[sflag:s17] =	ssyncadd.s32 $0xFFFFC000  }
0x69: {  	_ =	swait.ge [sflag:s22], $0x4000  }
0x6a: {  	[sflag:s22] =	ssyncset.done $0x0  }
0x6b: {  	s1 =	sor.u32 $0x14280, s29;
	[sflag:s22] =	ssyncadd.s32 $0xFFFFC000  }
0x6c: {  	[tilespmem:s21], [sflag:$0x2] =	stream.indirect.gather [hbm4b:s4+s19], $0x80, s1, s19, $0xb8;
	[tilespmem:$0x1D000] =	vst v63  }
0x6d: {  	s31 =	sor.u32 $0x14A00, s29  }
0x6e: {  	[spmem:s2] =	stream.indirect.scatter.add.f32 [tilespmem:s20], [sflag:$0x4], $0x80, s31, s19, $0xb8;
	[tilespmem:$0x1D000] =	vst v63  }
0x6f: {  	_ =	swait.ge [sflag:s17], $0x4000  }
0x70: {  	[sflag:s17] =	ssyncset.done $0x0  }
0x71: {  	[sflag:s17] =	ssyncadd.s32 $0xFFFFC000  }
0x72: {  	_ =	swait.ge [sflag:s23], $0x4000  }
0x73: {  	[sflag:s23] =	ssyncset.done $0x0  }
0x74: {  	s1 =	sor.u32 $0x14300, s29;
	[sflag:s23] =	ssyncadd.s32 $0xFFFFC000  }
0x75: {  	[tilespmem:s20], [sflag:$0x1] =	stream.indirect.gather [hbm4b:s4+s19], $0x80, s1, s19, $0xb8;
	[tilespmem:$0x1D000] =	vst v63  }
0x76: {  	s31 =	sor.u32 $0x14A80, s29  }
0x77: {  	[spmem:s2] =	stream.indirect.scatter.add.f32 [tilespmem:s21], [sflag:$0x4], $0x80, s31, s19, $0xb8;
	[tilespmem:$0x1D000] =	vst v63  }
0x78: {  	_ =	swait.ge [sflag:s17], $0x4000  }
0x79: {  	[sflag:s17] =	ssyncset.done $0x0  }
0x7a: {  	[sflag:s17] =	ssyncadd.s32 $0xFFFFC000  }
0x7b: {  	_ =	swait.ge [sflag:s22], $0x4000  }
0x7c: {  	[sflag:s22] =	ssyncset.done $0x0  }
0x7d: {  	s1 =	sor.u32 $0x14380, s29;
	[sflag:s22] =	ssyncadd.s32 $0xFFFFC000  }
0x7e: {  	[tilespmem:s21], [sflag:$0x2] =	stream.indirect.gather [hbm4b:s4+s19], $0x80, s1, s19, $0xb8;
	[tilespmem:$0x1D000] =	vst v63  }
0x7f: {  	s31 =	sor.u32 $0x14B00, s29  }
0x80: {  	[spmem:s2] =	stream.indirect.scatter.add.f32 [tilespmem:s20], [sflag:$0x4], $0x80, s31, s19, $0xb8;
	[tilespmem:$0x1D000] =	vst v63  }
0x81: {  	_ =	swait.ge [sflag:s17], $0x4000  }
0x82: {  	[sflag:s17] =	ssyncset.done $0x0  }
0x83: {  	[sflag:s17] =	ssyncadd.s32 $0xFFFFC000  }
0x84: {  	_ =	swait.ge [sflag:s23], $0x4000  }
0x85: {  	[sflag:s23] =	ssyncset.done $0x0  }
0x86: {  	[sflag:s23] =	ssyncadd.s32 $0xFFFFC000  }
0x87: {  	_ =	swait.ge [sflag:s24], $0x400  }
0x88: {  	[sflag:s24] =	ssyncset.done $0x0  }
0x89: {  	[sflag:s24] =	ssyncadd.s32 $0xFFFFFC00  }
0x8a: {  	_ =	swait.ge [sflag:s24], $0x400  }
0x8b: {  	[sflag:s24] =	ssyncset.done $0x0  }
0x8c: {  	[sflag:s24] =	ssyncadd.s32 $0xFFFFFC00  }
0x8d: {  	[tilespmem:s20], [sflag:$0x1] =	stream.indirect.gather [hbm4b:s4+s19], $0x80, s28, s19, $0xb8;
	[tilespmem:$0x1D000] =	vst v63  }
0x8e: {  	s28 =	sor.u32 $0x14B80, s29  }
0x8f: {  	[spmem:s2] =	stream.indirect.scatter.add.f32 [tilespmem:s21], [sflag:$0x4], $0x80, s28, s19, $0xb8;
	[tilespmem:$0x1D000] =	vst v63  }
0x90: {  	s29 =	smov.u32 s15;
	s28 =	smov.u32 s14  }
.LBB2_4:
0x91: {  	p0 =	sne.s32 s26, $0x2400  }
0x92: {  	_ =	swait.ge [sflag:s17], $0x4000;
	s31 =	smov.u32 s26;
	s26 =	sadd.s32 $0x400, s26  }
0x93: {  	s1 =	sand.u32 $0x400, s26;
	[sflag:s17] =	ssyncset.done $0x0  }
0x94: {  	s28 =	sadd.s32 $0x80, s28;
	s30 =	sor.u32 $0x14000, s1;
	[sflag:s17] =	ssyncadd.s32 $0xFFFFC000  }
0x95: {  	[tilespmem:s30], [sflag:$0x3] =	stream.linear.gather [hbm4b:s28+s3], $0x400, $0x38;
	[tilespmem:$0x1D000] =	vst v63  }
0x96: {  	s29 =	sadd.s32 $0x80, s29;
	s1 =	sor.u32 $0x14800, s1  }
0x97: {  	[tilespmem:s1], [sflag:$0x3] =	stream.linear.gather [hbm4b:s29+s3], $0x400, $0x38;
	[tilespmem:$0x1D000] =	vst v63  }
0x98: {  	_ =	swait.ge [sflag:s22], $0x4000  }
0x99: {  	s31 =	sand.u32 $0x400, s31;
	[sflag:s22] =	ssyncset.done $0x0  }
0x9a: {  	s1 =	sor.u32 $0x14080, s31;
	[sflag:s22] =	ssyncadd.s32 $0xFFFFC000  }
0x9b: {  	[tilespmem:s21], [sflag:$0x2] =	stream.indirect.gather [hbm4b:s4+s19], $0x80, s1, s19, $0xb8;
	[tilespmem:$0x1D000] =	vst v63  }
0x9c: {  	s1 =	sor.u32 $0x14800, s31  }
0x9d: {  	[spmem:s2] =	stream.indirect.scatter.add.f32 [tilespmem:s20], [sflag:$0x4], $0x80, s1, s19, $0xb8;
	[tilespmem:$0x1D000] =	vst v63  }
0x9e: {  	_ =	swait.ge [sflag:s17], $0x4000  }
0x9f: {  	[sflag:s17] =	ssyncset.done $0x0  }
0xa0: {  	[sflag:s17] =	ssyncadd.s32 $0xFFFFC000  }
0xa1: {  	_ =	swait.ge [sflag:s23], $0x4000  }
0xa2: {  	[sflag:s23] =	ssyncset.done $0x0  }
0xa3: {  	s1 =	sor.u32 $0x14100, s31;
	[sflag:s23] =	ssyncadd.s32 $0xFFFFC000  }
0xa4: {  	[tilespmem:s20], [sflag:$0x1] =	stream.indirect.gather [hbm4b:s4+s19], $0x80, s1, s19, $0xb8;
	[tilespmem:$0x1D000] =	vst v63  }
0xa5: {  	s1 =	sor.u32 $0x14880, s31  }
0xa6: {  	[spmem:s2] =	stream.indirect.scatter.add.f32 [tilespmem:s21], [sflag:$0x4], $0x80, s1, s19, $0xb8;
	[tilespmem:$0x1D000] =	vst v63  }
0xa7: {  	_ =	swait.ge [sflag:s17], $0x4000  }
0xa8: {  	[sflag:s17] =	ssyncset.done $0x0  }
0xa9: {  	[sflag:s17] =	ssyncadd.s32 $0xFFFFC000  }
0xaa: {  	_ =	swait.ge [sflag:s22], $0x4000  }
0xab: {  	[sflag:s22] =	ssyncset.done $0x0  }
0xac: {  	s1 =	sor.u32 $0x14180, s31;
	[sflag:s22] =	ssyncadd.s32 $0xFFFFC000  }
0xad: {  	[tilespmem:s21], [sflag:$0x2] =	stream.indirect.gather [hbm4b:s4+s19], $0x80, s1, s19, $0xb8;
	[tilespmem:$0x1D000] =	vst v63  }
0xae: {  	s1 =	sor.u32 $0x14900, s31  }
0xaf: {  	[spmem:s2] =	stream.indirect.scatter.add.f32 [tilespmem:s20], [sflag:$0x4], $0x80, s1, s19, $0xb8;
	[tilespmem:$0x1D000] =	vst v63  }
0xb0: {  	_ =	swait.ge [sflag:s17], $0x4000  }
0xb1: {  	[sflag:s17] =	ssyncset.done $0x0  }
0xb2: {  	[sflag:s17] =	ssyncadd.s32 $0xFFFFC000  }
0xb3: {  	_ =	swait.ge [sflag:s23], $0x4000  }
0xb4: {  	[sflag:s23] =	ssyncset.done $0x0  }
0xb5: {  	s1 =	sor.u32 $0x14200, s31;
	[sflag:s23] =	ssyncadd.s32 $0xFFFFC000  }
0xb6: {  	[tilespmem:s20], [sflag:$0x1] =	stream.indirect.gather [hbm4b:s4+s19], $0x80, s1, s19, $0xb8;
	[tilespmem:$0x1D000] =	vst v63  }
0xb7: {  	s1 =	sor.u32 $0x14980, s31  }
0xb8: {  	[spmem:s2] =	stream.indirect.scatter.add.f32 [tilespmem:s21], [sflag:$0x4], $0x80, s1, s19, $0xb8;
	[tilespmem:$0x1D000] =	vst v63  }
0xb9: {  	_ =	swait.ge [sflag:s17], $0x4000  }
0xba: {  	[sflag:s17] =	ssyncset.done $0x0  }
0xbb: {  	[sflag:s17] =	ssyncadd.s32 $0xFFFFC000  }
0xbc: {  	_ =	swait.ge [sflag:s22], $0x4000  }
0xbd: {  	[sflag:s22] =	ssyncset.done $0x0  }
0xbe: {  	s1 =	sor.u32 $0x14280, s31;
	[sflag:s22] =	ssyncadd.s32 $0xFFFFC000  }
0xbf: {  	[tilespmem:s21], [sflag:$0x2] =	stream.indirect.gather [hbm4b:s4+s19], $0x80, s1, s19, $0xb8;
	[tilespmem:$0x1D000] =	vst v63  }
0xc0: {  	s1 =	sor.u32 $0x14A00, s31  }
0xc1: {  	[spmem:s2] =	stream.indirect.scatter.add.f32 [tilespmem:s20], [sflag:$0x4], $0x80, s1, s19, $0xb8;
	[tilespmem:$0x1D000] =	vst v63  }
0xc2: {  	_ =	swait.ge [sflag:s17], $0x4000  }
0xc3: {  	[sflag:s17] =	ssyncset.done $0x0  }
0xc4: {  	[sflag:s17] =	ssyncadd.s32 $0xFFFFC000  }
0xc5: {  	_ =	swait.ge [sflag:s23], $0x4000  }
0xc6: {  	[sflag:s23] =	ssyncset.done $0x0  }
0xc7: {  	s1 =	sor.u32 $0x14300, s31;
	[sflag:s23] =	ssyncadd.s32 $0xFFFFC000  }
0xc8: {  	[tilespmem:s20], [sflag:$0x1] =	stream.indirect.gather [hbm4b:s4+s19], $0x80, s1, s19, $0xb8;
	[tilespmem:$0x1D000] =	vst v63  }
0xc9: {  	s1 =	sor.u32 $0x14A80, s31  }
0xca: {  	[spmem:s2] =	stream.indirect.scatter.add.f32 [tilespmem:s21], [sflag:$0x4], $0x80, s1, s19, $0xb8;
	[tilespmem:$0x1D000] =	vst v63  }
0xcb: {  	_ =	swait.ge [sflag:s17], $0x4000  }
0xcc: {  	[sflag:s17] =	ssyncset.done $0x0  }
0xcd: {  	[sflag:s17] =	ssyncadd.s32 $0xFFFFC000  }
0xce: {  	_ =	swait.ge [sflag:s22], $0x4000  }
0xcf: {  	[sflag:s22] =	ssyncset.done $0x0  }
0xd0: {  	s1 =	sor.u32 $0x14380, s31;
	[sflag:s22] =	ssyncadd.s32 $0xFFFFC000  }
0xd1: {  	[tilespmem:s21], [sflag:$0x2] =	stream.indirect.gather [hbm4b:s4+s19], $0x80, s1, s19, $0xb8;
	[tilespmem:$0x1D000] =	vst v63  }
0xd2: {  	s1 =	sor.u32 $0x14B00, s31  }
0xd3: {  	[spmem:s2] =	stream.indirect.scatter.add.f32 [tilespmem:s20], [sflag:$0x4], $0x80, s1, s19, $0xb8;
	[tilespmem:$0x1D000] =	vst v63  }
0xd4: {  	_ =	swait.ge [sflag:s17], $0x4000  }
0xd5: {  	[sflag:s17] =	ssyncset.done $0x0  }
0xd6: {  	[sflag:s17] =	ssyncadd.s32 $0xFFFFC000  }
0xd7: {  	_ =	swait.ge [sflag:s23], $0x4000  }
0xd8: {  	[sflag:s23] =	ssyncset.done $0x0  }
0xd9: {  	[sflag:s23] =	ssyncadd.s32 $0xFFFFC000  }
0xda: {  	_ =	swait.ge [sflag:s24], $0x400  }
0xdb: {  	[sflag:s24] =	ssyncset.done $0x0  }
0xdc: {  	[sflag:s24] =	ssyncadd.s32 $0xFFFFFC00  }
0xdd: {  	_ =	swait.ge [sflag:s24], $0x400  }
.Ltmp1:
0xde: {  	[sflag:s24] =	ssyncset.done $0x0;
	(pc) =	sbr.rel @p0 .LBB2_4-.Ltmp1, $4  }
0xdf: {  	[sflag:s24] =	ssyncadd.s32 $0xFFFFFC00  }
0xe0: {  	[tilespmem:s20], [sflag:$0x1] =	stream.indirect.gather [hbm4b:s4+s19], $0x80, s30, s19, $0xb8;
	[tilespmem:$0x1D000] =	vst v63  }
0xe1: {  	s1 =	sor.u32 $0x14B80, s31  }
0xe2: {  	[spmem:s2] =	stream.indirect.scatter.add.f32 [tilespmem:s21], [sflag:$0x4], $0x80, s1, s19, $0xb8;
	[tilespmem:$0x1D000] =	vst v63  }
0xe3: {  	_ =	swait.ge [sflag:s17], $0x4000  }
0xe4: {  	[sflag:s17] =	ssyncset.done $0x0  }
0xe5: {  	[sflag:s17] =	ssyncadd.s32 $0xFFFFC000  }
0xe6: {  	_ =	swait.ge [sflag:s22], $0x4000  }
0xe7: {  	s1 =	sshll.u32 s0, $0x6;
	s25 =	sadd.s32 $0x1, s25;
	[sflag:s22] =	ssyncset.done $0x0  }
0xe8: {  	s26 =	sshrl.u32 s7, $0x3;
	p0 =	sne.s32 s25, s13;
	[sflag:s22] =	ssyncadd.s32 $0xFFFFC000  }
.Ltmp2:
0xe9: {  	s1 =	sor.u32 $0x1C04, s1;
	[bflag:$0x0] =	sbarrier.arrive $0xFFFF;
	(pc) =	sbr.rel @p0 .LBB2_1-.Ltmp2, $4  }
0xea: {  	[hbm:s12], [sflag:s1] =	dma.local [spmem:s26], $0x2800  }
0xeb: {  	_ =	swait.ge [sflag:s17], $0x2800  }
0xec: {  	[sflag:s17] =	ssyncset.done $0x0  }
0xed: {  	[sflag:s17] =	ssyncadd.s32 $0xFFFFD800  }
0xee: {  	_ =	sfence.sel $0x180000  }
0xef: {  	[bflag:$0x0] =	sbarrier.arrive $0xFFFF  }
0xf0: {  	_ =	strace $0x9000004A  }
0xf1: {  	[bflag:$0x2] =	sbarrier.arrive $0xFFFF  }
0xf2: {  	p0 =	sne.s32 s0, $0x0;
	s0 =	rddreg [dreg:$0x3]  }
0xf3: {  	s0 =	sadd.s32 @!p0 $0x100000, s0  }
0xf4: {  	[sflag:s0] =	ssyncadd.tile.s32 @!p0 $0x1;
	_ =	shalt  }
.Lfunc_end2:
_tile_overlayer_lowered:
.L_overlay_start_2:
0xf5: {  	(tag) =	ssettag $0x2  }
0xf6: {  	s0 =	rddreg [dreg:$0x0];
	s2 =	stileid.u32  }
0xf7: {  	s1 =	rddreg [dreg:$0x1];
	p0 =	sne.s32 s2, $0x0  }
0xf8: {  	s3 =	rddreg [dreg:$0x2];
	[bflag:$0x3] =	sbarrier.arrive $0xFFFF;
	s2 =	simm.s32 @!p0 $0x1C04  }
0xf9: {  	[timem:s3], [sflag:s2] =	dma.local @!p0 [hbm:s0], s1  }
0xfa: {  	s0 =	simm.s32 @!p0 $0x4  }
0xfb: {  	_ =	swait.ge @!p0 [sflag:s0], s1  }
0xfc: {  	s1 =	ssub.s32 @!p0 $0x0, s1;
	[sflag:s0] =	ssyncset.done @!p0 $0x0  }
0xfd: {  	[sflag:s0] =	ssyncadd.s32 @!p0 s1  }
0xfe: {  	[bflag:$0x3] =	sbarrier.arrive $0xFFFF  }
0xff: {  	_ =	shalt  }

// kernel: kernel.16.cloned.1.call-start
scs
__scs_entry_jumppad:
0x0: {  	(pc) =	sbr.rel $0x88, $3  }
0x1: {  	(tag) =	ssettag $0x0;
	lr =	simm.s32 $0x1  }
0x2: {  	[smem:$0x3F97] =	sst lr;
	_ =	strace $0xD0000000  }
0x3: {  	_ = 	snop  }
0x4: {  	_ = 	snop  }
0x5: {  	_ = 	snop  }
0x6: {  	_ = 	snop  }
0x7: {  	_ = 	snop  }
__scs_overlays_trampoline_lowered:
0x8: {  	[smem:$0x3FA6] =	sst s0  }
0x9: {  	[smem:$0x3FA7] =	sst s1  }
0xa: {  	[smem:$0x3FA8] =	sst s2  }
0xb: {  	[smem:$0x3FA9] =	sst s3  }
0xc: {  	[smem:$0x3FAA] =	sst s4  }
0xd: {  	[smem:$0x3FAB] =	sst s5  }
0xe: {  	[smem:$0x3FAC] =	sst s6  }
0xf: {  	[smem:$0x3FAD] =	sst s7  }
0x10: {  	[smem:$0x3FAE] =	sst s8  }
0x11: {  	[smem:$0x3FAF] =	sst s9;
	s0 =	simm.s32 @!p0 $0x0  }
0x12: {  	s1 =	sld [smem:$0x3F95];
	s0 =	simm.s32 @p0 $0x1  }
0x13: {  	[smem:$0x3FB0] =	sst s0;
	s0 =	simm.s32 @!p1 $0x0  }
0x14: {  	s2 =	sld [smem:$0x3F94];
	s0 =	simm.s32 @p1 $0x1  }
0x15: {  	[smem:$0x3FB1] =	sst s0;
	s0 =	simm.s32 @!p2 $0x0  }
0x16: {  	s3 =	sld [smem:$0x3FDB];
	s0 =	simm.s32 @p2 $0x1  }
0x17: {  	s4 =	simm.s32 $0x1BF5;
	[smem:$0x3FB3] =	sst s0  }
0x18: {  	s0 =	sld [smem:$0x3F96];
	_ =	swait.ge [sflag:s4], $0x0  }
0x19: {  	s7 =	sld [smem:$0x3F97]  }
0x1a: {  	s8 =	sadd.s32 $0xFFFFE003, lr  }
0x1b: {  	s9 =	sadd.s32 $0xFFFFFEF7, lr;
	s5 =	simm.s32 $0xFFFFFFFF;
	p2 =	slt.u32 s8, $0xFFFFF086  }
0x1c: {  	p1 =	slt.u32 s9, $0xF7A;
	s5 =	simm.s32 @!p2 $0x0  }
0x1d: {  	s5 =	simm.s32 @p1 $0x1;
	p0 =	seq.s32 s7, s2  }
0x1e: {  	s7 =	smul.u32 @!p0 $0xF7A, s2;
	p2 =	seq.s32 @!p0 s5, $0x0  }
0x1f: {  	s9 =	smul.u32 $0xF7A, s1;
	s8 =	simm.s32 @!p0 $0x1BF5;
	p2 =	por !p2, p0  }
0x20: {  	[sflag:s8] =	ssyncset.s32 @!p0 $0xFFFFF086;
	s6 =	sadd.s32 @!p0 s3, s7;
	s7 =	simm.s32 @!p0 $0x108  }
0x21: {  	s3 =	sadd.s32 s3, s9;
	s6 =	sadd.s32 @!p0 $0x88, s6;
	s7 =	simm.s32 @p2 $0x1082  }
0x22: {  	[simem:s7], [sflag:s8] =	dma.local @!p0 [hbm:s6], $0xF7A  }
0x23: {  	s9 =	sor.u32 $0xD0000000, s2;
	s6 =	simm.s32 $0x108;
	_ =	swait.ge @!p0 [sflag:s8], $0x0  }
0x24: {  	s3 =	sadd.s32 $0x88, s3;
	s6 =	simm.s32 @!p1 $0x1082;
	[sflag:s4] =	ssyncset.s32 $0xFFFFF086  }
0x25: {  	[simem:s6], [sflag:s4] =	dma.local [hbm:s3], $0xF7A  }
0x26: {  	[smem:$0x3F97] =	sst s1;
	(tag) =	ssettag s2;
	_ =	strace s9  }
0x27: {  	s1 =	sld [smem:$0x3FA7]  }
0x28: {  	s2 =	sld [smem:$0x3FA8]  }
0x29: {  	s4 =	sld [smem:$0x3FAA]  }
0x2a: {  	p0 =	seq.s32 s5, $0x0;
	s5 =	sld [smem:$0x3FAB]  }
0x2b: {  	s6 =	sld [smem:$0x3FAC]  }
0x2c: {  	s7 =	sld [smem:$0x3FAD]  }
0x2d: {  	s3 =	simm.s32 $0x108;
	s8 =	sld [smem:$0x3FAE]  }
0x2e: {  	s3 =	simm.s32 @!p0 $0x1082;
	s9 =	sld [smem:$0x3FAF]  }
0x2f: {  	lr =	sadd.s32 s0, s3;
	s0 =	sld [smem:$0x3FA6]  }
0x30: {  	s3 =	sld [smem:$0x3FA9]  }
0x31: {  	[smem:$0x3FB2] =	sst s10  }
0x32: {  	s10 =	sld [smem:$0x3FB0];
	_ =	sdelay $0x3  }
0x33: {  	p0 =	seq.s32 s10, $0x1;
	s10 =	sld [smem:$0x3FB2];
	_ =	sdelay $0x3  }
0x34: {  	[smem:$0x3FB2] =	sst s10  }
0x35: {  	s10 =	sld [smem:$0x3FB1];
	_ =	sdelay $0x3  }
0x36: {  	p1 =	seq.s32 s10, $0x1;
	s10 =	sld [smem:$0x3FB2];
	_ =	sdelay $0x3  }
0x37: {  	[smem:$0x3FB2] =	sst s10  }
0x38: {  	s10 =	sld [smem:$0x3FB3]  }
0x39: {  	_ = 	snop;
	(pc) =	sbr.ind lr, $3  }
0x3a: {  	_ = 	snop  }
0x3b: {  	_ = 	snop  }
0x3c: {  	p2 =	seq.s32 s10, $0x1;
	s10 =	sld [smem:$0x3FB2]  }
0x3d: {  	_ =	shalt  }
0x3e: {  	_ =	shalt  }
0x3f: {  	_ =	shalt  }
0x40: {  	_ =	shalt  }
0x41: {  	_ =	shalt  }
0x42: {  	_ =	shalt  }
0x43: {  	_ =	shalt  }
0x44: {  	_ =	shalt  }
0x45: {  	_ =	shalt  }
0x46: {  	_ =	shalt  }
0x47: {  	_ =	shalt  }
0x48: {  	_ =	shalt  }
0x49: {  	_ =	shalt  }
0x4a: {  	_ =	shalt  }
0x4b: {  	_ =	shalt  }
0x4c: {  	_ =	shalt  }
0x4d: {  	_ =	shalt  }
0x4e: {  	_ =	shalt  }
0x4f: {  	_ =	shalt  }
0x50: {  	_ =	shalt  }
0x51: {  	_ =	shalt  }
0x52: {  	_ =	shalt  }
0x53: {  	_ =	shalt  }
0x54: {  	_ =	shalt  }
0x55: {  	_ =	shalt  }
0x56: {  	_ =	shalt  }
0x57: {  	_ =	shalt  }
0x58: {  	_ =	shalt  }
0x59: {  	_ =	shalt  }
0x5a: {  	_ =	shalt  }
0x5b: {  	_ =	shalt  }
0x5c: {  	_ =	shalt  }
0x5d: {  	_ =	shalt  }
0x5e: {  	_ =	shalt  }
0x5f: {  	_ =	shalt  }
0x60: {  	_ =	shalt  }
0x61: {  	_ =	shalt  }
0x62: {  	_ =	shalt  }
0x63: {  	_ =	shalt  }
0x64: {  	_ =	shalt  }
0x65: {  	_ =	shalt  }
0x66: {  	_ =	shalt  }
0x67: {  	_ =	shalt  }
0x68: {  	_ =	shalt  }
0x69: {  	_ =	shalt  }
0x6a: {  	_ =	shalt  }
0x6b: {  	_ =	shalt  }
0x6c: {  	_ =	shalt  }
0x6d: {  	_ =	shalt  }
0x6e: {  	_ =	shalt  }
0x6f: {  	_ =	shalt  }
0x70: {  	_ =	shalt  }
0x71: {  	_ =	shalt  }
0x72: {  	_ =	shalt  }
0x73: {  	_ =	shalt  }
0x74: {  	_ =	shalt  }
0x75: {  	_ =	shalt  }
0x76: {  	_ =	shalt  }
0x77: {  	_ =	shalt  }
0x78: {  	_ =	shalt  }
0x79: {  	_ =	shalt  }
0x7a: {  	_ =	shalt  }
0x7b: {  	_ =	shalt  }
0x7c: {  	_ =	shalt  }
0x7d: {  	_ =	shalt  }
0x7e: {  	_ =	shalt  }
0x7f: {  	_ =	shalt  }
0x80: {  	_ =	shalt  }
0x81: {  	_ =	shalt  }
0x82: {  	_ =	shalt  }
0x83: {  	_ =	shalt  }
0x84: {  	_ =	shalt  }
0x85: {  	_ =	shalt  }
0x86: {  	_ =	shalt  }
0x87: {  	_ =	shalt  }
.Lfunc_end0:
.L_simem_size_0:
called_computation.2_lowered:
.L_overlay_start_0:
0x88: {  	s2 =	sld [smem:$0x3FD9]  }
0x89: {  	s3 =	sld [smem:$0x3FFE];
	_ =	sdelay $0x1  }
0x8a: {  	s1 =	srdreg.scid  }
0x8b: {  	s0 =	sand.u32 $0x1, s1  }
0x8c: {  	s14 =	sshll.u32 s0, $0xA;
	s2 =	sadd.s32 s3, s2  }
0x8d: {  	s2 =	sadd.s32 s2, s14  }
0x8e: {  	[smem:$0x3FBE] =	sst s2  }
0x8f: {  	_ = 	snop  }
0x90: {  	s2 =	sld [smem:$0x3FD0];
	_ =	sdelay $0x2  }
0x91: {  	s15 =	simm.s32 $0xA;
	s4 =	simm.s32 $0x10  }
0x92: {  	[smem:s4], [sflag:s15] =	dma.local [hbm:s2], $0x1  }
0x93: {  	_ =	swait.eq [sflag:s15], $0x1  }
0x94: {  	[sflag:s15] =	ssyncset.done $0x0  }
0x95: {  	[sflag:s15] =	ssyncadd.s32 $0xFFFFFFFF  }
0x96: {  	s16 =	sld [smem:$0x10];
	(tm) =	ssettm $0x1  }
0x97: {  	s17 =	sld [smem:$0x3FFB];
	_ =	sdelay $0x3  }
0x98: {  	_ =	strace s17  }
0x99: {  	s3 =	sld [smem:$0x3FFC];
	_ =	sdelay $0x3  }
0x9a: {  	_ =	strace s3  }
0x9b: {  	s3 =	sld [smem:$0x3FFD];
	_ =	sdelay $0x3  }
0x9c: {  	_ =	strace s3  }
0x9d: {  	_ =	strace $0x8FFFFFFF  }
0x9e: {  	s18 =	sld [smem:$0x3FDB];
	_ =	sdelay $0x1  }
0x9f: {  	s19 =	simm.s32 $_scs_section_size  }
0xa0: {  	s5 =	simm.s32 $_size__tile_overlayer_lowered;
	s6 =	simm.s32 $_tile_overlayer_lowered  }
0xa1: {  	s22 =	simm.s32 $0x1BFF;
	s21 =	sshll.u32 s6, $0x1;
	s3 =	sadd.s32 s19, s18  }
0xa2: {  	s7 =	simm.s32 $0x0;
	s20 =	sshll.u32 s5, $0x1;
	s5 =	sadd.s32 s21, s3  }
0xa3: {  	[timem:s7], [sflag:s22] =	dma.local [hbm:s5], s20  }
0xa4: {  	_ =	swait.ge [sflag:s22], s20  }
0xa5: {  	s4 =	ssub.s32 $0x0, s20;
	[sflag:s22] =	ssyncset.done $0x0  }
0xa6: {  	[sflag:s22] =	ssyncadd.s32 s4;
	_ =	sdelay $0x1  }
0xa7: {  	s23 =	simm.s32 $0x1B8B  }
0xa8: {  	_ =	swait.ge [sflag:s23], $0x1  }
0xa9: {  	[sflag:s23] =	ssyncset.done $0x0  }
0xaa: {  	s25 =	simm.s32 $0x1B8E;
	s24 =	sld [smem:$0x3FFE];
	[sflag:s23] =	ssyncadd.s32 $0xFFFFFFFF  }
0xab: {  	s26 =	simm.s32 $execute0_lowered;
	[smem:$0x3FD2] =	sst s25  }
0xac: {  	s5 =	sshll.u32 s26, $0x1;
	_ =	strace $0x8000004C;
	[dreg:$0x1] =	wrdreg $0xFFFFFFFF  }
0xad: {  	s28 =	simm.s32 $_size_execute0_lowered;
	s3 =	sadd.s32 s3, s5;
	[dreg:$0x0] =	wrdreg $0x0  }
0xae: {  	s5 =	sshll.u32 s28, $0x1;
	[dreg:$0x2] =	wrdreg s3  }
0xaf: {  	[dreg:$0x3] =	wrdreg s5  }
0xb0: {  	[dreg:$0x4] =	wrdreg $0xC0  }
0xb1: {  	_ =	task [dreg:s7], $0x5FFFF  }
0xb2: {  	[dreg:$0x1] =	wrdreg $0xFFFFFFFF  }
0xb3: {  	[dreg:$0x0] =	wrdreg $0x60  }
0xb4: {  	[dreg:$0x2] =	wrdreg s24  }
0xb5: {  	[dreg:$0x3] =	wrdreg s16  }
0xb6: {  	[dreg:$0x4] =	wrdreg $0x0  }
0xb7: {  	[dreg:$0x5] =	wrdreg $0x9  }
0xb8: {  	_ =	task.clear_ibuf [dreg:s7], $0x6FFFF;
	_ =	strace $0x9000004C  }
0xb9: {  	s29 =	simm.s32 $0x9;
	_ =	strace $0x8000004E  }
0xba: {  	_ =	swait.ge [sflag:s29], $0x1  }
0xbb: {  	[sflag:s29] =	ssyncadd.s32 $0xFFFFFFFF  }
0xbc: {  	_ =	strace $0x9000004E  }
0xbd: {  	_ =	sfence  }
0xbe: {  	s30 =	sld [smem:$0x0];
	_ =	sdelay $0x2  }
0xbf: {  	s31 =	sshll.u32 s1, $0xD;
	s1 =	sshrl.u32 s1, $0x2  }
0xc0: {  	s3 =	sand.u32 $0x4000, s31;
	s1 =	sadd.s32 s1, s30  }
0xc1: {  	s0 =	sor.u32 s3, s0;
	s1 =	sshll.u32 s1, $0x11  }
0xc2: {  	s0 =	sor.u32 s1, s0  }
0xc3: {  	s0 =	sadd.s32 $0x8F2B, s0  }
0xc4: {  	[sflag:s0] =	ssyncadd.remote.s32 $0x1  }
0xc5: {  	_ =	sfence.sel $0xFFFF  }
0xc6: {  	[dreg:$0x0] =	wrdreg $0xFFFFFFFF;
	(pc) =	sbr.abs _section_cstart, $3  }
0xc7: {  	[dreg:$0x1] =	wrdreg $0xFFFFFFFF  }
0xc8: {  	_ =	task.clear_ibuf [dreg:s7], $0x2FFFF;
	_ =	strace $0x9FFFFFFF  }
0xc9: {  	(tm) =	ssettm $0x7FFFFFFF  }
tec
execute0_lowered:
.L_overlay_start_1:
0x0: {  	(tag) =	ssettag $0x1  }
0x1: {  	s0 =	rddreg [dreg:$0x0];
	s1 =	srdreg.scid  }
0x2: {  	s5 =	rddreg [dreg:$0x1];
	s3 =	stileid.u32  }
0x3: {  	s2 =	rddreg [dreg:$0x2];
	s8 =	simm.s32 $0x0;
	s12 =	simm.s32 $0xA000  }
0x4: {  	s13 =	simm.s32 $0x9;
	s14 =	simm.s32 $0xC800;
	s15 =	simm.s32 $0x100  }
0x5: {  	s16 =	simm.s32 $0xF000;
	s18 =	simm.s32 $0x13000;
	s20 =	simm.s32 $0x17000  }
0x6: {  	s21 =	simm.s32 $0x1B000;
	s22 =	simm.s32 $0x1;
	s6 =	smul.u32 $0x28, s3  }
0x7: {  	s29 =	simm.s32 $0x3;
	s31 =	simm.s32 $0x6;
	s7 =	smul.u32 $0xA000, s3  }
0x8: {  	s19 =	simm.s32 $0x7;
	s1 =	sand.u32 $0x1, s1;
	s9 =	smul.u32 $0x28000, s3  }
0x9: {  	s28 =	simm.s32 $0x0;
	[smem:$0x7FF] =	sst s8;
	s4 =	smul.u32 $0x280, s1  }
0xa: {  	s24 =	smul.u32 $0xA0000, s1;
	_ =	strace $0x8000004D;
	s1 =	ssub.s32 $0x2, s1  }
0xb: {  	s25 =	sshrl.u32 s1, $0x1;
	s30 =	sshrl.u32 s9, $0x2;
	s6 =	sadd.s32 s6, s4  }
0xc: {  	s4 =	sadd.s32 $0xD200, s0;
	s8 =	sadd.s32 s7, s24;
	s1 =	ssub.s32 s1, s25  }
0xd: {  	s7 =	sadd.s32 s7, s2;
	s9 =	sadd.s32 s30, s2;
	s24 =	simm.s32 $0x2  }
.Ltmp0:
0xe: {  	s25 =	simm.s32 $0x8;
	s6 =	sshll.u32 s6, $0x5;
	(pc) =	sbr.rel .LBB2_1-.Ltmp0, $4  }
0xf: {  	s8 =	sshrl.u32 s8, $0x3;
	s11 =	smax.u32 s1, $0x1;
	s10 =	sadd.s32 s6, s0  }
0x10: {  	s0 =	sadd.s32 s8, s0;
	s26 =	sadd.s32 s5, s6;
	s8 =	sadd.s32 $0x4000, s9  }
0x11: {  	s9 =	sadd.s32 $0x8000, s9;
	[dreg:$0x4] =	wrdreg s26;
	s6 =	sadd.s32 $0x3000, s10  }
0x12: {  	v0 =	vimm.f32 $0.0e+00;
	s10 =	sadd.s32 $0x21200, s0;
	s26 =	simm.s32 $0x5;
	s0 =	simm.s32 $0x4  }
.LBB2_6:
0x13: {  	_ =	swait.ge [sflag:s25], $0x4000;
	s1 =	stileid.u32  }
0x14: {  	s3 =	sshrl.u32 s7, $0x3;
	s28 =	sadd.s32 $0x1, s28;
	[sflag:s25] =	ssyncset.done $0x0  }
0x15: {  	s1 =	sshll.u32 s1, $0x6;
	p0 =	sne.s32 s28, s11;
	[sflag:s25] =	ssyncadd.s32 $0xFFFFC000  }
.Ltmp1:
0x16: {  	s1 =	sor.u32 $0x1C09, s1;
	[bflag:$0x0] =	sbarrier.arrive $0xFFFF;
	(pc) =	sbr.rel @!p0 .LBB2_7-.Ltmp1, $4  }
0x17: {  	[hbm:s10], [sflag:s1] =	dma.local [spmem:s3], $0x1400  }
0x18: {  	_ =	swait.ge [sflag:s13], $0x1400  }
0x19: {  	[sflag:s13] =	ssyncset.done $0x0  }
0x1a: {  	[sflag:s13] =	ssyncadd.s32 $0xFFFFEC00  }
.LBB2_1:
0x1b: {  	s1 =	simm.s32 $0x0;
	s3 =	rddreg [dreg:$0x4]  }
0x1c: {  	[tilespmem:s12], [sflag:$0x9] =	stream.linear.gather [hbm4b:s3+s1], $0x2800, $0x38;
	[tilespmem:$0x1F000] =	vst v63  }
0x1d: {  	_ =	swait.ge [sflag:s13], $0x2800  }
0x1e: {  	[sflag:s13] =	ssyncset.done $0x0  }
0x1f: {  	[sflag:s13] =	ssyncadd.s32 $0xFFFFD800  }
0x20: {  	[tilespmem:s14], [sflag:$0x9] =	stream.linear.gather [hbm4b:s6+s1], $0x2800, $0x38;
	[tilespmem:$0x1F000] =	vst v63  }
0x21: {  	_ =	swait.ge [sflag:s13], $0x2800  }
0x22: {  	[sflag:s13] =	ssyncset.done $0x0  }
0x23: {  	[sflag:s13] =	ssyncadd.s32 $0xFFFFD800  }
0x24: {  	[tilespmem:s16], [sflag:$0x1] =	stream.indirect.gather [hbm4b:s4+s15], $0x40, s12, s15, $0xb8;
	[tilespmem:$0x1F000] =	vst v63  }
0x25: {  	s17 =	simm.s32 $0xA100  }
0x26: {  	[tilespmem:s18], [sflag:$0x2] =	stream.indirect.gather [hbm4b:s4+s15], $0x40, s17, s15, $0xb8;
	[tilespmem:$0x1F000] =	vst v63  }
0x27: {  	s23 =	simm.s32 $0xA200;
	s30 =	simm.s32 $0x100;
	s1 =	simm.s32 $0x0  }
0x28: {  	[tilespmem:s20], [sflag:$0x3] =	stream.indirect.gather [hbm4b:s4+s15], $0x40, s23, s15, $0xb8;
	[tilespmem:$0x1F000] =	vst v63  }
.LBB2_2:
0x29: {  	p0 =	sne.s32 s30, $0xFF00;
	[tilespmem:s1+$0x1B030] =	vst v0;
	s17 =	smov.u32 s30;
	s30 =	sadd.s32 $0x100, s30  }
.Ltmp2:
0x2a: {  	[tilespmem:s1+$0x1B020] =	vst v0;
	(pc) =	sbr.rel @p0 .LBB2_2-.Ltmp2, $3  }
0x2b: {  	[tilespmem:s1+$0x1B000] =	vst v0  }
0x2c: {  	[tilespmem:s1+$0x1B010] =	vst v0;
	_ =	sdelay $0x1  }
0x2d: {  	s1 =	sshra.s32 s17, $0x2  }
0x2e: {  	[tilespmem:s1+$0x1B030] =	vst v0  }
0x2f: {  	[tilespmem:s1+$0x1B020] =	vst v0  }
0x30: {  	[tilespmem:s1+$0x1B000] =	vst v0  }
0x31: {  	[tilespmem:s1+$0x1B010] =	vst v0  }
0x32: {  	[spmem:s7] =	stream.linear.scatter [tilespmem:s21], [sflag:$0x9], $0x4000, $0x38;
	[tilespmem:$0x1F000] =	vst v63  }
0x33: {  	_ =	swait.ge [sflag:s13], $0x4000  }
0x34: {  	[sflag:s13] =	ssyncset.done $0x0  }
0x35: {  	[sflag:s13] =	ssyncadd.s32 $0xFFFFC000  }
0x36: {  	[spmem:s8] =	stream.linear.scatter [tilespmem:s21], [sflag:$0x9], $0x4000, $0x38;
	[tilespmem:$0x1F000] =	vst v63  }
0x37: {  	_ =	swait.ge [sflag:s13], $0x4000  }
0x38: {  	[sflag:s13] =	ssyncset.done $0x0  }
0x39: {  	[sflag:s13] =	ssyncadd.s32 $0xFFFFC000  }
0x3a: {  	[spmem:s9] =	stream.linear.scatter [tilespmem:s21], [sflag:$0x9], $0x2000, $0x38;
	[tilespmem:$0x1F000] =	vst v63  }
0x3b: {  	_ =	swait.ge [sflag:s13], $0x2000  }
0x3c: {  	[sflag:s13] =	ssyncset.done $0x0  }
0x3d: {  	[sflag:s13] =	ssyncadd.s32 $0xFFFFE000  }
0x3e: {  	[bflag:$0x0] =	sbarrier.arrive $0xFFFF  }
0x3f: {  	_ =	swait.ge [sflag:s22], $0x4000  }
0x40: {  	[sflag:s22] =	ssyncset.done $0x0  }
0x41: {  	[sflag:s22] =	ssyncadd.s32 $0xFFFFC000  }
0x42: {  	[spmem:s2] =	stream.indirect.scatter.add.f32 [tilespmem:s16], [sflag:$0x5], $0x40, s14, s15, $0xb8;
	[tilespmem:$0x1F000] =	vst v63  }
0x43: {  	s5 =	simm.s32 $0xA300  }
0x44: {  	[tilespmem:s21], [sflag:$0x4] =	stream.indirect.gather [hbm4b:s4+s15], $0x40, s5, s15, $0xb8;
	[tilespmem:$0x1F000] =	vst v63  }
0x45: {  	_ =	swait.ge [sflag:s24], $0x4000  }
0x46: {  	[sflag:s24] =	ssyncset.done $0x0  }
0x47: {  	s17 =	simm.s32 $0xC900;
	[sflag:s24] =	ssyncadd.s32 $0xFFFFC000  }
0x48: {  	[spmem:s2] =	stream.indirect.scatter.add.f32 [tilespmem:s18], [sflag:$0x6], $0x40, s17, s15, $0xb8;
	[tilespmem:$0x1F000] =	vst v63  }
0x49: {  	_ =	swait.ge [sflag:s26], $0x4000  }
0x4a: {  	[sflag:s26] =	ssyncset.done $0x0  }
0x4b: {  	s23 =	simm.s32 $0xA400;
	[sflag:s26] =	ssyncadd.s32 $0xFFFFC000  }
0x4c: {  	[tilespmem:s16], [sflag:$0x1] =	stream.indirect.gather [hbm4b:s4+s15], $0x40, s23, s15, $0xb8;
	[tilespmem:$0x1F000] =	vst v63  }
0x4d: {  	_ =	swait.ge [sflag:s29], $0x4000  }
0x4e: {  	[sflag:s29] =	ssyncset.done $0x0  }
0x4f: {  	s3 =	simm.s32 $0xCA00;
	[sflag:s29] =	ssyncadd.s32 $0xFFFFC000  }
0x50: {  	[spmem:s2] =	stream.indirect.scatter.add.f32 [tilespmem:s20], [sflag:$0x7], $0x40, s3, s15, $0xb8;
	[tilespmem:$0x1F000] =	vst v63  }
0x51: {  	_ =	swait.ge [sflag:s31], $0x4000  }
0x52: {  	[sflag:s31] =	ssyncset.done $0x0  }
0x53: {  	s5 =	simm.s32 $0xA500;
	[sflag:s31] =	ssyncadd.s32 $0xFFFFC000  }
0x54: {  	[tilespmem:s18], [sflag:$0x2] =	stream.indirect.gather [hbm4b:s4+s15], $0x40, s5, s15, $0xb8;
	[tilespmem:$0x1F000] =	vst v63  }
0x55: {  	_ =	swait.ge [sflag:s0], $0x4000  }
0x56: {  	[sflag:s0] =	ssyncset.done $0x0  }
0x57: {  	s17 =	simm.s32 $0xCB00;
	[sflag:s0] =	ssyncadd.s32 $0xFFFFC000  }
0x58: {  	[spmem:s2] =	stream.indirect.scatter.add.f32 [tilespmem:s21], [sflag:$0x8], $0x40, s17, s15, $0xb8;
	[tilespmem:$0x1F000] =	vst v63  }
0x59: {  	_ =	swait.ge [sflag:s19], $0x4000  }
0x5a: {  	[sflag:s19] =	ssyncset.done $0x0  }
0x5b: {  	s30 =	simm.s32 $0x0;
	s23 =	simm.s32 $0xA600;
	[sflag:s19] =	ssyncadd.s32 $0xFFFFC000  }
0x5c: {  	[tilespmem:s20], [sflag:$0x3] =	stream.indirect.gather [hbm4b:s4+s15], $0x40, s23, s15, $0xb8;
	[tilespmem:$0x1F000] =	vst v63  }
.LBB2_4:
0x5d: {  	_ =	swait.ge [sflag:s22], $0x4000  }
0x5e: {  	s1 =	sshra.s32 s30, $0x2;
	[sflag:s22] =	ssyncset.done $0x0  }
0x5f: {  	s17 =	sadd.s32 $0xCC00, s1;
	[sflag:s22] =	ssyncadd.s32 $0xFFFFC000  }
0x60: {  	[spmem:s2] =	stream.indirect.scatter.add.f32 [tilespmem:s16], [sflag:$0x5], $0x40, s17, s15, $0xb8;
	[tilespmem:$0x1F000] =	vst v63  }
0x61: {  	_ =	swait.ge [sflag:s25], $0x4000  }
0x62: {  	[sflag:s25] =	ssyncset.done $0x0  }
0x63: {  	s3 =	sadd.s32 $0xA700, s1;
	[sflag:s25] =	ssyncadd.s32 $0xFFFFC000  }
0x64: {  	[tilespmem:s21], [sflag:$0x4] =	stream.indirect.gather [hbm4b:s4+s15], $0x40, s3, s15, $0xb8;
	[tilespmem:$0x1F000] =	vst v63  }
0x65: {  	_ =	swait.ge [sflag:s24], $0x4000  }
0x66: {  	[sflag:s24] =	ssyncset.done $0x0  }
0x67: {  	s5 =	sadd.s32 $0xCD00, s1;
	[sflag:s24] =	ssyncadd.s32 $0xFFFFC000  }
0x68: {  	[spmem:s2] =	stream.indirect.scatter.add.f32 [tilespmem:s18], [sflag:$0x6], $0x40, s5, s15, $0xb8;
	[tilespmem:$0x1F000] =	vst v63  }
0x69: {  	_ =	swait.ge [sflag:s26], $0x4000  }
0x6a: {  	p0 =	seq.s32 s30, $0x8000;
	[sflag:s26] =	ssyncset.done $0x0  }
0x6b: {  	s17 =	simm.s32 @p0 $0x3;
	[sflag:s26] =	ssyncadd.s32 $0xFFFFC000  }
0x6c: {  	_ =	swait.ge @p0 [sflag:s17], $0x4000  }
0x6d: {  	[sflag:s17] =	ssyncset.done @p0 $0x0  }
0x6e: {  	[sflag:s17] =	ssyncadd.s32 @p0 $0xFFFFC000;
	s17 =	sshra.s32 @p0 s30, $0x2  }
0x6f: {  	s23 =	simm.s32 @p0 $0x100;
	s3 =	simm.s32 @p0 $0x17000;
	s17 =	sadd.s32 @p0 $0xCE00, s17  }
0x70: {  	[spmem:s2] =	stream.indirect.scatter.add.f32 @p0 [tilespmem:s3], [sflag:$0x7], $0x40, s17, s23, $0xb8;
	[tilespmem:$0x1F000] =	vst v63  }
0x71: {  	s3 =	simm.s32 @p0 $0x6  }
0x72: {  	_ =	swait.ge @p0 [sflag:s3], $0x4000  }
0x73: {  	[sflag:s3] =	ssyncset.done @p0 $0x0  }
0x74: {  	[sflag:s3] =	ssyncadd.s32 @p0 $0xFFFFC000;
	s3 =	sshra.s32 @!p0 s30, $0x2  }
0x75: {  	s5 =	simm.s32 @!p0 $0xF000;
	s23 =	simm.s32 @!p0 $0x100;
	s17 =	sadd.s32 @!p0 $0xA800, s3  }
0x76: {  	[tilespmem:s5], [sflag:$0x1] =	stream.indirect.gather @!p0 [hbm4b:s4+s23], $0x40, s17, s23, $0xb8;
	[tilespmem:$0x1F000] =	vst v63  }
0x77: {  	s5 =	simm.s32 @!p0 $0x3  }
0x78: {  	_ =	swait.ge @!p0 [sflag:s5], $0x4000  }
0x79: {  	[sflag:s5] =	ssyncset.done @!p0 $0x0  }
0x7a: {  	s17 =	simm.s32 @!p0 $0x17000;
	[sflag:s5] =	ssyncadd.s32 @!p0 $0xFFFFC000;
	s5 =	sadd.s32 @!p0 $0xCE00, s3  }
0x7b: {  	[spmem:s2] =	stream.indirect.scatter.add.f32 @!p0 [tilespmem:s17], [sflag:$0x7], $0x40, s5, s23, $0xb8;
	[tilespmem:$0x1F000] =	vst v63  }
0x7c: {  	s5 =	simm.s32 @!p0 $0x6  }
0x7d: {  	_ =	swait.ge @!p0 [sflag:s5], $0x4000  }
0x7e: {  	[sflag:s5] =	ssyncset.done @!p0 $0x0  }
0x7f: {  	s3 =	sadd.s32 @!p0 $0xA900, s3;
	[sflag:s5] =	ssyncadd.s32 @!p0 $0xFFFFC000;
	s5 =	simm.s32 @!p0 $0x13000  }
0x80: {  	[tilespmem:s5], [sflag:$0x2] =	stream.indirect.gather @!p0 [hbm4b:s4+s23], $0x40, s3, s23, $0xb8;
	[tilespmem:$0x1F000] =	vst v63  }
0x81: {  	_ =	swait.ge [sflag:s0], $0x4000  }
0x82: {  	[sflag:s0] =	ssyncset.done $0x0  }
.Ltmp3:
0x83: {  	s23 =	sadd.s32 $0xCF00, s1;
	[sflag:s0] =	ssyncadd.s32 $0xFFFFC000;
	(pc) =	sbr.rel @p0 .LBB2_6-.Ltmp3, $4  }
0x84: {  	[spmem:s2] =	stream.indirect.scatter.add.f32 [tilespmem:s21], [sflag:$0x8], $0x40, s23, s15, $0xb8;
	[tilespmem:$0x1F000] =	vst v63  }
0x85: {  	_ =	swait.ge [sflag:s19], $0x4000  }
0x86: {  	[sflag:s19] =	ssyncset.done $0x0  }
0x87: {  	[sflag:s19] =	ssyncadd.s32 $0xFFFFC000  }
.Ltmp4:
0x88: {  	(pc) =	sbr.rel .LBB2_4-.Ltmp4, $3  }
0x89: {  	_ =	sdelay $0x1  }
0x8a: {  	s1 =	sadd.s32 $0xAA00, s1;
	s30 =	sadd.s32 $0x1000, s30  }
0x8b: {  	[tilespmem:s20], [sflag:$0x3] =	stream.indirect.gather [hbm4b:s4+s15], $0x40, s1, s15, $0xb8;
	[tilespmem:$0x1F000] =	vst v63  }
.LBB2_7:
0x8c: {  	_ =	sfence.sel $0x180000  }
0x8d: {  	[bflag:$0x0] =	sbarrier.arrive $0xFFFF  }
0x8e: {  	_ =	strace $0x9000004D  }
0x8f: {  	s0 =	stileid.u32;
	[bflag:$0x2] =	sbarrier.arrive $0xFFFF  }
0x90: {  	p0 =	sne.s32 s0, $0x0;
	s0 =	rddreg [dreg:$0x3]  }
0x91: {  	s0 =	sadd.s32 @!p0 $0x100000, s0  }
0x92: {  	[sflag:s0] =	ssyncadd.tile.s32 @!p0 $0x1;
	_ =	shalt  }
.Lfunc_end2:
_tile_overlayer_lowered:
.L_overlay_start_2:
0x93: {  	(tag) =	ssettag $0x2  }
0x94: {  	s0 =	rddreg [dreg:$0x0];
	s2 =	stileid.u32  }
0x95: {  	s1 =	rddreg [dreg:$0x1];
	p0 =	sne.s32 s2, $0x0  }
0x96: {  	s3 =	rddreg [dreg:$0x2];
	[bflag:$0x3] =	sbarrier.arrive $0xFFFF;
	s2 =	simm.s32 @!p0 $0x1C09  }
0x97: {  	[timem:s3], [sflag:s2] =	dma.local @!p0 [hbm:s0], s1  }
0x98: {  	s0 =	simm.s32 @!p0 $0x9  }
0x99: {  	_ =	swait.ge @!p0 [sflag:s0], s1  }
0x9a: {  	s1 =	ssub.s32 @!p0 $0x0, s1;
	[sflag:s0] =	ssyncset.done @!p0 $0x0  }
0x9b: {  	[sflag:s0] =	ssyncadd.s32 @!p0 s1  }
0x9c: {  	[bflag:$0x3] =	sbarrier.arrive $0xFFFF  }
0x9d: {  	_ =	shalt  }

// kernel: kernel.19.cloned.1.call-start
scs
__scs_entry_jumppad:
0x0: {  	(pc) =	sbr.rel $0x88, $3  }
0x1: {  	(tag) =	ssettag $0x0;
	lr =	simm.s32 $0x1  }
0x2: {  	[smem:$0x3F97] =	sst lr;
	_ =	strace $0xD0000000  }
0x3: {  	_ = 	snop  }
0x4: {  	_ = 	snop  }
0x5: {  	_ = 	snop  }
0x6: {  	_ = 	snop  }
0x7: {  	_ = 	snop  }
__scs_overlays_trampoline_lowered:
0x8: {  	[smem:$0x3FA6] =	sst s0  }
0x9: {  	[smem:$0x3FA7] =	sst s1  }
0xa: {  	[smem:$0x3FA8] =	sst s2  }
0xb: {  	[smem:$0x3FA9] =	sst s3  }
0xc: {  	[smem:$0x3FAA] =	sst s4  }
0xd: {  	[smem:$0x3FAB] =	sst s5  }
0xe: {  	[smem:$0x3FAC] =	sst s6  }
0xf: {  	[smem:$0x3FAD] =	sst s7  }
0x10: {  	[smem:$0x3FAE] =	sst s8  }
0x11: {  	[smem:$0x3FAF] =	sst s9;
	s0 =	simm.s32 @!p0 $0x0  }
0x12: {  	s1 =	sld [smem:$0x3F95];
	s0 =	simm.s32 @p0 $0x1  }
0x13: {  	[smem:$0x3FB0] =	sst s0;
	s0 =	simm.s32 @!p1 $0x0  }
0x14: {  	s2 =	sld [smem:$0x3F94];
	s0 =	simm.s32 @p1 $0x1  }
0x15: {  	[smem:$0x3FB1] =	sst s0;
	s0 =	simm.s32 @!p2 $0x0  }
0x16: {  	s3 =	sld [smem:$0x3FDB];
	s0 =	simm.s32 @p2 $0x1  }
0x17: {  	s4 =	simm.s32 $0x1BF5;
	[smem:$0x3FB3] =	sst s0  }
0x18: {  	s0 =	sld [smem:$0x3F96];
	_ =	swait.ge [sflag:s4], $0x0  }
0x19: {  	s7 =	sld [smem:$0x3F97]  }
0x1a: {  	s8 =	sadd.s32 $0xFFFFE003, lr  }
0x1b: {  	s9 =	sadd.s32 $0xFFFFFEF7, lr;
	s5 =	simm.s32 $0xFFFFFFFF;
	p2 =	slt.u32 s8, $0xFFFFF086  }
0x1c: {  	p1 =	slt.u32 s9, $0xF7A;
	s5 =	simm.s32 @!p2 $0x0  }
0x1d: {  	s5 =	simm.s32 @p1 $0x1;
	p0 =	seq.s32 s7, s2  }
0x1e: {  	s7 =	smul.u32 @!p0 $0xF7A, s2;
	p2 =	seq.s32 @!p0 s5, $0x0  }
0x1f: {  	s9 =	smul.u32 $0xF7A, s1;
	s8 =	simm.s32 @!p0 $0x1BF5;
	p2 =	por !p2, p0  }
0x20: {  	[sflag:s8] =	ssyncset.s32 @!p0 $0xFFFFF086;
	s6 =	sadd.s32 @!p0 s3, s7;
	s7 =	simm.s32 @!p0 $0x108  }
0x21: {  	s3 =	sadd.s32 s3, s9;
	s6 =	sadd.s32 @!p0 $0x88, s6;
	s7 =	simm.s32 @p2 $0x1082  }
0x22: {  	[simem:s7], [sflag:s8] =	dma.local @!p0 [hbm:s6], $0xF7A  }
0x23: {  	s9 =	sor.u32 $0xD0000000, s2;
	s6 =	simm.s32 $0x108;
	_ =	swait.ge @!p0 [sflag:s8], $0x0  }
0x24: {  	s3 =	sadd.s32 $0x88, s3;
	s6 =	simm.s32 @!p1 $0x1082;
	[sflag:s4] =	ssyncset.s32 $0xFFFFF086  }
0x25: {  	[simem:s6], [sflag:s4] =	dma.local [hbm:s3], $0xF7A  }
0x26: {  	[smem:$0x3F97] =	sst s1;
	(tag) =	ssettag s2;
	_ =	strace s9  }
0x27: {  	s1 =	sld [smem:$0x3FA7]  }
0x28: {  	s2 =	sld [smem:$0x3FA8]  }
0x29: {  	s4 =	sld [smem:$0x3FAA]  }
0x2a: {  	p0 =	seq.s32 s5, $0x0;
	s5 =	sld [smem:$0x3FAB]  }
0x2b: {  	s6 =	sld [smem:$0x3FAC]  }
0x2c: {  	s7 =	sld [smem:$0x3FAD]  }
0x2d: {  	s3 =	simm.s32 $0x108;
	s8 =	sld [smem:$0x3FAE]  }
0x2e: {  	s3 =	simm.s32 @!p0 $0x1082;
	s9 =	sld [smem:$0x3FAF]  }
0x2f: {  	lr =	sadd.s32 s0, s3;
	s0 =	sld [smem:$0x3FA6]  }
0x30: {  	s3 =	sld [smem:$0x3FA9]  }
0x31: {  	[smem:$0x3FB2] =	sst s10  }
0x32: {  	s10 =	sld [smem:$0x3FB0];
	_ =	sdelay $0x3  }
0x33: {  	p0 =	seq.s32 s10, $0x1;
	s10 =	sld [smem:$0x3FB2];
	_ =	sdelay $0x3  }
0x34: {  	[smem:$0x3FB2] =	sst s10  }
0x35: {  	s10 =	sld [smem:$0x3FB1];
	_ =	sdelay $0x3  }
0x36: {  	p1 =	seq.s32 s10, $0x1;
	s10 =	sld [smem:$0x3FB2];
	_ =	sdelay $0x3  }
0x37: {  	[smem:$0x3FB2] =	sst s10  }
0x38: {  	s10 =	sld [smem:$0x3FB3]  }
0x39: {  	_ = 	snop;
	(pc) =	sbr.ind lr, $3  }
0x3a: {  	_ = 	snop  }
0x3b: {  	_ = 	snop  }
0x3c: {  	p2 =	seq.s32 s10, $0x1;
	s10 =	sld [smem:$0x3FB2]  }
0x3d: {  	_ =	shalt  }
0x3e: {  	_ =	shalt  }
0x3f: {  	_ =	shalt  }
0x40: {  	_ =	shalt  }
0x41: {  	_ =	shalt  }
0x42: {  	_ =	shalt  }
0x43: {  	_ =	shalt  }
0x44: {  	_ =	shalt  }
0x45: {  	_ =	shalt  }
0x46: {  	_ =	shalt  }
0x47: {  	_ =	shalt  }
0x48: {  	_ =	shalt  }
0x49: {  	_ =	shalt  }
0x4a: {  	_ =	shalt  }
0x4b: {  	_ =	shalt  }
0x4c: {  	_ =	shalt  }
0x4d: {  	_ =	shalt  }
0x4e: {  	_ =	shalt  }
0x4f: {  	_ =	shalt  }
0x50: {  	_ =	shalt  }
0x51: {  	_ =	shalt  }
0x52: {  	_ =	shalt  }
0x53: {  	_ =	shalt  }
0x54: {  	_ =	shalt  }
0x55: {  	_ =	shalt  }
0x56: {  	_ =	shalt  }
0x57: {  	_ =	shalt  }
0x58: {  	_ =	shalt  }
0x59: {  	_ =	shalt  }
0x5a: {  	_ =	shalt  }
0x5b: {  	_ =	shalt  }
0x5c: {  	_ =	shalt  }
0x5d: {  	_ =	shalt  }
0x5e: {  	_ =	shalt  }
0x5f: {  	_ =	shalt  }
0x60: {  	_ =	shalt  }
0x61: {  	_ =	shalt  }
0x62: {  	_ =	shalt  }
0x63: {  	_ =	shalt  }
0x64: {  	_ =	shalt  }
0x65: {  	_ =	shalt  }
0x66: {  	_ =	shalt  }
0x67: {  	_ =	shalt  }
0x68: {  	_ =	shalt  }
0x69: {  	_ =	shalt  }
0x6a: {  	_ =	shalt  }
0x6b: {  	_ =	shalt  }
0x6c: {  	_ =	shalt  }
0x6d: {  	_ =	shalt  }
0x6e: {  	_ =	shalt  }
0x6f: {  	_ =	shalt  }
0x70: {  	_ =	shalt  }
0x71: {  	_ =	shalt  }
0x72: {  	_ =	shalt  }
0x73: {  	_ =	shalt  }
0x74: {  	_ =	shalt  }
0x75: {  	_ =	shalt  }
0x76: {  	_ =	shalt  }
0x77: {  	_ =	shalt  }
0x78: {  	_ =	shalt  }
0x79: {  	_ =	shalt  }
0x7a: {  	_ =	shalt  }
0x7b: {  	_ =	shalt  }
0x7c: {  	_ =	shalt  }
0x7d: {  	_ =	shalt  }
0x7e: {  	_ =	shalt  }
0x7f: {  	_ =	shalt  }
0x80: {  	_ =	shalt  }
0x81: {  	_ =	shalt  }
0x82: {  	_ =	shalt  }
0x83: {  	_ =	shalt  }
0x84: {  	_ =	shalt  }
0x85: {  	_ =	shalt  }
0x86: {  	_ =	shalt  }
0x87: {  	_ =	shalt  }
.Lfunc_end0:
.L_simem_size_0:
called_computation.3_lowered:
.L_overlay_start_0:
0x88: {  	s2 =	sld [smem:$0x3FD9]  }
0x89: {  	s3 =	sld [smem:$0x3FFE];
	_ =	sdelay $0x1  }
0x8a: {  	s1 =	srdreg.scid  }
0x8b: {  	s0 =	sand.u32 $0x1, s1  }
0x8c: {  	s14 =	sshll.u32 s0, $0xA;
	s2 =	sadd.s32 s3, s2  }
0x8d: {  	s2 =	sadd.s32 s2, s14  }
0x8e: {  	[smem:$0x3FBE] =	sst s2  }
0x8f: {  	_ = 	snop  }
0x90: {  	s2 =	sld [smem:$0x3FD0];
	_ =	sdelay $0x2  }
0x91: {  	s15 =	simm.s32 $0xA;
	s4 =	simm.s32 $0x10  }
0x92: {  	[smem:s4], [sflag:s15] =	dma.local [hbm:s2], $0x1  }
0x93: {  	_ =	swait.eq [sflag:s15], $0x1  }
0x94: {  	[sflag:s15] =	ssyncset.done $0x0  }
0x95: {  	[sflag:s15] =	ssyncadd.s32 $0xFFFFFFFF  }
0x96: {  	s16 =	sld [smem:$0x10];
	(tm) =	ssettm $0x1  }
0x97: {  	s17 =	sld [smem:$0x3FFB];
	_ =	sdelay $0x3  }
0x98: {  	_ =	strace s17  }
0x99: {  	s3 =	sld [smem:$0x3FFC];
	_ =	sdelay $0x3  }
0x9a: {  	_ =	strace s3  }
0x9b: {  	s3 =	sld [smem:$0x3FFD];
	_ =	sdelay $0x3  }
0x9c: {  	_ =	strace s3  }
0x9d: {  	_ =	strace $0x8FFFFFFF  }
0x9e: {  	s18 =	sld [smem:$0x3FDB];
	_ =	sdelay $0x1  }
0x9f: {  	s19 =	simm.s32 $_scs_section_size  }
0xa0: {  	s5 =	simm.s32 $_size__tile_overlayer_lowered;
	s6 =	simm.s32 $_tile_overlayer_lowered  }
0xa1: {  	s22 =	simm.s32 $0x1BFF;
	s21 =	sshll.u32 s6, $0x1;
	s3 =	sadd.s32 s19, s18  }
0xa2: {  	s7 =	simm.s32 $0x0;
	s20 =	sshll.u32 s5, $0x1;
	s5 =	sadd.s32 s21, s3  }
0xa3: {  	[timem:s7], [sflag:s22] =	dma.local [hbm:s5], s20  }
0xa4: {  	_ =	swait.ge [sflag:s22], s20  }
0xa5: {  	s4 =	ssub.s32 $0x0, s20;
	[sflag:s22] =	ssyncset.done $0x0  }
0xa6: {  	[sflag:s22] =	ssyncadd.s32 s4;
	_ =	sdelay $0x1  }
0xa7: {  	s23 =	simm.s32 $0x1B8B  }
0xa8: {  	_ =	swait.ge [sflag:s23], $0x1  }
0xa9: {  	[sflag:s23] =	ssyncset.done $0x0  }
0xaa: {  	s25 =	simm.s32 $0x1B8E;
	s24 =	sld [smem:$0x3FFE];
	[sflag:s23] =	ssyncadd.s32 $0xFFFFFFFF  }
0xab: {  	s26 =	simm.s32 $execute0_lowered;
	[smem:$0x3FD2] =	sst s25  }
0xac: {  	s5 =	sshll.u32 s26, $0x1;
	_ =	strace $0x8000004F;
	[dreg:$0x1] =	wrdreg $0xFFFFFFFF  }
0xad: {  	s28 =	simm.s32 $_size_execute0_lowered;
	s3 =	sadd.s32 s3, s5;
	[dreg:$0x0] =	wrdreg $0x0  }
0xae: {  	s5 =	sshll.u32 s28, $0x1;
	[dreg:$0x2] =	wrdreg s3  }
0xaf: {  	[dreg:$0x3] =	wrdreg s5  }
0xb0: {  	[dreg:$0x4] =	wrdreg $0xC0  }
0xb1: {  	_ =	task [dreg:s7], $0x5FFFF  }
0xb2: {  	[dreg:$0x1] =	wrdreg $0xFFFFFFFF  }
0xb3: {  	[dreg:$0x0] =	wrdreg $0x60  }
0xb4: {  	[dreg:$0x2] =	wrdreg s24  }
0xb5: {  	[dreg:$0x3] =	wrdreg s16  }
0xb6: {  	[dreg:$0x4] =	wrdreg $0x0  }
0xb7: {  	[dreg:$0x5] =	wrdreg $0x9  }
0xb8: {  	_ =	task.clear_ibuf [dreg:s7], $0x6FFFF;
	_ =	strace $0x9000004F  }
0xb9: {  	s29 =	simm.s32 $0x9;
	_ =	strace $0x80000051  }
0xba: {  	_ =	swait.ge [sflag:s29], $0x1  }
0xbb: {  	[sflag:s29] =	ssyncadd.s32 $0xFFFFFFFF  }
0xbc: {  	_ =	strace $0x90000051  }
0xbd: {  	_ =	sfence  }
0xbe: {  	s30 =	sld [smem:$0x0];
	_ =	sdelay $0x2  }
0xbf: {  	s31 =	sshll.u32 s1, $0xD;
	s1 =	sshrl.u32 s1, $0x2  }
0xc0: {  	s3 =	sand.u32 $0x4000, s31;
	s1 =	sadd.s32 s1, s30  }
0xc1: {  	s0 =	sor.u32 s3, s0;
	s1 =	sshll.u32 s1, $0x11  }
0xc2: {  	s0 =	sor.u32 s1, s0  }
0xc3: {  	s0 =	sadd.s32 $0x8F2B, s0  }
0xc4: {  	[sflag:s0] =	ssyncadd.remote.s32 $0x1  }
0xc5: {  	_ =	sfence.sel $0xFFFF  }
0xc6: {  	[dreg:$0x0] =	wrdreg $0xFFFFFFFF;
	(pc) =	sbr.abs _section_cstart, $3  }
0xc7: {  	[dreg:$0x1] =	wrdreg $0xFFFFFFFF  }
0xc8: {  	_ =	task.clear_ibuf [dreg:s7], $0x2FFFF;
	_ =	strace $0x9FFFFFFF  }
0xc9: {  	(tm) =	ssettm $0x7FFFFFFF  }
tec
execute0_lowered:
.L_overlay_start_1:
0x0: {  	(tag) =	ssettag $0x1  }
0x1: {  	s0 =	rddreg [dreg:$0x0]  }
0x2: {  	s1 =	srdreg.scid;
	s5 =	rddreg [dreg:$0x1]  }
0x3: {  	s10 =	stileid.u32;
	s2 =	rddreg [dreg:$0x2];
	s3 =	simm.s32 $0x0  }
0x4: {  	s11 =	simm.s32 $0x5000;
	s12 =	simm.s32 $0x9;
	s13 =	simm.s32 $0x7800  }
0x5: {  	s14 =	simm.s32 $0x200;
	s15 =	simm.s32 $0xA000;
	s17 =	simm.s32 $0xE000  }
0x6: {  	s19 =	simm.s32 $0x12000;
	s20 =	simm.s32 $0x16000;
	s21 =	simm.s32 $0x1  }
0x7: {  	s23 =	simm.s32 $0x2;
	s28 =	simm.s32 $0x3;
	s7 =	smul.u32 $0x14, s10  }
0x8: {  	s30 =	simm.s32 $0x6;
	s16 =	simm.s32 $0x7;
	s8 =	smul.u32 $0x5000, s10  }
0x9: {  	s31 =	simm.s32 $0x9C00;
	s1 =	sand.u32 $0x1, s1;
	s25 =	smul.u32 $0x14000, s10  }
0xa: {  	s18 =	simm.s32 $0x0;
	[smem:$0x7FF] =	sst s3;
	s6 =	smul.u32 $0x140, s1  }
0xb: {  	s4 =	sadd.s32 $0xD200, s0;
	s9 =	smul.u32 $0x50000, s1;
	s1 =	ssub.s32 $0x2, s1  }
0xc: {  	_ =	strace $0x80000050;
	s29 =	sshrl.u32 s1, $0x1;
	s6 =	sadd.s32 s7, s6  }
0xd: {  	s24 =	sadd.s32 s8, s9;
	s9 =	sshrl.u32 s25, $0x2;
	s1 =	ssub.s32 s1, s29  }
0xe: {  	s25 =	simm.s32 $0x5;
	s6 =	sshll.u32 s6, $0x6;
	s7 =	sshrl.u32 s24, $0x3  }
0xf: {  	s9 =	sadd.s32 s9, s2;
	s10 =	smax.u32 s1, $0x1;
	s1 =	simm.s32 $0x4  }
0x10: {  	s24 =	simm.s32 $0x8;
	s26 =	sadd.s32 s6, s0;
	s0 =	sadd.s32 s7, s0  }
0x11: {  	s5 =	sadd.s32 s5, s6;
	s7 =	sadd.s32 s8, s2;
	s8 =	sadd.s32 $0x4000, s9  }
0x12: {  	v0 =	vimm.f32 $0.0e+00;
	s6 =	sadd.s32 $0x3000, s26;
	s9 =	sadd.s32 $0x17200, s0;
	s0 =	simm.s32 $0x9E00  }
.LBB2_1:
0x13: {  	[tilespmem:s11], [sflag:$0x9] =	stream.linear.gather [hbm4b:s5+s3], $0x2800, $0x38;
	[tilespmem:$0x1A000] =	vst v63  }
0x14: {  	_ =	swait.ge [sflag:s12], $0x2800  }
0x15: {  	[sflag:s12] =	ssyncset.done $0x0  }
0x16: {  	[sflag:s12] =	ssyncadd.s32 $0xFFFFD800  }
0x17: {  	[tilespmem:s13], [sflag:$0x9] =	stream.linear.gather [hbm4b:s6+s3], $0x2800, $0x38;
	[tilespmem:$0x1A000] =	vst v63  }
0x18: {  	_ =	swait.ge [sflag:s12], $0x2800  }
0x19: {  	[sflag:s12] =	ssyncset.done $0x0  }
0x1a: {  	[sflag:s12] =	ssyncadd.s32 $0xFFFFD800  }
0x1b: {  	[tilespmem:s15], [sflag:$0x1] =	stream.indirect.gather [hbm4b:s4+s14], $0x20, s11, s14, $0xb8;
	[tilespmem:$0x1A000] =	vst v63  }
0x1c: {  	s22 =	simm.s32 $0x5200  }
0x1d: {  	[tilespmem:s17], [sflag:$0x2] =	stream.indirect.gather [hbm4b:s4+s14], $0x20, s22, s14, $0xb8;
	[tilespmem:$0x1A000] =	vst v63  }
0x1e: {  	s29 =	simm.s32 $0x5400;
	s26 =	simm.s32 $0x0;
	s22 =	simm.s32 $0x80  }
0x1f: {  	[tilespmem:s19], [sflag:$0x3] =	stream.indirect.gather [hbm4b:s4+s14], $0x20, s29, s14, $0xb8;
	[tilespmem:$0x1A000] =	vst v63  }
.LBB2_2:
0x20: {  	p0 =	sne.s32 s22, $0xFF80;
	[tilespmem:s26+$0x16000] =	vst v0;
	s29 =	smov.u32 s22;
	s22 =	sadd.s32 $0x80, s22  }
.Ltmp0:
0x21: {  	[tilespmem:s26+$0x16010] =	vst v0;
	(pc) =	sbr.rel @p0 .LBB2_2-.Ltmp0, $2  }
0x22: {  	_ =	sdelay $0x2  }
0x23: {  	s26 =	sshra.s32 s29, $0x2  }
0x24: {  	[tilespmem:s26+$0x16000] =	vst v0  }
0x25: {  	[tilespmem:s26+$0x16010] =	vst v0  }
0x26: {  	[spmem:s7] =	stream.linear.scatter [tilespmem:s20], [sflag:$0x9], $0x4000, $0x38;
	[tilespmem:$0x1A000] =	vst v63  }
0x27: {  	_ =	swait.ge [sflag:s12], $0x4000  }
0x28: {  	[sflag:s12] =	ssyncset.done $0x0  }
0x29: {  	[sflag:s12] =	ssyncadd.s32 $0xFFFFC000  }
0x2a: {  	[spmem:s8] =	stream.linear.scatter [tilespmem:s20], [sflag:$0x9], $0x1000, $0x38;
	[tilespmem:$0x1A000] =	vst v63  }
0x2b: {  	_ =	swait.ge [sflag:s12], $0x1000  }
0x2c: {  	[sflag:s12] =	ssyncset.done $0x0  }
0x2d: {  	[sflag:s12] =	ssyncadd.s32 $0xFFFFF000  }
0x2e: {  	[bflag:$0x0] =	sbarrier.arrive $0xFFFF  }
0x2f: {  	_ =	swait.ge [sflag:s21], $0x4000  }
0x30: {  	[sflag:s21] =	ssyncset.done $0x0  }
0x31: {  	[sflag:s21] =	ssyncadd.s32 $0xFFFFC000  }
0x32: {  	[spmem:s2] =	stream.indirect.scatter.add.f32 [tilespmem:s15], [sflag:$0x5], $0x20, s13, s14, $0xb8;
	[tilespmem:$0x1A000] =	vst v63  }
0x33: {  	s22 =	simm.s32 $0x5600  }
0x34: {  	[tilespmem:s20], [sflag:$0x4] =	stream.indirect.gather [hbm4b:s4+s14], $0x20, s22, s14, $0xb8;
	[tilespmem:$0x1A000] =	vst v63  }
0x35: {  	_ =	swait.ge [sflag:s23], $0x4000  }
0x36: {  	[sflag:s23] =	ssyncset.done $0x0  }
0x37: {  	s29 =	simm.s32 $0x7A00;
	[sflag:s23] =	ssyncadd.s32 $0xFFFFC000  }
0x38: {  	[spmem:s2] =	stream.indirect.scatter.add.f32 [tilespmem:s17], [sflag:$0x6], $0x20, s29, s14, $0xb8;
	[tilespmem:$0x1A000] =	vst v63  }
0x39: {  	_ =	swait.ge [sflag:s25], $0x4000  }
0x3a: {  	[sflag:s25] =	ssyncset.done $0x0  }
0x3b: {  	s26 =	simm.s32 $0x5800;
	[sflag:s25] =	ssyncadd.s32 $0xFFFFC000  }
0x3c: {  	[tilespmem:s15], [sflag:$0x1] =	stream.indirect.gather [hbm4b:s4+s14], $0x20, s26, s14, $0xb8;
	[tilespmem:$0x1A000] =	vst v63  }
0x3d: {  	_ =	swait.ge [sflag:s28], $0x4000  }
0x3e: {  	[sflag:s28] =	ssyncset.done $0x0  }
0x3f: {  	s29 =	simm.s32 $0x7C00;
	[sflag:s28] =	ssyncadd.s32 $0xFFFFC000  }
0x40: {  	[spmem:s2] =	stream.indirect.scatter.add.f32 [tilespmem:s19], [sflag:$0x7], $0x20, s29, s14, $0xb8;
	[tilespmem:$0x1A000] =	vst v63  }
0x41: {  	_ =	swait.ge [sflag:s30], $0x4000  }
0x42: {  	[sflag:s30] =	ssyncset.done $0x0  }
0x43: {  	s26 =	simm.s32 $0x5A00;
	[sflag:s30] =	ssyncadd.s32 $0xFFFFC000  }
0x44: {  	[tilespmem:s17], [sflag:$0x2] =	stream.indirect.gather [hbm4b:s4+s14], $0x20, s26, s14, $0xb8;
	[tilespmem:$0x1A000] =	vst v63  }
0x45: {  	_ =	swait.ge [sflag:s1], $0x4000  }
0x46: {  	[sflag:s1] =	ssyncset.done $0x0  }
0x47: {  	s29 =	simm.s32 $0x7E00;
	[sflag:s1] =	ssyncadd.s32 $0xFFFFC000  }
0x48: {  	[spmem:s2] =	stream.indirect.scatter.add.f32 [tilespmem:s20], [sflag:$0x8], $0x20, s29, s14, $0xb8;
	[tilespmem:$0x1A000] =	vst v63  }
0x49: {  	_ =	swait.ge [sflag:s16], $0x4000  }
0x4a: {  	[sflag:s16] =	ssyncset.done $0x0  }
0x4b: {  	s26 =	simm.s32 $0x5C00;
	[sflag:s16] =	ssyncadd.s32 $0xFFFFC000  }
0x4c: {  	[tilespmem:s19], [sflag:$0x3] =	stream.indirect.gather [hbm4b:s4+s14], $0x20, s26, s14, $0xb8;
	[tilespmem:$0x1A000] =	vst v63  }
0x4d: {  	_ =	swait.ge [sflag:s21], $0x4000  }
0x4e: {  	[sflag:s21] =	ssyncset.done $0x0  }
0x4f: {  	s29 =	simm.s32 $0x8000;
	[sflag:s21] =	ssyncadd.s32 $0xFFFFC000  }
0x50: {  	[spmem:s2] =	stream.indirect.scatter.add.f32 [tilespmem:s15], [sflag:$0x5], $0x20, s29, s14, $0xb8;
	[tilespmem:$0x1A000] =	vst v63  }
0x51: {  	_ =	swait.ge [sflag:s24], $0x4000  }
0x52: {  	[sflag:s24] =	ssyncset.done $0x0  }
0x53: {  	s26 =	simm.s32 $0x5E00;
	[sflag:s24] =	ssyncadd.s32 $0xFFFFC000  }
0x54: {  	[tilespmem:s20], [sflag:$0x4] =	stream.indirect.gather [hbm4b:s4+s14], $0x20, s26, s14, $0xb8;
	[tilespmem:$0x1A000] =	vst v63  }
0x55: {  	_ =	swait.ge [sflag:s23], $0x4000  }
0x56: {  	[sflag:s23] =	ssyncset.done $0x0  }
0x57: {  	s29 =	simm.s32 $0x8200;
	[sflag:s23] =	ssyncadd.s32 $0xFFFFC000  }
0x58: {  	[spmem:s2] =	stream.indirect.scatter.add.f32 [tilespmem:s17], [sflag:$0x6], $0x20, s29, s14, $0xb8;
	[tilespmem:$0x1A000] =	vst v63  }
0x59: {  	_ =	swait.ge [sflag:s25], $0x4000  }
0x5a: {  	[sflag:s25] =	ssyncset.done $0x0  }
0x5b: {  	s26 =	simm.s32 $0x6000;
	[sflag:s25] =	ssyncadd.s32 $0xFFFFC000  }
0x5c: {  	[tilespmem:s15], [sflag:$0x1] =	stream.indirect.gather [hbm4b:s4+s14], $0x20, s26, s14, $0xb8;
	[tilespmem:$0x1A000] =	vst v63  }
0x5d: {  	_ =	swait.ge [sflag:s28], $0x4000  }
0x5e: {  	[sflag:s28] =	ssyncset.done $0x0  }
0x5f: {  	s29 =	simm.s32 $0x8400;
	[sflag:s28] =	ssyncadd.s32 $0xFFFFC000  }
0x60: {  	[spmem:s2] =	stream.indirect.scatter.add.f32 [tilespmem:s19], [sflag:$0x7], $0x20, s29, s14, $0xb8;
	[tilespmem:$0x1A000] =	vst v63  }
0x61: {  	_ =	swait.ge [sflag:s30], $0x4000  }
0x62: {  	[sflag:s30] =	ssyncset.done $0x0  }
0x63: {  	s26 =	simm.s32 $0x6200;
	[sflag:s30] =	ssyncadd.s32 $0xFFFFC000  }
0x64: {  	[tilespmem:s17], [sflag:$0x2] =	stream.indirect.gather [hbm4b:s4+s14], $0x20, s26, s14, $0xb8;
	[tilespmem:$0x1A000] =	vst v63  }
0x65: {  	_ =	swait.ge [sflag:s1], $0x4000  }
0x66: {  	[sflag:s1] =	ssyncset.done $0x0  }
0x67: {  	s29 =	simm.s32 $0x8600;
	[sflag:s1] =	ssyncadd.s32 $0xFFFFC000  }
0x68: {  	[spmem:s2] =	stream.indirect.scatter.add.f32 [tilespmem:s20], [sflag:$0x8], $0x20, s29, s14, $0xb8;
	[tilespmem:$0x1A000] =	vst v63  }
0x69: {  	_ =	swait.ge [sflag:s16], $0x4000  }
0x6a: {  	[sflag:s16] =	ssyncset.done $0x0  }
0x6b: {  	s26 =	simm.s32 $0x6400;
	[sflag:s16] =	ssyncadd.s32 $0xFFFFC000  }
0x6c: {  	[tilespmem:s19], [sflag:$0x3] =	stream.indirect.gather [hbm4b:s4+s14], $0x20, s26, s14, $0xb8;
	[tilespmem:$0x1A000] =	vst v63  }
0x6d: {  	_ =	swait.ge [sflag:s21], $0x4000  }
0x6e: {  	[sflag:s21] =	ssyncset.done $0x0  }
0x6f: {  	s29 =	simm.s32 $0x8800;
	[sflag:s21] =	ssyncadd.s32 $0xFFFFC000  }
0x70: {  	[spmem:s2] =	stream.indirect.scatter.add.f32 [tilespmem:s15], [sflag:$0x5], $0x20, s29, s14, $0xb8;
	[tilespmem:$0x1A000] =	vst v63  }
0x71: {  	_ =	swait.ge [sflag:s24], $0x4000  }
0x72: {  	[sflag:s24] =	ssyncset.done $0x0  }
0x73: {  	s26 =	simm.s32 $0x6600;
	[sflag:s24] =	ssyncadd.s32 $0xFFFFC000  }
0x74: {  	[tilespmem:s20], [sflag:$0x4] =	stream.indirect.gather [hbm4b:s4+s14], $0x20, s26, s14, $0xb8;
	[tilespmem:$0x1A000] =	vst v63  }
0x75: {  	_ =	swait.ge [sflag:s23], $0x4000  }
0x76: {  	[sflag:s23] =	ssyncset.done $0x0  }
0x77: {  	s29 =	simm.s32 $0x8A00;
	[sflag:s23] =	ssyncadd.s32 $0xFFFFC000  }
0x78: {  	[spmem:s2] =	stream.indirect.scatter.add.f32 [tilespmem:s17], [sflag:$0x6], $0x20, s29, s14, $0xb8;
	[tilespmem:$0x1A000] =	vst v63  }
0x79: {  	_ =	swait.ge [sflag:s25], $0x4000  }
0x7a: {  	[sflag:s25] =	ssyncset.done $0x0  }
0x7b: {  	s26 =	simm.s32 $0x6800;
	[sflag:s25] =	ssyncadd.s32 $0xFFFFC000  }
0x7c: {  	[tilespmem:s15], [sflag:$0x1] =	stream.indirect.gather [hbm4b:s4+s14], $0x20, s26, s14, $0xb8;
	[tilespmem:$0x1A000] =	vst v63  }
0x7d: {  	_ =	swait.ge [sflag:s28], $0x4000  }
0x7e: {  	[sflag:s28] =	ssyncset.done $0x0  }
0x7f: {  	s29 =	simm.s32 $0x8C00;
	[sflag:s28] =	ssyncadd.s32 $0xFFFFC000  }
0x80: {  	[spmem:s2] =	stream.indirect.scatter.add.f32 [tilespmem:s19], [sflag:$0x7], $0x20, s29, s14, $0xb8;
	[tilespmem:$0x1A000] =	vst v63  }
0x81: {  	_ =	swait.ge [sflag:s30], $0x4000  }
0x82: {  	[sflag:s30] =	ssyncset.done $0x0  }
0x83: {  	s26 =	simm.s32 $0x6A00;
	[sflag:s30] =	ssyncadd.s32 $0xFFFFC000  }
0x84: {  	[tilespmem:s17], [sflag:$0x2] =	stream.indirect.gather [hbm4b:s4+s14], $0x20, s26, s14, $0xb8;
	[tilespmem:$0x1A000] =	vst v63  }
0x85: {  	_ =	swait.ge [sflag:s1], $0x4000  }
0x86: {  	[sflag:s1] =	ssyncset.done $0x0  }
0x87: {  	s29 =	simm.s32 $0x8E00;
	[sflag:s1] =	ssyncadd.s32 $0xFFFFC000  }
0x88: {  	[spmem:s2] =	stream.indirect.scatter.add.f32 [tilespmem:s20], [sflag:$0x8], $0x20, s29, s14, $0xb8;
	[tilespmem:$0x1A000] =	vst v63  }
0x89: {  	_ =	swait.ge [sflag:s16], $0x4000  }
0x8a: {  	[sflag:s16] =	ssyncset.done $0x0  }
0x8b: {  	s26 =	simm.s32 $0x6C00;
	[sflag:s16] =	ssyncadd.s32 $0xFFFFC000  }
0x8c: {  	[tilespmem:s19], [sflag:$0x3] =	stream.indirect.gather [hbm4b:s4+s14], $0x20, s26, s14, $0xb8;
	[tilespmem:$0x1A000] =	vst v63  }
0x8d: {  	_ =	swait.ge [sflag:s21], $0x4000  }
0x8e: {  	[sflag:s21] =	ssyncset.done $0x0  }
0x8f: {  	s29 =	simm.s32 $0x9000;
	[sflag:s21] =	ssyncadd.s32 $0xFFFFC000  }
0x90: {  	[spmem:s2] =	stream.indirect.scatter.add.f32 [tilespmem:s15], [sflag:$0x5], $0x20, s29, s14, $0xb8;
	[tilespmem:$0x1A000] =	vst v63  }
0x91: {  	_ =	swait.ge [sflag:s24], $0x4000  }
0x92: {  	[sflag:s24] =	ssyncset.done $0x0  }
0x93: {  	s26 =	simm.s32 $0x6E00;
	[sflag:s24] =	ssyncadd.s32 $0xFFFFC000  }
0x94: {  	[tilespmem:s20], [sflag:$0x4] =	stream.indirect.gather [hbm4b:s4+s14], $0x20, s26, s14, $0xb8;
	[tilespmem:$0x1A000] =	vst v63  }
0x95: {  	_ =	swait.ge [sflag:s23], $0x4000  }
0x96: {  	[sflag:s23] =	ssyncset.done $0x0  }
0x97: {  	s29 =	simm.s32 $0x9200;
	[sflag:s23] =	ssyncadd.s32 $0xFFFFC000  }
0x98: {  	[spmem:s2] =	stream.indirect.scatter.add.f32 [tilespmem:s17], [sflag:$0x6], $0x20, s29, s14, $0xb8;
	[tilespmem:$0x1A000] =	vst v63  }
0x99: {  	_ =	swait.ge [sflag:s25], $0x4000  }
0x9a: {  	[sflag:s25] =	ssyncset.done $0x0  }
0x9b: {  	s26 =	simm.s32 $0x7000;
	[sflag:s25] =	ssyncadd.s32 $0xFFFFC000  }
0x9c: {  	[tilespmem:s15], [sflag:$0x1] =	stream.indirect.gather [hbm4b:s4+s14], $0x20, s26, s14, $0xb8;
	[tilespmem:$0x1A000] =	vst v63  }
0x9d: {  	_ =	swait.ge [sflag:s28], $0x4000  }
0x9e: {  	[sflag:s28] =	ssyncset.done $0x0  }
0x9f: {  	s29 =	simm.s32 $0x9400;
	[sflag:s28] =	ssyncadd.s32 $0xFFFFC000  }
0xa0: {  	[spmem:s2] =	stream.indirect.scatter.add.f32 [tilespmem:s19], [sflag:$0x7], $0x20, s29, s14, $0xb8;
	[tilespmem:$0x1A000] =	vst v63  }
0xa1: {  	_ =	swait.ge [sflag:s30], $0x4000  }
0xa2: {  	[sflag:s30] =	ssyncset.done $0x0  }
0xa3: {  	s26 =	simm.s32 $0x7200;
	[sflag:s30] =	ssyncadd.s32 $0xFFFFC000  }
0xa4: {  	[tilespmem:s17], [sflag:$0x2] =	stream.indirect.gather [hbm4b:s4+s14], $0x20, s26, s14, $0xb8;
	[tilespmem:$0x1A000] =	vst v63  }
0xa5: {  	_ =	swait.ge [sflag:s1], $0x4000  }
0xa6: {  	[sflag:s1] =	ssyncset.done $0x0  }
0xa7: {  	s29 =	simm.s32 $0x9600;
	[sflag:s1] =	ssyncadd.s32 $0xFFFFC000  }
0xa8: {  	[spmem:s2] =	stream.indirect.scatter.add.f32 [tilespmem:s20], [sflag:$0x8], $0x20, s29, s14, $0xb8;
	[tilespmem:$0x1A000] =	vst v63  }
0xa9: {  	_ =	swait.ge [sflag:s16], $0x4000  }
0xaa: {  	[sflag:s16] =	ssyncset.done $0x0  }
0xab: {  	s26 =	simm.s32 $0x7400;
	[sflag:s16] =	ssyncadd.s32 $0xFFFFC000  }
0xac: {  	[tilespmem:s19], [sflag:$0x3] =	stream.indirect.gather [hbm4b:s4+s14], $0x20, s26, s14, $0xb8;
	[tilespmem:$0x1A000] =	vst v63  }
0xad: {  	_ =	swait.ge [sflag:s21], $0x4000  }
0xae: {  	[sflag:s21] =	ssyncset.done $0x0  }
0xaf: {  	s29 =	simm.s32 $0x9800;
	[sflag:s21] =	ssyncadd.s32 $0xFFFFC000  }
0xb0: {  	[spmem:s2] =	stream.indirect.scatter.add.f32 [tilespmem:s15], [sflag:$0x5], $0x20, s29, s14, $0xb8;
	[tilespmem:$0x1A000] =	vst v63  }
0xb1: {  	_ =	swait.ge [sflag:s24], $0x4000  }
0xb2: {  	[sflag:s24] =	ssyncset.done $0x0  }
0xb3: {  	s26 =	simm.s32 $0x7600;
	[sflag:s24] =	ssyncadd.s32 $0xFFFFC000  }
0xb4: {  	[tilespmem:s20], [sflag:$0x4] =	stream.indirect.gather [hbm4b:s4+s14], $0x20, s26, s14, $0xb8;
	[tilespmem:$0x1A000] =	vst v63  }
0xb5: {  	_ =	swait.ge [sflag:s23], $0x4000  }
0xb6: {  	[sflag:s23] =	ssyncset.done $0x0  }
0xb7: {  	s29 =	simm.s32 $0x9A00;
	[sflag:s23] =	ssyncadd.s32 $0xFFFFC000  }
0xb8: {  	[spmem:s2] =	stream.indirect.scatter.add.f32 [tilespmem:s17], [sflag:$0x6], $0x20, s29, s14, $0xb8;
	[tilespmem:$0x1A000] =	vst v63  }
0xb9: {  	_ =	swait.ge [sflag:s25], $0x4000  }
0xba: {  	[sflag:s25] =	ssyncset.done $0x0  }
0xbb: {  	[sflag:s25] =	ssyncadd.s32 $0xFFFFC000  }
0xbc: {  	_ =	swait.ge [sflag:s28], $0x4000  }
0xbd: {  	[sflag:s28] =	ssyncset.done $0x0  }
0xbe: {  	[sflag:s28] =	ssyncadd.s32 $0xFFFFC000  }
0xbf: {  	[spmem:s2] =	stream.indirect.scatter.add.f32 [tilespmem:s19], [sflag:$0x7], $0x20, s31, s14, $0xb8;
	[tilespmem:$0x1A000] =	vst v63  }
0xc0: {  	_ =	swait.ge [sflag:s30], $0x4000  }
0xc1: {  	[sflag:s30] =	ssyncset.done $0x0  }
0xc2: {  	[sflag:s30] =	ssyncadd.s32 $0xFFFFC000  }
0xc3: {  	_ =	swait.ge [sflag:s1], $0x4000  }
0xc4: {  	[sflag:s1] =	ssyncset.done $0x0  }
0xc5: {  	[sflag:s1] =	ssyncadd.s32 $0xFFFFC000  }
0xc6: {  	[spmem:s2] =	stream.indirect.scatter.add.f32 [tilespmem:s20], [sflag:$0x8], $0x20, s0, s14, $0xb8;
	[tilespmem:$0x1A000] =	vst v63  }
0xc7: {  	_ =	swait.ge [sflag:s16], $0x4000  }
0xc8: {  	[sflag:s16] =	ssyncset.done $0x0  }
0xc9: {  	[sflag:s16] =	ssyncadd.s32 $0xFFFFC000  }
0xca: {  	s26 =	stileid.u32;
	_ =	swait.ge [sflag:s24], $0x4000  }
0xcb: {  	s18 =	sadd.s32 $0x1, s18;
	s22 =	sshll.u32 s26, $0x6;
	[sflag:s24] =	ssyncset.done $0x0  }
0xcc: {  	p0 =	sne.s32 s18, s10;
	s22 =	sor.u32 $0x1C09, s22;
	[sflag:s24] =	ssyncadd.s32 $0xFFFFC000  }
.Ltmp1:
0xcd: {  	s29 =	sshrl.u32 s7, $0x3;
	[bflag:$0x0] =	sbarrier.arrive $0xFFFF;
	(pc) =	sbr.rel @p0 .LBB2_1-.Ltmp1, $4  }
0xce: {  	[hbm:s9], [sflag:s22] =	dma.local [spmem:s29], $0xA00  }
0xcf: {  	_ =	swait.ge [sflag:s12], $0xA00  }
0xd0: {  	[sflag:s12] =	ssyncset.done $0x0  }
0xd1: {  	[sflag:s12] =	ssyncadd.s32 $0xFFFFF600  }
0xd2: {  	_ =	sfence.sel $0x180000  }
0xd3: {  	[bflag:$0x0] =	sbarrier.arrive $0xFFFF  }
0xd4: {  	_ =	strace $0x90000050  }
0xd5: {  	s0 =	stileid.u32;
	[bflag:$0x2] =	sbarrier.arrive $0xFFFF  }
0xd6: {  	p0 =	sne.s32 s0, $0x0;
	s0 =	rddreg [dreg:$0x3]  }
0xd7: {  	s0 =	sadd.s32 @!p0 $0x100000, s0  }
0xd8: {  	[sflag:s0] =	ssyncadd.tile.s32 @!p0 $0x1;
	_ =	shalt  }
.Lfunc_end2:
_tile_overlayer_lowered:
.L_overlay_start_2:
0xd9: {  	(tag) =	ssettag $0x2  }
0xda: {  	s0 =	rddreg [dreg:$0x0];
	s2 =	stileid.u32  }
0xdb: {  	s1 =	rddreg [dreg:$0x1];
	p0 =	sne.s32 s2, $0x0  }
0xdc: {  	s3 =	rddreg [dreg:$0x2];
	[bflag:$0x3] =	sbarrier.arrive $0xFFFF;
	s2 =	simm.s32 @!p0 $0x1C09  }
0xdd: {  	[timem:s3], [sflag:s2] =	dma.local @!p0 [hbm:s0], s1  }
0xde: {  	s0 =	simm.s32 @!p0 $0x9  }
0xdf: {  	_ =	swait.ge @!p0 [sflag:s0], s1  }
0xe0: {  	s1 =	ssub.s32 @!p0 $0x0, s1;
	[sflag:s0] =	ssyncset.done @!p0 $0x0  }
0xe1: {  	[sflag:s0] =	ssyncadd.s32 @!p0 s1  }
0xe2: {  	[bflag:$0x3] =	sbarrier.arrive $0xFFFF  }
0xe3: {  	_ =	shalt  }

</sc_bundles>
